<compile_context>
chip_gen: v7x
topology: tpu7x:2x2x1
jax: 0.10.2.dev20260603
libtpu: 0.0.44.dev20260713+nightly
codegen_flags: <defaults>
</compile_context>

<pallas_src>
import functools

import jax
import jax.numpy as jnp
from jax import lax
from jax.experimental import pallas as pl
from jax.experimental.pallas import tpu as pltpu
from jax.experimental.pallas import tpu_sc as plsc

N = 10000
NP = 10240
E = 320000
NW = 32
EW = E // NW
BLK = 128
NB = 80
EWP = NB * BLK
SLICE = NP // 16
F32 = jnp.float32


def _mesh():
    return plsc.VectorSubcoreMesh(core_axis_name="c", subcore_axis_name="s")


def _make_deg_kernel():
    @functools.partial(
        pl.kernel,
        out_type=jax.ShapeDtypeStruct((2, NP), F32),
        mesh=_mesh(),
        scratch_types=[
            pltpu.VMEM_SHARED((NP,), F32),
            pltpu.VMEM((NB, BLK), jnp.int32),
            pltpu.VMEM((SLICE,), F32),
            pltpu.VMEM((BLK,), F32),
            pltpu.SemaphoreType.DMA,
        ],
        compiler_params=pltpu.CompilerParams(use_tc_tiling_on_sc=False),
    )
    def deg_kernel(eib, out, acc, dst_v, zero_v, ones_v, sem):
        cid = lax.axis_index("c")
        sid = lax.axis_index("s")
        wid = cid * 16 + sid
        r0 = sid * SLICE

        def zloop(i, carry):
            zero_v[pl.ds(i * 16, 16)] = jnp.zeros((16,), F32)
            return carry

        lax.fori_loop(0, SLICE // 16, zloop, 0)

        def oloop(i, carry):
            ones_v[pl.ds(i * 16, 16)] = jnp.ones((16,), F32)
            return carry

        lax.fori_loop(0, BLK // 16, oloop, 0)

        pltpu.sync_copy(zero_v, acc.at[pl.ds(r0, SLICE)])
        pltpu.sync_copy(eib.at[1, wid], dst_v)
        plsc.subcore_barrier()

        def fire(j, carry):
            pltpu.async_copy(ones_v, acc.at[dst_v.at[j]], sem, add=True)
            return carry

        lax.fori_loop(0, NB, fire, 0)

        def drain(j, carry):
            pltpu.make_async_copy(ones_v, acc.at[dst_v.at[j]], sem).wait()
            return carry

        lax.fori_loop(0, NB, drain, 0)
        plsc.subcore_barrier()
        pltpu.sync_copy(acc.at[pl.ds(r0, SLICE)], out.at[cid, pl.ds(r0, SLICE)])

    return deg_kernel


def _make_scatter_kernel(D, K, blk, nb):
    H = nb // K
    NG = 8
    G = 4
    L = 4
    assert H % NG == 0 and H * K == nb and G + L <= NG

    @functools.partial(
        pl.kernel,
        out_type=jax.ShapeDtypeStruct((2, NP, D), F32),
        mesh=_mesh(),
        scratch_types=[
            pltpu.VMEM_SHARED((NP, D), F32),
            pltpu.VMEM((nb, blk), jnp.int32),
            pltpu.VMEM((nb, blk), jnp.int32),
            pltpu.VMEM((NG, K, blk, D), F32),
            [pltpu.SemaphoreType.DMA] * NG,
            [pltpu.SemaphoreType.DMA] * NG,
        ],
        compiler_params=pltpu.CompilerParams(use_tc_tiling_on_sc=False),
    )
    def scatter_kernel(g_hbm, eib, out, acc, src_v, dst_v, rows_v,
                       gsems, ssems):
        cid = lax.axis_index("c")
        sid = lax.axis_index("s")
        wid = cid * 16 + sid
        r0 = sid * SLICE

        def zrow(r, carry):
            def zcol(cc, carry2):
                rows_v[0, 0, r, pl.ds(cc * 16, 16)] = jnp.zeros((16,), F32)
                return carry2

            lax.fori_loop(0, D // 16, zcol, 0)
            return carry

        lax.fori_loop(0, blk, zrow, 0)

        for k in range(SLICE // blk):
            pltpu.sync_copy(rows_v.at[0, 0], acc.at[pl.ds(r0 + k * blk, blk)])

        pltpu.sync_copy(eib.at[0, wid], src_v)
        pltpu.sync_copy(eib.at[1, wid], dst_v)
        plsc.subcore_barrier()

        def fire_gathers(c, grp):
            for k in range(K):
                pltpu.async_copy(g_hbm.at[src_v.at[c * K + k]],
                                 rows_v.at[grp, k], gsems[grp])

        def wait_gathers(c, grp):
            for k in range(K):
                pltpu.make_async_copy(g_hbm.at[src_v.at[c * K + k]],
                                      rows_v.at[grp, k], gsems[grp]).wait()

        def fire_scatters(c, grp):
            for k in range(K):
                pltpu.async_copy(rows_v.at[grp, k],
                                 acc.at[dst_v.at[c * K + k]], ssems[grp],
                                 add=True)

        def drain_scatters(c, grp):
            for k in range(K):
                pltpu.make_async_copy(rows_v.at[grp, k],
                                      acc.at[dst_v.at[c * K + k]],
                                      ssems[grp]).wait()

        for c in range(G):
            fire_gathers(c, c % NG)

        def phase_block(t, carry):
            base = NG * t
            for q in range(NG):
                p = base + q
                wait_gathers(p, q)
                fire_scatters(p, q)

                @pl.when(p >= L)
                def _():
                    drain_scatters(p - L, (q - L) % NG)

                @pl.when(p + G < H)
                def _():
                    fire_gathers(p + G, (q + G) % NG)

            return carry

        lax.fori_loop(0, H // NG, phase_block, 0)
        for p in range(H - L, H):
            drain_scatters(p, p % NG)
        plsc.subcore_barrier()
        pltpu.sync_copy(acc.at[pl.ds(r0, SLICE)], out.at[cid, pl.ds(r0, SLICE)])

    return scatter_kernel


_deg = _make_deg_kernel()
_scat16 = _make_scatter_kernel(16, 2, BLK, NB)
_scat64 = _make_scatter_kernel(64, 1, BLK, NB)

_R = 2560
_G = NP // _R


def _tc1(x, W1, degp):
    R = 2560
    G = NP // R

    def body(x_ref, w_ref, dg_ref, o_ref):
        d = dg_ref[0, :] + dg_ref[1, :] + 1.0
        dinv = lax.rsqrt(d)
        h = jnp.dot(x_ref[...], w_ref[...], preferred_element_type=F32)
        o_ref[...] = h * dinv[:, None]

    return pl.pallas_call(
        body,
        grid=(G,),
        in_specs=[
            pl.BlockSpec((R, 128), lambda i: (i, 0)),
            pl.BlockSpec((128, 16), lambda i: (0, 0)),
            pl.BlockSpec((2, R), lambda i: (0, i)),
        ],
        out_specs=pl.BlockSpec((R, 16), lambda i: (i, 0)),
        out_shape=jax.ShapeDtypeStruct((NP, 16), F32),
    )(x, W1, degp)


def _tc2(s1p, g1, degp, W2, b1):
    def body(s_ref, g_ref, dg_ref, w_ref, b_ref, o_ref):
        d = dg_ref[0, :] + dg_ref[1, :] + 1.0
        dinv = lax.rsqrt(d)
        z = (s_ref[0] + s_ref[1] + g_ref[...]) * dinv[:, None] + b_ref[...]
        h = jnp.maximum(z, 0.0)
        h2 = jnp.dot(h, w_ref[...], preferred_element_type=F32)
        o_ref[...] = h2 * dinv[:, None]

    return pl.pallas_call(
        body,
        grid=(_G,),
        in_specs=[
            pl.BlockSpec((2, _R, 16), lambda i: (0, i, 0)),
            pl.BlockSpec((_R, 16), lambda i: (i, 0)),
            pl.BlockSpec((2, _R), lambda i: (0, i)),
            pl.BlockSpec((16, 64), lambda i: (0, 0)),
            pl.BlockSpec((1, 16), lambda i: (0, 0)),
        ],
        out_specs=pl.BlockSpec((_R, 64), lambda i: (i, 0)),
        out_shape=jax.ShapeDtypeStruct((NP, 64), F32),
    )(s1p, g1, degp, W2, b1)


def _tc3(s2p, g2, degp, b2):
    def body(s_ref, g_ref, dg_ref, b_ref, o_ref):
        d = dg_ref[0, :] + dg_ref[1, :] + 1.0
        dinv = lax.rsqrt(d)
        z = (s_ref[0] + s_ref[1] + g_ref[...]) * dinv[:, None] + b_ref[...]
        m = jnp.max(z, axis=1, keepdims=True)
        e = jnp.exp(z - m)
        lse = jnp.log(jnp.sum(e, axis=1, keepdims=True))
        o_ref[...] = z - m - lse

    return pl.pallas_call(
        body,
        grid=(_G,),
        in_specs=[
            pl.BlockSpec((2, _R, 64), lambda i: (0, i, 0)),
            pl.BlockSpec((_R, 64), lambda i: (i, 0)),
            pl.BlockSpec((2, _R), lambda i: (0, i)),
            pl.BlockSpec((1, 64), lambda i: (0, 0)),
        ],
        out_specs=pl.BlockSpec((_R, 64), lambda i: (i, 0)),
        out_shape=jax.ShapeDtypeStruct((N, 64), F32),
    )(s2p, g2, degp, b2)


def kernel(x, edge_index, W1, b1, W2, b2):
    ei = edge_index.astype(jnp.int32)
    npad = NW * EWP - E
    pad = jnp.arange(npad, dtype=jnp.int32)
    eip = jnp.concatenate(
        [ei, jnp.stack([pad % N, N + pad % (NP - N)])], axis=1)
    eib = eip.reshape(2, NW, NB, BLK)

    degp = _deg(eib)
    g1 = _tc1(x, W1, degp)
    s1p = _scat16(g1, eib)
    g2 = _tc2(s1p, g1, degp, W2, b1.reshape(1, 16))
    s2p = _scat64(g2, eib)
    return _tc3(s2p, g2, degp, b2.reshape(1, 64))

# --- scband reference (transcript-rebuilt; emitter-appended) ---
"""Pipeline reference for scband-gcn-10754598109885 (READ-ONLY COPY).

The authoritative reference and input builder live on the scoring server;
editing this copy changes nothing except your own understanding.
"""

import jax, jax.numpy as jnp
import numpy as np

N_NODES = 10000


def gcn_conv(x, edge_index, W, b):
    num_nodes = x.shape[0]
    src = edge_index[0]
    dst = edge_index[1]
    # add self loops
    loop = jnp.arange(num_nodes, dtype=src.dtype)
    src = jnp.concatenate([src, loop])
    dst = jnp.concatenate([dst, loop])
    # linear transform
    h = x @ W
    # symmetric normalization D^{-1/2} (A+I) D^{-1/2}
    deg = jnp.zeros((num_nodes,), dtype=h.dtype).at[dst].add(1.0)
    dinv = jnp.where(deg > 0, deg ** -0.5, 0.0)
    norm = dinv[src] * dinv[dst]
    msg = h[src] * norm[:, None]
    out = jnp.zeros((num_nodes, h.shape[1]), dtype=h.dtype).at[dst].add(msg)
    return out + b


def setup_inputs(seed: int = 0) -> dict:
    key = jax.random.key(seed)
    k_x, k_ei, k_w1, k_b1, k_w2, k_b2 = jax.random.split(key, 6)
    x = jax.random.normal(k_x, (N_NODES, 128), dtype=jnp.float32)
    edge_index = jax.random.randint(k_ei, (2, 320000), 0, N_NODES, dtype=jnp.int64)
    # GCNConv(128 -> 16) and GCNConv(16 -> 64) parameters (glorot-ish init)
    W1 = jax.random.normal(k_w1, (128, 16), dtype=jnp.float32) * (1.0 / np.sqrt(128))
    b1 = jnp.zeros((16,), dtype=jnp.float32)
    W2 = jax.random.normal(k_w2, (16, 64), dtype=jnp.float32) * (1.0 / np.sqrt(16))
    b2 = jnp.zeros((64,), dtype=jnp.float32)
    return {"x": x, "edge_index": edge_index, "W1": W1, "b1": b1, "W2": W2, "b2": b2}


def reference(x, edge_index, W1, b1, W2, b2):
    h = jax.nn.relu(gcn_conv(x, edge_index, W1, b1))
    out = gcn_conv(h, edge_index, W2, b2)
    return jax.nn.log_softmax(out, axis=1)

if __name__ == "__main__":
    import jax
    _d = setup_inputs()
    print(jax.jit(kernel)(*tuple(_d.values())))

</pallas_src>

<mosaic_0001>
#map = affine_map<(d0, d1) -> (0, 0)>
#map1 = affine_map<(d0, d1) -> (0, 0, 0, 0)>
#map2 = affine_map<(d0, d1) -> (0, 0, 0)>
module attributes {stable_mosaic.version = 14 : i64} {
  func.func @scatter_kernel(%arg0: i32, %arg1: i32, %arg2: memref<10240x16xf32, #tpu.memory_space<hbm>>, %arg3: memref<2x32x80x128xi32, #tpu.memory_space<hbm>>, %arg4: memref<2x10240x16xf32, #tpu.memory_space<hbm>>, %arg5: memref<10240x16xf32, #tpu.memory_space<vmem_shared>>, %arg6: memref<80x128xi32, #tpu.memory_space<vmem>>, %arg7: memref<80x128xi32, #tpu.memory_space<vmem>>, %arg8: memref<8x2x128x16xf32, #tpu.memory_space<vmem>>, %arg9: memref<!tpu.dma_semaphore, #tpu.memory_space<semaphore_mem>>, %arg10: memref<!tpu.dma_semaphore, #tpu.memory_space<semaphore_mem>>, %arg11: memref<!tpu.dma_semaphore, #tpu.memory_space<semaphore_mem>>, %arg12: memref<!tpu.dma_semaphore, #tpu.memory_space<semaphore_mem>>, %arg13: memref<!tpu.dma_semaphore, #tpu.memory_space<semaphore_mem>>, %arg14: memref<!tpu.dma_semaphore, #tpu.memory_space<semaphore_mem>>, %arg15: memref<!tpu.dma_semaphore, #tpu.memory_space<semaphore_mem>>, %arg16: memref<!tpu.dma_semaphore, #tpu.memory_space<semaphore_mem>>, %arg17: memref<!tpu.dma_semaphore, #tpu.memory_space<semaphore_mem>>, %arg18: memref<!tpu.dma_semaphore, #tpu.memory_space<semaphore_mem>>, %arg19: memref<!tpu.dma_semaphore, #tpu.memory_space<semaphore_mem>>, %arg20: memref<!tpu.dma_semaphore, #tpu.memory_space<semaphore_mem>>, %arg21: memref<!tpu.dma_semaphore, #tpu.memory_space<semaphore_mem>>, %arg22: memref<!tpu.dma_semaphore, #tpu.memory_space<semaphore_mem>>, %arg23: memref<!tpu.dma_semaphore, #tpu.memory_space<semaphore_mem>>, %arg24: memref<!tpu.dma_semaphore, #tpu.memory_space<semaphore_mem>>) attributes {dimension_semantics = [#tpu.dimension_semantics<core_parallel>, #tpu.dimension_semantics<subcore_parallel>], iteration_bounds = array<i64: 2, 16>, scalar_prefetch = 0 : i64, scratch_operands = 20 : i64, tpu.core_type = #tpu.core_type<sc_vector_subcore>, window_params = [{transform_indices = #map}, {transform_indices = #map1}, {transform_indices = #map2}]} {
    %mul3A = arith.constant 16 : i32
    %mul3A_0 = arith.muli %arg0, %mul3A : i32
    %add3A = arith.addi %mul3A_0, %arg1 : i32
    %mul3A_1 = arith.constant 640 : i32
    %mul3A_2 = arith.muli %arg1, %mul3A_1 : i32
    %scan3A = arith.constant 0 : i32
    %scan3A_3 = arith.constant 0 : i32
    %scan3A_4 = arith.constant 128 : i32
    %scan3A_5 = arith.addi %scan3A_3, %scan3A_4 : i32
    %scan3A_6 = arith.constant 1 : i32
    scf.for %scan3A_242 = %scan3A_3 to %scan3A_5 step %scan3A_6  : i32 {
      %scan3A_243 = arith.constant 0 : i32
      %scan3A_244 = arith.constant 0 : i32
      %broadcast_in_dim3A = arith.constant 0.000000e+00 : f32
      %broadcast_in_dim3A_245 = vector.broadcast %broadcast_in_dim3A : f32 to vector<16xf32>
      %mul3A_246 = arith.constant 16 : i32
      %mul3A_247 = arith.muli %scan3A_244, %mul3A_246 : i32
      %swap3A = arith.constant 0 : i32
      %swap3A_248 = arith.constant 0 : i32
      %swap3A_249 = arith.index_cast %swap3A : i32 to index
      %swap3A_250 = arith.index_cast %swap3A_248 : i32 to index
      %swap3A_251 = arith.index_cast %scan3A_242 : i32 to index
      %swap3A_252 = arith.index_cast %mul3A_247 : i32 to index
      %swap3A_253 = tpu.vector_load %arg8[%swap3A_249, %swap3A_250, %swap3A_251, %swap3A_252] {strides = array<i32>} : memref<8x2x128x16xf32, #tpu.memory_space<vmem>>, vector<1x1x1x16xf32>,
      %swap3A_254 = vector.shape_cast %swap3A_253 : vector<1x1x1x16xf32> to vector<16xf32>
      %swap3A_255 = vector.shape_cast %broadcast_in_dim3A_245 : vector<16xf32> to vector<1x1x1x16xf32>
      tpu.vector_store %arg8[%swap3A_249, %swap3A_250, %swap3A_251, %swap3A_252], %swap3A_255 {strides = array<i32>} : memref<8x2x128x16xf32, #tpu.memory_space<vmem>>, vector<1x1x1x16xf32>,
      %scan3A_256 = arith.constant 1 : i32
    }
    %scan3A_7 = arith.constant 128 : i32
    %add3A_8 = arith.constant 0 : i32
    %add3A_9 = arith.addi %mul3A_2, %add3A_8 : i32
    %run_scoped3A = arith.constant 0 : i32
    %run_scoped3A_10 = arith.constant 0 : i32
    "tpu.region"() ({
      %run_scoped3A_242 = tpu.sem_alloc : memref<!tpu.dma_semaphore, #tpu.memory_space<semaphore_mem>>
      %dma_start3A_243 = arith.constant 0 : i32
      %dma_start3A_244 = arith.constant 0 : i32
      %dma_start3A_245 = tpu.memref_slice %arg8[%run_scoped3A, %run_scoped3A_10, %dma_start3A_243, %dma_start3A_244] : memref<8x2x128x16xf32, #tpu.memory_space<vmem>> -> memref<1x1x128x16xf32, #tpu.memory_space<vmem>>
      %dma_start3A_246 = tpu.memref_squeeze %dma_start3A_245 : memref<1x1x128x16xf32, #tpu.memory_space<vmem>> -> memref<128x16xf32, #tpu.memory_space<vmem>>
      %dma_start3A_247 = arith.constant 0 : i32
      %dma_start3A_248 = tpu.memref_slice %arg5[%add3A_9, %dma_start3A_247] : memref<10240x16xf32, #tpu.memory_space<vmem_shared>> -> memref<128x16xf32, #tpu.memory_space<vmem_shared>>
      %dma_start3A_249 = arith.constant 0 : i32
      %dma_start3A_250 = tpu.memref_slice %arg5[%add3A_9, %dma_start3A_249] : memref<10240x16xf32, #tpu.memory_space<vmem_shared>> -> memref<128x16xf32, #tpu.memory_space<vmem_shared>>
      %dma_start3A_251 = arith.constant 0 : i32
      %dma_start3A_252 = arith.constant 0 : i32
      %dma_start3A_253 = tpu.memref_slice %arg8[%run_scoped3A, %run_scoped3A_10, %dma_start3A_251, %dma_start3A_252] : memref<8x2x128x16xf32, #tpu.memory_space<vmem>> -> memref<1x1x128x16xf32, #tpu.memory_space<vmem>>
      %dma_start3A_254 = tpu.memref_squeeze %dma_start3A_253 : memref<1x1x128x16xf32, #tpu.memory_space<vmem>> -> memref<128x16xf32, #tpu.memory_space<vmem>>
      tpu.enqueue_dma source(%dma_start3A_254 : memref<128x16xf32, #tpu.memory_space<vmem>>) target(%dma_start3A_250 : memref<128x16xf32, #tpu.memory_space<vmem_shared>>) target_semaphore(%run_scoped3A_242 : memref<!tpu.dma_semaphore, #tpu.memory_space<semaphore_mem>>)
      %dma_wait3A_255 = arith.constant 0 : i32
      %dma_wait3A_256 = arith.constant 0 : i32
      %dma_wait3A_257 = tpu.memref_slice %arg8[%run_scoped3A, %run_scoped3A_10, %dma_wait3A_255, %dma_wait3A_256] : memref<8x2x128x16xf32, #tpu.memory_space<vmem>> -> memref<1x1x128x16xf32, #tpu.memory_space<vmem>>
      %dma_wait3A_258 = tpu.memref_squeeze %dma_wait3A_257 : memref<1x1x128x16xf32, #tpu.memory_space<vmem>> -> memref<128x16xf32, #tpu.memory_space<vmem>>
      %dma_wait3A_259 = arith.constant 0 : i32
      %dma_wait3A_260 = tpu.memref_slice %arg5[%add3A_9, %dma_wait3A_259] : memref<10240x16xf32, #tpu.memory_space<vmem_shared>> -> memref<128x16xf32, #tpu.memory_space<vmem_shared>>
      %dma_wait3A_261 = arith.constant 0 : i32
      %dma_wait3A_262 = tpu.memref_slice %arg5[%add3A_9, %dma_wait3A_261] : memref<10240x16xf32, #tpu.memory_space<vmem_shared>> -> memref<128x16xf32, #tpu.memory_space<vmem_shared>>
      %dma_wait3A_263 = arith.constant 0 : i32
      %dma_wait3A_264 = arith.constant 0 : i32
      %dma_wait3A_265 = tpu.memref_slice %arg8[%run_scoped3A, %run_scoped3A_10, %dma_wait3A_263, %dma_wait3A_264] : memref<8x2x128x16xf32, #tpu.memory_space<vmem>> -> memref<1x1x128x16xf32, #tpu.memory_space<vmem>>
      %dma_wait3A_266 = tpu.memref_squeeze %dma_wait3A_265 : memref<1x1x128x16xf32, #tpu.memory_space<vmem>> -> memref<128x16xf32, #tpu.memory_space<vmem>>
      tpu.wait_dma2 semaphore(%run_scoped3A_242 : memref<!tpu.dma_semaphore, #tpu.memory_space<semaphore_mem>>) src(%dma_wait3A_266 : memref<128x16xf32, #tpu.memory_space<vmem>>) dst(%dma_wait3A_262 : memref<128x16xf32, #tpu.memory_space<vmem_shared>>)
      tpu.yield
    }) : () -> ()
    %add3A_11 = arith.constant 128 : i32
    %add3A_12 = arith.addi %mul3A_2, %add3A_11 : i32
    %run_scoped3A_13 = arith.constant 0 : i32
    %run_scoped3A_14 = arith.constant 0 : i32
    "tpu.region"() ({
      %run_scoped3A_242 = tpu.sem_alloc : memref<!tpu.dma_semaphore, #tpu.memory_space<semaphore_mem>>
      %dma_start3A_243 = arith.constant 0 : i32
      %dma_start3A_244 = arith.constant 0 : i32
      %dma_start3A_245 = tpu.memref_slice %arg8[%run_scoped3A_13, %run_scoped3A_14, %dma_start3A_243, %dma_start3A_244] : memref<8x2x128x16xf32, #tpu.memory_space<vmem>> -> memref<1x1x128x16xf32, #tpu.memory_space<vmem>>
      %dma_start3A_246 = tpu.memref_squeeze %dma_start3A_245 : memref<1x1x128x16xf32, #tpu.memory_space<vmem>> -> memref<128x16xf32, #tpu.memory_space<vmem>>
      %dma_start3A_247 = arith.constant 0 : i32
      %dma_start3A_248 = tpu.memref_slice %arg5[%add3A_12, %dma_start3A_247] : memref<10240x16xf32, #tpu.memory_space<vmem_shared>> -> memref<128x16xf32, #tpu.memory_space<vmem_shared>>
      %dma_start3A_249 = arith.constant 0 : i32
      %dma_start3A_250 = tpu.memref_slice %arg5[%add3A_12, %dma_start3A_249] : memref<10240x16xf32, #tpu.memory_space<vmem_shared>> -> memref<128x16xf32, #tpu.memory_space<vmem_shared>>
      %dma_start3A_251 = arith.constant 0 : i32
      %dma_start3A_252 = arith.constant 0 : i32
      %dma_start3A_253 = tpu.memref_slice %arg8[%run_scoped3A_13, %run_scoped3A_14, %dma_start3A_251, %dma_start3A_252] : memref<8x2x128x16xf32, #tpu.memory_space<vmem>> -> memref<1x1x128x16xf32, #tpu.memory_space<vmem>>
      %dma_start3A_254 = tpu.memref_squeeze %dma_start3A_253 : memref<1x1x128x16xf32, #tpu.memory_space<vmem>> -> memref<128x16xf32, #tpu.memory_space<vmem>>
      tpu.enqueue_dma source(%dma_start3A_254 : memref<128x16xf32, #tpu.memory_space<vmem>>) target(%dma_start3A_250 : memref<128x16xf32, #tpu.memory_space<vmem_shared>>) target_semaphore(%run_scoped3A_242 : memref<!tpu.dma_semaphore, #tpu.memory_space<semaphore_mem>>)
      %dma_wait3A_255 = arith.constant 0 : i32
      %dma_wait3A_256 = arith.constant 0 : i32
      %dma_wait3A_257 = tpu.memref_slice %arg8[%run_scoped3A_13, %run_scoped3A_14, %dma_wait3A_255, %dma_wait3A_256] : memref<8x2x128x16xf32, #tpu.memory_space<vmem>> -> memref<1x1x128x16xf32, #tpu.memory_space<vmem>>
      %dma_wait3A_258 = tpu.memref_squeeze %dma_wait3A_257 : memref<1x1x128x16xf32, #tpu.memory_space<vmem>> -> memref<128x16xf32, #tpu.memory_space<vmem>>
      %dma_wait3A_259 = arith.constant 0 : i32
      %dma_wait3A_260 = tpu.memref_slice %arg5[%add3A_12, %dma_wait3A_259] : memref<10240x16xf32, #tpu.memory_space<vmem_shared>> -> memref<128x16xf32, #tpu.memory_space<vmem_shared>>
      %dma_wait3A_261 = arith.constant 0 : i32
      %dma_wait3A_262 = tpu.memref_slice %arg5[%add3A_12, %dma_wait3A_261] : memref<10240x16xf32, #tpu.memory_space<vmem_shared>> -> memref<128x16xf32, #tpu.memory_space<vmem_shared>>
      %dma_wait3A_263 = arith.constant 0 : i32
      %dma_wait3A_264 = arith.constant 0 : i32
      %dma_wait3A_265 = tpu.memref_slice %arg8[%run_scoped3A_13, %run_scoped3A_14, %dma_wait3A_263, %dma_wait3A_264] : memref<8x2x128x16xf32, #tpu.memory_space<vmem>> -> memref<1x1x128x16xf32, #tpu.memory_space<vmem>>
      %dma_wait3A_266 = tpu.memref_squeeze %dma_wait3A_265 : memref<1x1x128x16xf32, #tpu.memory_space<vmem>> -> memref<128x16xf32, #tpu.memory_space<vmem>>
      tpu.wait_dma2 semaphore(%run_scoped3A_242 : memref<!tpu.dma_semaphore, #tpu.memory_space<semaphore_mem>>) src(%dma_wait3A_266 : memref<128x16xf32, #tpu.memory_space<vmem>>) dst(%dma_wait3A_262 : memref<128x16xf32, #tpu.memory_space<vmem_shared>>)
      tpu.yield
    }) : () -> ()
    %add3A_15 = arith.constant 256 : i32
    %add3A_16 = arith.addi %mul3A_2, %add3A_15 : i32
    %run_scoped3A_17 = arith.constant 0 : i32
    %run_scoped3A_18 = arith.constant 0 : i32
    "tpu.region"() ({
      %run_scoped3A_242 = tpu.sem_alloc : memref<!tpu.dma_semaphore, #tpu.memory_space<semaphore_mem>>
      %dma_start3A_243 = arith.constant 0 : i32
      %dma_start3A_244 = arith.constant 0 : i32
      %dma_start3A_245 = tpu.memref_slice %arg8[%run_scoped3A_17, %run_scoped3A_18, %dma_start3A_243, %dma_start3A_244] : memref<8x2x128x16xf32, #tpu.memory_space<vmem>> -> memref<1x1x128x16xf32, #tpu.memory_space<vmem>>
      %dma_start3A_246 = tpu.memref_squeeze %dma_start3A_245 : memref<1x1x128x16xf32, #tpu.memory_space<vmem>> -> memref<128x16xf32, #tpu.memory_space<vmem>>
      %dma_start3A_247 = arith.constant 0 : i32
      %dma_start3A_248 = tpu.memref_slice %arg5[%add3A_16, %dma_start3A_247] : memref<10240x16xf32, #tpu.memory_space<vmem_shared>> -> memref<128x16xf32, #tpu.memory_space<vmem_shared>>
      %dma_start3A_249 = arith.constant 0 : i32
      %dma_start3A_250 = tpu.memref_slice %arg5[%add3A_16, %dma_start3A_249] : memref<10240x16xf32, #tpu.memory_space<vmem_shared>> -> memref<128x16xf32, #tpu.memory_space<vmem_shared>>
      %dma_start3A_251 = arith.constant 0 : i32
      %dma_start3A_252 = arith.constant 0 : i32
      %dma_start3A_253 = tpu.memref_slice %arg8[%run_scoped3A_17, %run_scoped3A_18, %dma_start3A_251, %dma_start3A_252] : memref<8x2x128x16xf32, #tpu.memory_space<vmem>> -> memref<1x1x128x16xf32, #tpu.memory_space<vmem>>
      %dma_start3A_254 = tpu.memref_squeeze %dma_start3A_253 : memref<1x1x128x16xf32, #tpu.memory_space<vmem>> -> memref<128x16xf32, #tpu.memory_space<vmem>>
      tpu.enqueue_dma source(%dma_start3A_254 : memref<128x16xf32, #tpu.memory_space<vmem>>) target(%dma_start3A_250 : memref<128x16xf32, #tpu.memory_space<vmem_shared>>) target_semaphore(%run_scoped3A_242 : memref<!tpu.dma_semaphore, #tpu.memory_space<semaphore_mem>>)
      %dma_wait3A_255 = arith.constant 0 : i32
      %dma_wait3A_256 = arith.constant 0 : i32
      %dma_wait3A_257 = tpu.memref_slice %arg8[%run_scoped3A_17, %run_scoped3A_18, %dma_wait3A_255, %dma_wait3A_256] : memref<8x2x128x16xf32, #tpu.memory_space<vmem>> -> memref<1x1x128x16xf32, #tpu.memory_space<vmem>>
      %dma_wait3A_258 = tpu.memref_squeeze %dma_wait3A_257 : memref<1x1x128x16xf32, #tpu.memory_space<vmem>> -> memref<128x16xf32, #tpu.memory_space<vmem>>
      %dma_wait3A_259 = arith.constant 0 : i32
      %dma_wait3A_260 = tpu.memref_slice %arg5[%add3A_16, %dma_wait3A_259] : memref<10240x16xf32, #tpu.memory_space<vmem_shared>> -> memref<128x16xf32, #tpu.memory_space<vmem_shared>>
      %dma_wait3A_261 = arith.constant 0 : i32
      %dma_wait3A_262 = tpu.memref_slice %arg5[%add3A_16, %dma_wait3A_261] : memref<10240x16xf32, #tpu.memory_space<vmem_shared>> -> memref<128x16xf32, #tpu.memory_space<vmem_shared>>
      %dma_wait3A_263 = arith.constant 0 : i32
      %dma_wait3A_264 = arith.constant 0 : i32
      %dma_wait3A_265 = tpu.memref_slice %arg8[%run_scoped3A_17, %run_scoped3A_18, %dma_wait3A_263, %dma_wait3A_264] : memref<8x2x128x16xf32, #tpu.memory_space<vmem>> -> memref<1x1x128x16xf32, #tpu.memory_space<vmem>>
      %dma_wait3A_266 = tpu.memref_squeeze %dma_wait3A_265 : memref<1x1x128x16xf32, #tpu.memory_space<vmem>> -> memref<128x16xf32, #tpu.memory_space<vmem>>
      tpu.wait_dma2 semaphore(%run_scoped3A_242 : memref<!tpu.dma_semaphore, #tpu.memory_space<semaphore_mem>>) src(%dma_wait3A_266 : memref<128x16xf32, #tpu.memory_space<vmem>>) dst(%dma_wait3A_262 : memref<128x16xf32, #tpu.memory_space<vmem_shared>>)
      tpu.yield
    }) : () -> ()
    %add3A_19 = arith.constant 384 : i32
    %add3A_20 = arith.addi %mul3A_2, %add3A_19 : i32
    %run_scoped3A_21 = arith.constant 0 : i32
    %run_scoped3A_22 = arith.constant 0 : i32
    "tpu.region"() ({
      %run_scoped3A_242 = tpu.sem_alloc : memref<!tpu.dma_semaphore, #tpu.memory_space<semaphore_mem>>
      %dma_start3A_243 = arith.constant 0 : i32
      %dma_start3A_244 = arith.constant 0 : i32
      %dma_start3A_245 = tpu.memref_slice %arg8[%run_scoped3A_21, %run_scoped3A_22, %dma_start3A_243, %dma_start3A_244] : memref<8x2x128x16xf32, #tpu.memory_space<vmem>> -> memref<1x1x128x16xf32, #tpu.memory_space<vmem>>
      %dma_start3A_246 = tpu.memref_squeeze %dma_start3A_245 : memref<1x1x128x16xf32, #tpu.memory_space<vmem>> -> memref<128x16xf32, #tpu.memory_space<vmem>>
      %dma_start3A_247 = arith.constant 0 : i32
      %dma_start3A_248 = tpu.memref_slice %arg5[%add3A_20, %dma_start3A_247] : memref<10240x16xf32, #tpu.memory_space<vmem_shared>> -> memref<128x16xf32, #tpu.memory_space<vmem_shared>>
      %dma_start3A_249 = arith.constant 0 : i32
      %dma_start3A_250 = tpu.memref_slice %arg5[%add3A_20, %dma_start3A_249] : memref<10240x16xf32, #tpu.memory_space<vmem_shared>> -> memref<128x16xf32, #tpu.memory_space<vmem_shared>>
      %dma_start3A_251 = arith.constant 0 : i32
      %dma_start3A_252 = arith.constant 0 : i32
      %dma_start3A_253 = tpu.memref_slice %arg8[%run_scoped3A_21, %run_scoped3A_22, %dma_start3A_251, %dma_start3A_252] : memref<8x2x128x16xf32, #tpu.memory_space<vmem>> -> memref<1x1x128x16xf32, #tpu.memory_space<vmem>>
      %dma_start3A_254 = tpu.memref_squeeze %dma_start3A_253 : memref<1x1x128x16xf32, #tpu.memory_space<vmem>> -> memref<128x16xf32, #tpu.memory_space<vmem>>
      tpu.enqueue_dma source(%dma_start3A_254 : memref<128x16xf32, #tpu.memory_space<vmem>>) target(%dma_start3A_250 : memref<128x16xf32, #tpu.memory_space<vmem_shared>>) target_semaphore(%run_scoped3A_242 : memref<!tpu.dma_semaphore, #tpu.memory_space<semaphore_mem>>)
      %dma_wait3A_255 = arith.constant 0 : i32
      %dma_wait3A_256 = arith.constant 0 : i32
      %dma_wait3A_257 = tpu.memref_slice %arg8[%run_scoped3A_21, %run_scoped3A_22, %dma_wait3A_255, %dma_wait3A_256] : memref<8x2x128x16xf32, #tpu.memory_space<vmem>> -> memref<1x1x128x16xf32, #tpu.memory_space<vmem>>
      %dma_wait3A_258 = tpu.memref_squeeze %dma_wait3A_257 : memref<1x1x128x16xf32, #tpu.memory_space<vmem>> -> memref<128x16xf32, #tpu.memory_space<vmem>>
      %dma_wait3A_259 = arith.constant 0 : i32
      %dma_wait3A_260 = tpu.memref_slice %arg5[%add3A_20, %dma_wait3A_259] : memref<10240x16xf32, #tpu.memory_space<vmem_shared>> -> memref<128x16xf32, #tpu.memory_space<vmem_shared>>
      %dma_wait3A_261 = arith.constant 0 : i32
      %dma_wait3A_262 = tpu.memref_slice %arg5[%add3A_20, %dma_wait3A_261] : memref<10240x16xf32, #tpu.memory_space<vmem_shared>> -> memref<128x16xf32, #tpu.memory_space<vmem_shared>>
      %dma_wait3A_263 = arith.constant 0 : i32
      %dma_wait3A_264 = arith.constant 0 : i32
      %dma_wait3A_265 = tpu.memref_slice %arg8[%run_scoped3A_21, %run_scoped3A_22, %dma_wait3A_263, %dma_wait3A_264] : memref<8x2x128x16xf32, #tpu.memory_space<vmem>> -> memref<1x1x128x16xf32, #tpu.memory_space<vmem>>
      %dma_wait3A_266 = tpu.memref_squeeze %dma_wait3A_265 : memref<1x1x128x16xf32, #tpu.memory_space<vmem>> -> memref<128x16xf32, #tpu.memory_space<vmem>>
      tpu.wait_dma2 semaphore(%run_scoped3A_242 : memref<!tpu.dma_semaphore, #tpu.memory_space<semaphore_mem>>) src(%dma_wait3A_266 : memref<128x16xf32, #tpu.memory_space<vmem>>) dst(%dma_wait3A_262 : memref<128x16xf32, #tpu.memory_space<vmem_shared>>)
      tpu.yield
    }) : () -> ()
    %add3A_23 = arith.constant 512 : i32
    %add3A_24 = arith.addi %mul3A_2, %add3A_23 : i32
    %run_scoped3A_25 = arith.constant 0 : i32
    %run_scoped3A_26 = arith.constant 0 : i32
    "tpu.region"() ({
      %run_scoped3A_242 = tpu.sem_alloc : memref<!tpu.dma_semaphore, #tpu.memory_space<semaphore_mem>>
      %dma_start3A_243 = arith.constant 0 : i32
      %dma_start3A_244 = arith.constant 0 : i32
      %dma_start3A_245 = tpu.memref_slice %arg8[%run_scoped3A_25, %run_scoped3A_26, %dma_start3A_243, %dma_start3A_244] : memref<8x2x128x16xf32, #tpu.memory_space<vmem>> -> memref<1x1x128x16xf32, #tpu.memory_space<vmem>>
      %dma_start3A_246 = tpu.memref_squeeze %dma_start3A_245 : memref<1x1x128x16xf32, #tpu.memory_space<vmem>> -> memref<128x16xf32, #tpu.memory_space<vmem>>
      %dma_start3A_247 = arith.constant 0 : i32
      %dma_start3A_248 = tpu.memref_slice %arg5[%add3A_24, %dma_start3A_247] : memref<10240x16xf32, #tpu.memory_space<vmem_shared>> -> memref<128x16xf32, #tpu.memory_space<vmem_shared>>
      %dma_start3A_249 = arith.constant 0 : i32
      %dma_start3A_250 = tpu.memref_slice %arg5[%add3A_24, %dma_start3A_249] : memref<10240x16xf32, #tpu.memory_space<vmem_shared>> -> memref<128x16xf32, #tpu.memory_space<vmem_shared>>
      %dma_start3A_251 = arith.constant 0 : i32
      %dma_start3A_252 = arith.constant 0 : i32
      %dma_start3A_253 = tpu.memref_slice %arg8[%run_scoped3A_25, %run_scoped3A_26, %dma_start3A_251, %dma_start3A_252] : memref<8x2x128x16xf32, #tpu.memory_space<vmem>> -> memref<1x1x128x16xf32, #tpu.memory_space<vmem>>
      %dma_start3A_254 = tpu.memref_squeeze %dma_start3A_253 : memref<1x1x128x16xf32, #tpu.memory_space<vmem>> -> memref<128x16xf32, #tpu.memory_space<vmem>>
      tpu.enqueue_dma source(%dma_start3A_254 : memref<128x16xf32, #tpu.memory_space<vmem>>) target(%dma_start3A_250 : memref<128x16xf32, #tpu.memory_space<vmem_shared>>) target_semaphore(%run_scoped3A_242 : memref<!tpu.dma_semaphore, #tpu.memory_space<semaphore_mem>>)
      %dma_wait3A_255 = arith.constant 0 : i32
      %dma_wait3A_256 = arith.constant 0 : i32
      %dma_wait3A_257 = tpu.memref_slice %arg8[%run_scoped3A_25, %run_scoped3A_26, %dma_wait3A_255, %dma_wait3A_256] : memref<8x2x128x16xf32, #tpu.memory_space<vmem>> -> memref<1x1x128x16xf32, #tpu.memory_space<vmem>>
      %dma_wait3A_258 = tpu.memref_squeeze %dma_wait3A_257 : memref<1x1x128x16xf32, #tpu.memory_space<vmem>> -> memref<128x16xf32, #tpu.memory_space<vmem>>
      %dma_wait3A_259 = arith.constant 0 : i32
      %dma_wait3A_260 = tpu.memref_slice %arg5[%add3A_24, %dma_wait3A_259] : memref<10240x16xf32, #tpu.memory_space<vmem_shared>> -> memref<128x16xf32, #tpu.memory_space<vmem_shared>>
      %dma_wait3A_261 = arith.constant 0 : i32
      %dma_wait3A_262 = tpu.memref_slice %arg5[%add3A_24, %dma_wait3A_261] : memref<10240x16xf32, #tpu.memory_space<vmem_shared>> -> memref<128x16xf32, #tpu.memory_space<vmem_shared>>
      %dma_wait3A_263 = arith.constant 0 : i32
      %dma_wait3A_264 = arith.constant 0 : i32
      %dma_wait3A_265 = tpu.memref_slice %arg8[%run_scoped3A_25, %run_scoped3A_26, %dma_wait3A_263, %dma_wait3A_264] : memref<8x2x128x16xf32, #tpu.memory_space<vmem>> -> memref<1x1x128x16xf32, #tpu.memory_space<vmem>>
      %dma_wait3A_266 = tpu.memref_squeeze %dma_wait3A_265 : memref<1x1x128x16xf32, #tpu.memory_space<vmem>> -> memref<128x16xf32, #tpu.memory_space<vmem>>
      tpu.wait_dma2 semaphore(%run_scoped3A_242 : memref<!tpu.dma_semaphore, #tpu.memory_space<semaphore_mem>>) src(%dma_wait3A_266 : memref<128x16xf32, #tpu.memory_space<vmem>>) dst(%dma_wait3A_262 : memref<128x16xf32, #tpu.memory_space<vmem_shared>>)
      tpu.yield
    }) : () -> ()
    %run_scoped3A_27 = arith.constant 0 : i32
    "tpu.region"() ({
      %run_scoped3A_242 = tpu.sem_alloc : memref<!tpu.dma_semaphore, #tpu.memory_space<semaphore_mem>>
      %dma_start3A_243 = arith.constant 0 : i32
      %dma_start3A_244 = arith.constant 0 : i32
      %dma_start3A_245 = tpu.memref_slice %arg3[%run_scoped3A_27, %add3A, %dma_start3A_243, %dma_start3A_244] : memref<2x32x80x128xi32, #tpu.memory_space<hbm>> -> memref<1x1x80x128xi32, #tpu.memory_space<hbm>>
      %dma_start3A_246 = tpu.memref_squeeze %dma_start3A_245 : memref<1x1x80x128xi32, #tpu.memory_space<hbm>> -> memref<80x128xi32, #tpu.memory_space<hbm>>
      %dma_start3A_247 = arith.constant 0 : i32
      %dma_start3A_248 = arith.constant 0 : i32
      %dma_start3A_249 = tpu.memref_slice %arg3[%run_scoped3A_27, %add3A, %dma_start3A_247, %dma_start3A_248] : memref<2x32x80x128xi32, #tpu.memory_space<hbm>> -> memref<1x1x80x128xi32, #tpu.memory_space<hbm>>
      %dma_start3A_250 = tpu.memref_squeeze %dma_start3A_249 : memref<1x1x80x128xi32, #tpu.memory_space<hbm>> -> memref<80x128xi32, #tpu.memory_space<hbm>>
      tpu.enqueue_dma source(%dma_start3A_250 : memref<80x128xi32, #tpu.memory_space<hbm>>) target(%arg6 : memref<80x128xi32, #tpu.memory_space<vmem>>) target_semaphore(%run_scoped3A_242 : memref<!tpu.dma_semaphore, #tpu.memory_space<semaphore_mem>>)
      %dma_wait3A_251 = arith.constant 0 : i32
      %dma_wait3A_252 = arith.constant 0 : i32
      %dma_wait3A_253 = tpu.memref_slice %arg3[%run_scoped3A_27, %add3A, %dma_wait3A_251, %dma_wait3A_252] : memref<2x32x80x128xi32, #tpu.memory_space<hbm>> -> memref<1x1x80x128xi32, #tpu.memory_space<hbm>>
      %dma_wait3A_254 = tpu.memref_squeeze %dma_wait3A_253 : memref<1x1x80x128xi32, #tpu.memory_space<hbm>> -> memref<80x128xi32, #tpu.memory_space<hbm>>
      %dma_wait3A_255 = arith.constant 0 : i32
      %dma_wait3A_256 = arith.constant 0 : i32
      %dma_wait3A_257 = tpu.memref_slice %arg3[%run_scoped3A_27, %add3A, %dma_wait3A_255, %dma_wait3A_256] : memref<2x32x80x128xi32, #tpu.memory_space<hbm>> -> memref<1x1x80x128xi32, #tpu.memory_space<hbm>>
      %dma_wait3A_258 = tpu.memref_squeeze %dma_wait3A_257 : memref<1x1x80x128xi32, #tpu.memory_space<hbm>> -> memref<80x128xi32, #tpu.memory_space<hbm>>
      tpu.wait_dma2 semaphore(%run_scoped3A_242 : memref<!tpu.dma_semaphore, #tpu.memory_space<semaphore_mem>>) src(%dma_wait3A_258 : memref<80x128xi32, #tpu.memory_space<hbm>>) dst(%arg6 : memref<80x128xi32, #tpu.memory_space<vmem>>)
      tpu.yield
    }) : () -> ()
    %run_scoped3A_28 = arith.constant 1 : i32
    "tpu.region"() ({
      %run_scoped3A_242 = tpu.sem_alloc : memref<!tpu.dma_semaphore, #tpu.memory_space<semaphore_mem>>
      %dma_start3A_243 = arith.constant 0 : i32
      %dma_start3A_244 = arith.constant 0 : i32
      %dma_start3A_245 = tpu.memref_slice %arg3[%run_scoped3A_28, %add3A, %dma_start3A_243, %dma_start3A_244] : memref<2x32x80x128xi32, #tpu.memory_space<hbm>> -> memref<1x1x80x128xi32, #tpu.memory_space<hbm>>
      %dma_start3A_246 = tpu.memref_squeeze %dma_start3A_245 : memref<1x1x80x128xi32, #tpu.memory_space<hbm>> -> memref<80x128xi32, #tpu.memory_space<hbm>>
      %dma_start3A_247 = arith.constant 0 : i32
      %dma_start3A_248 = arith.constant 0 : i32
      %dma_start3A_249 = tpu.memref_slice %arg3[%run_scoped3A_28, %add3A, %dma_start3A_247, %dma_start3A_248] : memref<2x32x80x128xi32, #tpu.memory_space<hbm>> -> memref<1x1x80x128xi32, #tpu.memory_space<hbm>>
      %dma_start3A_250 = tpu.memref_squeeze %dma_start3A_249 : memref<1x1x80x128xi32, #tpu.memory_space<hbm>> -> memref<80x128xi32, #tpu.memory_space<hbm>>
      tpu.enqueue_dma source(%dma_start3A_250 : memref<80x128xi32, #tpu.memory_space<hbm>>) target(%arg7 : memref<80x128xi32, #tpu.memory_space<vmem>>) target_semaphore(%run_scoped3A_242 : memref<!tpu.dma_semaphore, #tpu.memory_space<semaphore_mem>>)
      %dma_wait3A_251 = arith.constant 0 : i32
      %dma_wait3A_252 = arith.constant 0 : i32
      %dma_wait3A_253 = tpu.memref_slice %arg3[%run_scoped3A_28, %add3A, %dma_wait3A_251, %dma_wait3A_252] : memref<2x32x80x128xi32, #tpu.memory_space<hbm>> -> memref<1x1x80x128xi32, #tpu.memory_space<hbm>>
      %dma_wait3A_254 = tpu.memref_squeeze %dma_wait3A_253 : memref<1x1x80x128xi32, #tpu.memory_space<hbm>> -> memref<80x128xi32, #tpu.memory_space<hbm>>
      %dma_wait3A_255 = arith.constant 0 : i32
      %dma_wait3A_256 = arith.constant 0 : i32
      %dma_wait3A_257 = tpu.memref_slice %arg3[%run_scoped3A_28, %add3A, %dma_wait3A_255, %dma_wait3A_256] : memref<2x32x80x128xi32, #tpu.memory_space<hbm>> -> memref<1x1x80x128xi32, #tpu.memory_space<hbm>>
      %dma_wait3A_258 = tpu.memref_squeeze %dma_wait3A_257 : memref<1x1x80x128xi32, #tpu.memory_space<hbm>> -> memref<80x128xi32, #tpu.memory_space<hbm>>
      tpu.wait_dma2 semaphore(%run_scoped3A_242 : memref<!tpu.dma_semaphore, #tpu.memory_space<semaphore_mem>>) src(%dma_wait3A_258 : memref<80x128xi32, #tpu.memory_space<hbm>>) dst(%arg7 : memref<80x128xi32, #tpu.memory_space<vmem>>)
      tpu.yield
    }) : () -> ()
    %barrier3A = arith.constant 0 : index
    tpu.barrier barrier_id(%barrier3A)
    %dma_start3A = arith.constant 0 : i32
    %dma_start3A_29 = arith.constant 0 : i32
    %dma_start3A_30 = arith.constant 0 : i32
    %dma_start3A_31 = arith.constant 0 : i32
    %dma_start3A_32 = arith.constant 0 : i32
    %dma_start3A_33 = tpu.memref_slice %arg8[%dma_start3A_29, %dma_start3A_30, %dma_start3A_31, %dma_start3A_32] : memref<8x2x128x16xf32, #tpu.memory_space<vmem>> -> memref<1x1x128x16xf32, #tpu.memory_space<vmem>>
    %dma_start3A_34 = tpu.memref_squeeze %dma_start3A_33 : memref<1x1x128x16xf32, #tpu.memory_space<vmem>> -> memref<128x16xf32, #tpu.memory_space<vmem>>
    %dma_start3A_35 = arith.constant 0 : i32
    %dma_start3A_36 = tpu.memref_slice %arg6[%dma_start3A, %dma_start3A_35] : memref<80x128xi32, #tpu.memory_space<vmem>> -> memref<1x128xi32, #tpu.memory_space<vmem>>
    %dma_start3A_37 = tpu.memref_squeeze %dma_start3A_36 : memref<1x128xi32, #tpu.memory_space<vmem>> -> memref<128xi32, #tpu.memory_space<vmem>>
    %dma_start3A_38 = arith.constant 0 : i32
    %dma_start3A_39 = arith.constant 0 : i32
    %dma_start3A_40 = tpu.memref_slice %arg2[%dma_start3A_38, %dma_start3A_39] : memref<10240x16xf32, #tpu.memory_space<hbm>> -> memref<10240x16xf32, #tpu.memory_space<hbm>>
    tpu.enqueue_indirect_dma source(%dma_start3A_40 : memref<10240x16xf32, #tpu.memory_space<hbm>>) target(%dma_start3A_34 : memref<128x16xf32, #tpu.memory_space<vmem>>) offsets(%dma_start3A_37 : memref<128xi32, #tpu.memory_space<vmem>>) semaphore(%arg9 : memref<!tpu.dma_semaphore, #tpu.memory_space<semaphore_mem>>)
    %dma_start3A_41 = arith.constant 1 : i32
    %dma_start3A_42 = arith.constant 0 : i32
    %dma_start3A_43 = arith.constant 1 : i32
    %dma_start3A_44 = arith.constant 0 : i32
    %dma_start3A_45 = arith.constant 0 : i32
    %dma_start3A_46 = tpu.memref_slice %arg8[%dma_start3A_42, %dma_start3A_43, %dma_start3A_44, %dma_start3A_45] : memref<8x2x128x16xf32, #tpu.memory_space<vmem>> -> memref<1x1x128x16xf32, #tpu.memory_space<vmem>>
    %dma_start3A_47 = tpu.memref_squeeze %dma_start3A_46 : memref<1x1x128x16xf32, #tpu.memory_space<vmem>> -> memref<128x16xf32, #tpu.memory_space<vmem>>
    %dma_start3A_48 = arith.constant 0 : i32
    %dma_start3A_49 = tpu.memref_slice %arg6[%dma_start3A_41, %dma_start3A_48] : memref<80x128xi32, #tpu.memory_space<vmem>> -> memref<1x128xi32, #tpu.memory_space<vmem>>
    %dma_start3A_50 = tpu.memref_squeeze %dma_start3A_49 : memref<1x128xi32, #tpu.memory_space<vmem>> -> memref<128xi32, #tpu.memory_space<vmem>>
    %dma_start3A_51 = arith.constant 0 : i32
    %dma_start3A_52 = arith.constant 0 : i32
    %dma_start3A_53 = tpu.memref_slice %arg2[%dma_start3A_51, %dma_start3A_52] : memref<10240x16xf32, #tpu.memory_space<hbm>> -> memref<10240x16xf32, #tpu.memory_space<hbm>>
    tpu.enqueue_indirect_dma source(%dma_start3A_53 : memref<10240x16xf32, #tpu.memory_space<hbm>>) target(%dma_start3A_47 : memref<128x16xf32, #tpu.memory_space<vmem>>) offsets(%dma_start3A_50 : memref<128xi32, #tpu.memory_space<vmem>>) semaphore(%arg9 : memref<!tpu.dma_semaphore, #tpu.memory_space<semaphore_mem>>)
    %dma_start3A_54 = arith.constant 2 : i32
    %dma_start3A_55 = arith.constant 1 : i32
    %dma_start3A_56 = arith.constant 0 : i32
    %dma_start3A_57 = arith.constant 0 : i32
    %dma_start3A_58 = arith.constant 0 : i32
    %dma_start3A_59 = tpu.memref_slice %arg8[%dma_start3A_55, %dma_start3A_56, %dma_start3A_57, %dma_start3A_58] : memref<8x2x128x16xf32, #tpu.memory_space<vmem>> -> memref<1x1x128x16xf32, #tpu.memory_space<vmem>>
    %dma_start3A_60 = tpu.memref_squeeze %dma_start3A_59 : memref<1x1x128x16xf32, #tpu.memory_space<vmem>> -> memref<128x16xf32, #tpu.memory_space<vmem>>
    %dma_start3A_61 = arith.constant 0 : i32
    %dma_start3A_62 = tpu.memref_slice %arg6[%dma_start3A_54, %dma_start3A_61] : memref<80x128xi32, #tpu.memory_space<vmem>> -> memref<1x128xi32, #tpu.memory_space<vmem>>
    %dma_start3A_63 = tpu.memref_squeeze %dma_start3A_62 : memref<1x128xi32, #tpu.memory_space<vmem>> -> memref<128xi32, #tpu.memory_space<vmem>>
    %dma_start3A_64 = arith.constant 0 : i32
    %dma_start3A_65 = arith.constant 0 : i32
    %dma_start3A_66 = tpu.memref_slice %arg2[%dma_start3A_64, %dma_start3A_65] : memref<10240x16xf32, #tpu.memory_space<hbm>> -> memref<10240x16xf32, #tpu.memory_space<hbm>>
    tpu.enqueue_indirect_dma source(%dma_start3A_66 : memref<10240x16xf32, #tpu.memory_space<hbm>>) target(%dma_start3A_60 : memref<128x16xf32, #tpu.memory_space<vmem>>) offsets(%dma_start3A_63 : memref<128xi32, #tpu.memory_space<vmem>>) semaphore(%arg10 : memref<!tpu.dma_semaphore, #tpu.memory_space<semaphore_mem>>)
    %dma_start3A_67 = arith.constant 3 : i32
    %dma_start3A_68 = arith.constant 1 : i32
    %dma_start3A_69 = arith.constant 1 : i32
    %dma_start3A_70 = arith.constant 0 : i32
    %dma_start3A_71 = arith.constant 0 : i32
    %dma_start3A_72 = tpu.memref_slice %arg8[%dma_start3A_68, %dma_start3A_69, %dma_start3A_70, %dma_start3A_71] : memref<8x2x128x16xf32, #tpu.memory_space<vmem>> -> memref<1x1x128x16xf32, #tpu.memory_space<vmem>>
    %dma_start3A_73 = tpu.memref_squeeze %dma_start3A_72 : memref<1x1x128x16xf32, #tpu.memory_space<vmem>> -> memref<128x16xf32, #tpu.memory_space<vmem>>
    %dma_start3A_74 = arith.constant 0 : i32
    %dma_start3A_75 = tpu.memref_slice %arg6[%dma_start3A_67, %dma_start3A_74] : memref<80x128xi32, #tpu.memory_space<vmem>> -> memref<1x128xi32, #tpu.memory_space<vmem>>
    %dma_start3A_76 = tpu.memref_squeeze %dma_start3A_75 : memref<1x128xi32, #tpu.memory_space<vmem>> -> memref<128xi32, #tpu.memory_space<vmem>>
    %dma_start3A_77 = arith.constant 0 : i32
    %dma_start3A_78 = arith.constant 0 : i32
    %dma_start3A_79 = tpu.memref_slice %arg2[%dma_start3A_77, %dma_start3A_78] : memref<10240x16xf32, #tpu.memory_space<hbm>> -> memref<10240x16xf32, #tpu.memory_space<hbm>>
    tpu.enqueue_indirect_dma source(%dma_start3A_79 : memref<10240x16xf32, #tpu.memory_space<hbm>>) target(%dma_start3A_73 : memref<128x16xf32, #tpu.memory_space<vmem>>) offsets(%dma_start3A_76 : memref<128xi32, #tpu.memory_space<vmem>>) semaphore(%arg10 : memref<!tpu.dma_semaphore, #tpu.memory_space<semaphore_mem>>)
    %dma_start3A_80 = arith.constant 4 : i32
    %dma_start3A_81 = arith.constant 2 : i32
    %dma_start3A_82 = arith.constant 0 : i32
    %dma_start3A_83 = arith.constant 0 : i32
    %dma_start3A_84 = arith.constant 0 : i32
    %dma_start3A_85 = tpu.memref_slice %arg8[%dma_start3A_81, %dma_start3A_82, %dma_start3A_83, %dma_start3A_84] : memref<8x2x128x16xf32, #tpu.memory_space<vmem>> -> memref<1x1x128x16xf32, #tpu.memory_space<vmem>>
    %dma_start3A_86 = tpu.memref_squeeze %dma_start3A_85 : memref<1x1x128x16xf32, #tpu.memory_space<vmem>> -> memref<128x16xf32, #tpu.memory_space<vmem>>
    %dma_start3A_87 = arith.constant 0 : i32
    %dma_start3A_88 = tpu.memref_slice %arg6[%dma_start3A_80, %dma_start3A_87] : memref<80x128xi32, #tpu.memory_space<vmem>> -> memref<1x128xi32, #tpu.memory_space<vmem>>
    %dma_start3A_89 = tpu.memref_squeeze %dma_start3A_88 : memref<1x128xi32, #tpu.memory_space<vmem>> -> memref<128xi32, #tpu.memory_space<vmem>>
    %dma_start3A_90 = arith.constant 0 : i32
    %dma_start3A_91 = arith.constant 0 : i32
    %dma_start3A_92 = tpu.memref_slice %arg2[%dma_start3A_90, %dma_start3A_91] : memref<10240x16xf32, #tpu.memory_space<hbm>> -> memref<10240x16xf32, #tpu.memory_space<hbm>>
    tpu.enqueue_indirect_dma source(%dma_start3A_92 : memref<10240x16xf32, #tpu.memory_space<hbm>>) target(%dma_start3A_86 : memref<128x16xf32, #tpu.memory_space<vmem>>) offsets(%dma_start3A_89 : memref<128xi32, #tpu.memory_space<vmem>>) semaphore(%arg11 : memref<!tpu.dma_semaphore, #tpu.memory_space<semaphore_mem>>)
    %dma_start3A_93 = arith.constant 5 : i32
    %dma_start3A_94 = arith.constant 2 : i32
    %dma_start3A_95 = arith.constant 1 : i32
    %dma_start3A_96 = arith.constant 0 : i32
    %dma_start3A_97 = arith.constant 0 : i32
    %dma_start3A_98 = tpu.memref_slice %arg8[%dma_start3A_94, %dma_start3A_95, %dma_start3A_96, %dma_start3A_97] : memref<8x2x128x16xf32, #tpu.memory_space<vmem>> -> memref<1x1x128x16xf32, #tpu.memory_space<vmem>>
    %dma_start3A_99 = tpu.memref_squeeze %dma_start3A_98 : memref<1x1x128x16xf32, #tpu.memory_space<vmem>> -> memref<128x16xf32, #tpu.memory_space<vmem>>
    %dma_start3A_100 = arith.constant 0 : i32
    %dma_start3A_101 = tpu.memref_slice %arg6[%dma_start3A_93, %dma_start3A_100] : memref<80x128xi32, #tpu.memory_space<vmem>> -> memref<1x128xi32, #tpu.memory_space<vmem>>
    %dma_start3A_102 = tpu.memref_squeeze %dma_start3A_101 : memref<1x128xi32, #tpu.memory_space<vmem>> -> memref<128xi32, #tpu.memory_space<vmem>>
    %dma_start3A_103 = arith.constant 0 : i32
    %dma_start3A_104 = arith.constant 0 : i32
    %dma_start3A_105 = tpu.memref_slice %arg2[%dma_start3A_103, %dma_start3A_104] : memref<10240x16xf32, #tpu.memory_space<hbm>> -> memref<10240x16xf32, #tpu.memory_space<hbm>>
    tpu.enqueue_indirect_dma source(%dma_start3A_105 : memref<10240x16xf32, #tpu.memory_space<hbm>>) target(%dma_start3A_99 : memref<128x16xf32, #tpu.memory_space<vmem>>) offsets(%dma_start3A_102 : memref<128xi32, #tpu.memory_space<vmem>>) semaphore(%arg11 : memref<!tpu.dma_semaphore, #tpu.memory_space<semaphore_mem>>)
    %dma_start3A_106 = arith.constant 6 : i32
    %dma_start3A_107 = arith.constant 3 : i32
    %dma_start3A_108 = arith.constant 0 : i32
    %dma_start3A_109 = arith.constant 0 : i32
    %dma_start3A_110 = arith.constant 0 : i32
    %dma_start3A_111 = tpu.memref_slice %arg8[%dma_start3A_107, %dma_start3A_108, %dma_start3A_109, %dma_start3A_110] : memref<8x2x128x16xf32, #tpu.memory_space<vmem>> -> memref<1x1x128x16xf32, #tpu.memory_space<vmem>>
    %dma_start3A_112 = tpu.memref_squeeze %dma_start3A_111 : memref<1x1x128x16xf32, #tpu.memory_space<vmem>> -> memref<128x16xf32, #tpu.memory_space<vmem>>
    %dma_start3A_113 = arith.constant 0 : i32
    %dma_start3A_114 = tpu.memref_slice %arg6[%dma_start3A_106, %dma_start3A_113] : memref<80x128xi32, #tpu.memory_space<vmem>> -> memref<1x128xi32, #tpu.memory_space<vmem>>
    %dma_start3A_115 = tpu.memref_squeeze %dma_start3A_114 : memref<1x128xi32, #tpu.memory_space<vmem>> -> memref<128xi32, #tpu.memory_space<vmem>>
    %dma_start3A_116 = arith.constant 0 : i32
    %dma_start3A_117 = arith.constant 0 : i32
    %dma_start3A_118 = tpu.memref_slice %arg2[%dma_start3A_116, %dma_start3A_117] : memref<10240x16xf32, #tpu.memory_space<hbm>> -> memref<10240x16xf32, #tpu.memory_space<hbm>>
    tpu.enqueue_indirect_dma source(%dma_start3A_118 : memref<10240x16xf32, #tpu.memory_space<hbm>>) target(%dma_start3A_112 : memref<128x16xf32, #tpu.memory_space<vmem>>) offsets(%dma_start3A_115 : memref<128xi32, #tpu.memory_space<vmem>>) semaphore(%arg12 : memref<!tpu.dma_semaphore, #tpu.memory_space<semaphore_mem>>)
    %dma_start3A_119 = arith.constant 7 : i32
    %dma_start3A_120 = arith.constant 3 : i32
    %dma_start3A_121 = arith.constant 1 : i32
    %dma_start3A_122 = arith.constant 0 : i32
    %dma_start3A_123 = arith.constant 0 : i32
    %dma_start3A_124 = tpu.memref_slice %arg8[%dma_start3A_120, %dma_start3A_121, %dma_start3A_122, %dma_start3A_123] : memref<8x2x128x16xf32, #tpu.memory_space<vmem>> -> memref<1x1x128x16xf32, #tpu.memory_space<vmem>>
    %dma_start3A_125 = tpu.memref_squeeze %dma_start3A_124 : memref<1x1x128x16xf32, #tpu.memory_space<vmem>> -> memref<128x16xf32, #tpu.memory_space<vmem>>
    %dma_start3A_126 = arith.constant 0 : i32
    %dma_start3A_127 = tpu.memref_slice %arg6[%dma_start3A_119, %dma_start3A_126] : memref<80x128xi32, #tpu.memory_space<vmem>> -> memref<1x128xi32, #tpu.memory_space<vmem>>
    %dma_start3A_128 = tpu.memref_squeeze %dma_start3A_127 : memref<1x128xi32, #tpu.memory_space<vmem>> -> memref<128xi32, #tpu.memory_space<vmem>>
    %dma_start3A_129 = arith.constant 0 : i32
    %dma_start3A_130 = arith.constant 0 : i32
    %dma_start3A_131 = tpu.memref_slice %arg2[%dma_start3A_129, %dma_start3A_130] : memref<10240x16xf32, #tpu.memory_space<hbm>> -> memref<10240x16xf32, #tpu.memory_space<hbm>>
    tpu.enqueue_indirect_dma source(%dma_start3A_131 : memref<10240x16xf32, #tpu.memory_space<hbm>>) target(%dma_start3A_125 : memref<128x16xf32, #tpu.memory_space<vmem>>) offsets(%dma_start3A_128 : memref<128xi32, #tpu.memory_space<vmem>>) semaphore(%arg12 : memref<!tpu.dma_semaphore, #tpu.memory_space<semaphore_mem>>)
    %scan3A_132 = arith.constant 0 : i32
    %scan3A_133 = arith.constant 0 : i32
    %scan3A_134 = arith.constant 5 : i32
    %scan3A_135 = arith.addi %scan3A_133, %scan3A_134 : i32
    %scan3A_136 = arith.constant 1 : i32
    scf.for %scan3A_242 = %scan3A_133 to %scan3A_135 step %scan3A_136  : i32 {
      %mul3A_243 = arith.constant 8 : i32
      %mul3A_244 = arith.muli %mul3A_243, %scan3A_242 : i32
      %add3A_245 = arith.constant 0 : i32
      %add3A_246 = arith.addi %mul3A_244, %add3A_245 : i32
      %mul3A_247 = arith.constant 2 : i32
      %mul3A_248 = arith.muli %add3A_246, %mul3A_247 : i32
      %add3A_249 = arith.constant 0 : i32
      %add3A_250 = arith.addi %mul3A_248, %add3A_249 : i32
      %dma_wait3A_251 = arith.constant 0 : i32
      %dma_wait3A_252 = arith.constant 0 : i32
      %dma_wait3A_253 = arith.constant 0 : i32
      %dma_wait3A_254 = arith.constant 0 : i32
      %dma_wait3A_255 = tpu.memref_slice %arg8[%dma_wait3A_251, %dma_wait3A_252, %dma_wait3A_253, %dma_wait3A_254] : memref<8x2x128x16xf32, #tpu.memory_space<vmem>> -> memref<1x1x128x16xf32, #tpu.memory_space<vmem>>
      %dma_wait3A_256 = tpu.memref_squeeze %dma_wait3A_255 : memref<1x1x128x16xf32, #tpu.memory_space<vmem>> -> memref<128x16xf32, #tpu.memory_space<vmem>>
      %dma_wait3A_257 = arith.constant 0 : i32
      %dma_wait3A_258 = tpu.memref_slice %arg6[%add3A_250, %dma_wait3A_257] : memref<80x128xi32, #tpu.memory_space<vmem>> -> memref<1x128xi32, #tpu.memory_space<vmem>>
      %dma_wait3A_259 = tpu.memref_squeeze %dma_wait3A_258 : memref<1x128xi32, #tpu.memory_space<vmem>> -> memref<128xi32, #tpu.memory_space<vmem>>
      %dma_wait3A_260 = arith.constant 0 : i32
      %dma_wait3A_261 = arith.constant 0 : i32
      %dma_wait3A_262 = tpu.memref_slice %arg2[%dma_wait3A_260, %dma_wait3A_261] : memref<10240x16xf32, #tpu.memory_space<hbm>> -> memref<10240x16xf32, #tpu.memory_space<hbm>>
      tpu.wait_indirect_dma semaphore(%arg9 : memref<!tpu.dma_semaphore, #tpu.memory_space<semaphore_mem>>) src(%dma_wait3A_262 : memref<10240x16xf32, #tpu.memory_space<hbm>>) dst(%dma_wait3A_256 : memref<128x16xf32, #tpu.memory_space<vmem>>)
      %mul3A_263 = arith.constant 2 : i32
      %mul3A_264 = arith.muli %add3A_246, %mul3A_263 : i32
      %add3A_265 = arith.constant 1 : i32
      %add3A_266 = arith.addi %mul3A_264, %add3A_265 : i32
      %dma_wait3A_267 = arith.constant 0 : i32
      %dma_wait3A_268 = arith.constant 1 : i32
      %dma_wait3A_269 = arith.constant 0 : i32
      %dma_wait3A_270 = arith.constant 0 : i32
      %dma_wait3A_271 = tpu.memref_slice %arg8[%dma_wait3A_267, %dma_wait3A_268, %dma_wait3A_269, %dma_wait3A_270] : memref<8x2x128x16xf32, #tpu.memory_space<vmem>> -> memref<1x1x128x16xf32, #tpu.memory_space<vmem>>
      %dma_wait3A_272 = tpu.memref_squeeze %dma_wait3A_271 : memref<1x1x128x16xf32, #tpu.memory_space<vmem>> -> memref<128x16xf32, #tpu.memory_space<vmem>>
      %dma_wait3A_273 = arith.constant 0 : i32
      %dma_wait3A_274 = tpu.memref_slice %arg6[%add3A_266, %dma_wait3A_273] : memref<80x128xi32, #tpu.memory_space<vmem>> -> memref<1x128xi32, #tpu.memory_space<vmem>>
      %dma_wait3A_275 = tpu.memref_squeeze %dma_wait3A_274 : memref<1x128xi32, #tpu.memory_space<vmem>> -> memref<128xi32, #tpu.memory_space<vmem>>
      %dma_wait3A_276 = arith.constant 0 : i32
      %dma_wait3A_277 = arith.constant 0 : i32
      %dma_wait3A_278 = tpu.memref_slice %arg2[%dma_wait3A_276, %dma_wait3A_277] : memref<10240x16xf32, #tpu.memory_space<hbm>> -> memref<10240x16xf32, #tpu.memory_space<hbm>>
      tpu.wait_indirect_dma semaphore(%arg9 : memref<!tpu.dma_semaphore, #tpu.memory_space<semaphore_mem>>) src(%dma_wait3A_278 : memref<10240x16xf32, #tpu.memory_space<hbm>>) dst(%dma_wait3A_272 : memref<128x16xf32, #tpu.memory_space<vmem>>)
      %mul3A_279 = arith.constant 2 : i32
      %mul3A_280 = arith.muli %add3A_246, %mul3A_279 : i32
      %add3A_281 = arith.constant 0 : i32
      %add3A_282 = arith.addi %mul3A_280, %add3A_281 : i32
      %dma_start3A_283 = arith.constant 0 : i32
      %dma_start3A_284 = arith.constant 0 : i32
      %dma_start3A_285 = arith.constant 0 : i32
      %dma_start3A_286 = arith.constant 0 : i32
      %dma_start3A_287 = tpu.memref_slice %arg8[%dma_start3A_283, %dma_start3A_284, %dma_start3A_285, %dma_start3A_286] : memref<8x2x128x16xf32, #tpu.memory_space<vmem>> -> memref<1x1x128x16xf32, #tpu.memory_space<vmem>>
      %dma_start3A_288 = tpu.memref_squeeze %dma_start3A_287 : memref<1x1x128x16xf32, #tpu.memory_space<vmem>> -> memref<128x16xf32, #tpu.memory_space<vmem>>
      %dma_start3A_289 = arith.constant 0 : i32
      %dma_start3A_290 = tpu.memref_slice %arg7[%add3A_282, %dma_start3A_289] : memref<80x128xi32, #tpu.memory_space<vmem>> -> memref<1x128xi32, #tpu.memory_space<vmem>>
      %dma_start3A_291 = tpu.memref_squeeze %dma_start3A_290 : memref<1x128xi32, #tpu.memory_space<vmem>> -> memref<128xi32, #tpu.memory_space<vmem>>
      %dma_start3A_292 = arith.constant 0 : i32
      %dma_start3A_293 = arith.constant 0 : i32
      %dma_start3A_294 = tpu.memref_slice %arg5[%dma_start3A_292, %dma_start3A_293] : memref<10240x16xf32, #tpu.memory_space<vmem_shared>> -> memref<10240x16xf32, #tpu.memory_space<vmem_shared>>
      tpu.enqueue_indirect_dma source(%dma_start3A_288 : memref<128x16xf32, #tpu.memory_space<vmem>>) target(%dma_start3A_294 : memref<10240x16xf32, #tpu.memory_space<vmem_shared>>) offsets(%dma_start3A_291 : memref<128xi32, #tpu.memory_space<vmem>>) semaphore(%arg17 : memref<!tpu.dma_semaphore, #tpu.memory_space<semaphore_mem>>) {add = true}
      %mul3A_295 = arith.constant 2 : i32
      %mul3A_296 = arith.muli %add3A_246, %mul3A_295 : i32
      %add3A_297 = arith.constant 1 : i32
      %add3A_298 = arith.addi %mul3A_296, %add3A_297 : i32
      %dma_start3A_299 = arith.constant 0 : i32
      %dma_start3A_300 = arith.constant 1 : i32
      %dma_start3A_301 = arith.constant 0 : i32
      %dma_start3A_302 = arith.constant 0 : i32
      %dma_start3A_303 = tpu.memref_slice %arg8[%dma_start3A_299, %dma_start3A_300, %dma_start3A_301, %dma_start3A_302] : memref<8x2x128x16xf32, #tpu.memory_space<vmem>> -> memref<1x1x128x16xf32, #tpu.memory_space<vmem>>
      %dma_start3A_304 = tpu.memref_squeeze %dma_start3A_303 : memref<1x1x128x16xf32, #tpu.memory_space<vmem>> -> memref<128x16xf32, #tpu.memory_space<vmem>>
      %dma_start3A_305 = arith.constant 0 : i32
      %dma_start3A_306 = tpu.memref_slice %arg7[%add3A_298, %dma_start3A_305] : memref<80x128xi32, #tpu.memory_space<vmem>> -> memref<1x128xi32, #tpu.memory_space<vmem>>
      %dma_start3A_307 = tpu.memref_squeeze %dma_start3A_306 : memref<1x128xi32, #tpu.memory_space<vmem>> -> memref<128xi32, #tpu.memory_space<vmem>>
      %dma_start3A_308 = arith.constant 0 : i32
      %dma_start3A_309 = arith.constant 0 : i32
      %dma_start3A_310 = tpu.memref_slice %arg5[%dma_start3A_308, %dma_start3A_309] : memref<10240x16xf32, #tpu.memory_space<vmem_shared>> -> memref<10240x16xf32, #tpu.memory_space<vmem_shared>>
      tpu.enqueue_indirect_dma source(%dma_start3A_304 : memref<128x16xf32, #tpu.memory_space<vmem>>) target(%dma_start3A_310 : memref<10240x16xf32, #tpu.memory_space<vmem_shared>>) offsets(%dma_start3A_307 : memref<128xi32, #tpu.memory_space<vmem>>) semaphore(%arg17 : memref<!tpu.dma_semaphore, #tpu.memory_space<semaphore_mem>>) {add = true}
      %ge3A = arith.constant 4 : i32
      %ge3A_311 = arith.cmpi sge, %add3A_246, %ge3A : i32
      %convert_element_type3A = arith.extui %ge3A_311 : i1 to i32
      %cond3A = arith.constant 0 : i32
      %cond3A_312 = arith.cmpi ne, %convert_element_type3A, %cond3A : i32
      scf.if %cond3A_312 {
        %sub3A = arith.constant 4 : i32
        %sub3A_865 = arith.subi %add3A_246, %sub3A : i32
        %mul3A_866 = arith.constant 2 : i32
        %mul3A_867 = arith.muli %sub3A_865, %mul3A_866 : i32
        %add3A_868 = arith.constant 0 : i32
        %add3A_869 = arith.addi %mul3A_867, %add3A_868 : i32
        %dma_wait3A_870 = arith.constant 4 : i32
        %dma_wait3A_871 = arith.constant 0 : i32
        %dma_wait3A_872 = arith.constant 0 : i32
        %dma_wait3A_873 = arith.constant 0 : i32
        %dma_wait3A_874 = tpu.memref_slice %arg8[%dma_wait3A_870, %dma_wait3A_871, %dma_wait3A_872, %dma_wait3A_873] : memref<8x2x128x16xf32, #tpu.memory_space<vmem>> -> memref<1x1x128x16xf32, #tpu.memory_space<vmem>>
        %dma_wait3A_875 = tpu.memref_squeeze %dma_wait3A_874 : memref<1x1x128x16xf32, #tpu.memory_space<vmem>> -> memref<128x16xf32, #tpu.memory_space<vmem>>
        %dma_wait3A_876 = arith.constant 0 : i32
        %dma_wait3A_877 = tpu.memref_slice %arg7[%add3A_869, %dma_wait3A_876] : memref<80x128xi32, #tpu.memory_space<vmem>> -> memref<1x128xi32, #tpu.memory_space<vmem>>
        %dma_wait3A_878 = tpu.memref_squeeze %dma_wait3A_877 : memref<1x128xi32, #tpu.memory_space<vmem>> -> memref<128xi32, #tpu.memory_space<vmem>>
        %dma_wait3A_879 = arith.constant 0 : i32
        %dma_wait3A_880 = arith.constant 0 : i32
        %dma_wait3A_881 = tpu.memref_slice %arg5[%dma_wait3A_879, %dma_wait3A_880] : memref<10240x16xf32, #tpu.memory_space<vmem_shared>> -> memref<10240x16xf32, #tpu.memory_space<vmem_shared>>
        tpu.wait_indirect_dma semaphore(%arg21 : memref<!tpu.dma_semaphore, #tpu.memory_space<semaphore_mem>>) src(%dma_wait3A_875 : memref<128x16xf32, #tpu.memory_space<vmem>>) dst(%dma_wait3A_881 : memref<10240x16xf32, #tpu.memory_space<vmem_shared>>)
        %mul3A_882 = arith.constant 2 : i32
        %mul3A_883 = arith.muli %sub3A_865, %mul3A_882 : i32
        %add3A_884 = arith.constant 1 : i32
        %add3A_885 = arith.addi %mul3A_883, %add3A_884 : i32
        %dma_wait3A_886 = arith.constant 4 : i32
        %dma_wait3A_887 = arith.constant 1 : i32
        %dma_wait3A_888 = arith.constant 0 : i32
        %dma_wait3A_889 = arith.constant 0 : i32
        %dma_wait3A_890 = tpu.memref_slice %arg8[%dma_wait3A_886, %dma_wait3A_887, %dma_wait3A_888, %dma_wait3A_889] : memref<8x2x128x16xf32, #tpu.memory_space<vmem>> -> memref<1x1x128x16xf32, #tpu.memory_space<vmem>>
        %dma_wait3A_891 = tpu.memref_squeeze %dma_wait3A_890 : memref<1x1x128x16xf32, #tpu.memory_space<vmem>> -> memref<128x16xf32, #tpu.memory_space<vmem>>
        %dma_wait3A_892 = arith.constant 0 : i32
        %dma_wait3A_893 = tpu.memref_slice %arg7[%add3A_885, %dma_wait3A_892] : memref<80x128xi32, #tpu.memory_space<vmem>> -> memref<1x128xi32, #tpu.memory_space<vmem>>
        %dma_wait3A_894 = tpu.memref_squeeze %dma_wait3A_893 : memref<1x128xi32, #tpu.memory_space<vmem>> -> memref<128xi32, #tpu.memory_space<vmem>>
        %dma_wait3A_895 = arith.constant 0 : i32
        %dma_wait3A_896 = arith.constant 0 : i32
        %dma_wait3A_897 = tpu.memref_slice %arg5[%dma_wait3A_895, %dma_wait3A_896] : memref<10240x16xf32, #tpu.memory_space<vmem_shared>> -> memref<10240x16xf32, #tpu.memory_space<vmem_shared>>
        tpu.wait_indirect_dma semaphore(%arg21 : memref<!tpu.dma_semaphore, #tpu.memory_space<semaphore_mem>>) src(%dma_wait3A_891 : memref<128x16xf32, #tpu.memory_space<vmem>>) dst(%dma_wait3A_897 : memref<10240x16xf32, #tpu.memory_space<vmem_shared>>)
      } else {
      }
      %add3A_313 = arith.constant 4 : i32
      %add3A_314 = arith.addi %add3A_246, %add3A_313 : i32
      %lt3A = arith.constant 40 : i32
      %lt3A_315 = arith.cmpi slt, %add3A_314, %lt3A : i32
      %convert_element_type3A_316 = arith.extui %lt3A_315 : i1 to i32
      %cond3A_317 = arith.constant 0 : i32
      %cond3A_318 = arith.cmpi ne, %convert_element_type3A_316, %cond3A_317 : i32
      scf.if %cond3A_318 {
        %add3A_865 = arith.constant 4 : i32
        %add3A_866 = arith.addi %add3A_246, %add3A_865 : i32
        %mul3A_867 = arith.constant 2 : i32
        %mul3A_868 = arith.muli %add3A_866, %mul3A_867 : i32
        %add3A_869 = arith.constant 0 : i32
        %add3A_870 = arith.addi %mul3A_868, %add3A_869 : i32
        %dma_start3A_871 = arith.constant 4 : i32
        %dma_start3A_872 = arith.constant 0 : i32
        %dma_start3A_873 = arith.constant 0 : i32
        %dma_start3A_874 = arith.constant 0 : i32
        %dma_start3A_875 = tpu.memref_slice %arg8[%dma_start3A_871, %dma_start3A_872, %dma_start3A_873, %dma_start3A_874] : memref<8x2x128x16xf32, #tpu.memory_space<vmem>> -> memref<1x1x128x16xf32, #tpu.memory_space<vmem>>
        %dma_start3A_876 = tpu.memref_squeeze %dma_start3A_875 : memref<1x1x128x16xf32, #tpu.memory_space<vmem>> -> memref<128x16xf32, #tpu.memory_space<vmem>>
        %dma_start3A_877 = arith.constant 0 : i32
        %dma_start3A_878 = tpu.memref_slice %arg6[%add3A_870, %dma_start3A_877] : memref<80x128xi32, #tpu.memory_space<vmem>> -> memref<1x128xi32, #tpu.memory_space<vmem>>
        %dma_start3A_879 = tpu.memref_squeeze %dma_start3A_878 : memref<1x128xi32, #tpu.memory_space<vmem>> -> memref<128xi32, #tpu.memory_space<vmem>>
        %dma_start3A_880 = arith.constant 0 : i32
        %dma_start3A_881 = arith.constant 0 : i32
        %dma_start3A_882 = tpu.memref_slice %arg2[%dma_start3A_880, %dma_start3A_881] : memref<10240x16xf32, #tpu.memory_space<hbm>> -> memref<10240x16xf32, #tpu.memory_space<hbm>>
        tpu.enqueue_indirect_dma source(%dma_start3A_882 : memref<10240x16xf32, #tpu.memory_space<hbm>>) target(%dma_start3A_876 : memref<128x16xf32, #tpu.memory_space<vmem>>) offsets(%dma_start3A_879 : memref<128xi32, #tpu.memory_space<vmem>>) semaphore(%arg13 : memref<!tpu.dma_semaphore, #tpu.memory_space<semaphore_mem>>)
        %mul3A_883 = arith.constant 2 : i32
        %mul3A_884 = arith.muli %add3A_866, %mul3A_883 : i32
        %add3A_885 = arith.constant 1 : i32
        %add3A_886 = arith.addi %mul3A_884, %add3A_885 : i32
        %dma_start3A_887 = arith.constant 4 : i32
        %dma_start3A_888 = arith.constant 1 : i32
        %dma_start3A_889 = arith.constant 0 : i32
        %dma_start3A_890 = arith.constant 0 : i32
        %dma_start3A_891 = tpu.memref_slice %arg8[%dma_start3A_887, %dma_start3A_888, %dma_start3A_889, %dma_start3A_890] : memref<8x2x128x16xf32, #tpu.memory_space<vmem>> -> memref<1x1x128x16xf32, #tpu.memory_space<vmem>>
        %dma_start3A_892 = tpu.memref_squeeze %dma_start3A_891 : memref<1x1x128x16xf32, #tpu.memory_space<vmem>> -> memref<128x16xf32, #tpu.memory_space<vmem>>
        %dma_start3A_893 = arith.constant 0 : i32
        %dma_start3A_894 = tpu.memref_slice %arg6[%add3A_886, %dma_start3A_893] : memref<80x128xi32, #tpu.memory_space<vmem>> -> memref<1x128xi32, #tpu.memory_space<vmem>>
        %dma_start3A_895 = tpu.memref_squeeze %dma_start3A_894 : memref<1x128xi32, #tpu.memory_space<vmem>> -> memref<128xi32, #tpu.memory_space<vmem>>
        %dma_start3A_896 = arith.constant 0 : i32
        %dma_start3A_897 = arith.constant 0 : i32
        %dma_start3A_898 = tpu.memref_slice %arg2[%dma_start3A_896, %dma_start3A_897] : memref<10240x16xf32, #tpu.memory_space<hbm>> -> memref<10240x16xf32, #tpu.memory_space<hbm>>
        tpu.enqueue_indirect_dma source(%dma_start3A_898 : memref<10240x16xf32, #tpu.memory_space<hbm>>) target(%dma_start3A_892 : memref<128x16xf32, #tpu.memory_space<vmem>>) offsets(%dma_start3A_895 : memref<128xi32, #tpu.memory_space<vmem>>) semaphore(%arg13 : memref<!tpu.dma_semaphore, #tpu.memory_space<semaphore_mem>>)
      } else {
      }
      %add3A_319 = arith.constant 1 : i32
      %add3A_320 = arith.addi %mul3A_244, %add3A_319 : i32
      %mul3A_321 = arith.constant 2 : i32
      %mul3A_322 = arith.muli %add3A_320, %mul3A_321 : i32
      %add3A_323 = arith.constant 0 : i32
      %add3A_324 = arith.addi %mul3A_322, %add3A_323 : i32
      %dma_wait3A_325 = arith.constant 1 : i32
      %dma_wait3A_326 = arith.constant 0 : i32
      %dma_wait3A_327 = arith.constant 0 : i32
      %dma_wait3A_328 = arith.constant 0 : i32
      %dma_wait3A_329 = tpu.memref_slice %arg8[%dma_wait3A_325, %dma_wait3A_326, %dma_wait3A_327, %dma_wait3A_328] : memref<8x2x128x16xf32, #tpu.memory_space<vmem>> -> memref<1x1x128x16xf32, #tpu.memory_space<vmem>>
      %dma_wait3A_330 = tpu.memref_squeeze %dma_wait3A_329 : memref<1x1x128x16xf32, #tpu.memory_space<vmem>> -> memref<128x16xf32, #tpu.memory_space<vmem>>
      %dma_wait3A_331 = arith.constant 0 : i32
      %dma_wait3A_332 = tpu.memref_slice %arg6[%add3A_324, %dma_wait3A_331] : memref<80x128xi32, #tpu.memory_space<vmem>> -> memref<1x128xi32, #tpu.memory_space<vmem>>
      %dma_wait3A_333 = tpu.memref_squeeze %dma_wait3A_332 : memref<1x128xi32, #tpu.memory_space<vmem>> -> memref<128xi32, #tpu.memory_space<vmem>>
      %dma_wait3A_334 = arith.constant 0 : i32
      %dma_wait3A_335 = arith.constant 0 : i32
      %dma_wait3A_336 = tpu.memref_slice %arg2[%dma_wait3A_334, %dma_wait3A_335] : memref<10240x16xf32, #tpu.memory_space<hbm>> -> memref<10240x16xf32, #tpu.memory_space<hbm>>
      tpu.wait_indirect_dma semaphore(%arg10 : memref<!tpu.dma_semaphore, #tpu.memory_space<semaphore_mem>>) src(%dma_wait3A_336 : memref<10240x16xf32, #tpu.memory_space<hbm>>) dst(%dma_wait3A_330 : memref<128x16xf32, #tpu.memory_space<vmem>>)
      %mul3A_337 = arith.constant 2 : i32
      %mul3A_338 = arith.muli %add3A_320, %mul3A_337 : i32
      %add3A_339 = arith.constant 1 : i32
      %add3A_340 = arith.addi %mul3A_338, %add3A_339 : i32
      %dma_wait3A_341 = arith.constant 1 : i32
      %dma_wait3A_342 = arith.constant 1 : i32
      %dma_wait3A_343 = arith.constant 0 : i32
      %dma_wait3A_344 = arith.constant 0 : i32
      %dma_wait3A_345 = tpu.memref_slice %arg8[%dma_wait3A_341, %dma_wait3A_342, %dma_wait3A_343, %dma_wait3A_344] : memref<8x2x128x16xf32, #tpu.memory_space<vmem>> -> memref<1x1x128x16xf32, #tpu.memory_space<vmem>>
      %dma_wait3A_346 = tpu.memref_squeeze %dma_wait3A_345 : memref<1x1x128x16xf32, #tpu.memory_space<vmem>> -> memref<128x16xf32, #tpu.memory_space<vmem>>
      %dma_wait3A_347 = arith.constant 0 : i32
      %dma_wait3A_348 = tpu.memref_slice %arg6[%add3A_340, %dma_wait3A_347] : memref<80x128xi32, #tpu.memory_space<vmem>> -> memref<1x128xi32, #tpu.memory_space<vmem>>
      %dma_wait3A_349 = tpu.memref_squeeze %dma_wait3A_348 : memref<1x128xi32, #tpu.memory_space<vmem>> -> memref<128xi32, #tpu.memory_space<vmem>>
      %dma_wait3A_350 = arith.constant 0 : i32
      %dma_wait3A_351 = arith.constant 0 : i32
      %dma_wait3A_352 = tpu.memref_slice %arg2[%dma_wait3A_350, %dma_wait3A_351] : memref<10240x16xf32, #tpu.memory_space<hbm>> -> memref<10240x16xf32, #tpu.memory_space<hbm>>
      tpu.wait_indirect_dma semaphore(%arg10 : memref<!tpu.dma_semaphore, #tpu.memory_space<semaphore_mem>>) src(%dma_wait3A_352 : memref<10240x16xf32, #tpu.memory_space<hbm>>) dst(%dma_wait3A_346 : memref<128x16xf32, #tpu.memory_space<vmem>>)
      %mul3A_353 = arith.constant 2 : i32
      %mul3A_354 = arith.muli %add3A_320, %mul3A_353 : i32
      %add3A_355 = arith.constant 0 : i32
      %add3A_356 = arith.addi %mul3A_354, %add3A_355 : i32
      %dma_start3A_357 = arith.constant 1 : i32
      %dma_start3A_358 = arith.constant 0 : i32
      %dma_start3A_359 = arith.constant 0 : i32
      %dma_start3A_360 = arith.constant 0 : i32
      %dma_start3A_361 = tpu.memref_slice %arg8[%dma_start3A_357, %dma_start3A_358, %dma_start3A_359, %dma_start3A_360] : memref<8x2x128x16xf32, #tpu.memory_space<vmem>> -> memref<1x1x128x16xf32, #tpu.memory_space<vmem>>
      %dma_start3A_362 = tpu.memref_squeeze %dma_start3A_361 : memref<1x1x128x16xf32, #tpu.memory_space<vmem>> -> memref<128x16xf32, #tpu.memory_space<vmem>>
      %dma_start3A_363 = arith.constant 0 : i32
      %dma_start3A_364 = tpu.memref_slice %arg7[%add3A_356, %dma_start3A_363] : memref<80x128xi32, #tpu.memory_space<vmem>> -> memref<1x128xi32, #tpu.memory_space<vmem>>
      %dma_start3A_365 = tpu.memref_squeeze %dma_start3A_364 : memref<1x128xi32, #tpu.memory_space<vmem>> -> memref<128xi32, #tpu.memory_space<vmem>>
      %dma_start3A_366 = arith.constant 0 : i32
      %dma_start3A_367 = arith.constant 0 : i32
      %dma_start3A_368 = tpu.memref_slice %arg5[%dma_start3A_366, %dma_start3A_367] : memref<10240x16xf32, #tpu.memory_space<vmem_shared>> -> memref<10240x16xf32, #tpu.memory_space<vmem_shared>>
      tpu.enqueue_indirect_dma source(%dma_start3A_362 : memref<128x16xf32, #tpu.memory_space<vmem>>) target(%dma_start3A_368 : memref<10240x16xf32, #tpu.memory_space<vmem_shared>>) offsets(%dma_start3A_365 : memref<128xi32, #tpu.memory_space<vmem>>) semaphore(%arg18 : memref<!tpu.dma_semaphore, #tpu.memory_space<semaphore_mem>>) {add = true}
      %mul3A_369 = arith.constant 2 : i32
      %mul3A_370 = arith.muli %add3A_320, %mul3A_369 : i32
      %add3A_371 = arith.constant 1 : i32
      %add3A_372 = arith.addi %mul3A_370, %add3A_371 : i32
      %dma_start3A_373 = arith.constant 1 : i32
      %dma_start3A_374 = arith.constant 1 : i32
      %dma_start3A_375 = arith.constant 0 : i32
      %dma_start3A_376 = arith.constant 0 : i32
      %dma_start3A_377 = tpu.memref_slice %arg8[%dma_start3A_373, %dma_start3A_374, %dma_start3A_375, %dma_start3A_376] : memref<8x2x128x16xf32, #tpu.memory_space<vmem>> -> memref<1x1x128x16xf32, #tpu.memory_space<vmem>>
      %dma_start3A_378 = tpu.memref_squeeze %dma_start3A_377 : memref<1x1x128x16xf32, #tpu.memory_space<vmem>> -> memref<128x16xf32, #tpu.memory_space<vmem>>
      %dma_start3A_379 = arith.constant 0 : i32
      %dma_start3A_380 = tpu.memref_slice %arg7[%add3A_372, %dma_start3A_379] : memref<80x128xi32, #tpu.memory_space<vmem>> -> memref<1x128xi32, #tpu.memory_space<vmem>>
      %dma_start3A_381 = tpu.memref_squeeze %dma_start3A_380 : memref<1x128xi32, #tpu.memory_space<vmem>> -> memref<128xi32, #tpu.memory_space<vmem>>
      %dma_start3A_382 = arith.constant 0 : i32
      %dma_start3A_383 = arith.constant 0 : i32
      %dma_start3A_384 = tpu.memref_slice %arg5[%dma_start3A_382, %dma_start3A_383] : memref<10240x16xf32, #tpu.memory_space<vmem_shared>> -> memref<10240x16xf32, #tpu.memory_space<vmem_shared>>
      tpu.enqueue_indirect_dma source(%dma_start3A_378 : memref<128x16xf32, #tpu.memory_space<vmem>>) target(%dma_start3A_384 : memref<10240x16xf32, #tpu.memory_space<vmem_shared>>) offsets(%dma_start3A_381 : memref<128xi32, #tpu.memory_space<vmem>>) semaphore(%arg18 : memref<!tpu.dma_semaphore, #tpu.memory_space<semaphore_mem>>) {add = true}
      %ge3A_385 = arith.constant 4 : i32
      %ge3A_386 = arith.cmpi sge, %add3A_320, %ge3A_385 : i32
      %convert_element_type3A_387 = arith.extui %ge3A_386 : i1 to i32
      %cond3A_388 = arith.constant 0 : i32
      %cond3A_389 = arith.cmpi ne, %convert_element_type3A_387, %cond3A_388 : i32
      scf.if %cond3A_389 {
        %sub3A = arith.constant 4 : i32
        %sub3A_865 = arith.subi %add3A_320, %sub3A : i32
        %mul3A_866 = arith.constant 2 : i32
        %mul3A_867 = arith.muli %sub3A_865, %mul3A_866 : i32
        %add3A_868 = arith.constant 0 : i32
        %add3A_869 = arith.addi %mul3A_867, %add3A_868 : i32
        %dma_wait3A_870 = arith.constant 5 : i32
        %dma_wait3A_871 = arith.constant 0 : i32
        %dma_wait3A_872 = arith.constant 0 : i32
        %dma_wait3A_873 = arith.constant 0 : i32
        %dma_wait3A_874 = tpu.memref_slice %arg8[%dma_wait3A_870, %dma_wait3A_871, %dma_wait3A_872, %dma_wait3A_873] : memref<8x2x128x16xf32, #tpu.memory_space<vmem>> -> memref<1x1x128x16xf32, #tpu.memory_space<vmem>>
        %dma_wait3A_875 = tpu.memref_squeeze %dma_wait3A_874 : memref<1x1x128x16xf32, #tpu.memory_space<vmem>> -> memref<128x16xf32, #tpu.memory_space<vmem>>
        %dma_wait3A_876 = arith.constant 0 : i32
        %dma_wait3A_877 = tpu.memref_slice %arg7[%add3A_869, %dma_wait3A_876] : memref<80x128xi32, #tpu.memory_space<vmem>> -> memref<1x128xi32, #tpu.memory_space<vmem>>
        %dma_wait3A_878 = tpu.memref_squeeze %dma_wait3A_877 : memref<1x128xi32, #tpu.memory_space<vmem>> -> memref<128xi32, #tpu.memory_space<vmem>>
        %dma_wait3A_879 = arith.constant 0 : i32
        %dma_wait3A_880 = arith.constant 0 : i32
        %dma_wait3A_881 = tpu.memref_slice %arg5[%dma_wait3A_879, %dma_wait3A_880] : memref<10240x16xf32, #tpu.memory_space<vmem_shared>> -> memref<10240x16xf32, #tpu.memory_space<vmem_shared>>
        tpu.wait_indirect_dma semaphore(%arg22 : memref<!tpu.dma_semaphore, #tpu.memory_space<semaphore_mem>>) src(%dma_wait3A_875 : memref<128x16xf32, #tpu.memory_space<vmem>>) dst(%dma_wait3A_881 : memref<10240x16xf32, #tpu.memory_space<vmem_shared>>)
        %mul3A_882 = arith.constant 2 : i32
        %mul3A_883 = arith.muli %sub3A_865, %mul3A_882 : i32
        %add3A_884 = arith.constant 1 : i32
        %add3A_885 = arith.addi %mul3A_883, %add3A_884 : i32
        %dma_wait3A_886 = arith.constant 5 : i32
        %dma_wait3A_887 = arith.constant 1 : i32
        %dma_wait3A_888 = arith.constant 0 : i32
        %dma_wait3A_889 = arith.constant 0 : i32
        %dma_wait3A_890 = tpu.memref_slice %arg8[%dma_wait3A_886, %dma_wait3A_887, %dma_wait3A_888, %dma_wait3A_889] : memref<8x2x128x16xf32, #tpu.memory_space<vmem>> -> memref<1x1x128x16xf32, #tpu.memory_space<vmem>>
        %dma_wait3A_891 = tpu.memref_squeeze %dma_wait3A_890 : memref<1x1x128x16xf32, #tpu.memory_space<vmem>> -> memref<128x16xf32, #tpu.memory_space<vmem>>
        %dma_wait3A_892 = arith.constant 0 : i32
        %dma_wait3A_893 = tpu.memref_slice %arg7[%add3A_885, %dma_wait3A_892] : memref<80x128xi32, #tpu.memory_space<vmem>> -> memref<1x128xi32, #tpu.memory_space<vmem>>
        %dma_wait3A_894 = tpu.memref_squeeze %dma_wait3A_893 : memref<1x128xi32, #tpu.memory_space<vmem>> -> memref<128xi32, #tpu.memory_space<vmem>>
        %dma_wait3A_895 = arith.constant 0 : i32
        %dma_wait3A_896 = arith.constant 0 : i32
        %dma_wait3A_897 = tpu.memref_slice %arg5[%dma_wait3A_895, %dma_wait3A_896] : memref<10240x16xf32, #tpu.memory_space<vmem_shared>> -> memref<10240x16xf32, #tpu.memory_space<vmem_shared>>
        tpu.wait_indirect_dma semaphore(%arg22 : memref<!tpu.dma_semaphore, #tpu.memory_space<semaphore_mem>>) src(%dma_wait3A_891 : memref<128x16xf32, #tpu.memory_space<vmem>>) dst(%dma_wait3A_897 : memref<10240x16xf32, #tpu.memory_space<vmem_shared>>)
      } else {
      }
      %add3A_390 = arith.constant 4 : i32
      %add3A_391 = arith.addi %add3A_320, %add3A_390 : i32
      %lt3A_392 = arith.constant 40 : i32
      %lt3A_393 = arith.cmpi slt, %add3A_391, %lt3A_392 : i32
      %convert_element_type3A_394 = arith.extui %lt3A_393 : i1 to i32
      %cond3A_395 = arith.constant 0 : i32
      %cond3A_396 = arith.cmpi ne, %convert_element_type3A_394, %cond3A_395 : i32
      scf.if %cond3A_396 {
        %add3A_865 = arith.constant 4 : i32
        %add3A_866 = arith.addi %add3A_320, %add3A_865 : i32
        %mul3A_867 = arith.constant 2 : i32
        %mul3A_868 = arith.muli %add3A_866, %mul3A_867 : i32
        %add3A_869 = arith.constant 0 : i32
        %add3A_870 = arith.addi %mul3A_868, %add3A_869 : i32
        %dma_start3A_871 = arith.constant 5 : i32
        %dma_start3A_872 = arith.constant 0 : i32
        %dma_start3A_873 = arith.constant 0 : i32
        %dma_start3A_874 = arith.constant 0 : i32
        %dma_start3A_875 = tpu.memref_slice %arg8[%dma_start3A_871, %dma_start3A_872, %dma_start3A_873, %dma_start3A_874] : memref<8x2x128x16xf32, #tpu.memory_space<vmem>> -> memref<1x1x128x16xf32, #tpu.memory_space<vmem>>
        %dma_start3A_876 = tpu.memref_squeeze %dma_start3A_875 : memref<1x1x128x16xf32, #tpu.memory_space<vmem>> -> memref<128x16xf32, #tpu.memory_space<vmem>>
        %dma_start3A_877 = arith.constant 0 : i32
        %dma_start3A_878 = tpu.memref_slice %arg6[%add3A_870, %dma_start3A_877] : memref<80x128xi32, #tpu.memory_space<vmem>> -> memref<1x128xi32, #tpu.memory_space<vmem>>
        %dma_start3A_879 = tpu.memref_squeeze %dma_start3A_878 : memref<1x128xi32, #tpu.memory_space<vmem>> -> memref<128xi32, #tpu.memory_space<vmem>>
        %dma_start3A_880 = arith.constant 0 : i32
        %dma_start3A_881 = arith.constant 0 : i32
        %dma_start3A_882 = tpu.memref_slice %arg2[%dma_start3A_880, %dma_start3A_881] : memref<10240x16xf32, #tpu.memory_space<hbm>> -> memref<10240x16xf32, #tpu.memory_space<hbm>>
        tpu.enqueue_indirect_dma source(%dma_start3A_882 : memref<10240x16xf32, #tpu.memory_space<hbm>>) target(%dma_start3A_876 : memref<128x16xf32, #tpu.memory_space<vmem>>) offsets(%dma_start3A_879 : memref<128xi32, #tpu.memory_space<vmem>>) semaphore(%arg14 : memref<!tpu.dma_semaphore, #tpu.memory_space<semaphore_mem>>)
        %mul3A_883 = arith.constant 2 : i32
        %mul3A_884 = arith.muli %add3A_866, %mul3A_883 : i32
        %add3A_885 = arith.constant 1 : i32
        %add3A_886 = arith.addi %mul3A_884, %add3A_885 : i32
        %dma_start3A_887 = arith.constant 5 : i32
        %dma_start3A_888 = arith.constant 1 : i32
        %dma_start3A_889 = arith.constant 0 : i32
        %dma_start3A_890 = arith.constant 0 : i32
        %dma_start3A_891 = tpu.memref_slice %arg8[%dma_start3A_887, %dma_start3A_888, %dma_start3A_889, %dma_start3A_890] : memref<8x2x128x16xf32, #tpu.memory_space<vmem>> -> memref<1x1x128x16xf32, #tpu.memory_space<vmem>>
        %dma_start3A_892 = tpu.memref_squeeze %dma_start3A_891 : memref<1x1x128x16xf32, #tpu.memory_space<vmem>> -> memref<128x16xf32, #tpu.memory_space<vmem>>
        %dma_start3A_893 = arith.constant 0 : i32
        %dma_start3A_894 = tpu.memref_slice %arg6[%add3A_886, %dma_start3A_893] : memref<80x128xi32, #tpu.memory_space<vmem>> -> memref<1x128xi32, #tpu.memory_space<vmem>>
        %dma_start3A_895 = tpu.memref_squeeze %dma_start3A_894 : memref<1x128xi32, #tpu.memory_space<vmem>> -> memref<128xi32, #tpu.memory_space<vmem>>
        %dma_start3A_896 = arith.constant 0 : i32
        %dma_start3A_897 = arith.constant 0 : i32
        %dma_start3A_898 = tpu.memref_slice %arg2[%dma_start3A_896, %dma_start3A_897] : memref<10240x16xf32, #tpu.memory_space<hbm>> -> memref<10240x16xf32, #tpu.memory_space<hbm>>
        tpu.enqueue_indirect_dma source(%dma_start3A_898 : memref<10240x16xf32, #tpu.memory_space<hbm>>) target(%dma_start3A_892 : memref<128x16xf32, #tpu.memory_space<vmem>>) offsets(%dma_start3A_895 : memref<128xi32, #tpu.memory_space<vmem>>) semaphore(%arg14 : memref<!tpu.dma_semaphore, #tpu.memory_space<semaphore_mem>>)
      } else {
      }
      %add3A_397 = arith.constant 2 : i32
      %add3A_398 = arith.addi %mul3A_244, %add3A_397 : i32
      %mul3A_399 = arith.constant 2 : i32
      %mul3A_400 = arith.muli %add3A_398, %mul3A_399 : i32
      %add3A_401 = arith.constant 0 : i32
      %add3A_402 = arith.addi %mul3A_400, %add3A_401 : i32
      %dma_wait3A_403 = arith.constant 2 : i32
      %dma_wait3A_404 = arith.constant 0 : i32
      %dma_wait3A_405 = arith.constant 0 : i32
      %dma_wait3A_406 = arith.constant 0 : i32
      %dma_wait3A_407 = tpu.memref_slice %arg8[%dma_wait3A_403, %dma_wait3A_404, %dma_wait3A_405, %dma_wait3A_406] : memref<8x2x128x16xf32, #tpu.memory_space<vmem>> -> memref<1x1x128x16xf32, #tpu.memory_space<vmem>>
      %dma_wait3A_408 = tpu.memref_squeeze %dma_wait3A_407 : memref<1x1x128x16xf32, #tpu.memory_space<vmem>> -> memref<128x16xf32, #tpu.memory_space<vmem>>
      %dma_wait3A_409 = arith.constant 0 : i32
      %dma_wait3A_410 = tpu.memref_slice %arg6[%add3A_402, %dma_wait3A_409] : memref<80x128xi32, #tpu.memory_space<vmem>> -> memref<1x128xi32, #tpu.memory_space<vmem>>
      %dma_wait3A_411 = tpu.memref_squeeze %dma_wait3A_410 : memref<1x128xi32, #tpu.memory_space<vmem>> -> memref<128xi32, #tpu.memory_space<vmem>>
      %dma_wait3A_412 = arith.constant 0 : i32
      %dma_wait3A_413 = arith.constant 0 : i32
      %dma_wait3A_414 = tpu.memref_slice %arg2[%dma_wait3A_412, %dma_wait3A_413] : memref<10240x16xf32, #tpu.memory_space<hbm>> -> memref<10240x16xf32, #tpu.memory_space<hbm>>
      tpu.wait_indirect_dma semaphore(%arg11 : memref<!tpu.dma_semaphore, #tpu.memory_space<semaphore_mem>>) src(%dma_wait3A_414 : memref<10240x16xf32, #tpu.memory_space<hbm>>) dst(%dma_wait3A_408 : memref<128x16xf32, #tpu.memory_space<vmem>>)
      %mul3A_415 = arith.constant 2 : i32
      %mul3A_416 = arith.muli %add3A_398, %mul3A_415 : i32
      %add3A_417 = arith.constant 1 : i32
      %add3A_418 = arith.addi %mul3A_416, %add3A_417 : i32
      %dma_wait3A_419 = arith.constant 2 : i32
      %dma_wait3A_420 = arith.constant 1 : i32
      %dma_wait3A_421 = arith.constant 0 : i32
      %dma_wait3A_422 = arith.constant 0 : i32
      %dma_wait3A_423 = tpu.memref_slice %arg8[%dma_wait3A_419, %dma_wait3A_420, %dma_wait3A_421, %dma_wait3A_422] : memref<8x2x128x16xf32, #tpu.memory_space<vmem>> -> memref<1x1x128x16xf32, #tpu.memory_space<vmem>>
      %dma_wait3A_424 = tpu.memref_squeeze %dma_wait3A_423 : memref<1x1x128x16xf32, #tpu.memory_space<vmem>> -> memref<128x16xf32, #tpu.memory_space<vmem>>
      %dma_wait3A_425 = arith.constant 0 : i32
      %dma_wait3A_426 = tpu.memref_slice %arg6[%add3A_418, %dma_wait3A_425] : memref<80x128xi32, #tpu.memory_space<vmem>> -> memref<1x128xi32, #tpu.memory_space<vmem>>
      %dma_wait3A_427 = tpu.memref_squeeze %dma_wait3A_426 : memref<1x128xi32, #tpu.memory_space<vmem>> -> memref<128xi32, #tpu.memory_space<vmem>>
      %dma_wait3A_428 = arith.constant 0 : i32
      %dma_wait3A_429 = arith.constant 0 : i32
      %dma_wait3A_430 = tpu.memref_slice %arg2[%dma_wait3A_428, %dma_wait3A_429] : memref<10240x16xf32, #tpu.memory_space<hbm>> -> memref<10240x16xf32, #tpu.memory_space<hbm>>
      tpu.wait_indirect_dma semaphore(%arg11 : memref<!tpu.dma_semaphore, #tpu.memory_space<semaphore_mem>>) src(%dma_wait3A_430 : memref<10240x16xf32, #tpu.memory_space<hbm>>) dst(%dma_wait3A_424 : memref<128x16xf32, #tpu.memory_space<vmem>>)
      %mul3A_431 = arith.constant 2 : i32
      %mul3A_432 = arith.muli %add3A_398, %mul3A_431 : i32
      %add3A_433 = arith.constant 0 : i32
      %add3A_434 = arith.addi %mul3A_432, %add3A_433 : i32
      %dma_start3A_435 = arith.constant 2 : i32
      %dma_start3A_436 = arith.constant 0 : i32
      %dma_start3A_437 = arith.constant 0 : i32
      %dma_start3A_438 = arith.constant 0 : i32
      %dma_start3A_439 = tpu.memref_slice %arg8[%dma_start3A_435, %dma_start3A_436, %dma_start3A_437, %dma_start3A_438] : memref<8x2x128x16xf32, #tpu.memory_space<vmem>> -> memref<1x1x128x16xf32, #tpu.memory_space<vmem>>
      %dma_start3A_440 = tpu.memref_squeeze %dma_start3A_439 : memref<1x1x128x16xf32, #tpu.memory_space<vmem>> -> memref<128x16xf32, #tpu.memory_space<vmem>>
      %dma_start3A_441 = arith.constant 0 : i32
      %dma_start3A_442 = tpu.memref_slice %arg7[%add3A_434, %dma_start3A_441] : memref<80x128xi32, #tpu.memory_space<vmem>> -> memref<1x128xi32, #tpu.memory_space<vmem>>
      %dma_start3A_443 = tpu.memref_squeeze %dma_start3A_442 : memref<1x128xi32, #tpu.memory_space<vmem>> -> memref<128xi32, #tpu.memory_space<vmem>>
      %dma_start3A_444 = arith.constant 0 : i32
      %dma_start3A_445 = arith.constant 0 : i32
      %dma_start3A_446 = tpu.memref_slice %arg5[%dma_start3A_444, %dma_start3A_445] : memref<10240x16xf32, #tpu.memory_space<vmem_shared>> -> memref<10240x16xf32, #tpu.memory_space<vmem_shared>>
      tpu.enqueue_indirect_dma source(%dma_start3A_440 : memref<128x16xf32, #tpu.memory_space<vmem>>) target(%dma_start3A_446 : memref<10240x16xf32, #tpu.memory_space<vmem_shared>>) offsets(%dma_start3A_443 : memref<128xi32, #tpu.memory_space<vmem>>) semaphore(%arg19 : memref<!tpu.dma_semaphore, #tpu.memory_space<semaphore_mem>>) {add = true}
      %mul3A_447 = arith.constant 2 : i32
      %mul3A_448 = arith.muli %add3A_398, %mul3A_447 : i32
      %add3A_449 = arith.constant 1 : i32
      %add3A_450 = arith.addi %mul3A_448, %add3A_449 : i32
      %dma_start3A_451 = arith.constant 2 : i32
      %dma_start3A_452 = arith.constant 1 : i32
      %dma_start3A_453 = arith.constant 0 : i32
      %dma_start3A_454 = arith.constant 0 : i32
      %dma_start3A_455 = tpu.memref_slice %arg8[%dma_start3A_451, %dma_start3A_452, %dma_start3A_453, %dma_start3A_454] : memref<8x2x128x16xf32, #tpu.memory_space<vmem>> -> memref<1x1x128x16xf32, #tpu.memory_space<vmem>>
      %dma_start3A_456 = tpu.memref_squeeze %dma_start3A_455 : memref<1x1x128x16xf32, #tpu.memory_space<vmem>> -> memref<128x16xf32, #tpu.memory_space<vmem>>
      %dma_start3A_457 = arith.constant 0 : i32
      %dma_start3A_458 = tpu.memref_slice %arg7[%add3A_450, %dma_start3A_457] : memref<80x128xi32, #tpu.memory_space<vmem>> -> memref<1x128xi32, #tpu.memory_space<vmem>>
      %dma_start3A_459 = tpu.memref_squeeze %dma_start3A_458 : memref<1x128xi32, #tpu.memory_space<vmem>> -> memref<128xi32, #tpu.memory_space<vmem>>
      %dma_start3A_460 = arith.constant 0 : i32
      %dma_start3A_461 = arith.constant 0 : i32
      %dma_start3A_462 = tpu.memref_slice %arg5[%dma_start3A_460, %dma_start3A_461] : memref<10240x16xf32, #tpu.memory_space<vmem_shared>> -> memref<10240x16xf32, #tpu.memory_space<vmem_shared>>
      tpu.enqueue_indirect_dma source(%dma_start3A_456 : memref<128x16xf32, #tpu.memory_space<vmem>>) target(%dma_start3A_462 : memref<10240x16xf32, #tpu.memory_space<vmem_shared>>) offsets(%dma_start3A_459 : memref<128xi32, #tpu.memory_space<vmem>>) semaphore(%arg19 : memref<!tpu.dma_semaphore, #tpu.memory_space<semaphore_mem>>) {add = true}
      %ge3A_463 = arith.constant 4 : i32
      %ge3A_464 = arith.cmpi sge, %add3A_398, %ge3A_463 : i32
      %convert_element_type3A_465 = arith.extui %ge3A_464 : i1 to i32
      %cond3A_466 = arith.constant 0 : i32
      %cond3A_467 = arith.cmpi ne, %convert_element_type3A_465, %cond3A_466 : i32
      scf.if %cond3A_467 {
        %sub3A = arith.constant 4 : i32
        %sub3A_865 = arith.subi %add3A_398, %sub3A : i32
        %mul3A_866 = arith.constant 2 : i32
        %mul3A_867 = arith.muli %sub3A_865, %mul3A_866 : i32
        %add3A_868 = arith.constant 0 : i32
        %add3A_869 = arith.addi %mul3A_867, %add3A_868 : i32
        %dma_wait3A_870 = arith.constant 6 : i32
        %dma_wait3A_871 = arith.constant 0 : i32
        %dma_wait3A_872 = arith.constant 0 : i32
        %dma_wait3A_873 = arith.constant 0 : i32
        %dma_wait3A_874 = tpu.memref_slice %arg8[%dma_wait3A_870, %dma_wait3A_871, %dma_wait3A_872, %dma_wait3A_873] : memref<8x2x128x16xf32, #tpu.memory_space<vmem>> -> memref<1x1x128x16xf32, #tpu.memory_space<vmem>>
        %dma_wait3A_875 = tpu.memref_squeeze %dma_wait3A_874 : memref<1x1x128x16xf32, #tpu.memory_space<vmem>> -> memref<128x16xf32, #tpu.memory_space<vmem>>
        %dma_wait3A_876 = arith.constant 0 : i32
        %dma_wait3A_877 = tpu.memref_slice %arg7[%add3A_869, %dma_wait3A_876] : memref<80x128xi32, #tpu.memory_space<vmem>> -> memref<1x128xi32, #tpu.memory_space<vmem>>
        %dma_wait3A_878 = tpu.memref_squeeze %dma_wait3A_877 : memref<1x128xi32, #tpu.memory_space<vmem>> -> memref<128xi32, #tpu.memory_space<vmem>>
        %dma_wait3A_879 = arith.constant 0 : i32
        %dma_wait3A_880 = arith.constant 0 : i32
        %dma_wait3A_881 = tpu.memref_slice %arg5[%dma_wait3A_879, %dma_wait3A_880] : memref<10240x16xf32, #tpu.memory_space<vmem_shared>> -> memref<10240x16xf32, #tpu.memory_space<vmem_shared>>
        tpu.wait_indirect_dma semaphore(%arg23 : memref<!tpu.dma_semaphore, #tpu.memory_space<semaphore_mem>>) src(%dma_wait3A_875 : memref<128x16xf32, #tpu.memory_space<vmem>>) dst(%dma_wait3A_881 : memref<10240x16xf32, #tpu.memory_space<vmem_shared>>)
        %mul3A_882 = arith.constant 2 : i32
        %mul3A_883 = arith.muli %sub3A_865, %mul3A_882 : i32
        %add3A_884 = arith.constant 1 : i32
        %add3A_885 = arith.addi %mul3A_883, %add3A_884 : i32
        %dma_wait3A_886 = arith.constant 6 : i32
        %dma_wait3A_887 = arith.constant 1 : i32
        %dma_wait3A_888 = arith.constant 0 : i32
        %dma_wait3A_889 = arith.constant 0 : i32
        %dma_wait3A_890 = tpu.memref_slice %arg8[%dma_wait3A_886, %dma_wait3A_887, %dma_wait3A_888, %dma_wait3A_889] : memref<8x2x128x16xf32, #tpu.memory_space<vmem>> -> memref<1x1x128x16xf32, #tpu.memory_space<vmem>>
        %dma_wait3A_891 = tpu.memref_squeeze %dma_wait3A_890 : memref<1x1x128x16xf32, #tpu.memory_space<vmem>> -> memref<128x16xf32, #tpu.memory_space<vmem>>
        %dma_wait3A_892 = arith.constant 0 : i32
        %dma_wait3A_893 = tpu.memref_slice %arg7[%add3A_885, %dma_wait3A_892] : memref<80x128xi32, #tpu.memory_space<vmem>> -> memref<1x128xi32, #tpu.memory_space<vmem>>
        %dma_wait3A_894 = tpu.memref_squeeze %dma_wait3A_893 : memref<1x128xi32, #tpu.memory_space<vmem>> -> memref<128xi32, #tpu.memory_space<vmem>>
        %dma_wait3A_895 = arith.constant 0 : i32
        %dma_wait3A_896 = arith.constant 0 : i32
        %dma_wait3A_897 = tpu.memref_slice %arg5[%dma_wait3A_895, %dma_wait3A_896] : memref<10240x16xf32, #tpu.memory_space<vmem_shared>> -> memref<10240x16xf32, #tpu.memory_space<vmem_shared>>
        tpu.wait_indirect_dma semaphore(%arg23 : memref<!tpu.dma_semaphore, #tpu.memory_space<semaphore_mem>>) src(%dma_wait3A_891 : memref<128x16xf32, #tpu.memory_space<vmem>>) dst(%dma_wait3A_897 : memref<10240x16xf32, #tpu.memory_space<vmem_shared>>)
      } else {
      }
      %add3A_468 = arith.constant 4 : i32
      %add3A_469 = arith.addi %add3A_398, %add3A_468 : i32
      %lt3A_470 = arith.constant 40 : i32
      %lt3A_471 = arith.cmpi slt, %add3A_469, %lt3A_470 : i32
      %convert_element_type3A_472 = arith.extui %lt3A_471 : i1 to i32
      %cond3A_473 = arith.constant 0 : i32
      %cond3A_474 = arith.cmpi ne, %convert_element_type3A_472, %cond3A_473 : i32
      scf.if %cond3A_474 {
        %add3A_865 = arith.constant 4 : i32
        %add3A_866 = arith.addi %add3A_398, %add3A_865 : i32
        %mul3A_867 = arith.constant 2 : i32
        %mul3A_868 = arith.muli %add3A_866, %mul3A_867 : i32
        %add3A_869 = arith.constant 0 : i32
        %add3A_870 = arith.addi %mul3A_868, %add3A_869 : i32
        %dma_start3A_871 = arith.constant 6 : i32
        %dma_start3A_872 = arith.constant 0 : i32
        %dma_start3A_873 = arith.constant 0 : i32
        %dma_start3A_874 = arith.constant 0 : i32
        %dma_start3A_875 = tpu.memref_slice %arg8[%dma_start3A_871, %dma_start3A_872, %dma_start3A_873, %dma_start3A_874] : memref<8x2x128x16xf32, #tpu.memory_space<vmem>> -> memref<1x1x128x16xf32, #tpu.memory_space<vmem>>
        %dma_start3A_876 = tpu.memref_squeeze %dma_start3A_875 : memref<1x1x128x16xf32, #tpu.memory_space<vmem>> -> memref<128x16xf32, #tpu.memory_space<vmem>>
        %dma_start3A_877 = arith.constant 0 : i32
        %dma_start3A_878 = tpu.memref_slice %arg6[%add3A_870, %dma_start3A_877] : memref<80x128xi32, #tpu.memory_space<vmem>> -> memref<1x128xi32, #tpu.memory_space<vmem>>
        %dma_start3A_879 = tpu.memref_squeeze %dma_start3A_878 : memref<1x128xi32, #tpu.memory_space<vmem>> -> memref<128xi32, #tpu.memory_space<vmem>>
        %dma_start3A_880 = arith.constant 0 : i32
        %dma_start3A_881 = arith.constant 0 : i32
        %dma_start3A_882 = tpu.memref_slice %arg2[%dma_start3A_880, %dma_start3A_881] : memref<10240x16xf32, #tpu.memory_space<hbm>> -> memref<10240x16xf32, #tpu.memory_space<hbm>>
        tpu.enqueue_indirect_dma source(%dma_start3A_882 : memref<10240x16xf32, #tpu.memory_space<hbm>>) target(%dma_start3A_876 : memref<128x16xf32, #tpu.memory_space<vmem>>) offsets(%dma_start3A_879 : memref<128xi32, #tpu.memory_space<vmem>>) semaphore(%arg15 : memref<!tpu.dma_semaphore, #tpu.memory_space<semaphore_mem>>)
        %mul3A_883 = arith.constant 2 : i32
        %mul3A_884 = arith.muli %add3A_866, %mul3A_883 : i32
        %add3A_885 = arith.constant 1 : i32
        %add3A_886 = arith.addi %mul3A_884, %add3A_885 : i32
        %dma_start3A_887 = arith.constant 6 : i32
        %dma_start3A_888 = arith.constant 1 : i32
        %dma_start3A_889 = arith.constant 0 : i32
        %dma_start3A_890 = arith.constant 0 : i32
        %dma_start3A_891 = tpu.memref_slice %arg8[%dma_start3A_887, %dma_start3A_888, %dma_start3A_889, %dma_start3A_890] : memref<8x2x128x16xf32, #tpu.memory_space<vmem>> -> memref<1x1x128x16xf32, #tpu.memory_space<vmem>>
        %dma_start3A_892 = tpu.memref_squeeze %dma_start3A_891 : memref<1x1x128x16xf32, #tpu.memory_space<vmem>> -> memref<128x16xf32, #tpu.memory_space<vmem>>
        %dma_start3A_893 = arith.constant 0 : i32
        %dma_start3A_894 = tpu.memref_slice %arg6[%add3A_886, %dma_start3A_893] : memref<80x128xi32, #tpu.memory_space<vmem>> -> memref<1x128xi32, #tpu.memory_space<vmem>>
        %dma_start3A_895 = tpu.memref_squeeze %dma_start3A_894 : memref<1x128xi32, #tpu.memory_space<vmem>> -> memref<128xi32, #tpu.memory_space<vmem>>
        %dma_start3A_896 = arith.constant 0 : i32
        %dma_start3A_897 = arith.constant 0 : i32
        %dma_start3A_898 = tpu.memref_slice %arg2[%dma_start3A_896, %dma_start3A_897] : memref<10240x16xf32, #tpu.memory_space<hbm>> -> memref<10240x16xf32, #tpu.memory_space<hbm>>
        tpu.enqueue_indirect_dma source(%dma_start3A_898 : memref<10240x16xf32, #tpu.memory_space<hbm>>) target(%dma_start3A_892 : memref<128x16xf32, #tpu.memory_space<vmem>>) offsets(%dma_start3A_895 : memref<128xi32, #tpu.memory_space<vmem>>) semaphore(%arg15 : memref<!tpu.dma_semaphore, #tpu.memory_space<semaphore_mem>>)
      } else {
      }
      %add3A_475 = arith.constant 3 : i32
      %add3A_476 = arith.addi %mul3A_244, %add3A_475 : i32
      %mul3A_477 = arith.constant 2 : i32
      %mul3A_478 = arith.muli %add3A_476, %mul3A_477 : i32
      %add3A_479 = arith.constant 0 : i32
      %add3A_480 = arith.addi %mul3A_478, %add3A_479 : i32
      %dma_wait3A_481 = arith.constant 3 : i32
      %dma_wait3A_482 = arith.constant 0 : i32
      %dma_wait3A_483 = arith.constant 0 : i32
      %dma_wait3A_484 = arith.constant 0 : i32
      %dma_wait3A_485 = tpu.memref_slice %arg8[%dma_wait3A_481, %dma_wait3A_482, %dma_wait3A_483, %dma_wait3A_484] : memref<8x2x128x16xf32, #tpu.memory_space<vmem>> -> memref<1x1x128x16xf32, #tpu.memory_space<vmem>>
      %dma_wait3A_486 = tpu.memref_squeeze %dma_wait3A_485 : memref<1x1x128x16xf32, #tpu.memory_space<vmem>> -> memref<128x16xf32, #tpu.memory_space<vmem>>
      %dma_wait3A_487 = arith.constant 0 : i32
      %dma_wait3A_488 = tpu.memref_slice %arg6[%add3A_480, %dma_wait3A_487] : memref<80x128xi32, #tpu.memory_space<vmem>> -> memref<1x128xi32, #tpu.memory_space<vmem>>
      %dma_wait3A_489 = tpu.memref_squeeze %dma_wait3A_488 : memref<1x128xi32, #tpu.memory_space<vmem>> -> memref<128xi32, #tpu.memory_space<vmem>>
      %dma_wait3A_490 = arith.constant 0 : i32
      %dma_wait3A_491 = arith.constant 0 : i32
      %dma_wait3A_492 = tpu.memref_slice %arg2[%dma_wait3A_490, %dma_wait3A_491] : memref<10240x16xf32, #tpu.memory_space<hbm>> -> memref<10240x16xf32, #tpu.memory_space<hbm>>
      tpu.wait_indirect_dma semaphore(%arg12 : memref<!tpu.dma_semaphore, #tpu.memory_space<semaphore_mem>>) src(%dma_wait3A_492 : memref<10240x16xf32, #tpu.memory_space<hbm>>) dst(%dma_wait3A_486 : memref<128x16xf32, #tpu.memory_space<vmem>>)
      %mul3A_493 = arith.constant 2 : i32
      %mul3A_494 = arith.muli %add3A_476, %mul3A_493 : i32
      %add3A_495 = arith.constant 1 : i32
      %add3A_496 = arith.addi %mul3A_494, %add3A_495 : i32
      %dma_wait3A_497 = arith.constant 3 : i32
      %dma_wait3A_498 = arith.constant 1 : i32
      %dma_wait3A_499 = arith.constant 0 : i32
      %dma_wait3A_500 = arith.constant 0 : i32
      %dma_wait3A_501 = tpu.memref_slice %arg8[%dma_wait3A_497, %dma_wait3A_498, %dma_wait3A_499, %dma_wait3A_500] : memref<8x2x128x16xf32, #tpu.memory_space<vmem>> -> memref<1x1x128x16xf32, #tpu.memory_space<vmem>>
      %dma_wait3A_502 = tpu.memref_squeeze %dma_wait3A_501 : memref<1x1x128x16xf32, #tpu.memory_space<vmem>> -> memref<128x16xf32, #tpu.memory_space<vmem>>
      %dma_wait3A_503 = arith.constant 0 : i32
      %dma_wait3A_504 = tpu.memref_slice %arg6[%add3A_496, %dma_wait3A_503] : memref<80x128xi32, #tpu.memory_space<vmem>> -> memref<1x128xi32, #tpu.memory_space<vmem>>
      %dma_wait3A_505 = tpu.memref_squeeze %dma_wait3A_504 : memref<1x128xi32, #tpu.memory_space<vmem>> -> memref<128xi32, #tpu.memory_space<vmem>>
      %dma_wait3A_506 = arith.constant 0 : i32
      %dma_wait3A_507 = arith.constant 0 : i32
      %dma_wait3A_508 = tpu.memref_slice %arg2[%dma_wait3A_506, %dma_wait3A_507] : memref<10240x16xf32, #tpu.memory_space<hbm>> -> memref<10240x16xf32, #tpu.memory_space<hbm>>
      tpu.wait_indirect_dma semaphore(%arg12 : memref<!tpu.dma_semaphore, #tpu.memory_space<semaphore_mem>>) src(%dma_wait3A_508 : memref<10240x16xf32, #tpu.memory_space<hbm>>) dst(%dma_wait3A_502 : memref<128x16xf32, #tpu.memory_space<vmem>>)
      %mul3A_509 = arith.constant 2 : i32
      %mul3A_510 = arith.muli %add3A_476, %mul3A_509 : i32
      %add3A_511 = arith.constant 0 : i32
      %add3A_512 = arith.addi %mul3A_510, %add3A_511 : i32
      %dma_start3A_513 = arith.constant 3 : i32
      %dma_start3A_514 = arith.constant 0 : i32
      %dma_start3A_515 = arith.constant 0 : i32
      %dma_start3A_516 = arith.constant 0 : i32
      %dma_start3A_517 = tpu.memref_slice %arg8[%dma_start3A_513, %dma_start3A_514, %dma_start3A_515, %dma_start3A_516] : memref<8x2x128x16xf32, #tpu.memory_space<vmem>> -> memref<1x1x128x16xf32, #tpu.memory_space<vmem>>
      %dma_start3A_518 = tpu.memref_squeeze %dma_start3A_517 : memref<1x1x128x16xf32, #tpu.memory_space<vmem>> -> memref<128x16xf32, #tpu.memory_space<vmem>>
      %dma_start3A_519 = arith.constant 0 : i32
      %dma_start3A_520 = tpu.memref_slice %arg7[%add3A_512, %dma_start3A_519] : memref<80x128xi32, #tpu.memory_space<vmem>> -> memref<1x128xi32, #tpu.memory_space<vmem>>
      %dma_start3A_521 = tpu.memref_squeeze %dma_start3A_520 : memref<1x128xi32, #tpu.memory_space<vmem>> -> memref<128xi32, #tpu.memory_space<vmem>>
      %dma_start3A_522 = arith.constant 0 : i32
      %dma_start3A_523 = arith.constant 0 : i32
      %dma_start3A_524 = tpu.memref_slice %arg5[%dma_start3A_522, %dma_start3A_523] : memref<10240x16xf32, #tpu.memory_space<vmem_shared>> -> memref<10240x16xf32, #tpu.memory_space<vmem_shared>>
      tpu.enqueue_indirect_dma source(%dma_start3A_518 : memref<128x16xf32, #tpu.memory_space<vmem>>) target(%dma_start3A_524 : memref<10240x16xf32, #tpu.memory_space<vmem_shared>>) offsets(%dma_start3A_521 : memref<128xi32, #tpu.memory_space<vmem>>) semaphore(%arg20 : memref<!tpu.dma_semaphore, #tpu.memory_space<semaphore_mem>>) {add = true}
      %mul3A_525 = arith.constant 2 : i32
      %mul3A_526 = arith.muli %add3A_476, %mul3A_525 : i32
      %add3A_527 = arith.constant 1 : i32
      %add3A_528 = arith.addi %mul3A_526, %add3A_527 : i32
      %dma_start3A_529 = arith.constant 3 : i32
      %dma_start3A_530 = arith.constant 1 : i32
      %dma_start3A_531 = arith.constant 0 : i32
      %dma_start3A_532 = arith.constant 0 : i32
      %dma_start3A_533 = tpu.memref_slice %arg8[%dma_start3A_529, %dma_start3A_530, %dma_start3A_531, %dma_start3A_532] : memref<8x2x128x16xf32, #tpu.memory_space<vmem>> -> memref<1x1x128x16xf32, #tpu.memory_space<vmem>>
      %dma_start3A_534 = tpu.memref_squeeze %dma_start3A_533 : memref<1x1x128x16xf32, #tpu.memory_space<vmem>> -> memref<128x16xf32, #tpu.memory_space<vmem>>
      %dma_start3A_535 = arith.constant 0 : i32
      %dma_start3A_536 = tpu.memref_slice %arg7[%add3A_528, %dma_start3A_535] : memref<80x128xi32, #tpu.memory_space<vmem>> -> memref<1x128xi32, #tpu.memory_space<vmem>>
      %dma_start3A_537 = tpu.memref_squeeze %dma_start3A_536 : memref<1x128xi32, #tpu.memory_space<vmem>> -> memref<128xi32, #tpu.memory_space<vmem>>
      %dma_start3A_538 = arith.constant 0 : i32
      %dma_start3A_539 = arith.constant 0 : i32
      %dma_start3A_540 = tpu.memref_slice %arg5[%dma_start3A_538, %dma_start3A_539] : memref<10240x16xf32, #tpu.memory_space<vmem_shared>> -> memref<10240x16xf32, #tpu.memory_space<vmem_shared>>
      tpu.enqueue_indirect_dma source(%dma_start3A_534 : memref<128x16xf32, #tpu.memory_space<vmem>>) target(%dma_start3A_540 : memref<10240x16xf32, #tpu.memory_space<vmem_shared>>) offsets(%dma_start3A_537 : memref<128xi32, #tpu.memory_space<vmem>>) semaphore(%arg20 : memref<!tpu.dma_semaphore, #tpu.memory_space<semaphore_mem>>) {add = true}
      %ge3A_541 = arith.constant 4 : i32
      %ge3A_542 = arith.cmpi sge, %add3A_476, %ge3A_541 : i32
      %convert_element_type3A_543 = arith.extui %ge3A_542 : i1 to i32
      %cond3A_544 = arith.constant 0 : i32
      %cond3A_545 = arith.cmpi ne, %convert_element_type3A_543, %cond3A_544 : i32
      scf.if %cond3A_545 {
        %sub3A = arith.constant 4 : i32
        %sub3A_865 = arith.subi %add3A_476, %sub3A : i32
        %mul3A_866 = arith.constant 2 : i32
        %mul3A_867 = arith.muli %sub3A_865, %mul3A_866 : i32
        %add3A_868 = arith.constant 0 : i32
        %add3A_869 = arith.addi %mul3A_867, %add3A_868 : i32
        %dma_wait3A_870 = arith.constant 7 : i32
        %dma_wait3A_871 = arith.constant 0 : i32
        %dma_wait3A_872 = arith.constant 0 : i32
        %dma_wait3A_873 = arith.constant 0 : i32
        %dma_wait3A_874 = tpu.memref_slice %arg8[%dma_wait3A_870, %dma_wait3A_871, %dma_wait3A_872, %dma_wait3A_873] : memref<8x2x128x16xf32, #tpu.memory_space<vmem>> -> memref<1x1x128x16xf32, #tpu.memory_space<vmem>>
        %dma_wait3A_875 = tpu.memref_squeeze %dma_wait3A_874 : memref<1x1x128x16xf32, #tpu.memory_space<vmem>> -> memref<128x16xf32, #tpu.memory_space<vmem>>
        %dma_wait3A_876 = arith.constant 0 : i32
        %dma_wait3A_877 = tpu.memref_slice %arg7[%add3A_869, %dma_wait3A_876] : memref<80x128xi32, #tpu.memory_space<vmem>> -> memref<1x128xi32, #tpu.memory_space<vmem>>
        %dma_wait3A_878 = tpu.memref_squeeze %dma_wait3A_877 : memref<1x128xi32, #tpu.memory_space<vmem>> -> memref<128xi32, #tpu.memory_space<vmem>>
        %dma_wait3A_879 = arith.constant 0 : i32
        %dma_wait3A_880 = arith.constant 0 : i32
        %dma_wait3A_881 = tpu.memref_slice %arg5[%dma_wait3A_879, %dma_wait3A_880] : memref<10240x16xf32, #tpu.memory_space<vmem_shared>> -> memref<10240x16xf32, #tpu.memory_space<vmem_shared>>
        tpu.wait_indirect_dma semaphore(%arg24 : memref<!tpu.dma_semaphore, #tpu.memory_space<semaphore_mem>>) src(%dma_wait3A_875 : memref<128x16xf32, #tpu.memory_space<vmem>>) dst(%dma_wait3A_881 : memref<10240x16xf32, #tpu.memory_space<vmem_shared>>)
        %mul3A_882 = arith.constant 2 : i32
        %mul3A_883 = arith.muli %sub3A_865, %mul3A_882 : i32
        %add3A_884 = arith.constant 1 : i32
        %add3A_885 = arith.addi %mul3A_883, %add3A_884 : i32
        %dma_wait3A_886 = arith.constant 7 : i32
        %dma_wait3A_887 = arith.constant 1 : i32
        %dma_wait3A_888 = arith.constant 0 : i32
        %dma_wait3A_889 = arith.constant 0 : i32
        %dma_wait3A_890 = tpu.memref_slice %arg8[%dma_wait3A_886, %dma_wait3A_887, %dma_wait3A_888, %dma_wait3A_889] : memref<8x2x128x16xf32, #tpu.memory_space<vmem>> -> memref<1x1x128x16xf32, #tpu.memory_space<vmem>>
        %dma_wait3A_891 = tpu.memref_squeeze %dma_wait3A_890 : memref<1x1x128x16xf32, #tpu.memory_space<vmem>> -> memref<128x16xf32, #tpu.memory_space<vmem>>
        %dma_wait3A_892 = arith.constant 0 : i32
        %dma_wait3A_893 = tpu.memref_slice %arg7[%add3A_885, %dma_wait3A_892] : memref<80x128xi32, #tpu.memory_space<vmem>> -> memref<1x128xi32, #tpu.memory_space<vmem>>
        %dma_wait3A_894 = tpu.memref_squeeze %dma_wait3A_893 : memref<1x128xi32, #tpu.memory_space<vmem>> -> memref<128xi32, #tpu.memory_space<vmem>>
        %dma_wait3A_895 = arith.constant 0 : i32
        %dma_wait3A_896 = arith.constant 0 : i32
        %dma_wait3A_897 = tpu.memref_slice %arg5[%dma_wait3A_895, %dma_wait3A_896] : memref<10240x16xf32, #tpu.memory_space<vmem_shared>> -> memref<10240x16xf32, #tpu.memory_space<vmem_shared>>
        tpu.wait_indirect_dma semaphore(%arg24 : memref<!tpu.dma_semaphore, #tpu.memory_space<semaphore_mem>>) src(%dma_wait3A_891 : memref<128x16xf32, #tpu.memory_space<vmem>>) dst(%dma_wait3A_897 : memref<10240x16xf32, #tpu.memory_space<vmem_shared>>)
      } else {
      }
      %add3A_546 = arith.constant 4 : i32
      %add3A_547 = arith.addi %add3A_476, %add3A_546 : i32
      %lt3A_548 = arith.constant 40 : i32
      %lt3A_549 = arith.cmpi slt, %add3A_547, %lt3A_548 : i32
      %convert_element_type3A_550 = arith.extui %lt3A_549 : i1 to i32
      %cond3A_551 = arith.constant 0 : i32
      %cond3A_552 = arith.cmpi ne, %convert_element_type3A_550, %cond3A_551 : i32
      scf.if %cond3A_552 {
        %add3A_865 = arith.constant 4 : i32
        %add3A_866 = arith.addi %add3A_476, %add3A_865 : i32
        %mul3A_867 = arith.constant 2 : i32
        %mul3A_868 = arith.muli %add3A_866, %mul3A_867 : i32
        %add3A_869 = arith.constant 0 : i32
        %add3A_870 = arith.addi %mul3A_868, %add3A_869 : i32
        %dma_start3A_871 = arith.constant 7 : i32
        %dma_start3A_872 = arith.constant 0 : i32
        %dma_start3A_873 = arith.constant 0 : i32
        %dma_start3A_874 = arith.constant 0 : i32
        %dma_start3A_875 = tpu.memref_slice %arg8[%dma_start3A_871, %dma_start3A_872, %dma_start3A_873, %dma_start3A_874] : memref<8x2x128x16xf32, #tpu.memory_space<vmem>> -> memref<1x1x128x16xf32, #tpu.memory_space<vmem>>
        %dma_start3A_876 = tpu.memref_squeeze %dma_start3A_875 : memref<1x1x128x16xf32, #tpu.memory_space<vmem>> -> memref<128x16xf32, #tpu.memory_space<vmem>>
        %dma_start3A_877 = arith.constant 0 : i32
        %dma_start3A_878 = tpu.memref_slice %arg6[%add3A_870, %dma_start3A_877] : memref<80x128xi32, #tpu.memory_space<vmem>> -> memref<1x128xi32, #tpu.memory_space<vmem>>
        %dma_start3A_879 = tpu.memref_squeeze %dma_start3A_878 : memref<1x128xi32, #tpu.memory_space<vmem>> -> memref<128xi32, #tpu.memory_space<vmem>>
        %dma_start3A_880 = arith.constant 0 : i32
        %dma_start3A_881 = arith.constant 0 : i32
        %dma_start3A_882 = tpu.memref_slice %arg2[%dma_start3A_880, %dma_start3A_881] : memref<10240x16xf32, #tpu.memory_space<hbm>> -> memref<10240x16xf32, #tpu.memory_space<hbm>>
        tpu.enqueue_indirect_dma source(%dma_start3A_882 : memref<10240x16xf32, #tpu.memory_space<hbm>>) target(%dma_start3A_876 : memref<128x16xf32, #tpu.memory_space<vmem>>) offsets(%dma_start3A_879 : memref<128xi32, #tpu.memory_space<vmem>>) semaphore(%arg16 : memref<!tpu.dma_semaphore, #tpu.memory_space<semaphore_mem>>)
        %mul3A_883 = arith.constant 2 : i32
        %mul3A_884 = arith.muli %add3A_866, %mul3A_883 : i32
        %add3A_885 = arith.constant 1 : i32
        %add3A_886 = arith.addi %mul3A_884, %add3A_885 : i32
        %dma_start3A_887 = arith.constant 7 : i32
        %dma_start3A_888 = arith.constant 1 : i32
        %dma_start3A_889 = arith.constant 0 : i32
        %dma_start3A_890 = arith.constant 0 : i32
        %dma_start3A_891 = tpu.memref_slice %arg8[%dma_start3A_887, %dma_start3A_888, %dma_start3A_889, %dma_start3A_890] : memref<8x2x128x16xf32, #tpu.memory_space<vmem>> -> memref<1x1x128x16xf32, #tpu.memory_space<vmem>>
        %dma_start3A_892 = tpu.memref_squeeze %dma_start3A_891 : memref<1x1x128x16xf32, #tpu.memory_space<vmem>> -> memref<128x16xf32, #tpu.memory_space<vmem>>
        %dma_start3A_893 = arith.constant 0 : i32
        %dma_start3A_894 = tpu.memref_slice %arg6[%add3A_886, %dma_start3A_893] : memref<80x128xi32, #tpu.memory_space<vmem>> -> memref<1x128xi32, #tpu.memory_space<vmem>>
        %dma_start3A_895 = tpu.memref_squeeze %dma_start3A_894 : memref<1x128xi32, #tpu.memory_space<vmem>> -> memref<128xi32, #tpu.memory_space<vmem>>
        %dma_start3A_896 = arith.constant 0 : i32
        %dma_start3A_897 = arith.constant 0 : i32
        %dma_start3A_898 = tpu.memref_slice %arg2[%dma_start3A_896, %dma_start3A_897] : memref<10240x16xf32, #tpu.memory_space<hbm>> -> memref<10240x16xf32, #tpu.memory_space<hbm>>
        tpu.enqueue_indirect_dma source(%dma_start3A_898 : memref<10240x16xf32, #tpu.memory_space<hbm>>) target(%dma_start3A_892 : memref<128x16xf32, #tpu.memory_space<vmem>>) offsets(%dma_start3A_895 : memref<128xi32, #tpu.memory_space<vmem>>) semaphore(%arg16 : memref<!tpu.dma_semaphore, #tpu.memory_space<semaphore_mem>>)
      } else {
      }
      %add3A_553 = arith.constant 4 : i32
      %add3A_554 = arith.addi %mul3A_244, %add3A_553 : i32
      %mul3A_555 = arith.constant 2 : i32
      %mul3A_556 = arith.muli %add3A_554, %mul3A_555 : i32
      %add3A_557 = arith.constant 0 : i32
      %add3A_558 = arith.addi %mul3A_556, %add3A_557 : i32
      %dma_wait3A_559 = arith.constant 4 : i32
      %dma_wait3A_560 = arith.constant 0 : i32
      %dma_wait3A_561 = arith.constant 0 : i32
      %dma_wait3A_562 = arith.constant 0 : i32
      %dma_wait3A_563 = tpu.memref_slice %arg8[%dma_wait3A_559, %dma_wait3A_560, %dma_wait3A_561, %dma_wait3A_562] : memref<8x2x128x16xf32, #tpu.memory_space<vmem>> -> memref<1x1x128x16xf32, #tpu.memory_space<vmem>>
      %dma_wait3A_564 = tpu.memref_squeeze %dma_wait3A_563 : memref<1x1x128x16xf32, #tpu.memory_space<vmem>> -> memref<128x16xf32, #tpu.memory_space<vmem>>
      %dma_wait3A_565 = arith.constant 0 : i32
      %dma_wait3A_566 = tpu.memref_slice %arg6[%add3A_558, %dma_wait3A_565] : memref<80x128xi32, #tpu.memory_space<vmem>> -> memref<1x128xi32, #tpu.memory_space<vmem>>
      %dma_wait3A_567 = tpu.memref_squeeze %dma_wait3A_566 : memref<1x128xi32, #tpu.memory_space<vmem>> -> memref<128xi32, #tpu.memory_space<vmem>>
      %dma_wait3A_568 = arith.constant 0 : i32
      %dma_wait3A_569 = arith.constant 0 : i32
      %dma_wait3A_570 = tpu.memref_slice %arg2[%dma_wait3A_568, %dma_wait3A_569] : memref<10240x16xf32, #tpu.memory_space<hbm>> -> memref<10240x16xf32, #tpu.memory_space<hbm>>
      tpu.wait_indirect_dma semaphore(%arg13 : memref<!tpu.dma_semaphore, #tpu.memory_space<semaphore_mem>>) src(%dma_wait3A_570 : memref<10240x16xf32, #tpu.memory_space<hbm>>) dst(%dma_wait3A_564 : memref<128x16xf32, #tpu.memory_space<vmem>>)
      %mul3A_571 = arith.constant 2 : i32
      %mul3A_572 = arith.muli %add3A_554, %mul3A_571 : i32
      %add3A_573 = arith.constant 1 : i32
      %add3A_574 = arith.addi %mul3A_572, %add3A_573 : i32
      %dma_wait3A_575 = arith.constant 4 : i32
      %dma_wait3A_576 = arith.constant 1 : i32
      %dma_wait3A_577 = arith.constant 0 : i32
      %dma_wait3A_578 = arith.constant 0 : i32
      %dma_wait3A_579 = tpu.memref_slice %arg8[%dma_wait3A_575, %dma_wait3A_576, %dma_wait3A_577, %dma_wait3A_578] : memref<8x2x128x16xf32, #tpu.memory_space<vmem>> -> memref<1x1x128x16xf32, #tpu.memory_space<vmem>>
      %dma_wait3A_580 = tpu.memref_squeeze %dma_wait3A_579 : memref<1x1x128x16xf32, #tpu.memory_space<vmem>> -> memref<128x16xf32, #tpu.memory_space<vmem>>
      %dma_wait3A_581 = arith.constant 0 : i32
      %dma_wait3A_582 = tpu.memref_slice %arg6[%add3A_574, %dma_wait3A_581] : memref<80x128xi32, #tpu.memory_space<vmem>> -> memref<1x128xi32, #tpu.memory_space<vmem>>
      %dma_wait3A_583 = tpu.memref_squeeze %dma_wait3A_582 : memref<1x128xi32, #tpu.memory_space<vmem>> -> memref<128xi32, #tpu.memory_space<vmem>>
      %dma_wait3A_584 = arith.constant 0 : i32
      %dma_wait3A_585 = arith.constant 0 : i32
      %dma_wait3A_586 = tpu.memref_slice %arg2[%dma_wait3A_584, %dma_wait3A_585] : memref<10240x16xf32, #tpu.memory_space<hbm>> -> memref<10240x16xf32, #tpu.memory_space<hbm>>
      tpu.wait_indirect_dma semaphore(%arg13 : memref<!tpu.dma_semaphore, #tpu.memory_space<semaphore_mem>>) src(%dma_wait3A_586 : memref<10240x16xf32, #tpu.memory_space<hbm>>) dst(%dma_wait3A_580 : memref<128x16xf32, #tpu.memory_space<vmem>>)
      %mul3A_587 = arith.constant 2 : i32
      %mul3A_588 = arith.muli %add3A_554, %mul3A_587 : i32
      %add3A_589 = arith.constant 0 : i32
      %add3A_590 = arith.addi %mul3A_588, %add3A_589 : i32
      %dma_start3A_591 = arith.constant 4 : i32
      %dma_start3A_592 = arith.constant 0 : i32
      %dma_start3A_593 = arith.constant 0 : i32
      %dma_start3A_594 = arith.constant 0 : i32
      %dma_start3A_595 = tpu.memref_slice %arg8[%dma_start3A_591, %dma_start3A_592, %dma_start3A_593, %dma_start3A_594] : memref<8x2x128x16xf32, #tpu.memory_space<vmem>> -> memref<1x1x128x16xf32, #tpu.memory_space<vmem>>
      %dma_start3A_596 = tpu.memref_squeeze %dma_start3A_595 : memref<1x1x128x16xf32, #tpu.memory_space<vmem>> -> memref<128x16xf32, #tpu.memory_space<vmem>>
      %dma_start3A_597 = arith.constant 0 : i32
      %dma_start3A_598 = tpu.memref_slice %arg7[%add3A_590, %dma_start3A_597] : memref<80x128xi32, #tpu.memory_space<vmem>> -> memref<1x128xi32, #tpu.memory_space<vmem>>
      %dma_start3A_599 = tpu.memref_squeeze %dma_start3A_598 : memref<1x128xi32, #tpu.memory_space<vmem>> -> memref<128xi32, #tpu.memory_space<vmem>>
      %dma_start3A_600 = arith.constant 0 : i32
      %dma_start3A_601 = arith.constant 0 : i32
      %dma_start3A_602 = tpu.memref_slice %arg5[%dma_start3A_600, %dma_start3A_601] : memref<10240x16xf32, #tpu.memory_space<vmem_shared>> -> memref<10240x16xf32, #tpu.memory_space<vmem_shared>>
      tpu.enqueue_indirect_dma source(%dma_start3A_596 : memref<128x16xf32, #tpu.memory_space<vmem>>) target(%dma_start3A_602 : memref<10240x16xf32, #tpu.memory_space<vmem_shared>>) offsets(%dma_start3A_599 : memref<128xi32, #tpu.memory_space<vmem>>) semaphore(%arg21 : memref<!tpu.dma_semaphore, #tpu.memory_space<semaphore_mem>>) {add = true}
      %mul3A_603 = arith.constant 2 : i32
      %mul3A_604 = arith.muli %add3A_554, %mul3A_603 : i32
      %add3A_605 = arith.constant 1 : i32
      %add3A_606 = arith.addi %mul3A_604, %add3A_605 : i32
      %dma_start3A_607 = arith.constant 4 : i32
      %dma_start3A_608 = arith.constant 1 : i32
      %dma_start3A_609 = arith.constant 0 : i32
      %dma_start3A_610 = arith.constant 0 : i32
      %dma_start3A_611 = tpu.memref_slice %arg8[%dma_start3A_607, %dma_start3A_608, %dma_start3A_609, %dma_start3A_610] : memref<8x2x128x16xf32, #tpu.memory_space<vmem>> -> memref<1x1x128x16xf32, #tpu.memory_space<vmem>>
      %dma_start3A_612 = tpu.memref_squeeze %dma_start3A_611 : memref<1x1x128x16xf32, #tpu.memory_space<vmem>> -> memref<128x16xf32, #tpu.memory_space<vmem>>
      %dma_start3A_613 = arith.constant 0 : i32
      %dma_start3A_614 = tpu.memref_slice %arg7[%add3A_606, %dma_start3A_613] : memref<80x128xi32, #tpu.memory_space<vmem>> -> memref<1x128xi32, #tpu.memory_space<vmem>>
      %dma_start3A_615 = tpu.memref_squeeze %dma_start3A_614 : memref<1x128xi32, #tpu.memory_space<vmem>> -> memref<128xi32, #tpu.memory_space<vmem>>
      %dma_start3A_616 = arith.constant 0 : i32
      %dma_start3A_617 = arith.constant 0 : i32
      %dma_start3A_618 = tpu.memref_slice %arg5[%dma_start3A_616, %dma_start3A_617] : memref<10240x16xf32, #tpu.memory_space<vmem_shared>> -> memref<10240x16xf32, #tpu.memory_space<vmem_shared>>
      tpu.enqueue_indirect_dma source(%dma_start3A_612 : memref<128x16xf32, #tpu.memory_space<vmem>>) target(%dma_start3A_618 : memref<10240x16xf32, #tpu.memory_space<vmem_shared>>) offsets(%dma_start3A_615 : memref<128xi32, #tpu.memory_space<vmem>>) semaphore(%arg21 : memref<!tpu.dma_semaphore, #tpu.memory_space<semaphore_mem>>) {add = true}
      %ge3A_619 = arith.constant 4 : i32
      %ge3A_620 = arith.cmpi sge, %add3A_554, %ge3A_619 : i32
      %convert_element_type3A_621 = arith.extui %ge3A_620 : i1 to i32
      %cond3A_622 = arith.constant 0 : i32
      %cond3A_623 = arith.cmpi ne, %convert_element_type3A_621, %cond3A_622 : i32
      scf.if %cond3A_623 {
        %sub3A = arith.constant 4 : i32
        %sub3A_865 = arith.subi %add3A_554, %sub3A : i32
        %mul3A_866 = arith.constant 2 : i32
        %mul3A_867 = arith.muli %sub3A_865, %mul3A_866 : i32
        %add3A_868 = arith.constant 0 : i32
        %add3A_869 = arith.addi %mul3A_867, %add3A_868 : i32
        %dma_wait3A_870 = arith.constant 0 : i32
        %dma_wait3A_871 = arith.constant 0 : i32
        %dma_wait3A_872 = arith.constant 0 : i32
        %dma_wait3A_873 = arith.constant 0 : i32
        %dma_wait3A_874 = tpu.memref_slice %arg8[%dma_wait3A_870, %dma_wait3A_871, %dma_wait3A_872, %dma_wait3A_873] : memref<8x2x128x16xf32, #tpu.memory_space<vmem>> -> memref<1x1x128x16xf32, #tpu.memory_space<vmem>>
        %dma_wait3A_875 = tpu.memref_squeeze %dma_wait3A_874 : memref<1x1x128x16xf32, #tpu.memory_space<vmem>> -> memref<128x16xf32, #tpu.memory_space<vmem>>
        %dma_wait3A_876 = arith.constant 0 : i32
        %dma_wait3A_877 = tpu.memref_slice %arg7[%add3A_869, %dma_wait3A_876] : memref<80x128xi32, #tpu.memory_space<vmem>> -> memref<1x128xi32, #tpu.memory_space<vmem>>
        %dma_wait3A_878 = tpu.memref_squeeze %dma_wait3A_877 : memref<1x128xi32, #tpu.memory_space<vmem>> -> memref<128xi32, #tpu.memory_space<vmem>>
        %dma_wait3A_879 = arith.constant 0 : i32
        %dma_wait3A_880 = arith.constant 0 : i32
        %dma_wait3A_881 = tpu.memref_slice %arg5[%dma_wait3A_879, %dma_wait3A_880] : memref<10240x16xf32, #tpu.memory_space<vmem_shared>> -> memref<10240x16xf32, #tpu.memory_space<vmem_shared>>
        tpu.wait_indirect_dma semaphore(%arg17 : memref<!tpu.dma_semaphore, #tpu.memory_space<semaphore_mem>>) src(%dma_wait3A_875 : memref<128x16xf32, #tpu.memory_space<vmem>>) dst(%dma_wait3A_881 : memref<10240x16xf32, #tpu.memory_space<vmem_shared>>)
        %mul3A_882 = arith.constant 2 : i32
        %mul3A_883 = arith.muli %sub3A_865, %mul3A_882 : i32
        %add3A_884 = arith.constant 1 : i32
        %add3A_885 = arith.addi %mul3A_883, %add3A_884 : i32
        %dma_wait3A_886 = arith.constant 0 : i32
        %dma_wait3A_887 = arith.constant 1 : i32
        %dma_wait3A_888 = arith.constant 0 : i32
        %dma_wait3A_889 = arith.constant 0 : i32
        %dma_wait3A_890 = tpu.memref_slice %arg8[%dma_wait3A_886, %dma_wait3A_887, %dma_wait3A_888, %dma_wait3A_889] : memref<8x2x128x16xf32, #tpu.memory_space<vmem>> -> memref<1x1x128x16xf32, #tpu.memory_space<vmem>>
        %dma_wait3A_891 = tpu.memref_squeeze %dma_wait3A_890 : memref<1x1x128x16xf32, #tpu.memory_space<vmem>> -> memref<128x16xf32, #tpu.memory_space<vmem>>
        %dma_wait3A_892 = arith.constant 0 : i32
        %dma_wait3A_893 = tpu.memref_slice %arg7[%add3A_885, %dma_wait3A_892] : memref<80x128xi32, #tpu.memory_space<vmem>> -> memref<1x128xi32, #tpu.memory_space<vmem>>
        %dma_wait3A_894 = tpu.memref_squeeze %dma_wait3A_893 : memref<1x128xi32, #tpu.memory_space<vmem>> -> memref<128xi32, #tpu.memory_space<vmem>>
        %dma_wait3A_895 = arith.constant 0 : i32
        %dma_wait3A_896 = arith.constant 0 : i32
        %dma_wait3A_897 = tpu.memref_slice %arg5[%dma_wait3A_895, %dma_wait3A_896] : memref<10240x16xf32, #tpu.memory_space<vmem_shared>> -> memref<10240x16xf32, #tpu.memory_space<vmem_shared>>
        tpu.wait_indirect_dma semaphore(%arg17 : memref<!tpu.dma_semaphore, #tpu.memory_space<semaphore_mem>>) src(%dma_wait3A_891 : memref<128x16xf32, #tpu.memory_space<vmem>>) dst(%dma_wait3A_897 : memref<10240x16xf32, #tpu.memory_space<vmem_shared>>)
      } else {
      }
      %add3A_624 = arith.constant 4 : i32
      %add3A_625 = arith.addi %add3A_554, %add3A_624 : i32
      %lt3A_626 = arith.constant 40 : i32
      %lt3A_627 = arith.cmpi slt, %add3A_625, %lt3A_626 : i32
      %convert_element_type3A_628 = arith.extui %lt3A_627 : i1 to i32
      %cond3A_629 = arith.constant 0 : i32
      %cond3A_630 = arith.cmpi ne, %convert_element_type3A_628, %cond3A_629 : i32
      scf.if %cond3A_630 {
        %add3A_865 = arith.constant 4 : i32
        %add3A_866 = arith.addi %add3A_554, %add3A_865 : i32
        %mul3A_867 = arith.constant 2 : i32
        %mul3A_868 = arith.muli %add3A_866, %mul3A_867 : i32
        %add3A_869 = arith.constant 0 : i32
        %add3A_870 = arith.addi %mul3A_868, %add3A_869 : i32
        %dma_start3A_871 = arith.constant 0 : i32
        %dma_start3A_872 = arith.constant 0 : i32
        %dma_start3A_873 = arith.constant 0 : i32
        %dma_start3A_874 = arith.constant 0 : i32
        %dma_start3A_875 = tpu.memref_slice %arg8[%dma_start3A_871, %dma_start3A_872, %dma_start3A_873, %dma_start3A_874] : memref<8x2x128x16xf32, #tpu.memory_space<vmem>> -> memref<1x1x128x16xf32, #tpu.memory_space<vmem>>
        %dma_start3A_876 = tpu.memref_squeeze %dma_start3A_875 : memref<1x1x128x16xf32, #tpu.memory_space<vmem>> -> memref<128x16xf32, #tpu.memory_space<vmem>>
        %dma_start3A_877 = arith.constant 0 : i32
        %dma_start3A_878 = tpu.memref_slice %arg6[%add3A_870, %dma_start3A_877] : memref<80x128xi32, #tpu.memory_space<vmem>> -> memref<1x128xi32, #tpu.memory_space<vmem>>
        %dma_start3A_879 = tpu.memref_squeeze %dma_start3A_878 : memref<1x128xi32, #tpu.memory_space<vmem>> -> memref<128xi32, #tpu.memory_space<vmem>>
        %dma_start3A_880 = arith.constant 0 : i32
        %dma_start3A_881 = arith.constant 0 : i32
        %dma_start3A_882 = tpu.memref_slice %arg2[%dma_start3A_880, %dma_start3A_881] : memref<10240x16xf32, #tpu.memory_space<hbm>> -> memref<10240x16xf32, #tpu.memory_space<hbm>>
        tpu.enqueue_indirect_dma source(%dma_start3A_882 : memref<10240x16xf32, #tpu.memory_space<hbm>>) target(%dma_start3A_876 : memref<128x16xf32, #tpu.memory_space<vmem>>) offsets(%dma_start3A_879 : memref<128xi32, #tpu.memory_space<vmem>>) semaphore(%arg9 : memref<!tpu.dma_semaphore, #tpu.memory_space<semaphore_mem>>)
        %mul3A_883 = arith.constant 2 : i32
        %mul3A_884 = arith.muli %add3A_866, %mul3A_883 : i32
        %add3A_885 = arith.constant 1 : i32
        %add3A_886 = arith.addi %mul3A_884, %add3A_885 : i32
        %dma_start3A_887 = arith.constant 0 : i32
        %dma_start3A_888 = arith.constant 1 : i32
        %dma_start3A_889 = arith.constant 0 : i32
        %dma_start3A_890 = arith.constant 0 : i32
        %dma_start3A_891 = tpu.memref_slice %arg8[%dma_start3A_887, %dma_start3A_888, %dma_start3A_889, %dma_start3A_890] : memref<8x2x128x16xf32, #tpu.memory_space<vmem>> -> memref<1x1x128x16xf32, #tpu.memory_space<vmem>>
        %dma_start3A_892 = tpu.memref_squeeze %dma_start3A_891 : memref<1x1x128x16xf32, #tpu.memory_space<vmem>> -> memref<128x16xf32, #tpu.memory_space<vmem>>
        %dma_start3A_893 = arith.constant 0 : i32
        %dma_start3A_894 = tpu.memref_slice %arg6[%add3A_886, %dma_start3A_893] : memref<80x128xi32, #tpu.memory_space<vmem>> -> memref<1x128xi32, #tpu.memory_space<vmem>>
        %dma_start3A_895 = tpu.memref_squeeze %dma_start3A_894 : memref<1x128xi32, #tpu.memory_space<vmem>> -> memref<128xi32, #tpu.memory_space<vmem>>
        %dma_start3A_896 = arith.constant 0 : i32
        %dma_start3A_897 = arith.constant 0 : i32
        %dma_start3A_898 = tpu.memref_slice %arg2[%dma_start3A_896, %dma_start3A_897] : memref<10240x16xf32, #tpu.memory_space<hbm>> -> memref<10240x16xf32, #tpu.memory_space<hbm>>
        tpu.enqueue_indirect_dma source(%dma_start3A_898 : memref<10240x16xf32, #tpu.memory_space<hbm>>) target(%dma_start3A_892 : memref<128x16xf32, #tpu.memory_space<vmem>>) offsets(%dma_start3A_895 : memref<128xi32, #tpu.memory_space<vmem>>) semaphore(%arg9 : memref<!tpu.dma_semaphore, #tpu.memory_space<semaphore_mem>>)
      } else {
      }
      %add3A_631 = arith.constant 5 : i32
      %add3A_632 = arith.addi %mul3A_244, %add3A_631 : i32
      %mul3A_633 = arith.constant 2 : i32
      %mul3A_634 = arith.muli %add3A_632, %mul3A_633 : i32
      %add3A_635 = arith.constant 0 : i32
      %add3A_636 = arith.addi %mul3A_634, %add3A_635 : i32
      %dma_wait3A_637 = arith.constant 5 : i32
      %dma_wait3A_638 = arith.constant 0 : i32
      %dma_wait3A_639 = arith.constant 0 : i32
      %dma_wait3A_640 = arith.constant 0 : i32
      %dma_wait3A_641 = tpu.memref_slice %arg8[%dma_wait3A_637, %dma_wait3A_638, %dma_wait3A_639, %dma_wait3A_640] : memref<8x2x128x16xf32, #tpu.memory_space<vmem>> -> memref<1x1x128x16xf32, #tpu.memory_space<vmem>>
      %dma_wait3A_642 = tpu.memref_squeeze %dma_wait3A_641 : memref<1x1x128x16xf32, #tpu.memory_space<vmem>> -> memref<128x16xf32, #tpu.memory_space<vmem>>
      %dma_wait3A_643 = arith.constant 0 : i32
      %dma_wait3A_644 = tpu.memref_slice %arg6[%add3A_636, %dma_wait3A_643] : memref<80x128xi32, #tpu.memory_space<vmem>> -> memref<1x128xi32, #tpu.memory_space<vmem>>
      %dma_wait3A_645 = tpu.memref_squeeze %dma_wait3A_644 : memref<1x128xi32, #tpu.memory_space<vmem>> -> memref<128xi32, #tpu.memory_space<vmem>>
      %dma_wait3A_646 = arith.constant 0 : i32
      %dma_wait3A_647 = arith.constant 0 : i32
      %dma_wait3A_648 = tpu.memref_slice %arg2[%dma_wait3A_646, %dma_wait3A_647] : memref<10240x16xf32, #tpu.memory_space<hbm>> -> memref<10240x16xf32, #tpu.memory_space<hbm>>
      tpu.wait_indirect_dma semaphore(%arg14 : memref<!tpu.dma_semaphore, #tpu.memory_space<semaphore_mem>>) src(%dma_wait3A_648 : memref<10240x16xf32, #tpu.memory_space<hbm>>) dst(%dma_wait3A_642 : memref<128x16xf32, #tpu.memory_space<vmem>>)
      %mul3A_649 = arith.constant 2 : i32
      %mul3A_650 = arith.muli %add3A_632, %mul3A_649 : i32
      %add3A_651 = arith.constant 1 : i32
      %add3A_652 = arith.addi %mul3A_650, %add3A_651 : i32
      %dma_wait3A_653 = arith.constant 5 : i32
      %dma_wait3A_654 = arith.constant 1 : i32
      %dma_wait3A_655 = arith.constant 0 : i32
      %dma_wait3A_656 = arith.constant 0 : i32
      %dma_wait3A_657 = tpu.memref_slice %arg8[%dma_wait3A_653, %dma_wait3A_654, %dma_wait3A_655, %dma_wait3A_656] : memref<8x2x128x16xf32, #tpu.memory_space<vmem>> -> memref<1x1x128x16xf32, #tpu.memory_space<vmem>>
      %dma_wait3A_658 = tpu.memref_squeeze %dma_wait3A_657 : memref<1x1x128x16xf32, #tpu.memory_space<vmem>> -> memref<128x16xf32, #tpu.memory_space<vmem>>
      %dma_wait3A_659 = arith.constant 0 : i32
      %dma_wait3A_660 = tpu.memref_slice %arg6[%add3A_652, %dma_wait3A_659] : memref<80x128xi32, #tpu.memory_space<vmem>> -> memref<1x128xi32, #tpu.memory_space<vmem>>
      %dma_wait3A_661 = tpu.memref_squeeze %dma_wait3A_660 : memref<1x128xi32, #tpu.memory_space<vmem>> -> memref<128xi32, #tpu.memory_space<vmem>>
      %dma_wait3A_662 = arith.constant 0 : i32
      %dma_wait3A_663 = arith.constant 0 : i32
      %dma_wait3A_664 = tpu.memref_slice %arg2[%dma_wait3A_662, %dma_wait3A_663] : memref<10240x16xf32, #tpu.memory_space<hbm>> -> memref<10240x16xf32, #tpu.memory_space<hbm>>
      tpu.wait_indirect_dma semaphore(%arg14 : memref<!tpu.dma_semaphore, #tpu.memory_space<semaphore_mem>>) src(%dma_wait3A_664 : memref<10240x16xf32, #tpu.memory_space<hbm>>) dst(%dma_wait3A_658 : memref<128x16xf32, #tpu.memory_space<vmem>>)
      %mul3A_665 = arith.constant 2 : i32
      %mul3A_666 = arith.muli %add3A_632, %mul3A_665 : i32
      %add3A_667 = arith.constant 0 : i32
      %add3A_668 = arith.addi %mul3A_666, %add3A_667 : i32
      %dma_start3A_669 = arith.constant 5 : i32
      %dma_start3A_670 = arith.constant 0 : i32
      %dma_start3A_671 = arith.constant 0 : i32
      %dma_start3A_672 = arith.constant 0 : i32
      %dma_start3A_673 = tpu.memref_slice %arg8[%dma_start3A_669, %dma_start3A_670, %dma_start3A_671, %dma_start3A_672] : memref<8x2x128x16xf32, #tpu.memory_space<vmem>> -> memref<1x1x128x16xf32, #tpu.memory_space<vmem>>
      %dma_start3A_674 = tpu.memref_squeeze %dma_start3A_673 : memref<1x1x128x16xf32, #tpu.memory_space<vmem>> -> memref<128x16xf32, #tpu.memory_space<vmem>>
      %dma_start3A_675 = arith.constant 0 : i32
      %dma_start3A_676 = tpu.memref_slice %arg7[%add3A_668, %dma_start3A_675] : memref<80x128xi32, #tpu.memory_space<vmem>> -> memref<1x128xi32, #tpu.memory_space<vmem>>
      %dma_start3A_677 = tpu.memref_squeeze %dma_start3A_676 : memref<1x128xi32, #tpu.memory_space<vmem>> -> memref<128xi32, #tpu.memory_space<vmem>>
      %dma_start3A_678 = arith.constant 0 : i32
      %dma_start3A_679 = arith.constant 0 : i32
      %dma_start3A_680 = tpu.memref_slice %arg5[%dma_start3A_678, %dma_start3A_679] : memref<10240x16xf32, #tpu.memory_space<vmem_shared>> -> memref<10240x16xf32, #tpu.memory_space<vmem_shared>>
      tpu.enqueue_indirect_dma source(%dma_start3A_674 : memref<128x16xf32, #tpu.memory_space<vmem>>) target(%dma_start3A_680 : memref<10240x16xf32, #tpu.memory_space<vmem_shared>>) offsets(%dma_start3A_677 : memref<128xi32, #tpu.memory_space<vmem>>) semaphore(%arg22 : memref<!tpu.dma_semaphore, #tpu.memory_space<semaphore_mem>>) {add = true}
      %mul3A_681 = arith.constant 2 : i32
      %mul3A_682 = arith.muli %add3A_632, %mul3A_681 : i32
      %add3A_683 = arith.constant 1 : i32
      %add3A_684 = arith.addi %mul3A_682, %add3A_683 : i32
      %dma_start3A_685 = arith.constant 5 : i32
      %dma_start3A_686 = arith.constant 1 : i32
      %dma_start3A_687 = arith.constant 0 : i32
      %dma_start3A_688 = arith.constant 0 : i32
      %dma_start3A_689 = tpu.memref_slice %arg8[%dma_start3A_685, %dma_start3A_686, %dma_start3A_687, %dma_start3A_688] : memref<8x2x128x16xf32, #tpu.memory_space<vmem>> -> memref<1x1x128x16xf32, #tpu.memory_space<vmem>>
      %dma_start3A_690 = tpu.memref_squeeze %dma_start3A_689 : memref<1x1x128x16xf32, #tpu.memory_space<vmem>> -> memref<128x16xf32, #tpu.memory_space<vmem>>
      %dma_start3A_691 = arith.constant 0 : i32
      %dma_start3A_692 = tpu.memref_slice %arg7[%add3A_684, %dma_start3A_691] : memref<80x128xi32, #tpu.memory_space<vmem>> -> memref<1x128xi32, #tpu.memory_space<vmem>>
      %dma_start3A_693 = tpu.memref_squeeze %dma_start3A_692 : memref<1x128xi32, #tpu.memory_space<vmem>> -> memref<128xi32, #tpu.memory_space<vmem>>
      %dma_start3A_694 = arith.constant 0 : i32
      %dma_start3A_695 = arith.constant 0 : i32
      %dma_start3A_696 = tpu.memref_slice %arg5[%dma_start3A_694, %dma_start3A_695] : memref<10240x16xf32, #tpu.memory_space<vmem_shared>> -> memref<10240x16xf32, #tpu.memory_space<vmem_shared>>
      tpu.enqueue_indirect_dma source(%dma_start3A_690 : memref<128x16xf32, #tpu.memory_space<vmem>>) target(%dma_start3A_696 : memref<10240x16xf32, #tpu.memory_space<vmem_shared>>) offsets(%dma_start3A_693 : memref<128xi32, #tpu.memory_space<vmem>>) semaphore(%arg22 : memref<!tpu.dma_semaphore, #tpu.memory_space<semaphore_mem>>) {add = true}
      %ge3A_697 = arith.constant 4 : i32
      %ge3A_698 = arith.cmpi sge, %add3A_632, %ge3A_697 : i32
      %convert_element_type3A_699 = arith.extui %ge3A_698 : i1 to i32
      %cond3A_700 = arith.constant 0 : i32
      %cond3A_701 = arith.cmpi ne, %convert_element_type3A_699, %cond3A_700 : i32
      scf.if %cond3A_701 {
        %sub3A = arith.constant 4 : i32
        %sub3A_865 = arith.subi %add3A_632, %sub3A : i32
        %mul3A_866 = arith.constant 2 : i32
        %mul3A_867 = arith.muli %sub3A_865, %mul3A_866 : i32
        %add3A_868 = arith.constant 0 : i32
        %add3A_869 = arith.addi %mul3A_867, %add3A_868 : i32
        %dma_wait3A_870 = arith.constant 1 : i32
        %dma_wait3A_871 = arith.constant 0 : i32
        %dma_wait3A_872 = arith.constant 0 : i32
        %dma_wait3A_873 = arith.constant 0 : i32
        %dma_wait3A_874 = tpu.memref_slice %arg8[%dma_wait3A_870, %dma_wait3A_871, %dma_wait3A_872, %dma_wait3A_873] : memref<8x2x128x16xf32, #tpu.memory_space<vmem>> -> memref<1x1x128x16xf32, #tpu.memory_space<vmem>>
        %dma_wait3A_875 = tpu.memref_squeeze %dma_wait3A_874 : memref<1x1x128x16xf32, #tpu.memory_space<vmem>> -> memref<128x16xf32, #tpu.memory_space<vmem>>
        %dma_wait3A_876 = arith.constant 0 : i32
        %dma_wait3A_877 = tpu.memref_slice %arg7[%add3A_869, %dma_wait3A_876] : memref<80x128xi32, #tpu.memory_space<vmem>> -> memref<1x128xi32, #tpu.memory_space<vmem>>
        %dma_wait3A_878 = tpu.memref_squeeze %dma_wait3A_877 : memref<1x128xi32, #tpu.memory_space<vmem>> -> memref<128xi32, #tpu.memory_space<vmem>>
        %dma_wait3A_879 = arith.constant 0 : i32
        %dma_wait3A_880 = arith.constant 0 : i32
        %dma_wait3A_881 = tpu.memref_slice %arg5[%dma_wait3A_879, %dma_wait3A_880] : memref<10240x16xf32, #tpu.memory_space<vmem_shared>> -> memref<10240x16xf32, #tpu.memory_space<vmem_shared>>
        tpu.wait_indirect_dma semaphore(%arg18 : memref<!tpu.dma_semaphore, #tpu.memory_space<semaphore_mem>>) src(%dma_wait3A_875 : memref<128x16xf32, #tpu.memory_space<vmem>>) dst(%dma_wait3A_881 : memref<10240x16xf32, #tpu.memory_space<vmem_shared>>)
        %mul3A_882 = arith.constant 2 : i32
        %mul3A_883 = arith.muli %sub3A_865, %mul3A_882 : i32
        %add3A_884 = arith.constant 1 : i32
        %add3A_885 = arith.addi %mul3A_883, %add3A_884 : i32
        %dma_wait3A_886 = arith.constant 1 : i32
        %dma_wait3A_887 = arith.constant 1 : i32
        %dma_wait3A_888 = arith.constant 0 : i32
        %dma_wait3A_889 = arith.constant 0 : i32
        %dma_wait3A_890 = tpu.memref_slice %arg8[%dma_wait3A_886, %dma_wait3A_887, %dma_wait3A_888, %dma_wait3A_889] : memref<8x2x128x16xf32, #tpu.memory_space<vmem>> -> memref<1x1x128x16xf32, #tpu.memory_space<vmem>>
        %dma_wait3A_891 = tpu.memref_squeeze %dma_wait3A_890 : memref<1x1x128x16xf32, #tpu.memory_space<vmem>> -> memref<128x16xf32, #tpu.memory_space<vmem>>
        %dma_wait3A_892 = arith.constant 0 : i32
        %dma_wait3A_893 = tpu.memref_slice %arg7[%add3A_885, %dma_wait3A_892] : memref<80x128xi32, #tpu.memory_space<vmem>> -> memref<1x128xi32, #tpu.memory_space<vmem>>
        %dma_wait3A_894 = tpu.memref_squeeze %dma_wait3A_893 : memref<1x128xi32, #tpu.memory_space<vmem>> -> memref<128xi32, #tpu.memory_space<vmem>>
        %dma_wait3A_895 = arith.constant 0 : i32
        %dma_wait3A_896 = arith.constant 0 : i32
        %dma_wait3A_897 = tpu.memref_slice %arg5[%dma_wait3A_895, %dma_wait3A_896] : memref<10240x16xf32, #tpu.memory_space<vmem_shared>> -> memref<10240x16xf32, #tpu.memory_space<vmem_shared>>
        tpu.wait_indirect_dma semaphore(%arg18 : memref<!tpu.dma_semaphore, #tpu.memory_space<semaphore_mem>>) src(%dma_wait3A_891 : memref<128x16xf32, #tpu.memory_space<vmem>>) dst(%dma_wait3A_897 : memref<10240x16xf32, #tpu.memory_space<vmem_shared>>)
      } else {
      }
      %add3A_702 = arith.constant 4 : i32
      %add3A_703 = arith.addi %add3A_632, %add3A_702 : i32
      %lt3A_704 = arith.constant 40 : i32
      %lt3A_705 = arith.cmpi slt, %add3A_703, %lt3A_704 : i32
      %convert_element_type3A_706 = arith.extui %lt3A_705 : i1 to i32
      %cond3A_707 = arith.constant 0 : i32
      %cond3A_708 = arith.cmpi ne, %convert_element_type3A_706, %cond3A_707 : i32
      scf.if %cond3A_708 {
        %add3A_865 = arith.constant 4 : i32
        %add3A_866 = arith.addi %add3A_632, %add3A_865 : i32
        %mul3A_867 = arith.constant 2 : i32
        %mul3A_868 = arith.muli %add3A_866, %mul3A_867 : i32
        %add3A_869 = arith.constant 0 : i32
        %add3A_870 = arith.addi %mul3A_868, %add3A_869 : i32
        %dma_start3A_871 = arith.constant 1 : i32
        %dma_start3A_872 = arith.constant 0 : i32
        %dma_start3A_873 = arith.constant 0 : i32
        %dma_start3A_874 = arith.constant 0 : i32
        %dma_start3A_875 = tpu.memref_slice %arg8[%dma_start3A_871, %dma_start3A_872, %dma_start3A_873, %dma_start3A_874] : memref<8x2x128x16xf32, #tpu.memory_space<vmem>> -> memref<1x1x128x16xf32, #tpu.memory_space<vmem>>
        %dma_start3A_876 = tpu.memref_squeeze %dma_start3A_875 : memref<1x1x128x16xf32, #tpu.memory_space<vmem>> -> memref<128x16xf32, #tpu.memory_space<vmem>>
        %dma_start3A_877 = arith.constant 0 : i32
        %dma_start3A_878 = tpu.memref_slice %arg6[%add3A_870, %dma_start3A_877] : memref<80x128xi32, #tpu.memory_space<vmem>> -> memref<1x128xi32, #tpu.memory_space<vmem>>
        %dma_start3A_879 = tpu.memref_squeeze %dma_start3A_878 : memref<1x128xi32, #tpu.memory_space<vmem>> -> memref<128xi32, #tpu.memory_space<vmem>>
        %dma_start3A_880 = arith.constant 0 : i32
        %dma_start3A_881 = arith.constant 0 : i32
        %dma_start3A_882 = tpu.memref_slice %arg2[%dma_start3A_880, %dma_start3A_881] : memref<10240x16xf32, #tpu.memory_space<hbm>> -> memref<10240x16xf32, #tpu.memory_space<hbm>>
        tpu.enqueue_indirect_dma source(%dma_start3A_882 : memref<10240x16xf32, #tpu.memory_space<hbm>>) target(%dma_start3A_876 : memref<128x16xf32, #tpu.memory_space<vmem>>) offsets(%dma_start3A_879 : memref<128xi32, #tpu.memory_space<vmem>>) semaphore(%arg10 : memref<!tpu.dma_semaphore, #tpu.memory_space<semaphore_mem>>)
        %mul3A_883 = arith.constant 2 : i32
        %mul3A_884 = arith.muli %add3A_866, %mul3A_883 : i32
        %add3A_885 = arith.constant 1 : i32
        %add3A_886 = arith.addi %mul3A_884, %add3A_885 : i32
        %dma_start3A_887 = arith.constant 1 : i32
        %dma_start3A_888 = arith.constant 1 : i32
        %dma_start3A_889 = arith.constant 0 : i32
        %dma_start3A_890 = arith.constant 0 : i32
        %dma_start3A_891 = tpu.memref_slice %arg8[%dma_start3A_887, %dma_start3A_888, %dma_start3A_889, %dma_start3A_890] : memref<8x2x128x16xf32, #tpu.memory_space<vmem>> -> memref<1x1x128x16xf32, #tpu.memory_space<vmem>>
        %dma_start3A_892 = tpu.memref_squeeze %dma_start3A_891 : memref<1x1x128x16xf32, #tpu.memory_space<vmem>> -> memref<128x16xf32, #tpu.memory_space<vmem>>
        %dma_start3A_893 = arith.constant 0 : i32
        %dma_start3A_894 = tpu.memref_slice %arg6[%add3A_886, %dma_start3A_893] : memref<80x128xi32, #tpu.memory_space<vmem>> -> memref<1x128xi32, #tpu.memory_space<vmem>>
        %dma_start3A_895 = tpu.memref_squeeze %dma_start3A_894 : memref<1x128xi32, #tpu.memory_space<vmem>> -> memref<128xi32, #tpu.memory_space<vmem>>
        %dma_start3A_896 = arith.constant 0 : i32
        %dma_start3A_897 = arith.constant 0 : i32
        %dma_start3A_898 = tpu.memref_slice %arg2[%dma_start3A_896, %dma_start3A_897] : memref<10240x16xf32, #tpu.memory_space<hbm>> -> memref<10240x16xf32, #tpu.memory_space<hbm>>
        tpu.enqueue_indirect_dma source(%dma_start3A_898 : memref<10240x16xf32, #tpu.memory_space<hbm>>) target(%dma_start3A_892 : memref<128x16xf32, #tpu.memory_space<vmem>>) offsets(%dma_start3A_895 : memref<128xi32, #tpu.memory_space<vmem>>) semaphore(%arg10 : memref<!tpu.dma_semaphore, #tpu.memory_space<semaphore_mem>>)
      } else {
      }
      %add3A_709 = arith.constant 6 : i32
      %add3A_710 = arith.addi %mul3A_244, %add3A_709 : i32
      %mul3A_711 = arith.constant 2 : i32
      %mul3A_712 = arith.muli %add3A_710, %mul3A_711 : i32
      %add3A_713 = arith.constant 0 : i32
      %add3A_714 = arith.addi %mul3A_712, %add3A_713 : i32
      %dma_wait3A_715 = arith.constant 6 : i32
      %dma_wait3A_716 = arith.constant 0 : i32
      %dma_wait3A_717 = arith.constant 0 : i32
      %dma_wait3A_718 = arith.constant 0 : i32
      %dma_wait3A_719 = tpu.memref_slice %arg8[%dma_wait3A_715, %dma_wait3A_716, %dma_wait3A_717, %dma_wait3A_718] : memref<8x2x128x16xf32, #tpu.memory_space<vmem>> -> memref<1x1x128x16xf32, #tpu.memory_space<vmem>>
      %dma_wait3A_720 = tpu.memref_squeeze %dma_wait3A_719 : memref<1x1x128x16xf32, #tpu.memory_space<vmem>> -> memref<128x16xf32, #tpu.memory_space<vmem>>
      %dma_wait3A_721 = arith.constant 0 : i32
      %dma_wait3A_722 = tpu.memref_slice %arg6[%add3A_714, %dma_wait3A_721] : memref<80x128xi32, #tpu.memory_space<vmem>> -> memref<1x128xi32, #tpu.memory_space<vmem>>
      %dma_wait3A_723 = tpu.memref_squeeze %dma_wait3A_722 : memref<1x128xi32, #tpu.memory_space<vmem>> -> memref<128xi32, #tpu.memory_space<vmem>>
      %dma_wait3A_724 = arith.constant 0 : i32
      %dma_wait3A_725 = arith.constant 0 : i32
      %dma_wait3A_726 = tpu.memref_slice %arg2[%dma_wait3A_724, %dma_wait3A_725] : memref<10240x16xf32, #tpu.memory_space<hbm>> -> memref<10240x16xf32, #tpu.memory_space<hbm>>
      tpu.wait_indirect_dma semaphore(%arg15 : memref<!tpu.dma_semaphore, #tpu.memory_space<semaphore_mem>>) src(%dma_wait3A_726 : memref<10240x16xf32, #tpu.memory_space<hbm>>) dst(%dma_wait3A_720 : memref<128x16xf32, #tpu.memory_space<vmem>>)
      %mul3A_727 = arith.constant 2 : i32
      %mul3A_728 = arith.muli %add3A_710, %mul3A_727 : i32
      %add3A_729 = arith.constant 1 : i32
      %add3A_730 = arith.addi %mul3A_728, %add3A_729 : i32
      %dma_wait3A_731 = arith.constant 6 : i32
      %dma_wait3A_732 = arith.constant 1 : i32
      %dma_wait3A_733 = arith.constant 0 : i32
      %dma_wait3A_734 = arith.constant 0 : i32
      %dma_wait3A_735 = tpu.memref_slice %arg8[%dma_wait3A_731, %dma_wait3A_732, %dma_wait3A_733, %dma_wait3A_734] : memref<8x2x128x16xf32, #tpu.memory_space<vmem>> -> memref<1x1x128x16xf32, #tpu.memory_space<vmem>>
      %dma_wait3A_736 = tpu.memref_squeeze %dma_wait3A_735 : memref<1x1x128x16xf32, #tpu.memory_space<vmem>> -> memref<128x16xf32, #tpu.memory_space<vmem>>
      %dma_wait3A_737 = arith.constant 0 : i32
      %dma_wait3A_738 = tpu.memref_slice %arg6[%add3A_730, %dma_wait3A_737] : memref<80x128xi32, #tpu.memory_space<vmem>> -> memref<1x128xi32, #tpu.memory_space<vmem>>
      %dma_wait3A_739 = tpu.memref_squeeze %dma_wait3A_738 : memref<1x128xi32, #tpu.memory_space<vmem>> -> memref<128xi32, #tpu.memory_space<vmem>>
      %dma_wait3A_740 = arith.constant 0 : i32
      %dma_wait3A_741 = arith.constant 0 : i32
      %dma_wait3A_742 = tpu.memref_slice %arg2[%dma_wait3A_740, %dma_wait3A_741] : memref<10240x16xf32, #tpu.memory_space<hbm>> -> memref<10240x16xf32, #tpu.memory_space<hbm>>
      tpu.wait_indirect_dma semaphore(%arg15 : memref<!tpu.dma_semaphore, #tpu.memory_space<semaphore_mem>>) src(%dma_wait3A_742 : memref<10240x16xf32, #tpu.memory_space<hbm>>) dst(%dma_wait3A_736 : memref<128x16xf32, #tpu.memory_space<vmem>>)
      %mul3A_743 = arith.constant 2 : i32
      %mul3A_744 = arith.muli %add3A_710, %mul3A_743 : i32
      %add3A_745 = arith.constant 0 : i32
      %add3A_746 = arith.addi %mul3A_744, %add3A_745 : i32
      %dma_start3A_747 = arith.constant 6 : i32
      %dma_start3A_748 = arith.constant 0 : i32
      %dma_start3A_749 = arith.constant 0 : i32
      %dma_start3A_750 = arith.constant 0 : i32
      %dma_start3A_751 = tpu.memref_slice %arg8[%dma_start3A_747, %dma_start3A_748, %dma_start3A_749, %dma_start3A_750] : memref<8x2x128x16xf32, #tpu.memory_space<vmem>> -> memref<1x1x128x16xf32, #tpu.memory_space<vmem>>
      %dma_start3A_752 = tpu.memref_squeeze %dma_start3A_751 : memref<1x1x128x16xf32, #tpu.memory_space<vmem>> -> memref<128x16xf32, #tpu.memory_space<vmem>>
      %dma_start3A_753 = arith.constant 0 : i32
      %dma_start3A_754 = tpu.memref_slice %arg7[%add3A_746, %dma_start3A_753] : memref<80x128xi32, #tpu.memory_space<vmem>> -> memref<1x128xi32, #tpu.memory_space<vmem>>
      %dma_start3A_755 = tpu.memref_squeeze %dma_start3A_754 : memref<1x128xi32, #tpu.memory_space<vmem>> -> memref<128xi32, #tpu.memory_space<vmem>>
      %dma_start3A_756 = arith.constant 0 : i32
      %dma_start3A_757 = arith.constant 0 : i32
      %dma_start3A_758 = tpu.memref_slice %arg5[%dma_start3A_756, %dma_start3A_757] : memref<10240x16xf32, #tpu.memory_space<vmem_shared>> -> memref<10240x16xf32, #tpu.memory_space<vmem_shared>>
      tpu.enqueue_indirect_dma source(%dma_start3A_752 : memref<128x16xf32, #tpu.memory_space<vmem>>) target(%dma_start3A_758 : memref<10240x16xf32, #tpu.memory_space<vmem_shared>>) offsets(%dma_start3A_755 : memref<128xi32, #tpu.memory_space<vmem>>) semaphore(%arg23 : memref<!tpu.dma_semaphore, #tpu.memory_space<semaphore_mem>>) {add = true}
      %mul3A_759 = arith.constant 2 : i32
      %mul3A_760 = arith.muli %add3A_710, %mul3A_759 : i32
      %add3A_761 = arith.constant 1 : i32
      %add3A_762 = arith.addi %mul3A_760, %add3A_761 : i32
      %dma_start3A_763 = arith.constant 6 : i32
      %dma_start3A_764 = arith.constant 1 : i32
      %dma_start3A_765 = arith.constant 0 : i32
      %dma_start3A_766 = arith.constant 0 : i32
      %dma_start3A_767 = tpu.memref_slice %arg8[%dma_start3A_763, %dma_start3A_764, %dma_start3A_765, %dma_start3A_766] : memref<8x2x128x16xf32, #tpu.memory_space<vmem>> -> memref<1x1x128x16xf32, #tpu.memory_space<vmem>>
      %dma_start3A_768 = tpu.memref_squeeze %dma_start3A_767 : memref<1x1x128x16xf32, #tpu.memory_space<vmem>> -> memref<128x16xf32, #tpu.memory_space<vmem>>
      %dma_start3A_769 = arith.constant 0 : i32
      %dma_start3A_770 = tpu.memref_slice %arg7[%add3A_762, %dma_start3A_769] : memref<80x128xi32, #tpu.memory_space<vmem>> -> memref<1x128xi32, #tpu.memory_space<vmem>>
      %dma_start3A_771 = tpu.memref_squeeze %dma_start3A_770 : memref<1x128xi32, #tpu.memory_space<vmem>> -> memref<128xi32, #tpu.memory_space<vmem>>
      %dma_start3A_772 = arith.constant 0 : i32
      %dma_start3A_773 = arith.constant 0 : i32
      %dma_start3A_774 = tpu.memref_slice %arg5[%dma_start3A_772, %dma_start3A_773] : memref<10240x16xf32, #tpu.memory_space<vmem_shared>> -> memref<10240x16xf32, #tpu.memory_space<vmem_shared>>
      tpu.enqueue_indirect_dma source(%dma_start3A_768 : memref<128x16xf32, #tpu.memory_space<vmem>>) target(%dma_start3A_774 : memref<10240x16xf32, #tpu.memory_space<vmem_shared>>) offsets(%dma_start3A_771 : memref<128xi32, #tpu.memory_space<vmem>>) semaphore(%arg23 : memref<!tpu.dma_semaphore, #tpu.memory_space<semaphore_mem>>) {add = true}
      %ge3A_775 = arith.constant 4 : i32
      %ge3A_776 = arith.cmpi sge, %add3A_710, %ge3A_775 : i32
      %convert_element_type3A_777 = arith.extui %ge3A_776 : i1 to i32
      %cond3A_778 = arith.constant 0 : i32
      %cond3A_779 = arith.cmpi ne, %convert_element_type3A_777, %cond3A_778 : i32
      scf.if %cond3A_779 {
        %sub3A = arith.constant 4 : i32
        %sub3A_865 = arith.subi %add3A_710, %sub3A : i32
        %mul3A_866 = arith.constant 2 : i32
        %mul3A_867 = arith.muli %sub3A_865, %mul3A_866 : i32
        %add3A_868 = arith.constant 0 : i32
        %add3A_869 = arith.addi %mul3A_867, %add3A_868 : i32
        %dma_wait3A_870 = arith.constant 2 : i32
        %dma_wait3A_871 = arith.constant 0 : i32
        %dma_wait3A_872 = arith.constant 0 : i32
        %dma_wait3A_873 = arith.constant 0 : i32
        %dma_wait3A_874 = tpu.memref_slice %arg8[%dma_wait3A_870, %dma_wait3A_871, %dma_wait3A_872, %dma_wait3A_873] : memref<8x2x128x16xf32, #tpu.memory_space<vmem>> -> memref<1x1x128x16xf32, #tpu.memory_space<vmem>>
        %dma_wait3A_875 = tpu.memref_squeeze %dma_wait3A_874 : memref<1x1x128x16xf32, #tpu.memory_space<vmem>> -> memref<128x16xf32, #tpu.memory_space<vmem>>
        %dma_wait3A_876 = arith.constant 0 : i32
        %dma_wait3A_877 = tpu.memref_slice %arg7[%add3A_869, %dma_wait3A_876] : memref<80x128xi32, #tpu.memory_space<vmem>> -> memref<1x128xi32, #tpu.memory_space<vmem>>
        %dma_wait3A_878 = tpu.memref_squeeze %dma_wait3A_877 : memref<1x128xi32, #tpu.memory_space<vmem>> -> memref<128xi32, #tpu.memory_space<vmem>>
        %dma_wait3A_879 = arith.constant 0 : i32
        %dma_wait3A_880 = arith.constant 0 : i32
        %dma_wait3A_881 = tpu.memref_slice %arg5[%dma_wait3A_879, %dma_wait3A_880] : memref<10240x16xf32, #tpu.memory_space<vmem_shared>> -> memref<10240x16xf32, #tpu.memory_space<vmem_shared>>
        tpu.wait_indirect_dma semaphore(%arg19 : memref<!tpu.dma_semaphore, #tpu.memory_space<semaphore_mem>>) src(%dma_wait3A_875 : memref<128x16xf32, #tpu.memory_space<vmem>>) dst(%dma_wait3A_881 : memref<10240x16xf32, #tpu.memory_space<vmem_shared>>)
        %mul3A_882 = arith.constant 2 : i32
        %mul3A_883 = arith.muli %sub3A_865, %mul3A_882 : i32
        %add3A_884 = arith.constant 1 : i32
        %add3A_885 = arith.addi %mul3A_883, %add3A_884 : i32
        %dma_wait3A_886 = arith.constant 2 : i32
        %dma_wait3A_887 = arith.constant 1 : i32
        %dma_wait3A_888 = arith.constant 0 : i32
        %dma_wait3A_889 = arith.constant 0 : i32
        %dma_wait3A_890 = tpu.memref_slice %arg8[%dma_wait3A_886, %dma_wait3A_887, %dma_wait3A_888, %dma_wait3A_889] : memref<8x2x128x16xf32, #tpu.memory_space<vmem>> -> memref<1x1x128x16xf32, #tpu.memory_space<vmem>>
        %dma_wait3A_891 = tpu.memref_squeeze %dma_wait3A_890 : memref<1x1x128x16xf32, #tpu.memory_space<vmem>> -> memref<128x16xf32, #tpu.memory_space<vmem>>
        %dma_wait3A_892 = arith.constant 0 : i32
        %dma_wait3A_893 = tpu.memref_slice %arg7[%add3A_885, %dma_wait3A_892] : memref<80x128xi32, #tpu.memory_space<vmem>> -> memref<1x128xi32, #tpu.memory_space<vmem>>
        %dma_wait3A_894 = tpu.memref_squeeze %dma_wait3A_893 : memref<1x128xi32, #tpu.memory_space<vmem>> -> memref<128xi32, #tpu.memory_space<vmem>>
        %dma_wait3A_895 = arith.constant 0 : i32
        %dma_wait3A_896 = arith.constant 0 : i32
        %dma_wait3A_897 = tpu.memref_slice %arg5[%dma_wait3A_895, %dma_wait3A_896] : memref<10240x16xf32, #tpu.memory_space<vmem_shared>> -> memref<10240x16xf32, #tpu.memory_space<vmem_shared>>
        tpu.wait_indirect_dma semaphore(%arg19 : memref<!tpu.dma_semaphore, #tpu.memory_space<semaphore_mem>>) src(%dma_wait3A_891 : memref<128x16xf32, #tpu.memory_space<vmem>>) dst(%dma_wait3A_897 : memref<10240x16xf32, #tpu.memory_space<vmem_shared>>)
      } else {
      }
      %add3A_780 = arith.constant 4 : i32
      %add3A_781 = arith.addi %add3A_710, %add3A_780 : i32
      %lt3A_782 = arith.constant 40 : i32
      %lt3A_783 = arith.cmpi slt, %add3A_781, %lt3A_782 : i32
      %convert_element_type3A_784 = arith.extui %lt3A_783 : i1 to i32
      %cond3A_785 = arith.constant 0 : i32
      %cond3A_786 = arith.cmpi ne, %convert_element_type3A_784, %cond3A_785 : i32
      scf.if %cond3A_786 {
        %add3A_865 = arith.constant 4 : i32
        %add3A_866 = arith.addi %add3A_710, %add3A_865 : i32
        %mul3A_867 = arith.constant 2 : i32
        %mul3A_868 = arith.muli %add3A_866, %mul3A_867 : i32
        %add3A_869 = arith.constant 0 : i32
        %add3A_870 = arith.addi %mul3A_868, %add3A_869 : i32
        %dma_start3A_871 = arith.constant 2 : i32
        %dma_start3A_872 = arith.constant 0 : i32
        %dma_start3A_873 = arith.constant 0 : i32
        %dma_start3A_874 = arith.constant 0 : i32
        %dma_start3A_875 = tpu.memref_slice %arg8[%dma_start3A_871, %dma_start3A_872, %dma_start3A_873, %dma_start3A_874] : memref<8x2x128x16xf32, #tpu.memory_space<vmem>> -> memref<1x1x128x16xf32, #tpu.memory_space<vmem>>
        %dma_start3A_876 = tpu.memref_squeeze %dma_start3A_875 : memref<1x1x128x16xf32, #tpu.memory_space<vmem>> -> memref<128x16xf32, #tpu.memory_space<vmem>>
        %dma_start3A_877 = arith.constant 0 : i32
        %dma_start3A_878 = tpu.memref_slice %arg6[%add3A_870, %dma_start3A_877] : memref<80x128xi32, #tpu.memory_space<vmem>> -> memref<1x128xi32, #tpu.memory_space<vmem>>
        %dma_start3A_879 = tpu.memref_squeeze %dma_start3A_878 : memref<1x128xi32, #tpu.memory_space<vmem>> -> memref<128xi32, #tpu.memory_space<vmem>>
        %dma_start3A_880 = arith.constant 0 : i32
        %dma_start3A_881 = arith.constant 0 : i32
        %dma_start3A_882 = tpu.memref_slice %arg2[%dma_start3A_880, %dma_start3A_881] : memref<10240x16xf32, #tpu.memory_space<hbm>> -> memref<10240x16xf32, #tpu.memory_space<hbm>>
        tpu.enqueue_indirect_dma source(%dma_start3A_882 : memref<10240x16xf32, #tpu.memory_space<hbm>>) target(%dma_start3A_876 : memref<128x16xf32, #tpu.memory_space<vmem>>) offsets(%dma_start3A_879 : memref<128xi32, #tpu.memory_space<vmem>>) semaphore(%arg11 : memref<!tpu.dma_semaphore, #tpu.memory_space<semaphore_mem>>)
        %mul3A_883 = arith.constant 2 : i32
        %mul3A_884 = arith.muli %add3A_866, %mul3A_883 : i32
        %add3A_885 = arith.constant 1 : i32
        %add3A_886 = arith.addi %mul3A_884, %add3A_885 : i32
        %dma_start3A_887 = arith.constant 2 : i32
        %dma_start3A_888 = arith.constant 1 : i32
        %dma_start3A_889 = arith.constant 0 : i32
        %dma_start3A_890 = arith.constant 0 : i32
        %dma_start3A_891 = tpu.memref_slice %arg8[%dma_start3A_887, %dma_start3A_888, %dma_start3A_889, %dma_start3A_890] : memref<8x2x128x16xf32, #tpu.memory_space<vmem>> -> memref<1x1x128x16xf32, #tpu.memory_space<vmem>>
        %dma_start3A_892 = tpu.memref_squeeze %dma_start3A_891 : memref<1x1x128x16xf32, #tpu.memory_space<vmem>> -> memref<128x16xf32, #tpu.memory_space<vmem>>
        %dma_start3A_893 = arith.constant 0 : i32
        %dma_start3A_894 = tpu.memref_slice %arg6[%add3A_886, %dma_start3A_893] : memref<80x128xi32, #tpu.memory_space<vmem>> -> memref<1x128xi32, #tpu.memory_space<vmem>>
        %dma_start3A_895 = tpu.memref_squeeze %dma_start3A_894 : memref<1x128xi32, #tpu.memory_space<vmem>> -> memref<128xi32, #tpu.memory_space<vmem>>
        %dma_start3A_896 = arith.constant 0 : i32
        %dma_start3A_897 = arith.constant 0 : i32
        %dma_start3A_898 = tpu.memref_slice %arg2[%dma_start3A_896, %dma_start3A_897] : memref<10240x16xf32, #tpu.memory_space<hbm>> -> memref<10240x16xf32, #tpu.memory_space<hbm>>
        tpu.enqueue_indirect_dma source(%dma_start3A_898 : memref<10240x16xf32, #tpu.memory_space<hbm>>) target(%dma_start3A_892 : memref<128x16xf32, #tpu.memory_space<vmem>>) offsets(%dma_start3A_895 : memref<128xi32, #tpu.memory_space<vmem>>) semaphore(%arg11 : memref<!tpu.dma_semaphore, #tpu.memory_space<semaphore_mem>>)
      } else {
      }
      %add3A_787 = arith.constant 7 : i32
      %add3A_788 = arith.addi %mul3A_244, %add3A_787 : i32
      %mul3A_789 = arith.constant 2 : i32
      %mul3A_790 = arith.muli %add3A_788, %mul3A_789 : i32
      %add3A_791 = arith.constant 0 : i32
      %add3A_792 = arith.addi %mul3A_790, %add3A_791 : i32
      %dma_wait3A_793 = arith.constant 7 : i32
      %dma_wait3A_794 = arith.constant 0 : i32
      %dma_wait3A_795 = arith.constant 0 : i32
      %dma_wait3A_796 = arith.constant 0 : i32
      %dma_wait3A_797 = tpu.memref_slice %arg8[%dma_wait3A_793, %dma_wait3A_794, %dma_wait3A_795, %dma_wait3A_796] : memref<8x2x128x16xf32, #tpu.memory_space<vmem>> -> memref<1x1x128x16xf32, #tpu.memory_space<vmem>>
      %dma_wait3A_798 = tpu.memref_squeeze %dma_wait3A_797 : memref<1x1x128x16xf32, #tpu.memory_space<vmem>> -> memref<128x16xf32, #tpu.memory_space<vmem>>
      %dma_wait3A_799 = arith.constant 0 : i32
      %dma_wait3A_800 = tpu.memref_slice %arg6[%add3A_792, %dma_wait3A_799] : memref<80x128xi32, #tpu.memory_space<vmem>> -> memref<1x128xi32, #tpu.memory_space<vmem>>
      %dma_wait3A_801 = tpu.memref_squeeze %dma_wait3A_800 : memref<1x128xi32, #tpu.memory_space<vmem>> -> memref<128xi32, #tpu.memory_space<vmem>>
      %dma_wait3A_802 = arith.constant 0 : i32
      %dma_wait3A_803 = arith.constant 0 : i32
      %dma_wait3A_804 = tpu.memref_slice %arg2[%dma_wait3A_802, %dma_wait3A_803] : memref<10240x16xf32, #tpu.memory_space<hbm>> -> memref<10240x16xf32, #tpu.memory_space<hbm>>
      tpu.wait_indirect_dma semaphore(%arg16 : memref<!tpu.dma_semaphore, #tpu.memory_space<semaphore_mem>>) src(%dma_wait3A_804 : memref<10240x16xf32, #tpu.memory_space<hbm>>) dst(%dma_wait3A_798 : memref<128x16xf32, #tpu.memory_space<vmem>>)
      %mul3A_805 = arith.constant 2 : i32
      %mul3A_806 = arith.muli %add3A_788, %mul3A_805 : i32
      %add3A_807 = arith.constant 1 : i32
      %add3A_808 = arith.addi %mul3A_806, %add3A_807 : i32
      %dma_wait3A_809 = arith.constant 7 : i32
      %dma_wait3A_810 = arith.constant 1 : i32
      %dma_wait3A_811 = arith.constant 0 : i32
      %dma_wait3A_812 = arith.constant 0 : i32
      %dma_wait3A_813 = tpu.memref_slice %arg8[%dma_wait3A_809, %dma_wait3A_810, %dma_wait3A_811, %dma_wait3A_812] : memref<8x2x128x16xf32, #tpu.memory_space<vmem>> -> memref<1x1x128x16xf32, #tpu.memory_space<vmem>>
      %dma_wait3A_814 = tpu.memref_squeeze %dma_wait3A_813 : memref<1x1x128x16xf32, #tpu.memory_space<vmem>> -> memref<128x16xf32, #tpu.memory_space<vmem>>
      %dma_wait3A_815 = arith.constant 0 : i32
      %dma_wait3A_816 = tpu.memref_slice %arg6[%add3A_808, %dma_wait3A_815] : memref<80x128xi32, #tpu.memory_space<vmem>> -> memref<1x128xi32, #tpu.memory_space<vmem>>
      %dma_wait3A_817 = tpu.memref_squeeze %dma_wait3A_816 : memref<1x128xi32, #tpu.memory_space<vmem>> -> memref<128xi32, #tpu.memory_space<vmem>>
      %dma_wait3A_818 = arith.constant 0 : i32
      %dma_wait3A_819 = arith.constant 0 : i32
      %dma_wait3A_820 = tpu.memref_slice %arg2[%dma_wait3A_818, %dma_wait3A_819] : memref<10240x16xf32, #tpu.memory_space<hbm>> -> memref<10240x16xf32, #tpu.memory_space<hbm>>
      tpu.wait_indirect_dma semaphore(%arg16 : memref<!tpu.dma_semaphore, #tpu.memory_space<semaphore_mem>>) src(%dma_wait3A_820 : memref<10240x16xf32, #tpu.memory_space<hbm>>) dst(%dma_wait3A_814 : memref<128x16xf32, #tpu.memory_space<vmem>>)
      %mul3A_821 = arith.constant 2 : i32
      %mul3A_822 = arith.muli %add3A_788, %mul3A_821 : i32
      %add3A_823 = arith.constant 0 : i32
      %add3A_824 = arith.addi %mul3A_822, %add3A_823 : i32
      %dma_start3A_825 = arith.constant 7 : i32
      %dma_start3A_826 = arith.constant 0 : i32
      %dma_start3A_827 = arith.constant 0 : i32
      %dma_start3A_828 = arith.constant 0 : i32
      %dma_start3A_829 = tpu.memref_slice %arg8[%dma_start3A_825, %dma_start3A_826, %dma_start3A_827, %dma_start3A_828] : memref<8x2x128x16xf32, #tpu.memory_space<vmem>> -> memref<1x1x128x16xf32, #tpu.memory_space<vmem>>
      %dma_start3A_830 = tpu.memref_squeeze %dma_start3A_829 : memref<1x1x128x16xf32, #tpu.memory_space<vmem>> -> memref<128x16xf32, #tpu.memory_space<vmem>>
      %dma_start3A_831 = arith.constant 0 : i32
      %dma_start3A_832 = tpu.memref_slice %arg7[%add3A_824, %dma_start3A_831] : memref<80x128xi32, #tpu.memory_space<vmem>> -> memref<1x128xi32, #tpu.memory_space<vmem>>
      %dma_start3A_833 = tpu.memref_squeeze %dma_start3A_832 : memref<1x128xi32, #tpu.memory_space<vmem>> -> memref<128xi32, #tpu.memory_space<vmem>>
      %dma_start3A_834 = arith.constant 0 : i32
      %dma_start3A_835 = arith.constant 0 : i32
      %dma_start3A_836 = tpu.memref_slice %arg5[%dma_start3A_834, %dma_start3A_835] : memref<10240x16xf32, #tpu.memory_space<vmem_shared>> -> memref<10240x16xf32, #tpu.memory_space<vmem_shared>>
      tpu.enqueue_indirect_dma source(%dma_start3A_830 : memref<128x16xf32, #tpu.memory_space<vmem>>) target(%dma_start3A_836 : memref<10240x16xf32, #tpu.memory_space<vmem_shared>>) offsets(%dma_start3A_833 : memref<128xi32, #tpu.memory_space<vmem>>) semaphore(%arg24 : memref<!tpu.dma_semaphore, #tpu.memory_space<semaphore_mem>>) {add = true}
      %mul3A_837 = arith.constant 2 : i32
      %mul3A_838 = arith.muli %add3A_788, %mul3A_837 : i32
      %add3A_839 = arith.constant 1 : i32
      %add3A_840 = arith.addi %mul3A_838, %add3A_839 : i32
      %dma_start3A_841 = arith.constant 7 : i32
      %dma_start3A_842 = arith.constant 1 : i32
      %dma_start3A_843 = arith.constant 0 : i32
      %dma_start3A_844 = arith.constant 0 : i32
      %dma_start3A_845 = tpu.memref_slice %arg8[%dma_start3A_841, %dma_start3A_842, %dma_start3A_843, %dma_start3A_844] : memref<8x2x128x16xf32, #tpu.memory_space<vmem>> -> memref<1x1x128x16xf32, #tpu.memory_space<vmem>>
      %dma_start3A_846 = tpu.memref_squeeze %dma_start3A_845 : memref<1x1x128x16xf32, #tpu.memory_space<vmem>> -> memref<128x16xf32, #tpu.memory_space<vmem>>
      %dma_start3A_847 = arith.constant 0 : i32
      %dma_start3A_848 = tpu.memref_slice %arg7[%add3A_840, %dma_start3A_847] : memref<80x128xi32, #tpu.memory_space<vmem>> -> memref<1x128xi32, #tpu.memory_space<vmem>>
      %dma_start3A_849 = tpu.memref_squeeze %dma_start3A_848 : memref<1x128xi32, #tpu.memory_space<vmem>> -> memref<128xi32, #tpu.memory_space<vmem>>
      %dma_start3A_850 = arith.constant 0 : i32
      %dma_start3A_851 = arith.constant 0 : i32
      %dma_start3A_852 = tpu.memref_slice %arg5[%dma_start3A_850, %dma_start3A_851] : memref<10240x16xf32, #tpu.memory_space<vmem_shared>> -> memref<10240x16xf32, #tpu.memory_space<vmem_shared>>
      tpu.enqueue_indirect_dma source(%dma_start3A_846 : memref<128x16xf32, #tpu.memory_space<vmem>>) target(%dma_start3A_852 : memref<10240x16xf32, #tpu.memory_space<vmem_shared>>) offsets(%dma_start3A_849 : memref<128xi32, #tpu.memory_space<vmem>>) semaphore(%arg24 : memref<!tpu.dma_semaphore, #tpu.memory_space<semaphore_mem>>) {add = true}
      %ge3A_853 = arith.constant 4 : i32
      %ge3A_854 = arith.cmpi sge, %add3A_788, %ge3A_853 : i32
      %convert_element_type3A_855 = arith.extui %ge3A_854 : i1 to i32
      %cond3A_856 = arith.constant 0 : i32
      %cond3A_857 = arith.cmpi ne, %convert_element_type3A_855, %cond3A_856 : i32
      scf.if %cond3A_857 {
        %sub3A = arith.constant 4 : i32
        %sub3A_865 = arith.subi %add3A_788, %sub3A : i32
        %mul3A_866 = arith.constant 2 : i32
        %mul3A_867 = arith.muli %sub3A_865, %mul3A_866 : i32
        %add3A_868 = arith.constant 0 : i32
        %add3A_869 = arith.addi %mul3A_867, %add3A_868 : i32
        %dma_wait3A_870 = arith.constant 3 : i32
        %dma_wait3A_871 = arith.constant 0 : i32
        %dma_wait3A_872 = arith.constant 0 : i32
        %dma_wait3A_873 = arith.constant 0 : i32
        %dma_wait3A_874 = tpu.memref_slice %arg8[%dma_wait3A_870, %dma_wait3A_871, %dma_wait3A_872, %dma_wait3A_873] : memref<8x2x128x16xf32, #tpu.memory_space<vmem>> -> memref<1x1x128x16xf32, #tpu.memory_space<vmem>>
        %dma_wait3A_875 = tpu.memref_squeeze %dma_wait3A_874 : memref<1x1x128x16xf32, #tpu.memory_space<vmem>> -> memref<128x16xf32, #tpu.memory_space<vmem>>
        %dma_wait3A_876 = arith.constant 0 : i32
        %dma_wait3A_877 = tpu.memref_slice %arg7[%add3A_869, %dma_wait3A_876] : memref<80x128xi32, #tpu.memory_space<vmem>> -> memref<1x128xi32, #tpu.memory_space<vmem>>
        %dma_wait3A_878 = tpu.memref_squeeze %dma_wait3A_877 : memref<1x128xi32, #tpu.memory_space<vmem>> -> memref<128xi32, #tpu.memory_space<vmem>>
        %dma_wait3A_879 = arith.constant 0 : i32
        %dma_wait3A_880 = arith.constant 0 : i32
        %dma_wait3A_881 = tpu.memref_slice %arg5[%dma_wait3A_879, %dma_wait3A_880] : memref<10240x16xf32, #tpu.memory_space<vmem_shared>> -> memref<10240x16xf32, #tpu.memory_space<vmem_shared>>
        tpu.wait_indirect_dma semaphore(%arg20 : memref<!tpu.dma_semaphore, #tpu.memory_space<semaphore_mem>>) src(%dma_wait3A_875 : memref<128x16xf32, #tpu.memory_space<vmem>>) dst(%dma_wait3A_881 : memref<10240x16xf32, #tpu.memory_space<vmem_shared>>)
        %mul3A_882 = arith.constant 2 : i32
        %mul3A_883 = arith.muli %sub3A_865, %mul3A_882 : i32
        %add3A_884 = arith.constant 1 : i32
        %add3A_885 = arith.addi %mul3A_883, %add3A_884 : i32
        %dma_wait3A_886 = arith.constant 3 : i32
        %dma_wait3A_887 = arith.constant 1 : i32
        %dma_wait3A_888 = arith.constant 0 : i32
        %dma_wait3A_889 = arith.constant 0 : i32
        %dma_wait3A_890 = tpu.memref_slice %arg8[%dma_wait3A_886, %dma_wait3A_887, %dma_wait3A_888, %dma_wait3A_889] : memref<8x2x128x16xf32, #tpu.memory_space<vmem>> -> memref<1x1x128x16xf32, #tpu.memory_space<vmem>>
        %dma_wait3A_891 = tpu.memref_squeeze %dma_wait3A_890 : memref<1x1x128x16xf32, #tpu.memory_space<vmem>> -> memref<128x16xf32, #tpu.memory_space<vmem>>
        %dma_wait3A_892 = arith.constant 0 : i32
        %dma_wait3A_893 = tpu.memref_slice %arg7[%add3A_885, %dma_wait3A_892] : memref<80x128xi32, #tpu.memory_space<vmem>> -> memref<1x128xi32, #tpu.memory_space<vmem>>
        %dma_wait3A_894 = tpu.memref_squeeze %dma_wait3A_893 : memref<1x128xi32, #tpu.memory_space<vmem>> -> memref<128xi32, #tpu.memory_space<vmem>>
        %dma_wait3A_895 = arith.constant 0 : i32
        %dma_wait3A_896 = arith.constant 0 : i32
        %dma_wait3A_897 = tpu.memref_slice %arg5[%dma_wait3A_895, %dma_wait3A_896] : memref<10240x16xf32, #tpu.memory_space<vmem_shared>> -> memref<10240x16xf32, #tpu.memory_space<vmem_shared>>
        tpu.wait_indirect_dma semaphore(%arg20 : memref<!tpu.dma_semaphore, #tpu.memory_space<semaphore_mem>>) src(%dma_wait3A_891 : memref<128x16xf32, #tpu.memory_space<vmem>>) dst(%dma_wait3A_897 : memref<10240x16xf32, #tpu.memory_space<vmem_shared>>)
      } else {
      }
      %add3A_858 = arith.constant 4 : i32
      %add3A_859 = arith.addi %add3A_788, %add3A_858 : i32
      %lt3A_860 = arith.constant 40 : i32
      %lt3A_861 = arith.cmpi slt, %add3A_859, %lt3A_860 : i32
      %convert_element_type3A_862 = arith.extui %lt3A_861 : i1 to i32
      %cond3A_863 = arith.constant 0 : i32
      %cond3A_864 = arith.cmpi ne, %convert_element_type3A_862, %cond3A_863 : i32
      scf.if %cond3A_864 {
        %add3A_865 = arith.constant 4 : i32
        %add3A_866 = arith.addi %add3A_788, %add3A_865 : i32
        %mul3A_867 = arith.constant 2 : i32
        %mul3A_868 = arith.muli %add3A_866, %mul3A_867 : i32
        %add3A_869 = arith.constant 0 : i32
        %add3A_870 = arith.addi %mul3A_868, %add3A_869 : i32
        %dma_start3A_871 = arith.constant 3 : i32
        %dma_start3A_872 = arith.constant 0 : i32
        %dma_start3A_873 = arith.constant 0 : i32
        %dma_start3A_874 = arith.constant 0 : i32
        %dma_start3A_875 = tpu.memref_slice %arg8[%dma_start3A_871, %dma_start3A_872, %dma_start3A_873, %dma_start3A_874] : memref<8x2x128x16xf32, #tpu.memory_space<vmem>> -> memref<1x1x128x16xf32, #tpu.memory_space<vmem>>
        %dma_start3A_876 = tpu.memref_squeeze %dma_start3A_875 : memref<1x1x128x16xf32, #tpu.memory_space<vmem>> -> memref<128x16xf32, #tpu.memory_space<vmem>>
        %dma_start3A_877 = arith.constant 0 : i32
        %dma_start3A_878 = tpu.memref_slice %arg6[%add3A_870, %dma_start3A_877] : memref<80x128xi32, #tpu.memory_space<vmem>> -> memref<1x128xi32, #tpu.memory_space<vmem>>
        %dma_start3A_879 = tpu.memref_squeeze %dma_start3A_878 : memref<1x128xi32, #tpu.memory_space<vmem>> -> memref<128xi32, #tpu.memory_space<vmem>>
        %dma_start3A_880 = arith.constant 0 : i32
        %dma_start3A_881 = arith.constant 0 : i32
        %dma_start3A_882 = tpu.memref_slice %arg2[%dma_start3A_880, %dma_start3A_881] : memref<10240x16xf32, #tpu.memory_space<hbm>> -> memref<10240x16xf32, #tpu.memory_space<hbm>>
        tpu.enqueue_indirect_dma source(%dma_start3A_882 : memref<10240x16xf32, #tpu.memory_space<hbm>>) target(%dma_start3A_876 : memref<128x16xf32, #tpu.memory_space<vmem>>) offsets(%dma_start3A_879 : memref<128xi32, #tpu.memory_space<vmem>>) semaphore(%arg12 : memref<!tpu.dma_semaphore, #tpu.memory_space<semaphore_mem>>)
        %mul3A_883 = arith.constant 2 : i32
        %mul3A_884 = arith.muli %add3A_866, %mul3A_883 : i32
        %add3A_885 = arith.constant 1 : i32
        %add3A_886 = arith.addi %mul3A_884, %add3A_885 : i32
        %dma_start3A_887 = arith.constant 3 : i32
        %dma_start3A_888 = arith.constant 1 : i32
        %dma_start3A_889 = arith.constant 0 : i32
        %dma_start3A_890 = arith.constant 0 : i32
        %dma_start3A_891 = tpu.memref_slice %arg8[%dma_start3A_887, %dma_start3A_888, %dma_start3A_889, %dma_start3A_890] : memref<8x2x128x16xf32, #tpu.memory_space<vmem>> -> memref<1x1x128x16xf32, #tpu.memory_space<vmem>>
        %dma_start3A_892 = tpu.memref_squeeze %dma_start3A_891 : memref<1x1x128x16xf32, #tpu.memory_space<vmem>> -> memref<128x16xf32, #tpu.memory_space<vmem>>
        %dma_start3A_893 = arith.constant 0 : i32
        %dma_start3A_894 = tpu.memref_slice %arg6[%add3A_886, %dma_start3A_893] : memref<80x128xi32, #tpu.memory_space<vmem>> -> memref<1x128xi32, #tpu.memory_space<vmem>>
        %dma_start3A_895 = tpu.memref_squeeze %dma_start3A_894 : memref<1x128xi32, #tpu.memory_space<vmem>> -> memref<128xi32, #tpu.memory_space<vmem>>
        %dma_start3A_896 = arith.constant 0 : i32
        %dma_start3A_897 = arith.constant 0 : i32
        %dma_start3A_898 = tpu.memref_slice %arg2[%dma_start3A_896, %dma_start3A_897] : memref<10240x16xf32, #tpu.memory_space<hbm>> -> memref<10240x16xf32, #tpu.memory_space<hbm>>
        tpu.enqueue_indirect_dma source(%dma_start3A_898 : memref<10240x16xf32, #tpu.memory_space<hbm>>) target(%dma_start3A_892 : memref<128x16xf32, #tpu.memory_space<vmem>>) offsets(%dma_start3A_895 : memref<128xi32, #tpu.memory_space<vmem>>) semaphore(%arg12 : memref<!tpu.dma_semaphore, #tpu.memory_space<semaphore_mem>>)
      } else {
      }
    }
    %scan3A_137 = arith.constant 5 : i32
    %dma_wait3A = arith.constant 4 : i32
    %dma_wait3A_138 = arith.constant 0 : i32
    %dma_wait3A_139 = arith.constant 72 : i32
    %dma_wait3A_140 = arith.constant 0 : i32
    %dma_wait3A_141 = arith.constant 0 : i32
    %dma_wait3A_142 = tpu.memref_slice %arg8[%dma_wait3A, %dma_wait3A_138, %dma_wait3A_140, %dma_wait3A_141] : memref<8x2x128x16xf32, #tpu.memory_space<vmem>> -> memref<1x1x128x16xf32, #tpu.memory_space<vmem>>
    %dma_wait3A_143 = tpu.memref_squeeze %dma_wait3A_142 : memref<1x1x128x16xf32, #tpu.memory_space<vmem>> -> memref<128x16xf32, #tpu.memory_space<vmem>>
    %dma_wait3A_144 = arith.constant 0 : i32
    %dma_wait3A_145 = tpu.memref_slice %arg7[%dma_wait3A_139, %dma_wait3A_144] : memref<80x128xi32, #tpu.memory_space<vmem>> -> memref<1x128xi32, #tpu.memory_space<vmem>>
    %dma_wait3A_146 = tpu.memref_squeeze %dma_wait3A_145 : memref<1x128xi32, #tpu.memory_space<vmem>> -> memref<128xi32, #tpu.memory_space<vmem>>
    %dma_wait3A_147 = arith.constant 0 : i32
    %dma_wait3A_148 = arith.constant 0 : i32
    %dma_wait3A_149 = tpu.memref_slice %arg5[%dma_wait3A_147, %dma_wait3A_148] : memref<10240x16xf32, #tpu.memory_space<vmem_shared>> -> memref<10240x16xf32, #tpu.memory_space<vmem_shared>>
    tpu.wait_indirect_dma semaphore(%arg21 : memref<!tpu.dma_semaphore, #tpu.memory_space<semaphore_mem>>) src(%dma_wait3A_143 : memref<128x16xf32, #tpu.memory_space<vmem>>) dst(%dma_wait3A_149 : memref<10240x16xf32, #tpu.memory_space<vmem_shared>>)
    %dma_wait3A_150 = arith.constant 4 : i32
    %dma_wait3A_151 = arith.constant 1 : i32
    %dma_wait3A_152 = arith.constant 73 : i32
    %dma_wait3A_153 = arith.constant 0 : i32
    %dma_wait3A_154 = arith.constant 0 : i32
    %dma_wait3A_155 = tpu.memref_slice %arg8[%dma_wait3A_150, %dma_wait3A_151, %dma_wait3A_153, %dma_wait3A_154] : memref<8x2x128x16xf32, #tpu.memory_space<vmem>> -> memref<1x1x128x16xf32, #tpu.memory_space<vmem>>
    %dma_wait3A_156 = tpu.memref_squeeze %dma_wait3A_155 : memref<1x1x128x16xf32, #tpu.memory_space<vmem>> -> memref<128x16xf32, #tpu.memory_space<vmem>>
    %dma_wait3A_157 = arith.constant 0 : i32
    %dma_wait3A_158 = tpu.memref_slice %arg7[%dma_wait3A_152, %dma_wait3A_157] : memref<80x128xi32, #tpu.memory_space<vmem>> -> memref<1x128xi32, #tpu.memory_space<vmem>>
    %dma_wait3A_159 = tpu.memref_squeeze %dma_wait3A_158 : memref<1x128xi32, #tpu.memory_space<vmem>> -> memref<128xi32, #tpu.memory_space<vmem>>
    %dma_wait3A_160 = arith.constant 0 : i32
    %dma_wait3A_161 = arith.constant 0 : i32
    %dma_wait3A_162 = tpu.memref_slice %arg5[%dma_wait3A_160, %dma_wait3A_161] : memref<10240x16xf32, #tpu.memory_space<vmem_shared>> -> memref<10240x16xf32, #tpu.memory_space<vmem_shared>>
    tpu.wait_indirect_dma semaphore(%arg21 : memref<!tpu.dma_semaphore, #tpu.memory_space<semaphore_mem>>) src(%dma_wait3A_156 : memref<128x16xf32, #tpu.memory_space<vmem>>) dst(%dma_wait3A_162 : memref<10240x16xf32, #tpu.memory_space<vmem_shared>>)
    %dma_wait3A_163 = arith.constant 5 : i32
    %dma_wait3A_164 = arith.constant 0 : i32
    %dma_wait3A_165 = arith.constant 74 : i32
    %dma_wait3A_166 = arith.constant 0 : i32
    %dma_wait3A_167 = arith.constant 0 : i32
    %dma_wait3A_168 = tpu.memref_slice %arg8[%dma_wait3A_163, %dma_wait3A_164, %dma_wait3A_166, %dma_wait3A_167] : memref<8x2x128x16xf32, #tpu.memory_space<vmem>> -> memref<1x1x128x16xf32, #tpu.memory_space<vmem>>
    %dma_wait3A_169 = tpu.memref_squeeze %dma_wait3A_168 : memref<1x1x128x16xf32, #tpu.memory_space<vmem>> -> memref<128x16xf32, #tpu.memory_space<vmem>>
    %dma_wait3A_170 = arith.constant 0 : i32
    %dma_wait3A_171 = tpu.memref_slice %arg7[%dma_wait3A_165, %dma_wait3A_170] : memref<80x128xi32, #tpu.memory_space<vmem>> -> memref<1x128xi32, #tpu.memory_space<vmem>>
    %dma_wait3A_172 = tpu.memref_squeeze %dma_wait3A_171 : memref<1x128xi32, #tpu.memory_space<vmem>> -> memref<128xi32, #tpu.memory_space<vmem>>
    %dma_wait3A_173 = arith.constant 0 : i32
    %dma_wait3A_174 = arith.constant 0 : i32
    %dma_wait3A_175 = tpu.memref_slice %arg5[%dma_wait3A_173, %dma_wait3A_174] : memref<10240x16xf32, #tpu.memory_space<vmem_shared>> -> memref<10240x16xf32, #tpu.memory_space<vmem_shared>>
    tpu.wait_indirect_dma semaphore(%arg22 : memref<!tpu.dma_semaphore, #tpu.memory_space<semaphore_mem>>) src(%dma_wait3A_169 : memref<128x16xf32, #tpu.memory_space<vmem>>) dst(%dma_wait3A_175 : memref<10240x16xf32, #tpu.memory_space<vmem_shared>>)
    %dma_wait3A_176 = arith.constant 5 : i32
    %dma_wait3A_177 = arith.constant 1 : i32
    %dma_wait3A_178 = arith.constant 75 : i32
    %dma_wait3A_179 = arith.constant 0 : i32
    %dma_wait3A_180 = arith.constant 0 : i32
    %dma_wait3A_181 = tpu.memref_slice %arg8[%dma_wait3A_176, %dma_wait3A_177, %dma_wait3A_179, %dma_wait3A_180] : memref<8x2x128x16xf32, #tpu.memory_space<vmem>> -> memref<1x1x128x16xf32, #tpu.memory_space<vmem>>
    %dma_wait3A_182 = tpu.memref_squeeze %dma_wait3A_181 : memref<1x1x128x16xf32, #tpu.memory_space<vmem>> -> memref<128x16xf32, #tpu.memory_space<vmem>>
    %dma_wait3A_183 = arith.constant 0 : i32
    %dma_wait3A_184 = tpu.memref_slice %arg7[%dma_wait3A_178, %dma_wait3A_183] : memref<80x128xi32, #tpu.memory_space<vmem>> -> memref<1x128xi32, #tpu.memory_space<vmem>>
    %dma_wait3A_185 = tpu.memref_squeeze %dma_wait3A_184 : memref<1x128xi32, #tpu.memory_space<vmem>> -> memref<128xi32, #tpu.memory_space<vmem>>
    %dma_wait3A_186 = arith.constant 0 : i32
    %dma_wait3A_187 = arith.constant 0 : i32
    %dma_wait3A_188 = tpu.memref_slice %arg5[%dma_wait3A_186, %dma_wait3A_187] : memref<10240x16xf32, #tpu.memory_space<vmem_shared>> -> memref<10240x16xf32, #tpu.memory_space<vmem_shared>>
    tpu.wait_indirect_dma semaphore(%arg22 : memref<!tpu.dma_semaphore, #tpu.memory_space<semaphore_mem>>) src(%dma_wait3A_182 : memref<128x16xf32, #tpu.memory_space<vmem>>) dst(%dma_wait3A_188 : memref<10240x16xf32, #tpu.memory_space<vmem_shared>>)
    %dma_wait3A_189 = arith.constant 6 : i32
    %dma_wait3A_190 = arith.constant 0 : i32
    %dma_wait3A_191 = arith.constant 76 : i32
    %dma_wait3A_192 = arith.constant 0 : i32
    %dma_wait3A_193 = arith.constant 0 : i32
    %dma_wait3A_194 = tpu.memref_slice %arg8[%dma_wait3A_189, %dma_wait3A_190, %dma_wait3A_192, %dma_wait3A_193] : memref<8x2x128x16xf32, #tpu.memory_space<vmem>> -> memref<1x1x128x16xf32, #tpu.memory_space<vmem>>
    %dma_wait3A_195 = tpu.memref_squeeze %dma_wait3A_194 : memref<1x1x128x16xf32, #tpu.memory_space<vmem>> -> memref<128x16xf32, #tpu.memory_space<vmem>>
    %dma_wait3A_196 = arith.constant 0 : i32
    %dma_wait3A_197 = tpu.memref_slice %arg7[%dma_wait3A_191, %dma_wait3A_196] : memref<80x128xi32, #tpu.memory_space<vmem>> -> memref<1x128xi32, #tpu.memory_space<vmem>>
    %dma_wait3A_198 = tpu.memref_squeeze %dma_wait3A_197 : memref<1x128xi32, #tpu.memory_space<vmem>> -> memref<128xi32, #tpu.memory_space<vmem>>
    %dma_wait3A_199 = arith.constant 0 : i32
    %dma_wait3A_200 = arith.constant 0 : i32
    %dma_wait3A_201 = tpu.memref_slice %arg5[%dma_wait3A_199, %dma_wait3A_200] : memref<10240x16xf32, #tpu.memory_space<vmem_shared>> -> memref<10240x16xf32, #tpu.memory_space<vmem_shared>>
    tpu.wait_indirect_dma semaphore(%arg23 : memref<!tpu.dma_semaphore, #tpu.memory_space<semaphore_mem>>) src(%dma_wait3A_195 : memref<128x16xf32, #tpu.memory_space<vmem>>) dst(%dma_wait3A_201 : memref<10240x16xf32, #tpu.memory_space<vmem_shared>>)
    %dma_wait3A_202 = arith.constant 6 : i32
    %dma_wait3A_203 = arith.constant 1 : i32
    %dma_wait3A_204 = arith.constant 77 : i32
    %dma_wait3A_205 = arith.constant 0 : i32
    %dma_wait3A_206 = arith.constant 0 : i32
    %dma_wait3A_207 = tpu.memref_slice %arg8[%dma_wait3A_202, %dma_wait3A_203, %dma_wait3A_205, %dma_wait3A_206] : memref<8x2x128x16xf32, #tpu.memory_space<vmem>> -> memref<1x1x128x16xf32, #tpu.memory_space<vmem>>
    %dma_wait3A_208 = tpu.memref_squeeze %dma_wait3A_207 : memref<1x1x128x16xf32, #tpu.memory_space<vmem>> -> memref<128x16xf32, #tpu.memory_space<vmem>>
    %dma_wait3A_209 = arith.constant 0 : i32
    %dma_wait3A_210 = tpu.memref_slice %arg7[%dma_wait3A_204, %dma_wait3A_209] : memref<80x128xi32, #tpu.memory_space<vmem>> -> memref<1x128xi32, #tpu.memory_space<vmem>>
    %dma_wait3A_211 = tpu.memref_squeeze %dma_wait3A_210 : memref<1x128xi32, #tpu.memory_space<vmem>> -> memref<128xi32, #tpu.memory_space<vmem>>
    %dma_wait3A_212 = arith.constant 0 : i32
    %dma_wait3A_213 = arith.constant 0 : i32
    %dma_wait3A_214 = tpu.memref_slice %arg5[%dma_wait3A_212, %dma_wait3A_213] : memref<10240x16xf32, #tpu.memory_space<vmem_shared>> -> memref<10240x16xf32, #tpu.memory_space<vmem_shared>>
    tpu.wait_indirect_dma semaphore(%arg23 : memref<!tpu.dma_semaphore, #tpu.memory_space<semaphore_mem>>) src(%dma_wait3A_208 : memref<128x16xf32, #tpu.memory_space<vmem>>) dst(%dma_wait3A_214 : memref<10240x16xf32, #tpu.memory_space<vmem_shared>>)
    %dma_wait3A_215 = arith.constant 7 : i32
    %dma_wait3A_216 = arith.constant 0 : i32
    %dma_wait3A_217 = arith.constant 78 : i32
    %dma_wait3A_218 = arith.constant 0 : i32
    %dma_wait3A_219 = arith.constant 0 : i32
    %dma_wait3A_220 = tpu.memref_slice %arg8[%dma_wait3A_215, %dma_wait3A_216, %dma_wait3A_218, %dma_wait3A_219] : memref<8x2x128x16xf32, #tpu.memory_space<vmem>> -> memref<1x1x128x16xf32, #tpu.memory_space<vmem>>
    %dma_wait3A_221 = tpu.memref_squeeze %dma_wait3A_220 : memref<1x1x128x16xf32, #tpu.memory_space<vmem>> -> memref<128x16xf32, #tpu.memory_space<vmem>>
    %dma_wait3A_222 = arith.constant 0 : i32
    %dma_wait3A_223 = tpu.memref_slice %arg7[%dma_wait3A_217, %dma_wait3A_222] : memref<80x128xi32, #tpu.memory_space<vmem>> -> memref<1x128xi32, #tpu.memory_space<vmem>>
    %dma_wait3A_224 = tpu.memref_squeeze %dma_wait3A_223 : memref<1x128xi32, #tpu.memory_space<vmem>> -> memref<128xi32, #tpu.memory_space<vmem>>
    %dma_wait3A_225 = arith.constant 0 : i32
    %dma_wait3A_226 = arith.constant 0 : i32
    %dma_wait3A_227 = tpu.memref_slice %arg5[%dma_wait3A_225, %dma_wait3A_226] : memref<10240x16xf32, #tpu.memory_space<vmem_shared>> -> memref<10240x16xf32, #tpu.memory_space<vmem_shared>>
    tpu.wait_indirect_dma semaphore(%arg24 : memref<!tpu.dma_semaphore, #tpu.memory_space<semaphore_mem>>) src(%dma_wait3A_221 : memref<128x16xf32, #tpu.memory_space<vmem>>) dst(%dma_wait3A_227 : memref<10240x16xf32, #tpu.memory_space<vmem_shared>>)
    %dma_wait3A_228 = arith.constant 7 : i32
    %dma_wait3A_229 = arith.constant 1 : i32
    %dma_wait3A_230 = arith.constant 79 : i32
    %dma_wait3A_231 = arith.constant 0 : i32
    %dma_wait3A_232 = arith.constant 0 : i32
    %dma_wait3A_233 = tpu.memref_slice %arg8[%dma_wait3A_228, %dma_wait3A_229, %dma_wait3A_231, %dma_wait3A_232] : memref<8x2x128x16xf32, #tpu.memory_space<vmem>> -> memref<1x1x128x16xf32, #tpu.memory_space<vmem>>
    %dma_wait3A_234 = tpu.memref_squeeze %dma_wait3A_233 : memref<1x1x128x16xf32, #tpu.memory_space<vmem>> -> memref<128x16xf32, #tpu.memory_space<vmem>>
    %dma_wait3A_235 = arith.constant 0 : i32
    %dma_wait3A_236 = tpu.memref_slice %arg7[%dma_wait3A_230, %dma_wait3A_235] : memref<80x128xi32, #tpu.memory_space<vmem>> -> memref<1x128xi32, #tpu.memory_space<vmem>>
    %dma_wait3A_237 = tpu.memref_squeeze %dma_wait3A_236 : memref<1x128xi32, #tpu.memory_space<vmem>> -> memref<128xi32, #tpu.memory_space<vmem>>
    %dma_wait3A_238 = arith.constant 0 : i32
    %dma_wait3A_239 = arith.constant 0 : i32
    %dma_wait3A_240 = tpu.memref_slice %arg5[%dma_wait3A_238, %dma_wait3A_239] : memref<10240x16xf32, #tpu.memory_space<vmem_shared>> -> memref<10240x16xf32, #tpu.memory_space<vmem_shared>>
    tpu.wait_indirect_dma semaphore(%arg24 : memref<!tpu.dma_semaphore, #tpu.memory_space<semaphore_mem>>) src(%dma_wait3A_234 : memref<128x16xf32, #tpu.memory_space<vmem>>) dst(%dma_wait3A_240 : memref<10240x16xf32, #tpu.memory_space<vmem_shared>>)
    %barrier3A_241 = arith.constant 0 : index
    tpu.barrier barrier_id(%barrier3A_241)
    "tpu.region"() ({
      %run_scoped3A_242 = tpu.sem_alloc : memref<!tpu.dma_semaphore, #tpu.memory_space<semaphore_mem>>
      %dma_start3A_243 = arith.constant 0 : i32
      %dma_start3A_244 = tpu.memref_slice %arg4[%arg0, %mul3A_2, %dma_start3A_243] : memref<2x10240x16xf32, #tpu.memory_space<hbm>> -> memref<1x640x16xf32, #tpu.memory_space<hbm>>
      %dma_start3A_245 = tpu.memref_squeeze %dma_start3A_244 : memref<1x640x16xf32, #tpu.memory_space<hbm>> -> memref<640x16xf32, #tpu.memory_space<hbm>>
      %dma_start3A_246 = arith.constant 0 : i32
      %dma_start3A_247 = tpu.memref_slice %arg5[%mul3A_2, %dma_start3A_246] : memref<10240x16xf32, #tpu.memory_space<vmem_shared>> -> memref<640x16xf32, #tpu.memory_space<vmem_shared>>
      tpu.enqueue_dma source(%dma_start3A_247 : memref<640x16xf32, #tpu.memory_space<vmem_shared>>) target(%dma_start3A_245 : memref<640x16xf32, #tpu.memory_space<hbm>>) target_semaphore(%run_scoped3A_242 : memref<!tpu.dma_semaphore, #tpu.memory_space<semaphore_mem>>)
      %dma_wait3A_248 = arith.constant 0 : i32
      %dma_wait3A_249 = tpu.memref_slice %arg4[%arg0, %mul3A_2, %dma_wait3A_248] : memref<2x10240x16xf32, #tpu.memory_space<hbm>> -> memref<1x640x16xf32, #tpu.memory_space<hbm>>
      %dma_wait3A_250 = tpu.memref_squeeze %dma_wait3A_249 : memref<1x640x16xf32, #tpu.memory_space<hbm>> -> memref<640x16xf32, #tpu.memory_space<hbm>>
      %dma_wait3A_251 = arith.constant 0 : i32
      %dma_wait3A_252 = tpu.memref_slice %arg5[%mul3A_2, %dma_wait3A_251] : memref<10240x16xf32, #tpu.memory_space<vmem_shared>> -> memref<640x16xf32, #tpu.memory_space<vmem_shared>>
      tpu.wait_dma2 semaphore(%run_scoped3A_242 : memref<!tpu.dma_semaphore, #tpu.memory_space<semaphore_mem>>) src(%dma_wait3A_252 : memref<640x16xf32, #tpu.memory_space<vmem_shared>>) dst(%dma_wait3A_250 : memref<640x16xf32, #tpu.memory_space<hbm>>)
      tpu.yield
    }) : () -> ()
    return
  }
}

#map = affine_map<(d0, d1) -> (0, 0, 0, 0)>
#map1 = affine_map<(d0, d1) -> (0, 0)>
module attributes {stable_mosaic.version = 14 : i64} {
  func.func @deg_kernel(%arg0: i32, %arg1: i32, %arg2: memref<2x32x80x128xi32, #tpu.memory_space<hbm>>, %arg3: memref<2x10240xf32, #tpu.memory_space<hbm>>, %arg4: memref<10240xf32, #tpu.memory_space<vmem_shared>>, %arg5: memref<80x128xi32, #tpu.memory_space<vmem>>, %arg6: memref<640xf32, #tpu.memory_space<vmem>>, %arg7: memref<128xf32, #tpu.memory_space<vmem>>, %arg8: memref<!tpu.dma_semaphore, #tpu.memory_space<semaphore_mem>>) attributes {dimension_semantics = [#tpu.dimension_semantics<core_parallel>, #tpu.dimension_semantics<subcore_parallel>], iteration_bounds = array<i64: 2, 16>, scalar_prefetch = 0 : i64, scratch_operands = 5 : i64, tpu.core_type = #tpu.core_type<sc_vector_subcore>, window_params = [{transform_indices = #map}, {transform_indices = #map1}]} {
    %mul3A = arith.constant 16 : i32
    %mul3A_0 = arith.muli %arg0, %mul3A : i32
    %add3A = arith.addi %mul3A_0, %arg1 : i32
    %mul3A_1 = arith.constant 640 : i32
    %mul3A_2 = arith.muli %arg1, %mul3A_1 : i32
    %scan3A = arith.constant 0 : i32
    %scan3A_3 = arith.constant 0 : i32
    %scan3A_4 = arith.constant 40 : i32
    %scan3A_5 = arith.addi %scan3A_3, %scan3A_4 : i32
    %scan3A_6 = arith.constant 1 : i32
    scf.for %scan3A_27 = %scan3A_3 to %scan3A_5 step %scan3A_6  : i32 {
      %broadcast_in_dim3A = arith.constant 0.000000e+00 : f32
      %broadcast_in_dim3A_28 = vector.broadcast %broadcast_in_dim3A : f32 to vector<16xf32>
      %mul3A_29 = arith.constant 16 : i32
      %mul3A_30 = arith.muli %scan3A_27, %mul3A_29 : i32
      %swap3A = arith.index_cast %mul3A_30 : i32 to index
      %swap3A_31 = tpu.vector_load %arg6[%swap3A] {strides = array<i32>} : memref<640xf32, #tpu.memory_space<vmem>>, vector<16xf32>,
      %swap3A_32 = vector.shape_cast %swap3A_31 : vector<16xf32> to vector<16xf32>
      %swap3A_33 = vector.shape_cast %broadcast_in_dim3A_28 : vector<16xf32> to vector<16xf32>
      tpu.vector_store %arg6[%swap3A], %swap3A_33 {strides = array<i32>} : memref<640xf32, #tpu.memory_space<vmem>>, vector<16xf32>,
    }
    %scan3A_7 = arith.constant 40 : i32
    %scan3A_8 = arith.constant 0 : i32
    %scan3A_9 = arith.constant 0 : i32
    %scan3A_10 = arith.constant 8 : i32
    %scan3A_11 = arith.addi %scan3A_9, %scan3A_10 : i32
    %scan3A_12 = arith.constant 1 : i32
    scf.for %scan3A_27 = %scan3A_9 to %scan3A_11 step %scan3A_12  : i32 {
      %broadcast_in_dim3A = arith.constant 1.000000e+00 : f32
      %broadcast_in_dim3A_28 = vector.broadcast %broadcast_in_dim3A : f32 to vector<16xf32>
      %mul3A_29 = arith.constant 16 : i32
      %mul3A_30 = arith.muli %scan3A_27, %mul3A_29 : i32
      %swap3A = arith.index_cast %mul3A_30 : i32 to index
      %swap3A_31 = tpu.vector_load %arg7[%swap3A] {strides = array<i32>} : memref<128xf32, #tpu.memory_space<vmem>>, vector<16xf32>,
      %swap3A_32 = vector.shape_cast %swap3A_31 : vector<16xf32> to vector<16xf32>
      %swap3A_33 = vector.shape_cast %broadcast_in_dim3A_28 : vector<16xf32> to vector<16xf32>
      tpu.vector_store %arg7[%swap3A], %swap3A_33 {strides = array<i32>} : memref<128xf32, #tpu.memory_space<vmem>>, vector<16xf32>,
    }
    %scan3A_13 = arith.constant 8 : i32
    "tpu.region"() ({
      %run_scoped3A_27 = tpu.sem_alloc : memref<!tpu.dma_semaphore, #tpu.memory_space<semaphore_mem>>
      %dma_start3A = tpu.memref_slice %arg4[%mul3A_2] : memref<10240xf32, #tpu.memory_space<vmem_shared>> -> memref<640xf32, #tpu.memory_space<vmem_shared>>
      %dma_start3A_28 = tpu.memref_slice %arg4[%mul3A_2] : memref<10240xf32, #tpu.memory_space<vmem_shared>> -> memref<640xf32, #tpu.memory_space<vmem_shared>>
      tpu.enqueue_dma source(%arg6 : memref<640xf32, #tpu.memory_space<vmem>>) target(%dma_start3A_28 : memref<640xf32, #tpu.memory_space<vmem_shared>>) target_semaphore(%run_scoped3A_27 : memref<!tpu.dma_semaphore, #tpu.memory_space<semaphore_mem>>)
      %dma_wait3A = tpu.memref_slice %arg4[%mul3A_2] : memref<10240xf32, #tpu.memory_space<vmem_shared>> -> memref<640xf32, #tpu.memory_space<vmem_shared>>
      %dma_wait3A_29 = tpu.memref_slice %arg4[%mul3A_2] : memref<10240xf32, #tpu.memory_space<vmem_shared>> -> memref<640xf32, #tpu.memory_space<vmem_shared>>
      tpu.wait_dma2 semaphore(%run_scoped3A_27 : memref<!tpu.dma_semaphore, #tpu.memory_space<semaphore_mem>>) src(%arg6 : memref<640xf32, #tpu.memory_space<vmem>>) dst(%dma_wait3A_29 : memref<640xf32, #tpu.memory_space<vmem_shared>>)
      tpu.yield
    }) : () -> ()
    %run_scoped3A = arith.constant 1 : i32
    "tpu.region"() ({
      %run_scoped3A_27 = tpu.sem_alloc : memref<!tpu.dma_semaphore, #tpu.memory_space<semaphore_mem>>
      %dma_start3A = arith.constant 0 : i32
      %dma_start3A_28 = arith.constant 0 : i32
      %dma_start3A_29 = tpu.memref_slice %arg2[%run_scoped3A, %add3A, %dma_start3A, %dma_start3A_28] : memref<2x32x80x128xi32, #tpu.memory_space<hbm>> -> memref<1x1x80x128xi32, #tpu.memory_space<hbm>>
      %dma_start3A_30 = tpu.memref_squeeze %dma_start3A_29 : memref<1x1x80x128xi32, #tpu.memory_space<hbm>> -> memref<80x128xi32, #tpu.memory_space<hbm>>
      %dma_start3A_31 = arith.constant 0 : i32
      %dma_start3A_32 = arith.constant 0 : i32
      %dma_start3A_33 = tpu.memref_slice %arg2[%run_scoped3A, %add3A, %dma_start3A_31, %dma_start3A_32] : memref<2x32x80x128xi32, #tpu.memory_space<hbm>> -> memref<1x1x80x128xi32, #tpu.memory_space<hbm>>
      %dma_start3A_34 = tpu.memref_squeeze %dma_start3A_33 : memref<1x1x80x128xi32, #tpu.memory_space<hbm>> -> memref<80x128xi32, #tpu.memory_space<hbm>>
      tpu.enqueue_dma source(%dma_start3A_34 : memref<80x128xi32, #tpu.memory_space<hbm>>) target(%arg5 : memref<80x128xi32, #tpu.memory_space<vmem>>) target_semaphore(%run_scoped3A_27 : memref<!tpu.dma_semaphore, #tpu.memory_space<semaphore_mem>>)
      %dma_wait3A = arith.constant 0 : i32
      %dma_wait3A_35 = arith.constant 0 : i32
      %dma_wait3A_36 = tpu.memref_slice %arg2[%run_scoped3A, %add3A, %dma_wait3A, %dma_wait3A_35] : memref<2x32x80x128xi32, #tpu.memory_space<hbm>> -> memref<1x1x80x128xi32, #tpu.memory_space<hbm>>
      %dma_wait3A_37 = tpu.memref_squeeze %dma_wait3A_36 : memref<1x1x80x128xi32, #tpu.memory_space<hbm>> -> memref<80x128xi32, #tpu.memory_space<hbm>>
      %dma_wait3A_38 = arith.constant 0 : i32
      %dma_wait3A_39 = arith.constant 0 : i32
      %dma_wait3A_40 = tpu.memref_slice %arg2[%run_scoped3A, %add3A, %dma_wait3A_38, %dma_wait3A_39] : memref<2x32x80x128xi32, #tpu.memory_space<hbm>> -> memref<1x1x80x128xi32, #tpu.memory_space<hbm>>
      %dma_wait3A_41 = tpu.memref_squeeze %dma_wait3A_40 : memref<1x1x80x128xi32, #tpu.memory_space<hbm>> -> memref<80x128xi32, #tpu.memory_space<hbm>>
      tpu.wait_dma2 semaphore(%run_scoped3A_27 : memref<!tpu.dma_semaphore, #tpu.memory_space<semaphore_mem>>) src(%dma_wait3A_41 : memref<80x128xi32, #tpu.memory_space<hbm>>) dst(%arg5 : memref<80x128xi32, #tpu.memory_space<vmem>>)
      tpu.yield
    }) : () -> ()
    %barrier3A = arith.constant 0 : index
    tpu.barrier barrier_id(%barrier3A)
    %scan3A_14 = arith.constant 0 : i32
    %scan3A_15 = arith.constant 0 : i32
    %scan3A_16 = arith.constant 80 : i32
    %scan3A_17 = arith.addi %scan3A_15, %scan3A_16 : i32
    %scan3A_18 = arith.constant 1 : i32
    scf.for %scan3A_27 = %scan3A_15 to %scan3A_17 step %scan3A_18  : i32 {
      %dma_start3A = arith.constant 0 : i32
      %dma_start3A_28 = tpu.memref_slice %arg5[%scan3A_27, %dma_start3A] : memref<80x128xi32, #tpu.memory_space<vmem>> -> memref<1x128xi32, #tpu.memory_space<vmem>>
      %dma_start3A_29 = tpu.memref_squeeze %dma_start3A_28 : memref<1x128xi32, #tpu.memory_space<vmem>> -> memref<128xi32, #tpu.memory_space<vmem>>
      %dma_start3A_30 = arith.constant 0 : i32
      %dma_start3A_31 = tpu.memref_slice %arg4[%dma_start3A_30] : memref<10240xf32, #tpu.memory_space<vmem_shared>> -> memref<10240xf32, #tpu.memory_space<vmem_shared>>
      tpu.enqueue_indirect_dma source(%arg7 : memref<128xf32, #tpu.memory_space<vmem>>) target(%dma_start3A_31 : memref<10240xf32, #tpu.memory_space<vmem_shared>>) offsets(%dma_start3A_29 : memref<128xi32, #tpu.memory_space<vmem>>) semaphore(%arg8 : memref<!tpu.dma_semaphore, #tpu.memory_space<semaphore_mem>>) {add = true}
    }
    %scan3A_19 = arith.constant 80 : i32
    %scan3A_20 = arith.constant 0 : i32
    %scan3A_21 = arith.constant 0 : i32
    %scan3A_22 = arith.constant 80 : i32
    %scan3A_23 = arith.addi %scan3A_21, %scan3A_22 : i32
    %scan3A_24 = arith.constant 1 : i32
    scf.for %scan3A_27 = %scan3A_21 to %scan3A_23 step %scan3A_24  : i32 {
      %dma_wait3A = arith.constant 0 : i32
      %dma_wait3A_28 = tpu.memref_slice %arg5[%scan3A_27, %dma_wait3A] : memref<80x128xi32, #tpu.memory_space<vmem>> -> memref<1x128xi32, #tpu.memory_space<vmem>>
      %dma_wait3A_29 = tpu.memref_squeeze %dma_wait3A_28 : memref<1x128xi32, #tpu.memory_space<vmem>> -> memref<128xi32, #tpu.memory_space<vmem>>
      %dma_wait3A_30 = arith.constant 0 : i32
      %dma_wait3A_31 = tpu.memref_slice %arg4[%dma_wait3A_30] : memref<10240xf32, #tpu.memory_space<vmem_shared>> -> memref<10240xf32, #tpu.memory_space<vmem_shared>>
      tpu.wait_indirect_dma semaphore(%arg8 : memref<!tpu.dma_semaphore, #tpu.memory_space<semaphore_mem>>) src(%arg7 : memref<128xf32, #tpu.memory_space<vmem>>) dst(%dma_wait3A_31 : memref<10240xf32, #tpu.memory_space<vmem_shared>>)
    }
    %scan3A_25 = arith.constant 80 : i32
    %barrier3A_26 = arith.constant 0 : index
    tpu.barrier barrier_id(%barrier3A_26)
    "tpu.region"() ({
      %run_scoped3A_27 = tpu.sem_alloc : memref<!tpu.dma_semaphore, #tpu.memory_space<semaphore_mem>>
      %dma_start3A = tpu.memref_slice %arg3[%arg0, %mul3A_2] : memref<2x10240xf32, #tpu.memory_space<hbm>> -> memref<1x640xf32, #tpu.memory_space<hbm>>
      %dma_start3A_28 = tpu.memref_squeeze %dma_start3A : memref<1x640xf32, #tpu.memory_space<hbm>> -> memref<640xf32, #tpu.memory_space<hbm>>
      %dma_start3A_29 = tpu.memref_slice %arg4[%mul3A_2] : memref<10240xf32, #tpu.memory_space<vmem_shared>> -> memref<640xf32, #tpu.memory_space<vmem_shared>>
      tpu.enqueue_dma source(%dma_start3A_29 : memref<640xf32, #tpu.memory_space<vmem_shared>>) target(%dma_start3A_28 : memref<640xf32, #tpu.memory_space<hbm>>) target_semaphore(%run_scoped3A_27 : memref<!tpu.dma_semaphore, #tpu.memory_space<semaphore_mem>>)
      %dma_wait3A = tpu.memref_slice %arg3[%arg0, %mul3A_2] : memref<2x10240xf32, #tpu.memory_space<hbm>> -> memref<1x640xf32, #tpu.memory_space<hbm>>
      %dma_wait3A_30 = tpu.memref_squeeze %dma_wait3A : memref<1x640xf32, #tpu.memory_space<hbm>> -> memref<640xf32, #tpu.memory_space<hbm>>
      %dma_wait3A_31 = tpu.memref_slice %arg4[%mul3A_2] : memref<10240xf32, #tpu.memory_space<vmem_shared>> -> memref<640xf32, #tpu.memory_space<vmem_shared>>
      tpu.wait_dma2 semaphore(%run_scoped3A_27 : memref<!tpu.dma_semaphore, #tpu.memory_space<semaphore_mem>>) src(%dma_wait3A_31 : memref<640xf32, #tpu.memory_space<vmem_shared>>) dst(%dma_wait3A_30 : memref<640xf32, #tpu.memory_space<hbm>>)
      tpu.yield
    }) : () -> ()
    return
  }
}

#map = affine_map<(d0, d1) -> (0, 0)>
#map1 = affine_map<(d0, d1) -> (0, 0, 0, 0)>
#map2 = affine_map<(d0, d1) -> (0, 0, 0)>
module attributes {stable_mosaic.version = 14 : i64} {
  func.func @scatter_kernel(%arg0: i32, %arg1: i32, %arg2: memref<10240x64xf32, #tpu.memory_space<hbm>>, %arg3: memref<2x32x80x128xi32, #tpu.memory_space<hbm>>, %arg4: memref<2x10240x64xf32, #tpu.memory_space<hbm>>, %arg5: memref<10240x64xf32, #tpu.memory_space<vmem_shared>>, %arg6: memref<80x128xi32, #tpu.memory_space<vmem>>, %arg7: memref<80x128xi32, #tpu.memory_space<vmem>>, %arg8: memref<8x1x128x64xf32, #tpu.memory_space<vmem>>, %arg9: memref<!tpu.dma_semaphore, #tpu.memory_space<semaphore_mem>>, %arg10: memref<!tpu.dma_semaphore, #tpu.memory_space<semaphore_mem>>, %arg11: memref<!tpu.dma_semaphore, #tpu.memory_space<semaphore_mem>>, %arg12: memref<!tpu.dma_semaphore, #tpu.memory_space<semaphore_mem>>, %arg13: memref<!tpu.dma_semaphore, #tpu.memory_space<semaphore_mem>>, %arg14: memref<!tpu.dma_semaphore, #tpu.memory_space<semaphore_mem>>, %arg15: memref<!tpu.dma_semaphore, #tpu.memory_space<semaphore_mem>>, %arg16: memref<!tpu.dma_semaphore, #tpu.memory_space<semaphore_mem>>, %arg17: memref<!tpu.dma_semaphore, #tpu.memory_space<semaphore_mem>>, %arg18: memref<!tpu.dma_semaphore, #tpu.memory_space<semaphore_mem>>, %arg19: memref<!tpu.dma_semaphore, #tpu.memory_space<semaphore_mem>>, %arg20: memref<!tpu.dma_semaphore, #tpu.memory_space<semaphore_mem>>, %arg21: memref<!tpu.dma_semaphore, #tpu.memory_space<semaphore_mem>>, %arg22: memref<!tpu.dma_semaphore, #tpu.memory_space<semaphore_mem>>, %arg23: memref<!tpu.dma_semaphore, #tpu.memory_space<semaphore_mem>>, %arg24: memref<!tpu.dma_semaphore, #tpu.memory_space<semaphore_mem>>) attributes {dimension_semantics = [#tpu.dimension_semantics<core_parallel>, #tpu.dimension_semantics<subcore_parallel>], iteration_bounds = array<i64: 2, 16>, scalar_prefetch = 0 : i64, scratch_operands = 20 : i64, tpu.core_type = #tpu.core_type<sc_vector_subcore>, window_params = [{transform_indices = #map}, {transform_indices = #map1}, {transform_indices = #map2}]} {
    %mul3A = arith.constant 16 : i32
    %mul3A_0 = arith.muli %arg0, %mul3A : i32
    %add3A = arith.addi %mul3A_0, %arg1 : i32
    %mul3A_1 = arith.constant 640 : i32
    %mul3A_2 = arith.muli %arg1, %mul3A_1 : i32
    %scan3A = arith.constant 0 : i32
    %scan3A_3 = arith.constant 0 : i32
    %scan3A_4 = arith.constant 128 : i32
    %scan3A_5 = arith.addi %scan3A_3, %scan3A_4 : i32
    %scan3A_6 = arith.constant 1 : i32
    scf.for %scan3A_138 = %scan3A_3 to %scan3A_5 step %scan3A_6  : i32 {
      %scan3A_139 = arith.constant 0 : i32
      %scan3A_140 = arith.constant 0 : i32
      %scan3A_141 = arith.constant 4 : i32
      %scan3A_142 = arith.addi %scan3A_140, %scan3A_141 : i32
      %scan3A_143 = arith.constant 1 : i32
      scf.for %scan3A_145 = %scan3A_140 to %scan3A_142 step %scan3A_143  : i32 {
        %broadcast_in_dim3A = arith.constant 0.000000e+00 : f32
        %broadcast_in_dim3A_146 = vector.broadcast %broadcast_in_dim3A : f32 to vector<16xf32>
        %mul3A_147 = arith.constant 16 : i32
        %mul3A_148 = arith.muli %scan3A_145, %mul3A_147 : i32
        %swap3A = arith.constant 0 : i32
        %swap3A_149 = arith.constant 0 : i32
        %swap3A_150 = arith.index_cast %swap3A : i32 to index
        %swap3A_151 = arith.index_cast %swap3A_149 : i32 to index
        %swap3A_152 = arith.index_cast %scan3A_138 : i32 to index
        %swap3A_153 = arith.index_cast %mul3A_148 : i32 to index
        %swap3A_154 = tpu.vector_load %arg8[%swap3A_150, %swap3A_151, %swap3A_152, %swap3A_153] {strides = array<i32>} : memref<8x1x128x64xf32, #tpu.memory_space<vmem>>, vector<1x1x1x16xf32>,
        %swap3A_155 = vector.shape_cast %swap3A_154 : vector<1x1x1x16xf32> to vector<16xf32>
        %swap3A_156 = vector.shape_cast %broadcast_in_dim3A_146 : vector<16xf32> to vector<1x1x1x16xf32>
        tpu.vector_store %arg8[%swap3A_150, %swap3A_151, %swap3A_152, %swap3A_153], %swap3A_156 {strides = array<i32>} : memref<8x1x128x64xf32, #tpu.memory_space<vmem>>, vector<1x1x1x16xf32>,
      }
      %scan3A_144 = arith.constant 4 : i32
    }
    %scan3A_7 = arith.constant 128 : i32
    %add3A_8 = arith.constant 0 : i32
    %add3A_9 = arith.addi %mul3A_2, %add3A_8 : i32
    %run_scoped3A = arith.constant 0 : i32
    %run_scoped3A_10 = arith.constant 0 : i32
    "tpu.region"() ({
      %run_scoped3A_138 = tpu.sem_alloc : memref<!tpu.dma_semaphore, #tpu.memory_space<semaphore_mem>>
      %dma_start3A_139 = arith.constant 0 : i32
      %dma_start3A_140 = arith.constant 0 : i32
      %dma_start3A_141 = tpu.memref_slice %arg8[%run_scoped3A, %run_scoped3A_10, %dma_start3A_139, %dma_start3A_140] : memref<8x1x128x64xf32, #tpu.memory_space<vmem>> -> memref<1x1x128x64xf32, #tpu.memory_space<vmem>>
      %dma_start3A_142 = tpu.memref_squeeze %dma_start3A_141 : memref<1x1x128x64xf32, #tpu.memory_space<vmem>> -> memref<128x64xf32, #tpu.memory_space<vmem>>
      %dma_start3A_143 = arith.constant 0 : i32
      %dma_start3A_144 = tpu.memref_slice %arg5[%add3A_9, %dma_start3A_143] : memref<10240x64xf32, #tpu.memory_space<vmem_shared>> -> memref<128x64xf32, #tpu.memory_space<vmem_shared>>
      %dma_start3A_145 = arith.constant 0 : i32
      %dma_start3A_146 = tpu.memref_slice %arg5[%add3A_9, %dma_start3A_145] : memref<10240x64xf32, #tpu.memory_space<vmem_shared>> -> memref<128x64xf32, #tpu.memory_space<vmem_shared>>
      %dma_start3A_147 = arith.constant 0 : i32
      %dma_start3A_148 = arith.constant 0 : i32
      %dma_start3A_149 = tpu.memref_slice %arg8[%run_scoped3A, %run_scoped3A_10, %dma_start3A_147, %dma_start3A_148] : memref<8x1x128x64xf32, #tpu.memory_space<vmem>> -> memref<1x1x128x64xf32, #tpu.memory_space<vmem>>
      %dma_start3A_150 = tpu.memref_squeeze %dma_start3A_149 : memref<1x1x128x64xf32, #tpu.memory_space<vmem>> -> memref<128x64xf32, #tpu.memory_space<vmem>>
      tpu.enqueue_dma source(%dma_start3A_150 : memref<128x64xf32, #tpu.memory_space<vmem>>) target(%dma_start3A_146 : memref<128x64xf32, #tpu.memory_space<vmem_shared>>) target_semaphore(%run_scoped3A_138 : memref<!tpu.dma_semaphore, #tpu.memory_space<semaphore_mem>>)
      %dma_wait3A_151 = arith.constant 0 : i32
      %dma_wait3A_152 = arith.constant 0 : i32
      %dma_wait3A_153 = tpu.memref_slice %arg8[%run_scoped3A, %run_scoped3A_10, %dma_wait3A_151, %dma_wait3A_152] : memref<8x1x128x64xf32, #tpu.memory_space<vmem>> -> memref<1x1x128x64xf32, #tpu.memory_space<vmem>>
      %dma_wait3A_154 = tpu.memref_squeeze %dma_wait3A_153 : memref<1x1x128x64xf32, #tpu.memory_space<vmem>> -> memref<128x64xf32, #tpu.memory_space<vmem>>
      %dma_wait3A_155 = arith.constant 0 : i32
      %dma_wait3A_156 = tpu.memref_slice %arg5[%add3A_9, %dma_wait3A_155] : memref<10240x64xf32, #tpu.memory_space<vmem_shared>> -> memref<128x64xf32, #tpu.memory_space<vmem_shared>>
      %dma_wait3A_157 = arith.constant 0 : i32
      %dma_wait3A_158 = tpu.memref_slice %arg5[%add3A_9, %dma_wait3A_157] : memref<10240x64xf32, #tpu.memory_space<vmem_shared>> -> memref<128x64xf32, #tpu.memory_space<vmem_shared>>
      %dma_wait3A_159 = arith.constant 0 : i32
      %dma_wait3A_160 = arith.constant 0 : i32
      %dma_wait3A_161 = tpu.memref_slice %arg8[%run_scoped3A, %run_scoped3A_10, %dma_wait3A_159, %dma_wait3A_160] : memref<8x1x128x64xf32, #tpu.memory_space<vmem>> -> memref<1x1x128x64xf32, #tpu.memory_space<vmem>>
      %dma_wait3A_162 = tpu.memref_squeeze %dma_wait3A_161 : memref<1x1x128x64xf32, #tpu.memory_space<vmem>> -> memref<128x64xf32, #tpu.memory_space<vmem>>
      tpu.wait_dma2 semaphore(%run_scoped3A_138 : memref<!tpu.dma_semaphore, #tpu.memory_space<semaphore_mem>>) src(%dma_wait3A_162 : memref<128x64xf32, #tpu.memory_space<vmem>>) dst(%dma_wait3A_158 : memref<128x64xf32, #tpu.memory_space<vmem_shared>>)
      tpu.yield
    }) : () -> ()
    %add3A_11 = arith.constant 128 : i32
    %add3A_12 = arith.addi %mul3A_2, %add3A_11 : i32
    %run_scoped3A_13 = arith.constant 0 : i32
    %run_scoped3A_14 = arith.constant 0 : i32
    "tpu.region"() ({
      %run_scoped3A_138 = tpu.sem_alloc : memref<!tpu.dma_semaphore, #tpu.memory_space<semaphore_mem>>
      %dma_start3A_139 = arith.constant 0 : i32
      %dma_start3A_140 = arith.constant 0 : i32
      %dma_start3A_141 = tpu.memref_slice %arg8[%run_scoped3A_13, %run_scoped3A_14, %dma_start3A_139, %dma_start3A_140] : memref<8x1x128x64xf32, #tpu.memory_space<vmem>> -> memref<1x1x128x64xf32, #tpu.memory_space<vmem>>
      %dma_start3A_142 = tpu.memref_squeeze %dma_start3A_141 : memref<1x1x128x64xf32, #tpu.memory_space<vmem>> -> memref<128x64xf32, #tpu.memory_space<vmem>>
      %dma_start3A_143 = arith.constant 0 : i32
      %dma_start3A_144 = tpu.memref_slice %arg5[%add3A_12, %dma_start3A_143] : memref<10240x64xf32, #tpu.memory_space<vmem_shared>> -> memref<128x64xf32, #tpu.memory_space<vmem_shared>>
      %dma_start3A_145 = arith.constant 0 : i32
      %dma_start3A_146 = tpu.memref_slice %arg5[%add3A_12, %dma_start3A_145] : memref<10240x64xf32, #tpu.memory_space<vmem_shared>> -> memref<128x64xf32, #tpu.memory_space<vmem_shared>>
      %dma_start3A_147 = arith.constant 0 : i32
      %dma_start3A_148 = arith.constant 0 : i32
      %dma_start3A_149 = tpu.memref_slice %arg8[%run_scoped3A_13, %run_scoped3A_14, %dma_start3A_147, %dma_start3A_148] : memref<8x1x128x64xf32, #tpu.memory_space<vmem>> -> memref<1x1x128x64xf32, #tpu.memory_space<vmem>>
      %dma_start3A_150 = tpu.memref_squeeze %dma_start3A_149 : memref<1x1x128x64xf32, #tpu.memory_space<vmem>> -> memref<128x64xf32, #tpu.memory_space<vmem>>
      tpu.enqueue_dma source(%dma_start3A_150 : memref<128x64xf32, #tpu.memory_space<vmem>>) target(%dma_start3A_146 : memref<128x64xf32, #tpu.memory_space<vmem_shared>>) target_semaphore(%run_scoped3A_138 : memref<!tpu.dma_semaphore, #tpu.memory_space<semaphore_mem>>)
      %dma_wait3A_151 = arith.constant 0 : i32
      %dma_wait3A_152 = arith.constant 0 : i32
      %dma_wait3A_153 = tpu.memref_slice %arg8[%run_scoped3A_13, %run_scoped3A_14, %dma_wait3A_151, %dma_wait3A_152] : memref<8x1x128x64xf32, #tpu.memory_space<vmem>> -> memref<1x1x128x64xf32, #tpu.memory_space<vmem>>
      %dma_wait3A_154 = tpu.memref_squeeze %dma_wait3A_153 : memref<1x1x128x64xf32, #tpu.memory_space<vmem>> -> memref<128x64xf32, #tpu.memory_space<vmem>>
      %dma_wait3A_155 = arith.constant 0 : i32
      %dma_wait3A_156 = tpu.memref_slice %arg5[%add3A_12, %dma_wait3A_155] : memref<10240x64xf32, #tpu.memory_space<vmem_shared>> -> memref<128x64xf32, #tpu.memory_space<vmem_shared>>
      %dma_wait3A_157 = arith.constant 0 : i32
      %dma_wait3A_158 = tpu.memref_slice %arg5[%add3A_12, %dma_wait3A_157] : memref<10240x64xf32, #tpu.memory_space<vmem_shared>> -> memref<128x64xf32, #tpu.memory_space<vmem_shared>>
      %dma_wait3A_159 = arith.constant 0 : i32
      %dma_wait3A_160 = arith.constant 0 : i32
      %dma_wait3A_161 = tpu.memref_slice %arg8[%run_scoped3A_13, %run_scoped3A_14, %dma_wait3A_159, %dma_wait3A_160] : memref<8x1x128x64xf32, #tpu.memory_space<vmem>> -> memref<1x1x128x64xf32, #tpu.memory_space<vmem>>
      %dma_wait3A_162 = tpu.memref_squeeze %dma_wait3A_161 : memref<1x1x128x64xf32, #tpu.memory_space<vmem>> -> memref<128x64xf32, #tpu.memory_space<vmem>>
      tpu.wait_dma2 semaphore(%run_scoped3A_138 : memref<!tpu.dma_semaphore, #tpu.memory_space<semaphore_mem>>) src(%dma_wait3A_162 : memref<128x64xf32, #tpu.memory_space<vmem>>) dst(%dma_wait3A_158 : memref<128x64xf32, #tpu.memory_space<vmem_shared>>)
      tpu.yield
    }) : () -> ()
    %add3A_15 = arith.constant 256 : i32
    %add3A_16 = arith.addi %mul3A_2, %add3A_15 : i32
    %run_scoped3A_17 = arith.constant 0 : i32
    %run_scoped3A_18 = arith.constant 0 : i32
    "tpu.region"() ({
      %run_scoped3A_138 = tpu.sem_alloc : memref<!tpu.dma_semaphore, #tpu.memory_space<semaphore_mem>>
      %dma_start3A_139 = arith.constant 0 : i32
      %dma_start3A_140 = arith.constant 0 : i32
      %dma_start3A_141 = tpu.memref_slice %arg8[%run_scoped3A_17, %run_scoped3A_18, %dma_start3A_139, %dma_start3A_140] : memref<8x1x128x64xf32, #tpu.memory_space<vmem>> -> memref<1x1x128x64xf32, #tpu.memory_space<vmem>>
      %dma_start3A_142 = tpu.memref_squeeze %dma_start3A_141 : memref<1x1x128x64xf32, #tpu.memory_space<vmem>> -> memref<128x64xf32, #tpu.memory_space<vmem>>
      %dma_start3A_143 = arith.constant 0 : i32
      %dma_start3A_144 = tpu.memref_slice %arg5[%add3A_16, %dma_start3A_143] : memref<10240x64xf32, #tpu.memory_space<vmem_shared>> -> memref<128x64xf32, #tpu.memory_space<vmem_shared>>
      %dma_start3A_145 = arith.constant 0 : i32
      %dma_start3A_146 = tpu.memref_slice %arg5[%add3A_16, %dma_start3A_145] : memref<10240x64xf32, #tpu.memory_space<vmem_shared>> -> memref<128x64xf32, #tpu.memory_space<vmem_shared>>
      %dma_start3A_147 = arith.constant 0 : i32
      %dma_start3A_148 = arith.constant 0 : i32
      %dma_start3A_149 = tpu.memref_slice %arg8[%run_scoped3A_17, %run_scoped3A_18, %dma_start3A_147, %dma_start3A_148] : memref<8x1x128x64xf32, #tpu.memory_space<vmem>> -> memref<1x1x128x64xf32, #tpu.memory_space<vmem>>
      %dma_start3A_150 = tpu.memref_squeeze %dma_start3A_149 : memref<1x1x128x64xf32, #tpu.memory_space<vmem>> -> memref<128x64xf32, #tpu.memory_space<vmem>>
      tpu.enqueue_dma source(%dma_start3A_150 : memref<128x64xf32, #tpu.memory_space<vmem>>) target(%dma_start3A_146 : memref<128x64xf32, #tpu.memory_space<vmem_shared>>) target_semaphore(%run_scoped3A_138 : memref<!tpu.dma_semaphore, #tpu.memory_space<semaphore_mem>>)
      %dma_wait3A_151 = arith.constant 0 : i32
      %dma_wait3A_152 = arith.constant 0 : i32
      %dma_wait3A_153 = tpu.memref_slice %arg8[%run_scoped3A_17, %run_scoped3A_18, %dma_wait3A_151, %dma_wait3A_152] : memref<8x1x128x64xf32, #tpu.memory_space<vmem>> -> memref<1x1x128x64xf32, #tpu.memory_space<vmem>>
      %dma_wait3A_154 = tpu.memref_squeeze %dma_wait3A_153 : memref<1x1x128x64xf32, #tpu.memory_space<vmem>> -> memref<128x64xf32, #tpu.memory_space<vmem>>
      %dma_wait3A_155 = arith.constant 0 : i32
      %dma_wait3A_156 = tpu.memref_slice %arg5[%add3A_16, %dma_wait3A_155] : memref<10240x64xf32, #tpu.memory_space<vmem_shared>> -> memref<128x64xf32, #tpu.memory_space<vmem_shared>>
      %dma_wait3A_157 = arith.constant 0 : i32
      %dma_wait3A_158 = tpu.memref_slice %arg5[%add3A_16, %dma_wait3A_157] : memref<10240x64xf32, #tpu.memory_space<vmem_shared>> -> memref<128x64xf32, #tpu.memory_space<vmem_shared>>
      %dma_wait3A_159 = arith.constant 0 : i32
      %dma_wait3A_160 = arith.constant 0 : i32
      %dma_wait3A_161 = tpu.memref_slice %arg8[%run_scoped3A_17, %run_scoped3A_18, %dma_wait3A_159, %dma_wait3A_160] : memref<8x1x128x64xf32, #tpu.memory_space<vmem>> -> memref<1x1x128x64xf32, #tpu.memory_space<vmem>>
      %dma_wait3A_162 = tpu.memref_squeeze %dma_wait3A_161 : memref<1x1x128x64xf32, #tpu.memory_space<vmem>> -> memref<128x64xf32, #tpu.memory_space<vmem>>
      tpu.wait_dma2 semaphore(%run_scoped3A_138 : memref<!tpu.dma_semaphore, #tpu.memory_space<semaphore_mem>>) src(%dma_wait3A_162 : memref<128x64xf32, #tpu.memory_space<vmem>>) dst(%dma_wait3A_158 : memref<128x64xf32, #tpu.memory_space<vmem_shared>>)
      tpu.yield
    }) : () -> ()
    %add3A_19 = arith.constant 384 : i32
    %add3A_20 = arith.addi %mul3A_2, %add3A_19 : i32
    %run_scoped3A_21 = arith.constant 0 : i32
    %run_scoped3A_22 = arith.constant 0 : i32
    "tpu.region"() ({
      %run_scoped3A_138 = tpu.sem_alloc : memref<!tpu.dma_semaphore, #tpu.memory_space<semaphore_mem>>
      %dma_start3A_139 = arith.constant 0 : i32
      %dma_start3A_140 = arith.constant 0 : i32
      %dma_start3A_141 = tpu.memref_slice %arg8[%run_scoped3A_21, %run_scoped3A_22, %dma_start3A_139, %dma_start3A_140] : memref<8x1x128x64xf32, #tpu.memory_space<vmem>> -> memref<1x1x128x64xf32, #tpu.memory_space<vmem>>
      %dma_start3A_142 = tpu.memref_squeeze %dma_start3A_141 : memref<1x1x128x64xf32, #tpu.memory_space<vmem>> -> memref<128x64xf32, #tpu.memory_space<vmem>>
      %dma_start3A_143 = arith.constant 0 : i32
      %dma_start3A_144 = tpu.memref_slice %arg5[%add3A_20, %dma_start3A_143] : memref<10240x64xf32, #tpu.memory_space<vmem_shared>> -> memref<128x64xf32, #tpu.memory_space<vmem_shared>>
      %dma_start3A_145 = arith.constant 0 : i32
      %dma_start3A_146 = tpu.memref_slice %arg5[%add3A_20, %dma_start3A_145] : memref<10240x64xf32, #tpu.memory_space<vmem_shared>> -> memref<128x64xf32, #tpu.memory_space<vmem_shared>>
      %dma_start3A_147 = arith.constant 0 : i32
      %dma_start3A_148 = arith.constant 0 : i32
      %dma_start3A_149 = tpu.memref_slice %arg8[%run_scoped3A_21, %run_scoped3A_22, %dma_start3A_147, %dma_start3A_148] : memref<8x1x128x64xf32, #tpu.memory_space<vmem>> -> memref<1x1x128x64xf32, #tpu.memory_space<vmem>>
      %dma_start3A_150 = tpu.memref_squeeze %dma_start3A_149 : memref<1x1x128x64xf32, #tpu.memory_space<vmem>> -> memref<128x64xf32, #tpu.memory_space<vmem>>
      tpu.enqueue_dma source(%dma_start3A_150 : memref<128x64xf32, #tpu.memory_space<vmem>>) target(%dma_start3A_146 : memref<128x64xf32, #tpu.memory_space<vmem_shared>>) target_semaphore(%run_scoped3A_138 : memref<!tpu.dma_semaphore, #tpu.memory_space<semaphore_mem>>)
      %dma_wait3A_151 = arith.constant 0 : i32
      %dma_wait3A_152 = arith.constant 0 : i32
      %dma_wait3A_153 = tpu.memref_slice %arg8[%run_scoped3A_21, %run_scoped3A_22, %dma_wait3A_151, %dma_wait3A_152] : memref<8x1x128x64xf32, #tpu.memory_space<vmem>> -> memref<1x1x128x64xf32, #tpu.memory_space<vmem>>
      %dma_wait3A_154 = tpu.memref_squeeze %dma_wait3A_153 : memref<1x1x128x64xf32, #tpu.memory_space<vmem>> -> memref<128x64xf32, #tpu.memory_space<vmem>>
      %dma_wait3A_155 = arith.constant 0 : i32
      %dma_wait3A_156 = tpu.memref_slice %arg5[%add3A_20, %dma_wait3A_155] : memref<10240x64xf32, #tpu.memory_space<vmem_shared>> -> memref<128x64xf32, #tpu.memory_space<vmem_shared>>
      %dma_wait3A_157 = arith.constant 0 : i32
      %dma_wait3A_158 = tpu.memref_slice %arg5[%add3A_20, %dma_wait3A_157] : memref<10240x64xf32, #tpu.memory_space<vmem_shared>> -> memref<128x64xf32, #tpu.memory_space<vmem_shared>>
      %dma_wait3A_159 = arith.constant 0 : i32
      %dma_wait3A_160 = arith.constant 0 : i32
      %dma_wait3A_161 = tpu.memref_slice %arg8[%run_scoped3A_21, %run_scoped3A_22, %dma_wait3A_159, %dma_wait3A_160] : memref<8x1x128x64xf32, #tpu.memory_space<vmem>> -> memref<1x1x128x64xf32, #tpu.memory_space<vmem>>
      %dma_wait3A_162 = tpu.memref_squeeze %dma_wait3A_161 : memref<1x1x128x64xf32, #tpu.memory_space<vmem>> -> memref<128x64xf32, #tpu.memory_space<vmem>>
      tpu.wait_dma2 semaphore(%run_scoped3A_138 : memref<!tpu.dma_semaphore, #tpu.memory_space<semaphore_mem>>) src(%dma_wait3A_162 : memref<128x64xf32, #tpu.memory_space<vmem>>) dst(%dma_wait3A_158 : memref<128x64xf32, #tpu.memory_space<vmem_shared>>)
      tpu.yield
    }) : () -> ()
    %add3A_23 = arith.constant 512 : i32
    %add3A_24 = arith.addi %mul3A_2, %add3A_23 : i32
    %run_scoped3A_25 = arith.constant 0 : i32
    %run_scoped3A_26 = arith.constant 0 : i32
    "tpu.region"() ({
      %run_scoped3A_138 = tpu.sem_alloc : memref<!tpu.dma_semaphore, #tpu.memory_space<semaphore_mem>>
      %dma_start3A_139 = arith.constant 0 : i32
      %dma_start3A_140 = arith.constant 0 : i32
      %dma_start3A_141 = tpu.memref_slice %arg8[%run_scoped3A_25, %run_scoped3A_26, %dma_start3A_139, %dma_start3A_140] : memref<8x1x128x64xf32, #tpu.memory_space<vmem>> -> memref<1x1x128x64xf32, #tpu.memory_space<vmem>>
      %dma_start3A_142 = tpu.memref_squeeze %dma_start3A_141 : memref<1x1x128x64xf32, #tpu.memory_space<vmem>> -> memref<128x64xf32, #tpu.memory_space<vmem>>
      %dma_start3A_143 = arith.constant 0 : i32
      %dma_start3A_144 = tpu.memref_slice %arg5[%add3A_24, %dma_start3A_143] : memref<10240x64xf32, #tpu.memory_space<vmem_shared>> -> memref<128x64xf32, #tpu.memory_space<vmem_shared>>
      %dma_start3A_145 = arith.constant 0 : i32
      %dma_start3A_146 = tpu.memref_slice %arg5[%add3A_24, %dma_start3A_145] : memref<10240x64xf32, #tpu.memory_space<vmem_shared>> -> memref<128x64xf32, #tpu.memory_space<vmem_shared>>
      %dma_start3A_147 = arith.constant 0 : i32
      %dma_start3A_148 = arith.constant 0 : i32
      %dma_start3A_149 = tpu.memref_slice %arg8[%run_scoped3A_25, %run_scoped3A_26, %dma_start3A_147, %dma_start3A_148] : memref<8x1x128x64xf32, #tpu.memory_space<vmem>> -> memref<1x1x128x64xf32, #tpu.memory_space<vmem>>
      %dma_start3A_150 = tpu.memref_squeeze %dma_start3A_149 : memref<1x1x128x64xf32, #tpu.memory_space<vmem>> -> memref<128x64xf32, #tpu.memory_space<vmem>>
      tpu.enqueue_dma source(%dma_start3A_150 : memref<128x64xf32, #tpu.memory_space<vmem>>) target(%dma_start3A_146 : memref<128x64xf32, #tpu.memory_space<vmem_shared>>) target_semaphore(%run_scoped3A_138 : memref<!tpu.dma_semaphore, #tpu.memory_space<semaphore_mem>>)
      %dma_wait3A_151 = arith.constant 0 : i32
      %dma_wait3A_152 = arith.constant 0 : i32
      %dma_wait3A_153 = tpu.memref_slice %arg8[%run_scoped3A_25, %run_scoped3A_26, %dma_wait3A_151, %dma_wait3A_152] : memref<8x1x128x64xf32, #tpu.memory_space<vmem>> -> memref<1x1x128x64xf32, #tpu.memory_space<vmem>>
      %dma_wait3A_154 = tpu.memref_squeeze %dma_wait3A_153 : memref<1x1x128x64xf32, #tpu.memory_space<vmem>> -> memref<128x64xf32, #tpu.memory_space<vmem>>
      %dma_wait3A_155 = arith.constant 0 : i32
      %dma_wait3A_156 = tpu.memref_slice %arg5[%add3A_24, %dma_wait3A_155] : memref<10240x64xf32, #tpu.memory_space<vmem_shared>> -> memref<128x64xf32, #tpu.memory_space<vmem_shared>>
      %dma_wait3A_157 = arith.constant 0 : i32
      %dma_wait3A_158 = tpu.memref_slice %arg5[%add3A_24, %dma_wait3A_157] : memref<10240x64xf32, #tpu.memory_space<vmem_shared>> -> memref<128x64xf32, #tpu.memory_space<vmem_shared>>
      %dma_wait3A_159 = arith.constant 0 : i32
      %dma_wait3A_160 = arith.constant 0 : i32
      %dma_wait3A_161 = tpu.memref_slice %arg8[%run_scoped3A_25, %run_scoped3A_26, %dma_wait3A_159, %dma_wait3A_160] : memref<8x1x128x64xf32, #tpu.memory_space<vmem>> -> memref<1x1x128x64xf32, #tpu.memory_space<vmem>>
      %dma_wait3A_162 = tpu.memref_squeeze %dma_wait3A_161 : memref<1x1x128x64xf32, #tpu.memory_space<vmem>> -> memref<128x64xf32, #tpu.memory_space<vmem>>
      tpu.wait_dma2 semaphore(%run_scoped3A_138 : memref<!tpu.dma_semaphore, #tpu.memory_space<semaphore_mem>>) src(%dma_wait3A_162 : memref<128x64xf32, #tpu.memory_space<vmem>>) dst(%dma_wait3A_158 : memref<128x64xf32, #tpu.memory_space<vmem_shared>>)
      tpu.yield
    }) : () -> ()
    %run_scoped3A_27 = arith.constant 0 : i32
    "tpu.region"() ({
      %run_scoped3A_138 = tpu.sem_alloc : memref<!tpu.dma_semaphore, #tpu.memory_space<semaphore_mem>>
      %dma_start3A_139 = arith.constant 0 : i32
      %dma_start3A_140 = arith.constant 0 : i32
      %dma_start3A_141 = tpu.memref_slice %arg3[%run_scoped3A_27, %add3A, %dma_start3A_139, %dma_start3A_140] : memref<2x32x80x128xi32, #tpu.memory_space<hbm>> -> memref<1x1x80x128xi32, #tpu.memory_space<hbm>>
      %dma_start3A_142 = tpu.memref_squeeze %dma_start3A_141 : memref<1x1x80x128xi32, #tpu.memory_space<hbm>> -> memref<80x128xi32, #tpu.memory_space<hbm>>
      %dma_start3A_143 = arith.constant 0 : i32
      %dma_start3A_144 = arith.constant 0 : i32
      %dma_start3A_145 = tpu.memref_slice %arg3[%run_scoped3A_27, %add3A, %dma_start3A_143, %dma_start3A_144] : memref<2x32x80x128xi32, #tpu.memory_space<hbm>> -> memref<1x1x80x128xi32, #tpu.memory_space<hbm>>
      %dma_start3A_146 = tpu.memref_squeeze %dma_start3A_145 : memref<1x1x80x128xi32, #tpu.memory_space<hbm>> -> memref<80x128xi32, #tpu.memory_space<hbm>>
      tpu.enqueue_dma source(%dma_start3A_146 : memref<80x128xi32, #tpu.memory_space<hbm>>) target(%arg6 : memref<80x128xi32, #tpu.memory_space<vmem>>) target_semaphore(%run_scoped3A_138 : memref<!tpu.dma_semaphore, #tpu.memory_space<semaphore_mem>>)
      %dma_wait3A_147 = arith.constant 0 : i32
      %dma_wait3A_148 = arith.constant 0 : i32
      %dma_wait3A_149 = tpu.memref_slice %arg3[%run_scoped3A_27, %add3A, %dma_wait3A_147, %dma_wait3A_148] : memref<2x32x80x128xi32, #tpu.memory_space<hbm>> -> memref<1x1x80x128xi32, #tpu.memory_space<hbm>>
      %dma_wait3A_150 = tpu.memref_squeeze %dma_wait3A_149 : memref<1x1x80x128xi32, #tpu.memory_space<hbm>> -> memref<80x128xi32, #tpu.memory_space<hbm>>
      %dma_wait3A_151 = arith.constant 0 : i32
      %dma_wait3A_152 = arith.constant 0 : i32
      %dma_wait3A_153 = tpu.memref_slice %arg3[%run_scoped3A_27, %add3A, %dma_wait3A_151, %dma_wait3A_152] : memref<2x32x80x128xi32, #tpu.memory_space<hbm>> -> memref<1x1x80x128xi32, #tpu.memory_space<hbm>>
      %dma_wait3A_154 = tpu.memref_squeeze %dma_wait3A_153 : memref<1x1x80x128xi32, #tpu.memory_space<hbm>> -> memref<80x128xi32, #tpu.memory_space<hbm>>
      tpu.wait_dma2 semaphore(%run_scoped3A_138 : memref<!tpu.dma_semaphore, #tpu.memory_space<semaphore_mem>>) src(%dma_wait3A_154 : memref<80x128xi32, #tpu.memory_space<hbm>>) dst(%arg6 : memref<80x128xi32, #tpu.memory_space<vmem>>)
      tpu.yield
    }) : () -> ()
    %run_scoped3A_28 = arith.constant 1 : i32
    "tpu.region"() ({
      %run_scoped3A_138 = tpu.sem_alloc : memref<!tpu.dma_semaphore, #tpu.memory_space<semaphore_mem>>
      %dma_start3A_139 = arith.constant 0 : i32
      %dma_start3A_140 = arith.constant 0 : i32
      %dma_start3A_141 = tpu.memref_slice %arg3[%run_scoped3A_28, %add3A, %dma_start3A_139, %dma_start3A_140] : memref<2x32x80x128xi32, #tpu.memory_space<hbm>> -> memref<1x1x80x128xi32, #tpu.memory_space<hbm>>
      %dma_start3A_142 = tpu.memref_squeeze %dma_start3A_141 : memref<1x1x80x128xi32, #tpu.memory_space<hbm>> -> memref<80x128xi32, #tpu.memory_space<hbm>>
      %dma_start3A_143 = arith.constant 0 : i32
      %dma_start3A_144 = arith.constant 0 : i32
      %dma_start3A_145 = tpu.memref_slice %arg3[%run_scoped3A_28, %add3A, %dma_start3A_143, %dma_start3A_144] : memref<2x32x80x128xi32, #tpu.memory_space<hbm>> -> memref<1x1x80x128xi32, #tpu.memory_space<hbm>>
      %dma_start3A_146 = tpu.memref_squeeze %dma_start3A_145 : memref<1x1x80x128xi32, #tpu.memory_space<hbm>> -> memref<80x128xi32, #tpu.memory_space<hbm>>
      tpu.enqueue_dma source(%dma_start3A_146 : memref<80x128xi32, #tpu.memory_space<hbm>>) target(%arg7 : memref<80x128xi32, #tpu.memory_space<vmem>>) target_semaphore(%run_scoped3A_138 : memref<!tpu.dma_semaphore, #tpu.memory_space<semaphore_mem>>)
      %dma_wait3A_147 = arith.constant 0 : i32
      %dma_wait3A_148 = arith.constant 0 : i32
      %dma_wait3A_149 = tpu.memref_slice %arg3[%run_scoped3A_28, %add3A, %dma_wait3A_147, %dma_wait3A_148] : memref<2x32x80x128xi32, #tpu.memory_space<hbm>> -> memref<1x1x80x128xi32, #tpu.memory_space<hbm>>
      %dma_wait3A_150 = tpu.memref_squeeze %dma_wait3A_149 : memref<1x1x80x128xi32, #tpu.memory_space<hbm>> -> memref<80x128xi32, #tpu.memory_space<hbm>>
      %dma_wait3A_151 = arith.constant 0 : i32
      %dma_wait3A_152 = arith.constant 0 : i32
      %dma_wait3A_153 = tpu.memref_slice %arg3[%run_scoped3A_28, %add3A, %dma_wait3A_151, %dma_wait3A_152] : memref<2x32x80x128xi32, #tpu.memory_space<hbm>> -> memref<1x1x80x128xi32, #tpu.memory_space<hbm>>
      %dma_wait3A_154 = tpu.memref_squeeze %dma_wait3A_153 : memref<1x1x80x128xi32, #tpu.memory_space<hbm>> -> memref<80x128xi32, #tpu.memory_space<hbm>>
      tpu.wait_dma2 semaphore(%run_scoped3A_138 : memref<!tpu.dma_semaphore, #tpu.memory_space<semaphore_mem>>) src(%dma_wait3A_154 : memref<80x128xi32, #tpu.memory_space<hbm>>) dst(%arg7 : memref<80x128xi32, #tpu.memory_space<vmem>>)
      tpu.yield
    }) : () -> ()
    %barrier3A = arith.constant 0 : index
    tpu.barrier barrier_id(%barrier3A)
    %dma_start3A = arith.constant 0 : i32
    %dma_start3A_29 = arith.constant 0 : i32
    %dma_start3A_30 = arith.constant 0 : i32
    %dma_start3A_31 = arith.constant 0 : i32
    %dma_start3A_32 = arith.constant 0 : i32
    %dma_start3A_33 = tpu.memref_slice %arg8[%dma_start3A_29, %dma_start3A_30, %dma_start3A_31, %dma_start3A_32] : memref<8x1x128x64xf32, #tpu.memory_space<vmem>> -> memref<1x1x128x64xf32, #tpu.memory_space<vmem>>
    %dma_start3A_34 = tpu.memref_squeeze %dma_start3A_33 : memref<1x1x128x64xf32, #tpu.memory_space<vmem>> -> memref<128x64xf32, #tpu.memory_space<vmem>>
    %dma_start3A_35 = arith.constant 0 : i32
    %dma_start3A_36 = tpu.memref_slice %arg6[%dma_start3A, %dma_start3A_35] : memref<80x128xi32, #tpu.memory_space<vmem>> -> memref<1x128xi32, #tpu.memory_space<vmem>>
    %dma_start3A_37 = tpu.memref_squeeze %dma_start3A_36 : memref<1x128xi32, #tpu.memory_space<vmem>> -> memref<128xi32, #tpu.memory_space<vmem>>
    %dma_start3A_38 = arith.constant 0 : i32
    %dma_start3A_39 = arith.constant 0 : i32
    %dma_start3A_40 = tpu.memref_slice %arg2[%dma_start3A_38, %dma_start3A_39] : memref<10240x64xf32, #tpu.memory_space<hbm>> -> memref<10240x64xf32, #tpu.memory_space<hbm>>
    tpu.enqueue_indirect_dma source(%dma_start3A_40 : memref<10240x64xf32, #tpu.memory_space<hbm>>) target(%dma_start3A_34 : memref<128x64xf32, #tpu.memory_space<vmem>>) offsets(%dma_start3A_37 : memref<128xi32, #tpu.memory_space<vmem>>) semaphore(%arg9 : memref<!tpu.dma_semaphore, #tpu.memory_space<semaphore_mem>>)
    %dma_start3A_41 = arith.constant 1 : i32
    %dma_start3A_42 = arith.constant 1 : i32
    %dma_start3A_43 = arith.constant 0 : i32
    %dma_start3A_44 = arith.constant 0 : i32
    %dma_start3A_45 = arith.constant 0 : i32
    %dma_start3A_46 = tpu.memref_slice %arg8[%dma_start3A_42, %dma_start3A_43, %dma_start3A_44, %dma_start3A_45] : memref<8x1x128x64xf32, #tpu.memory_space<vmem>> -> memref<1x1x128x64xf32, #tpu.memory_space<vmem>>
    %dma_start3A_47 = tpu.memref_squeeze %dma_start3A_46 : memref<1x1x128x64xf32, #tpu.memory_space<vmem>> -> memref<128x64xf32, #tpu.memory_space<vmem>>
    %dma_start3A_48 = arith.constant 0 : i32
    %dma_start3A_49 = tpu.memref_slice %arg6[%dma_start3A_41, %dma_start3A_48] : memref<80x128xi32, #tpu.memory_space<vmem>> -> memref<1x128xi32, #tpu.memory_space<vmem>>
    %dma_start3A_50 = tpu.memref_squeeze %dma_start3A_49 : memref<1x128xi32, #tpu.memory_space<vmem>> -> memref<128xi32, #tpu.memory_space<vmem>>
    %dma_start3A_51 = arith.constant 0 : i32
    %dma_start3A_52 = arith.constant 0 : i32
    %dma_start3A_53 = tpu.memref_slice %arg2[%dma_start3A_51, %dma_start3A_52] : memref<10240x64xf32, #tpu.memory_space<hbm>> -> memref<10240x64xf32, #tpu.memory_space<hbm>>
    tpu.enqueue_indirect_dma source(%dma_start3A_53 : memref<10240x64xf32, #tpu.memory_space<hbm>>) target(%dma_start3A_47 : memref<128x64xf32, #tpu.memory_space<vmem>>) offsets(%dma_start3A_50 : memref<128xi32, #tpu.memory_space<vmem>>) semaphore(%arg10 : memref<!tpu.dma_semaphore, #tpu.memory_space<semaphore_mem>>)
    %dma_start3A_54 = arith.constant 2 : i32
    %dma_start3A_55 = arith.constant 2 : i32
    %dma_start3A_56 = arith.constant 0 : i32
    %dma_start3A_57 = arith.constant 0 : i32
    %dma_start3A_58 = arith.constant 0 : i32
    %dma_start3A_59 = tpu.memref_slice %arg8[%dma_start3A_55, %dma_start3A_56, %dma_start3A_57, %dma_start3A_58] : memref<8x1x128x64xf32, #tpu.memory_space<vmem>> -> memref<1x1x128x64xf32, #tpu.memory_space<vmem>>
    %dma_start3A_60 = tpu.memref_squeeze %dma_start3A_59 : memref<1x1x128x64xf32, #tpu.memory_space<vmem>> -> memref<128x64xf32, #tpu.memory_space<vmem>>
    %dma_start3A_61 = arith.constant 0 : i32
    %dma_start3A_62 = tpu.memref_slice %arg6[%dma_start3A_54, %dma_start3A_61] : memref<80x128xi32, #tpu.memory_space<vmem>> -> memref<1x128xi32, #tpu.memory_space<vmem>>
    %dma_start3A_63 = tpu.memref_squeeze %dma_start3A_62 : memref<1x128xi32, #tpu.memory_space<vmem>> -> memref<128xi32, #tpu.memory_space<vmem>>
    %dma_start3A_64 = arith.constant 0 : i32
    %dma_start3A_65 = arith.constant 0 : i32
    %dma_start3A_66 = tpu.memref_slice %arg2[%dma_start3A_64, %dma_start3A_65] : memref<10240x64xf32, #tpu.memory_space<hbm>> -> memref<10240x64xf32, #tpu.memory_space<hbm>>
    tpu.enqueue_indirect_dma source(%dma_start3A_66 : memref<10240x64xf32, #tpu.memory_space<hbm>>) target(%dma_start3A_60 : memref<128x64xf32, #tpu.memory_space<vmem>>) offsets(%dma_start3A_63 : memref<128xi32, #tpu.memory_space<vmem>>) semaphore(%arg11 : memref<!tpu.dma_semaphore, #tpu.memory_space<semaphore_mem>>)
    %dma_start3A_67 = arith.constant 3 : i32
    %dma_start3A_68 = arith.constant 3 : i32
    %dma_start3A_69 = arith.constant 0 : i32
    %dma_start3A_70 = arith.constant 0 : i32
    %dma_start3A_71 = arith.constant 0 : i32
    %dma_start3A_72 = tpu.memref_slice %arg8[%dma_start3A_68, %dma_start3A_69, %dma_start3A_70, %dma_start3A_71] : memref<8x1x128x64xf32, #tpu.memory_space<vmem>> -> memref<1x1x128x64xf32, #tpu.memory_space<vmem>>
    %dma_start3A_73 = tpu.memref_squeeze %dma_start3A_72 : memref<1x1x128x64xf32, #tpu.memory_space<vmem>> -> memref<128x64xf32, #tpu.memory_space<vmem>>
    %dma_start3A_74 = arith.constant 0 : i32
    %dma_start3A_75 = tpu.memref_slice %arg6[%dma_start3A_67, %dma_start3A_74] : memref<80x128xi32, #tpu.memory_space<vmem>> -> memref<1x128xi32, #tpu.memory_space<vmem>>
    %dma_start3A_76 = tpu.memref_squeeze %dma_start3A_75 : memref<1x128xi32, #tpu.memory_space<vmem>> -> memref<128xi32, #tpu.memory_space<vmem>>
    %dma_start3A_77 = arith.constant 0 : i32
    %dma_start3A_78 = arith.constant 0 : i32
    %dma_start3A_79 = tpu.memref_slice %arg2[%dma_start3A_77, %dma_start3A_78] : memref<10240x64xf32, #tpu.memory_space<hbm>> -> memref<10240x64xf32, #tpu.memory_space<hbm>>
    tpu.enqueue_indirect_dma source(%dma_start3A_79 : memref<10240x64xf32, #tpu.memory_space<hbm>>) target(%dma_start3A_73 : memref<128x64xf32, #tpu.memory_space<vmem>>) offsets(%dma_start3A_76 : memref<128xi32, #tpu.memory_space<vmem>>) semaphore(%arg12 : memref<!tpu.dma_semaphore, #tpu.memory_space<semaphore_mem>>)
    %scan3A_80 = arith.constant 0 : i32
    %scan3A_81 = arith.constant 0 : i32
    %scan3A_82 = arith.constant 10 : i32
    %scan3A_83 = arith.addi %scan3A_81, %scan3A_82 : i32
    %scan3A_84 = arith.constant 1 : i32
    scf.for %scan3A_138 = %scan3A_81 to %scan3A_83 step %scan3A_84  : i32 {
      %mul3A_139 = arith.constant 8 : i32
      %mul3A_140 = arith.muli %mul3A_139, %scan3A_138 : i32
      %add3A_141 = arith.constant 0 : i32
      %add3A_142 = arith.addi %mul3A_140, %add3A_141 : i32
      %mul3A_143 = arith.constant 1 : i32
      %mul3A_144 = arith.muli %add3A_142, %mul3A_143 : i32
      %add3A_145 = arith.constant 0 : i32
      %add3A_146 = arith.addi %mul3A_144, %add3A_145 : i32
      %dma_wait3A_147 = arith.constant 0 : i32
      %dma_wait3A_148 = arith.constant 0 : i32
      %dma_wait3A_149 = arith.constant 0 : i32
      %dma_wait3A_150 = arith.constant 0 : i32
      %dma_wait3A_151 = tpu.memref_slice %arg8[%dma_wait3A_147, %dma_wait3A_148, %dma_wait3A_149, %dma_wait3A_150] : memref<8x1x128x64xf32, #tpu.memory_space<vmem>> -> memref<1x1x128x64xf32, #tpu.memory_space<vmem>>
      %dma_wait3A_152 = tpu.memref_squeeze %dma_wait3A_151 : memref<1x1x128x64xf32, #tpu.memory_space<vmem>> -> memref<128x64xf32, #tpu.memory_space<vmem>>
      %dma_wait3A_153 = arith.constant 0 : i32
      %dma_wait3A_154 = tpu.memref_slice %arg6[%add3A_146, %dma_wait3A_153] : memref<80x128xi32, #tpu.memory_space<vmem>> -> memref<1x128xi32, #tpu.memory_space<vmem>>
      %dma_wait3A_155 = tpu.memref_squeeze %dma_wait3A_154 : memref<1x128xi32, #tpu.memory_space<vmem>> -> memref<128xi32, #tpu.memory_space<vmem>>
      %dma_wait3A_156 = arith.constant 0 : i32
      %dma_wait3A_157 = arith.constant 0 : i32
      %dma_wait3A_158 = tpu.memref_slice %arg2[%dma_wait3A_156, %dma_wait3A_157] : memref<10240x64xf32, #tpu.memory_space<hbm>> -> memref<10240x64xf32, #tpu.memory_space<hbm>>
      tpu.wait_indirect_dma semaphore(%arg9 : memref<!tpu.dma_semaphore, #tpu.memory_space<semaphore_mem>>) src(%dma_wait3A_158 : memref<10240x64xf32, #tpu.memory_space<hbm>>) dst(%dma_wait3A_152 : memref<128x64xf32, #tpu.memory_space<vmem>>)
      %mul3A_159 = arith.constant 1 : i32
      %mul3A_160 = arith.muli %add3A_142, %mul3A_159 : i32
      %add3A_161 = arith.constant 0 : i32
      %add3A_162 = arith.addi %mul3A_160, %add3A_161 : i32
      %dma_start3A_163 = arith.constant 0 : i32
      %dma_start3A_164 = arith.constant 0 : i32
      %dma_start3A_165 = arith.constant 0 : i32
      %dma_start3A_166 = arith.constant 0 : i32
      %dma_start3A_167 = tpu.memref_slice %arg8[%dma_start3A_163, %dma_start3A_164, %dma_start3A_165, %dma_start3A_166] : memref<8x1x128x64xf32, #tpu.memory_space<vmem>> -> memref<1x1x128x64xf32, #tpu.memory_space<vmem>>
      %dma_start3A_168 = tpu.memref_squeeze %dma_start3A_167 : memref<1x1x128x64xf32, #tpu.memory_space<vmem>> -> memref<128x64xf32, #tpu.memory_space<vmem>>
      %dma_start3A_169 = arith.constant 0 : i32
      %dma_start3A_170 = tpu.memref_slice %arg7[%add3A_162, %dma_start3A_169] : memref<80x128xi32, #tpu.memory_space<vmem>> -> memref<1x128xi32, #tpu.memory_space<vmem>>
      %dma_start3A_171 = tpu.memref_squeeze %dma_start3A_170 : memref<1x128xi32, #tpu.memory_space<vmem>> -> memref<128xi32, #tpu.memory_space<vmem>>
      %dma_start3A_172 = arith.constant 0 : i32
      %dma_start3A_173 = arith.constant 0 : i32
      %dma_start3A_174 = tpu.memref_slice %arg5[%dma_start3A_172, %dma_start3A_173] : memref<10240x64xf32, #tpu.memory_space<vmem_shared>> -> memref<10240x64xf32, #tpu.memory_space<vmem_shared>>
      tpu.enqueue_indirect_dma source(%dma_start3A_168 : memref<128x64xf32, #tpu.memory_space<vmem>>) target(%dma_start3A_174 : memref<10240x64xf32, #tpu.memory_space<vmem_shared>>) offsets(%dma_start3A_171 : memref<128xi32, #tpu.memory_space<vmem>>) semaphore(%arg17 : memref<!tpu.dma_semaphore, #tpu.memory_space<semaphore_mem>>) {add = true}
      %ge3A = arith.constant 4 : i32
      %ge3A_175 = arith.cmpi sge, %add3A_142, %ge3A : i32
      %convert_element_type3A = arith.extui %ge3A_175 : i1 to i32
      %cond3A = arith.constant 0 : i32
      %cond3A_176 = arith.cmpi ne, %convert_element_type3A, %cond3A : i32
      scf.if %cond3A_176 {
        %sub3A = arith.constant 4 : i32
        %sub3A_505 = arith.subi %add3A_142, %sub3A : i32
        %mul3A_506 = arith.constant 1 : i32
        %mul3A_507 = arith.muli %sub3A_505, %mul3A_506 : i32
        %add3A_508 = arith.constant 0 : i32
        %add3A_509 = arith.addi %mul3A_507, %add3A_508 : i32
        %dma_wait3A_510 = arith.constant 4 : i32
        %dma_wait3A_511 = arith.constant 0 : i32
        %dma_wait3A_512 = arith.constant 0 : i32
        %dma_wait3A_513 = arith.constant 0 : i32
        %dma_wait3A_514 = tpu.memref_slice %arg8[%dma_wait3A_510, %dma_wait3A_511, %dma_wait3A_512, %dma_wait3A_513] : memref<8x1x128x64xf32, #tpu.memory_space<vmem>> -> memref<1x1x128x64xf32, #tpu.memory_space<vmem>>
        %dma_wait3A_515 = tpu.memref_squeeze %dma_wait3A_514 : memref<1x1x128x64xf32, #tpu.memory_space<vmem>> -> memref<128x64xf32, #tpu.memory_space<vmem>>
        %dma_wait3A_516 = arith.constant 0 : i32
        %dma_wait3A_517 = tpu.memref_slice %arg7[%add3A_509, %dma_wait3A_516] : memref<80x128xi32, #tpu.memory_space<vmem>> -> memref<1x128xi32, #tpu.memory_space<vmem>>
        %dma_wait3A_518 = tpu.memref_squeeze %dma_wait3A_517 : memref<1x128xi32, #tpu.memory_space<vmem>> -> memref<128xi32, #tpu.memory_space<vmem>>
        %dma_wait3A_519 = arith.constant 0 : i32
        %dma_wait3A_520 = arith.constant 0 : i32
        %dma_wait3A_521 = tpu.memref_slice %arg5[%dma_wait3A_519, %dma_wait3A_520] : memref<10240x64xf32, #tpu.memory_space<vmem_shared>> -> memref<10240x64xf32, #tpu.memory_space<vmem_shared>>
        tpu.wait_indirect_dma semaphore(%arg21 : memref<!tpu.dma_semaphore, #tpu.memory_space<semaphore_mem>>) src(%dma_wait3A_515 : memref<128x64xf32, #tpu.memory_space<vmem>>) dst(%dma_wait3A_521 : memref<10240x64xf32, #tpu.memory_space<vmem_shared>>)
      } else {
      }
      %add3A_177 = arith.constant 4 : i32
      %add3A_178 = arith.addi %add3A_142, %add3A_177 : i32
      %lt3A = arith.constant 80 : i32
      %lt3A_179 = arith.cmpi slt, %add3A_178, %lt3A : i32
      %convert_element_type3A_180 = arith.extui %lt3A_179 : i1 to i32
      %cond3A_181 = arith.constant 0 : i32
      %cond3A_182 = arith.cmpi ne, %convert_element_type3A_180, %cond3A_181 : i32
      scf.if %cond3A_182 {
        %add3A_505 = arith.constant 4 : i32
        %add3A_506 = arith.addi %add3A_142, %add3A_505 : i32
        %mul3A_507 = arith.constant 1 : i32
        %mul3A_508 = arith.muli %add3A_506, %mul3A_507 : i32
        %add3A_509 = arith.constant 0 : i32
        %add3A_510 = arith.addi %mul3A_508, %add3A_509 : i32
        %dma_start3A_511 = arith.constant 4 : i32
        %dma_start3A_512 = arith.constant 0 : i32
        %dma_start3A_513 = arith.constant 0 : i32
        %dma_start3A_514 = arith.constant 0 : i32
        %dma_start3A_515 = tpu.memref_slice %arg8[%dma_start3A_511, %dma_start3A_512, %dma_start3A_513, %dma_start3A_514] : memref<8x1x128x64xf32, #tpu.memory_space<vmem>> -> memref<1x1x128x64xf32, #tpu.memory_space<vmem>>
        %dma_start3A_516 = tpu.memref_squeeze %dma_start3A_515 : memref<1x1x128x64xf32, #tpu.memory_space<vmem>> -> memref<128x64xf32, #tpu.memory_space<vmem>>
        %dma_start3A_517 = arith.constant 0 : i32
        %dma_start3A_518 = tpu.memref_slice %arg6[%add3A_510, %dma_start3A_517] : memref<80x128xi32, #tpu.memory_space<vmem>> -> memref<1x128xi32, #tpu.memory_space<vmem>>
        %dma_start3A_519 = tpu.memref_squeeze %dma_start3A_518 : memref<1x128xi32, #tpu.memory_space<vmem>> -> memref<128xi32, #tpu.memory_space<vmem>>
        %dma_start3A_520 = arith.constant 0 : i32
        %dma_start3A_521 = arith.constant 0 : i32
        %dma_start3A_522 = tpu.memref_slice %arg2[%dma_start3A_520, %dma_start3A_521] : memref<10240x64xf32, #tpu.memory_space<hbm>> -> memref<10240x64xf32, #tpu.memory_space<hbm>>
        tpu.enqueue_indirect_dma source(%dma_start3A_522 : memref<10240x64xf32, #tpu.memory_space<hbm>>) target(%dma_start3A_516 : memref<128x64xf32, #tpu.memory_space<vmem>>) offsets(%dma_start3A_519 : memref<128xi32, #tpu.memory_space<vmem>>) semaphore(%arg13 : memref<!tpu.dma_semaphore, #tpu.memory_space<semaphore_mem>>)
      } else {
      }
      %add3A_183 = arith.constant 1 : i32
      %add3A_184 = arith.addi %mul3A_140, %add3A_183 : i32
      %mul3A_185 = arith.constant 1 : i32
      %mul3A_186 = arith.muli %add3A_184, %mul3A_185 : i32
      %add3A_187 = arith.constant 0 : i32
      %add3A_188 = arith.addi %mul3A_186, %add3A_187 : i32
      %dma_wait3A_189 = arith.constant 1 : i32
      %dma_wait3A_190 = arith.constant 0 : i32
      %dma_wait3A_191 = arith.constant 0 : i32
      %dma_wait3A_192 = arith.constant 0 : i32
      %dma_wait3A_193 = tpu.memref_slice %arg8[%dma_wait3A_189, %dma_wait3A_190, %dma_wait3A_191, %dma_wait3A_192] : memref<8x1x128x64xf32, #tpu.memory_space<vmem>> -> memref<1x1x128x64xf32, #tpu.memory_space<vmem>>
      %dma_wait3A_194 = tpu.memref_squeeze %dma_wait3A_193 : memref<1x1x128x64xf32, #tpu.memory_space<vmem>> -> memref<128x64xf32, #tpu.memory_space<vmem>>
      %dma_wait3A_195 = arith.constant 0 : i32
      %dma_wait3A_196 = tpu.memref_slice %arg6[%add3A_188, %dma_wait3A_195] : memref<80x128xi32, #tpu.memory_space<vmem>> -> memref<1x128xi32, #tpu.memory_space<vmem>>
      %dma_wait3A_197 = tpu.memref_squeeze %dma_wait3A_196 : memref<1x128xi32, #tpu.memory_space<vmem>> -> memref<128xi32, #tpu.memory_space<vmem>>
      %dma_wait3A_198 = arith.constant 0 : i32
      %dma_wait3A_199 = arith.constant 0 : i32
      %dma_wait3A_200 = tpu.memref_slice %arg2[%dma_wait3A_198, %dma_wait3A_199] : memref<10240x64xf32, #tpu.memory_space<hbm>> -> memref<10240x64xf32, #tpu.memory_space<hbm>>
      tpu.wait_indirect_dma semaphore(%arg10 : memref<!tpu.dma_semaphore, #tpu.memory_space<semaphore_mem>>) src(%dma_wait3A_200 : memref<10240x64xf32, #tpu.memory_space<hbm>>) dst(%dma_wait3A_194 : memref<128x64xf32, #tpu.memory_space<vmem>>)
      %mul3A_201 = arith.constant 1 : i32
      %mul3A_202 = arith.muli %add3A_184, %mul3A_201 : i32
      %add3A_203 = arith.constant 0 : i32
      %add3A_204 = arith.addi %mul3A_202, %add3A_203 : i32
      %dma_start3A_205 = arith.constant 1 : i32
      %dma_start3A_206 = arith.constant 0 : i32
      %dma_start3A_207 = arith.constant 0 : i32
      %dma_start3A_208 = arith.constant 0 : i32
      %dma_start3A_209 = tpu.memref_slice %arg8[%dma_start3A_205, %dma_start3A_206, %dma_start3A_207, %dma_start3A_208] : memref<8x1x128x64xf32, #tpu.memory_space<vmem>> -> memref<1x1x128x64xf32, #tpu.memory_space<vmem>>
      %dma_start3A_210 = tpu.memref_squeeze %dma_start3A_209 : memref<1x1x128x64xf32, #tpu.memory_space<vmem>> -> memref<128x64xf32, #tpu.memory_space<vmem>>
      %dma_start3A_211 = arith.constant 0 : i32
      %dma_start3A_212 = tpu.memref_slice %arg7[%add3A_204, %dma_start3A_211] : memref<80x128xi32, #tpu.memory_space<vmem>> -> memref<1x128xi32, #tpu.memory_space<vmem>>
      %dma_start3A_213 = tpu.memref_squeeze %dma_start3A_212 : memref<1x128xi32, #tpu.memory_space<vmem>> -> memref<128xi32, #tpu.memory_space<vmem>>
      %dma_start3A_214 = arith.constant 0 : i32
      %dma_start3A_215 = arith.constant 0 : i32
      %dma_start3A_216 = tpu.memref_slice %arg5[%dma_start3A_214, %dma_start3A_215] : memref<10240x64xf32, #tpu.memory_space<vmem_shared>> -> memref<10240x64xf32, #tpu.memory_space<vmem_shared>>
      tpu.enqueue_indirect_dma source(%dma_start3A_210 : memref<128x64xf32, #tpu.memory_space<vmem>>) target(%dma_start3A_216 : memref<10240x64xf32, #tpu.memory_space<vmem_shared>>) offsets(%dma_start3A_213 : memref<128xi32, #tpu.memory_space<vmem>>) semaphore(%arg18 : memref<!tpu.dma_semaphore, #tpu.memory_space<semaphore_mem>>) {add = true}
      %ge3A_217 = arith.constant 4 : i32
      %ge3A_218 = arith.cmpi sge, %add3A_184, %ge3A_217 : i32
      %convert_element_type3A_219 = arith.extui %ge3A_218 : i1 to i32
      %cond3A_220 = arith.constant 0 : i32
      %cond3A_221 = arith.cmpi ne, %convert_element_type3A_219, %cond3A_220 : i32
      scf.if %cond3A_221 {
        %sub3A = arith.constant 4 : i32
        %sub3A_505 = arith.subi %add3A_184, %sub3A : i32
        %mul3A_506 = arith.constant 1 : i32
        %mul3A_507 = arith.muli %sub3A_505, %mul3A_506 : i32
        %add3A_508 = arith.constant 0 : i32
        %add3A_509 = arith.addi %mul3A_507, %add3A_508 : i32
        %dma_wait3A_510 = arith.constant 5 : i32
        %dma_wait3A_511 = arith.constant 0 : i32
        %dma_wait3A_512 = arith.constant 0 : i32
        %dma_wait3A_513 = arith.constant 0 : i32
        %dma_wait3A_514 = tpu.memref_slice %arg8[%dma_wait3A_510, %dma_wait3A_511, %dma_wait3A_512, %dma_wait3A_513] : memref<8x1x128x64xf32, #tpu.memory_space<vmem>> -> memref<1x1x128x64xf32, #tpu.memory_space<vmem>>
        %dma_wait3A_515 = tpu.memref_squeeze %dma_wait3A_514 : memref<1x1x128x64xf32, #tpu.memory_space<vmem>> -> memref<128x64xf32, #tpu.memory_space<vmem>>
        %dma_wait3A_516 = arith.constant 0 : i32
        %dma_wait3A_517 = tpu.memref_slice %arg7[%add3A_509, %dma_wait3A_516] : memref<80x128xi32, #tpu.memory_space<vmem>> -> memref<1x128xi32, #tpu.memory_space<vmem>>
        %dma_wait3A_518 = tpu.memref_squeeze %dma_wait3A_517 : memref<1x128xi32, #tpu.memory_space<vmem>> -> memref<128xi32, #tpu.memory_space<vmem>>
        %dma_wait3A_519 = arith.constant 0 : i32
        %dma_wait3A_520 = arith.constant 0 : i32
        %dma_wait3A_521 = tpu.memref_slice %arg5[%dma_wait3A_519, %dma_wait3A_520] : memref<10240x64xf32, #tpu.memory_space<vmem_shared>> -> memref<10240x64xf32, #tpu.memory_space<vmem_shared>>
        tpu.wait_indirect_dma semaphore(%arg22 : memref<!tpu.dma_semaphore, #tpu.memory_space<semaphore_mem>>) src(%dma_wait3A_515 : memref<128x64xf32, #tpu.memory_space<vmem>>) dst(%dma_wait3A_521 : memref<10240x64xf32, #tpu.memory_space<vmem_shared>>)
      } else {
      }
      %add3A_222 = arith.constant 4 : i32
      %add3A_223 = arith.addi %add3A_184, %add3A_222 : i32
      %lt3A_224 = arith.constant 80 : i32
      %lt3A_225 = arith.cmpi slt, %add3A_223, %lt3A_224 : i32
      %convert_element_type3A_226 = arith.extui %lt3A_225 : i1 to i32
      %cond3A_227 = arith.constant 0 : i32
      %cond3A_228 = arith.cmpi ne, %convert_element_type3A_226, %cond3A_227 : i32
      scf.if %cond3A_228 {
        %add3A_505 = arith.constant 4 : i32
        %add3A_506 = arith.addi %add3A_184, %add3A_505 : i32
        %mul3A_507 = arith.constant 1 : i32
        %mul3A_508 = arith.muli %add3A_506, %mul3A_507 : i32
        %add3A_509 = arith.constant 0 : i32
        %add3A_510 = arith.addi %mul3A_508, %add3A_509 : i32
        %dma_start3A_511 = arith.constant 5 : i32
        %dma_start3A_512 = arith.constant 0 : i32
        %dma_start3A_513 = arith.constant 0 : i32
        %dma_start3A_514 = arith.constant 0 : i32
        %dma_start3A_515 = tpu.memref_slice %arg8[%dma_start3A_511, %dma_start3A_512, %dma_start3A_513, %dma_start3A_514] : memref<8x1x128x64xf32, #tpu.memory_space<vmem>> -> memref<1x1x128x64xf32, #tpu.memory_space<vmem>>
        %dma_start3A_516 = tpu.memref_squeeze %dma_start3A_515 : memref<1x1x128x64xf32, #tpu.memory_space<vmem>> -> memref<128x64xf32, #tpu.memory_space<vmem>>
        %dma_start3A_517 = arith.constant 0 : i32
        %dma_start3A_518 = tpu.memref_slice %arg6[%add3A_510, %dma_start3A_517] : memref<80x128xi32, #tpu.memory_space<vmem>> -> memref<1x128xi32, #tpu.memory_space<vmem>>
        %dma_start3A_519 = tpu.memref_squeeze %dma_start3A_518 : memref<1x128xi32, #tpu.memory_space<vmem>> -> memref<128xi32, #tpu.memory_space<vmem>>
        %dma_start3A_520 = arith.constant 0 : i32
        %dma_start3A_521 = arith.constant 0 : i32
        %dma_start3A_522 = tpu.memref_slice %arg2[%dma_start3A_520, %dma_start3A_521] : memref<10240x64xf32, #tpu.memory_space<hbm>> -> memref<10240x64xf32, #tpu.memory_space<hbm>>
        tpu.enqueue_indirect_dma source(%dma_start3A_522 : memref<10240x64xf32, #tpu.memory_space<hbm>>) target(%dma_start3A_516 : memref<128x64xf32, #tpu.memory_space<vmem>>) offsets(%dma_start3A_519 : memref<128xi32, #tpu.memory_space<vmem>>) semaphore(%arg14 : memref<!tpu.dma_semaphore, #tpu.memory_space<semaphore_mem>>)
      } else {
      }
      %add3A_229 = arith.constant 2 : i32
      %add3A_230 = arith.addi %mul3A_140, %add3A_229 : i32
      %mul3A_231 = arith.constant 1 : i32
      %mul3A_232 = arith.muli %add3A_230, %mul3A_231 : i32
      %add3A_233 = arith.constant 0 : i32
      %add3A_234 = arith.addi %mul3A_232, %add3A_233 : i32
      %dma_wait3A_235 = arith.constant 2 : i32
      %dma_wait3A_236 = arith.constant 0 : i32
      %dma_wait3A_237 = arith.constant 0 : i32
      %dma_wait3A_238 = arith.constant 0 : i32
      %dma_wait3A_239 = tpu.memref_slice %arg8[%dma_wait3A_235, %dma_wait3A_236, %dma_wait3A_237, %dma_wait3A_238] : memref<8x1x128x64xf32, #tpu.memory_space<vmem>> -> memref<1x1x128x64xf32, #tpu.memory_space<vmem>>
      %dma_wait3A_240 = tpu.memref_squeeze %dma_wait3A_239 : memref<1x1x128x64xf32, #tpu.memory_space<vmem>> -> memref<128x64xf32, #tpu.memory_space<vmem>>
      %dma_wait3A_241 = arith.constant 0 : i32
      %dma_wait3A_242 = tpu.memref_slice %arg6[%add3A_234, %dma_wait3A_241] : memref<80x128xi32, #tpu.memory_space<vmem>> -> memref<1x128xi32, #tpu.memory_space<vmem>>
      %dma_wait3A_243 = tpu.memref_squeeze %dma_wait3A_242 : memref<1x128xi32, #tpu.memory_space<vmem>> -> memref<128xi32, #tpu.memory_space<vmem>>
      %dma_wait3A_244 = arith.constant 0 : i32
      %dma_wait3A_245 = arith.constant 0 : i32
      %dma_wait3A_246 = tpu.memref_slice %arg2[%dma_wait3A_244, %dma_wait3A_245] : memref<10240x64xf32, #tpu.memory_space<hbm>> -> memref<10240x64xf32, #tpu.memory_space<hbm>>
      tpu.wait_indirect_dma semaphore(%arg11 : memref<!tpu.dma_semaphore, #tpu.memory_space<semaphore_mem>>) src(%dma_wait3A_246 : memref<10240x64xf32, #tpu.memory_space<hbm>>) dst(%dma_wait3A_240 : memref<128x64xf32, #tpu.memory_space<vmem>>)
      %mul3A_247 = arith.constant 1 : i32
      %mul3A_248 = arith.muli %add3A_230, %mul3A_247 : i32
      %add3A_249 = arith.constant 0 : i32
      %add3A_250 = arith.addi %mul3A_248, %add3A_249 : i32
      %dma_start3A_251 = arith.constant 2 : i32
      %dma_start3A_252 = arith.constant 0 : i32
      %dma_start3A_253 = arith.constant 0 : i32
      %dma_start3A_254 = arith.constant 0 : i32
      %dma_start3A_255 = tpu.memref_slice %arg8[%dma_start3A_251, %dma_start3A_252, %dma_start3A_253, %dma_start3A_254] : memref<8x1x128x64xf32, #tpu.memory_space<vmem>> -> memref<1x1x128x64xf32, #tpu.memory_space<vmem>>
      %dma_start3A_256 = tpu.memref_squeeze %dma_start3A_255 : memref<1x1x128x64xf32, #tpu.memory_space<vmem>> -> memref<128x64xf32, #tpu.memory_space<vmem>>
      %dma_start3A_257 = arith.constant 0 : i32
      %dma_start3A_258 = tpu.memref_slice %arg7[%add3A_250, %dma_start3A_257] : memref<80x128xi32, #tpu.memory_space<vmem>> -> memref<1x128xi32, #tpu.memory_space<vmem>>
      %dma_start3A_259 = tpu.memref_squeeze %dma_start3A_258 : memref<1x128xi32, #tpu.memory_space<vmem>> -> memref<128xi32, #tpu.memory_space<vmem>>
      %dma_start3A_260 = arith.constant 0 : i32
      %dma_start3A_261 = arith.constant 0 : i32
      %dma_start3A_262 = tpu.memref_slice %arg5[%dma_start3A_260, %dma_start3A_261] : memref<10240x64xf32, #tpu.memory_space<vmem_shared>> -> memref<10240x64xf32, #tpu.memory_space<vmem_shared>>
      tpu.enqueue_indirect_dma source(%dma_start3A_256 : memref<128x64xf32, #tpu.memory_space<vmem>>) target(%dma_start3A_262 : memref<10240x64xf32, #tpu.memory_space<vmem_shared>>) offsets(%dma_start3A_259 : memref<128xi32, #tpu.memory_space<vmem>>) semaphore(%arg19 : memref<!tpu.dma_semaphore, #tpu.memory_space<semaphore_mem>>) {add = true}
      %ge3A_263 = arith.constant 4 : i32
      %ge3A_264 = arith.cmpi sge, %add3A_230, %ge3A_263 : i32
      %convert_element_type3A_265 = arith.extui %ge3A_264 : i1 to i32
      %cond3A_266 = arith.constant 0 : i32
      %cond3A_267 = arith.cmpi ne, %convert_element_type3A_265, %cond3A_266 : i32
      scf.if %cond3A_267 {
        %sub3A = arith.constant 4 : i32
        %sub3A_505 = arith.subi %add3A_230, %sub3A : i32
        %mul3A_506 = arith.constant 1 : i32
        %mul3A_507 = arith.muli %sub3A_505, %mul3A_506 : i32
        %add3A_508 = arith.constant 0 : i32
        %add3A_509 = arith.addi %mul3A_507, %add3A_508 : i32
        %dma_wait3A_510 = arith.constant 6 : i32
        %dma_wait3A_511 = arith.constant 0 : i32
        %dma_wait3A_512 = arith.constant 0 : i32
        %dma_wait3A_513 = arith.constant 0 : i32
        %dma_wait3A_514 = tpu.memref_slice %arg8[%dma_wait3A_510, %dma_wait3A_511, %dma_wait3A_512, %dma_wait3A_513] : memref<8x1x128x64xf32, #tpu.memory_space<vmem>> -> memref<1x1x128x64xf32, #tpu.memory_space<vmem>>
        %dma_wait3A_515 = tpu.memref_squeeze %dma_wait3A_514 : memref<1x1x128x64xf32, #tpu.memory_space<vmem>> -> memref<128x64xf32, #tpu.memory_space<vmem>>
        %dma_wait3A_516 = arith.constant 0 : i32
        %dma_wait3A_517 = tpu.memref_slice %arg7[%add3A_509, %dma_wait3A_516] : memref<80x128xi32, #tpu.memory_space<vmem>> -> memref<1x128xi32, #tpu.memory_space<vmem>>
        %dma_wait3A_518 = tpu.memref_squeeze %dma_wait3A_517 : memref<1x128xi32, #tpu.memory_space<vmem>> -> memref<128xi32, #tpu.memory_space<vmem>>
        %dma_wait3A_519 = arith.constant 0 : i32
        %dma_wait3A_520 = arith.constant 0 : i32
        %dma_wait3A_521 = tpu.memref_slice %arg5[%dma_wait3A_519, %dma_wait3A_520] : memref<10240x64xf32, #tpu.memory_space<vmem_shared>> -> memref<10240x64xf32, #tpu.memory_space<vmem_shared>>
        tpu.wait_indirect_dma semaphore(%arg23 : memref<!tpu.dma_semaphore, #tpu.memory_space<semaphore_mem>>) src(%dma_wait3A_515 : memref<128x64xf32, #tpu.memory_space<vmem>>) dst(%dma_wait3A_521 : memref<10240x64xf32, #tpu.memory_space<vmem_shared>>)
      } else {
      }
      %add3A_268 = arith.constant 4 : i32
      %add3A_269 = arith.addi %add3A_230, %add3A_268 : i32
      %lt3A_270 = arith.constant 80 : i32
      %lt3A_271 = arith.cmpi slt, %add3A_269, %lt3A_270 : i32
      %convert_element_type3A_272 = arith.extui %lt3A_271 : i1 to i32
      %cond3A_273 = arith.constant 0 : i32
      %cond3A_274 = arith.cmpi ne, %convert_element_type3A_272, %cond3A_273 : i32
      scf.if %cond3A_274 {
        %add3A_505 = arith.constant 4 : i32
        %add3A_506 = arith.addi %add3A_230, %add3A_505 : i32
        %mul3A_507 = arith.constant 1 : i32
        %mul3A_508 = arith.muli %add3A_506, %mul3A_507 : i32
        %add3A_509 = arith.constant 0 : i32
        %add3A_510 = arith.addi %mul3A_508, %add3A_509 : i32
        %dma_start3A_511 = arith.constant 6 : i32
        %dma_start3A_512 = arith.constant 0 : i32
        %dma_start3A_513 = arith.constant 0 : i32
        %dma_start3A_514 = arith.constant 0 : i32
        %dma_start3A_515 = tpu.memref_slice %arg8[%dma_start3A_511, %dma_start3A_512, %dma_start3A_513, %dma_start3A_514] : memref<8x1x128x64xf32, #tpu.memory_space<vmem>> -> memref<1x1x128x64xf32, #tpu.memory_space<vmem>>
        %dma_start3A_516 = tpu.memref_squeeze %dma_start3A_515 : memref<1x1x128x64xf32, #tpu.memory_space<vmem>> -> memref<128x64xf32, #tpu.memory_space<vmem>>
        %dma_start3A_517 = arith.constant 0 : i32
        %dma_start3A_518 = tpu.memref_slice %arg6[%add3A_510, %dma_start3A_517] : memref<80x128xi32, #tpu.memory_space<vmem>> -> memref<1x128xi32, #tpu.memory_space<vmem>>
        %dma_start3A_519 = tpu.memref_squeeze %dma_start3A_518 : memref<1x128xi32, #tpu.memory_space<vmem>> -> memref<128xi32, #tpu.memory_space<vmem>>
        %dma_start3A_520 = arith.constant 0 : i32
        %dma_start3A_521 = arith.constant 0 : i32
        %dma_start3A_522 = tpu.memref_slice %arg2[%dma_start3A_520, %dma_start3A_521] : memref<10240x64xf32, #tpu.memory_space<hbm>> -> memref<10240x64xf32, #tpu.memory_space<hbm>>
        tpu.enqueue_indirect_dma source(%dma_start3A_522 : memref<10240x64xf32, #tpu.memory_space<hbm>>) target(%dma_start3A_516 : memref<128x64xf32, #tpu.memory_space<vmem>>) offsets(%dma_start3A_519 : memref<128xi32, #tpu.memory_space<vmem>>) semaphore(%arg15 : memref<!tpu.dma_semaphore, #tpu.memory_space<semaphore_mem>>)
      } else {
      }
      %add3A_275 = arith.constant 3 : i32
      %add3A_276 = arith.addi %mul3A_140, %add3A_275 : i32
      %mul3A_277 = arith.constant 1 : i32
      %mul3A_278 = arith.muli %add3A_276, %mul3A_277 : i32
      %add3A_279 = arith.constant 0 : i32
      %add3A_280 = arith.addi %mul3A_278, %add3A_279 : i32
      %dma_wait3A_281 = arith.constant 3 : i32
      %dma_wait3A_282 = arith.constant 0 : i32
      %dma_wait3A_283 = arith.constant 0 : i32
      %dma_wait3A_284 = arith.constant 0 : i32
      %dma_wait3A_285 = tpu.memref_slice %arg8[%dma_wait3A_281, %dma_wait3A_282, %dma_wait3A_283, %dma_wait3A_284] : memref<8x1x128x64xf32, #tpu.memory_space<vmem>> -> memref<1x1x128x64xf32, #tpu.memory_space<vmem>>
      %dma_wait3A_286 = tpu.memref_squeeze %dma_wait3A_285 : memref<1x1x128x64xf32, #tpu.memory_space<vmem>> -> memref<128x64xf32, #tpu.memory_space<vmem>>
      %dma_wait3A_287 = arith.constant 0 : i32
      %dma_wait3A_288 = tpu.memref_slice %arg6[%add3A_280, %dma_wait3A_287] : memref<80x128xi32, #tpu.memory_space<vmem>> -> memref<1x128xi32, #tpu.memory_space<vmem>>
      %dma_wait3A_289 = tpu.memref_squeeze %dma_wait3A_288 : memref<1x128xi32, #tpu.memory_space<vmem>> -> memref<128xi32, #tpu.memory_space<vmem>>
      %dma_wait3A_290 = arith.constant 0 : i32
      %dma_wait3A_291 = arith.constant 0 : i32
      %dma_wait3A_292 = tpu.memref_slice %arg2[%dma_wait3A_290, %dma_wait3A_291] : memref<10240x64xf32, #tpu.memory_space<hbm>> -> memref<10240x64xf32, #tpu.memory_space<hbm>>
      tpu.wait_indirect_dma semaphore(%arg12 : memref<!tpu.dma_semaphore, #tpu.memory_space<semaphore_mem>>) src(%dma_wait3A_292 : memref<10240x64xf32, #tpu.memory_space<hbm>>) dst(%dma_wait3A_286 : memref<128x64xf32, #tpu.memory_space<vmem>>)
      %mul3A_293 = arith.constant 1 : i32
      %mul3A_294 = arith.muli %add3A_276, %mul3A_293 : i32
      %add3A_295 = arith.constant 0 : i32
      %add3A_296 = arith.addi %mul3A_294, %add3A_295 : i32
      %dma_start3A_297 = arith.constant 3 : i32
      %dma_start3A_298 = arith.constant 0 : i32
      %dma_start3A_299 = arith.constant 0 : i32
      %dma_start3A_300 = arith.constant 0 : i32
      %dma_start3A_301 = tpu.memref_slice %arg8[%dma_start3A_297, %dma_start3A_298, %dma_start3A_299, %dma_start3A_300] : memref<8x1x128x64xf32, #tpu.memory_space<vmem>> -> memref<1x1x128x64xf32, #tpu.memory_space<vmem>>
      %dma_start3A_302 = tpu.memref_squeeze %dma_start3A_301 : memref<1x1x128x64xf32, #tpu.memory_space<vmem>> -> memref<128x64xf32, #tpu.memory_space<vmem>>
      %dma_start3A_303 = arith.constant 0 : i32
      %dma_start3A_304 = tpu.memref_slice %arg7[%add3A_296, %dma_start3A_303] : memref<80x128xi32, #tpu.memory_space<vmem>> -> memref<1x128xi32, #tpu.memory_space<vmem>>
      %dma_start3A_305 = tpu.memref_squeeze %dma_start3A_304 : memref<1x128xi32, #tpu.memory_space<vmem>> -> memref<128xi32, #tpu.memory_space<vmem>>
      %dma_start3A_306 = arith.constant 0 : i32
      %dma_start3A_307 = arith.constant 0 : i32
      %dma_start3A_308 = tpu.memref_slice %arg5[%dma_start3A_306, %dma_start3A_307] : memref<10240x64xf32, #tpu.memory_space<vmem_shared>> -> memref<10240x64xf32, #tpu.memory_space<vmem_shared>>
      tpu.enqueue_indirect_dma source(%dma_start3A_302 : memref<128x64xf32, #tpu.memory_space<vmem>>) target(%dma_start3A_308 : memref<10240x64xf32, #tpu.memory_space<vmem_shared>>) offsets(%dma_start3A_305 : memref<128xi32, #tpu.memory_space<vmem>>) semaphore(%arg20 : memref<!tpu.dma_semaphore, #tpu.memory_space<semaphore_mem>>) {add = true}
      %ge3A_309 = arith.constant 4 : i32
      %ge3A_310 = arith.cmpi sge, %add3A_276, %ge3A_309 : i32
      %convert_element_type3A_311 = arith.extui %ge3A_310 : i1 to i32
      %cond3A_312 = arith.constant 0 : i32
      %cond3A_313 = arith.cmpi ne, %convert_element_type3A_311, %cond3A_312 : i32
      scf.if %cond3A_313 {
        %sub3A = arith.constant 4 : i32
        %sub3A_505 = arith.subi %add3A_276, %sub3A : i32
        %mul3A_506 = arith.constant 1 : i32
        %mul3A_507 = arith.muli %sub3A_505, %mul3A_506 : i32
        %add3A_508 = arith.constant 0 : i32
        %add3A_509 = arith.addi %mul3A_507, %add3A_508 : i32
        %dma_wait3A_510 = arith.constant 7 : i32
        %dma_wait3A_511 = arith.constant 0 : i32
        %dma_wait3A_512 = arith.constant 0 : i32
        %dma_wait3A_513 = arith.constant 0 : i32
        %dma_wait3A_514 = tpu.memref_slice %arg8[%dma_wait3A_510, %dma_wait3A_511, %dma_wait3A_512, %dma_wait3A_513] : memref<8x1x128x64xf32, #tpu.memory_space<vmem>> -> memref<1x1x128x64xf32, #tpu.memory_space<vmem>>
        %dma_wait3A_515 = tpu.memref_squeeze %dma_wait3A_514 : memref<1x1x128x64xf32, #tpu.memory_space<vmem>> -> memref<128x64xf32, #tpu.memory_space<vmem>>
        %dma_wait3A_516 = arith.constant 0 : i32
        %dma_wait3A_517 = tpu.memref_slice %arg7[%add3A_509, %dma_wait3A_516] : memref<80x128xi32, #tpu.memory_space<vmem>> -> memref<1x128xi32, #tpu.memory_space<vmem>>
        %dma_wait3A_518 = tpu.memref_squeeze %dma_wait3A_517 : memref<1x128xi32, #tpu.memory_space<vmem>> -> memref<128xi32, #tpu.memory_space<vmem>>
        %dma_wait3A_519 = arith.constant 0 : i32
        %dma_wait3A_520 = arith.constant 0 : i32
        %dma_wait3A_521 = tpu.memref_slice %arg5[%dma_wait3A_519, %dma_wait3A_520] : memref<10240x64xf32, #tpu.memory_space<vmem_shared>> -> memref<10240x64xf32, #tpu.memory_space<vmem_shared>>
        tpu.wait_indirect_dma semaphore(%arg24 : memref<!tpu.dma_semaphore, #tpu.memory_space<semaphore_mem>>) src(%dma_wait3A_515 : memref<128x64xf32, #tpu.memory_space<vmem>>) dst(%dma_wait3A_521 : memref<10240x64xf32, #tpu.memory_space<vmem_shared>>)
      } else {
      }
      %add3A_314 = arith.constant 4 : i32
      %add3A_315 = arith.addi %add3A_276, %add3A_314 : i32
      %lt3A_316 = arith.constant 80 : i32
      %lt3A_317 = arith.cmpi slt, %add3A_315, %lt3A_316 : i32
      %convert_element_type3A_318 = arith.extui %lt3A_317 : i1 to i32
      %cond3A_319 = arith.constant 0 : i32
      %cond3A_320 = arith.cmpi ne, %convert_element_type3A_318, %cond3A_319 : i32
      scf.if %cond3A_320 {
        %add3A_505 = arith.constant 4 : i32
        %add3A_506 = arith.addi %add3A_276, %add3A_505 : i32
        %mul3A_507 = arith.constant 1 : i32
        %mul3A_508 = arith.muli %add3A_506, %mul3A_507 : i32
        %add3A_509 = arith.constant 0 : i32
        %add3A_510 = arith.addi %mul3A_508, %add3A_509 : i32
        %dma_start3A_511 = arith.constant 7 : i32
        %dma_start3A_512 = arith.constant 0 : i32
        %dma_start3A_513 = arith.constant 0 : i32
        %dma_start3A_514 = arith.constant 0 : i32
        %dma_start3A_515 = tpu.memref_slice %arg8[%dma_start3A_511, %dma_start3A_512, %dma_start3A_513, %dma_start3A_514] : memref<8x1x128x64xf32, #tpu.memory_space<vmem>> -> memref<1x1x128x64xf32, #tpu.memory_space<vmem>>
        %dma_start3A_516 = tpu.memref_squeeze %dma_start3A_515 : memref<1x1x128x64xf32, #tpu.memory_space<vmem>> -> memref<128x64xf32, #tpu.memory_space<vmem>>
        %dma_start3A_517 = arith.constant 0 : i32
        %dma_start3A_518 = tpu.memref_slice %arg6[%add3A_510, %dma_start3A_517] : memref<80x128xi32, #tpu.memory_space<vmem>> -> memref<1x128xi32, #tpu.memory_space<vmem>>
        %dma_start3A_519 = tpu.memref_squeeze %dma_start3A_518 : memref<1x128xi32, #tpu.memory_space<vmem>> -> memref<128xi32, #tpu.memory_space<vmem>>
        %dma_start3A_520 = arith.constant 0 : i32
        %dma_start3A_521 = arith.constant 0 : i32
        %dma_start3A_522 = tpu.memref_slice %arg2[%dma_start3A_520, %dma_start3A_521] : memref<10240x64xf32, #tpu.memory_space<hbm>> -> memref<10240x64xf32, #tpu.memory_space<hbm>>
        tpu.enqueue_indirect_dma source(%dma_start3A_522 : memref<10240x64xf32, #tpu.memory_space<hbm>>) target(%dma_start3A_516 : memref<128x64xf32, #tpu.memory_space<vmem>>) offsets(%dma_start3A_519 : memref<128xi32, #tpu.memory_space<vmem>>) semaphore(%arg16 : memref<!tpu.dma_semaphore, #tpu.memory_space<semaphore_mem>>)
      } else {
      }
      %add3A_321 = arith.constant 4 : i32
      %add3A_322 = arith.addi %mul3A_140, %add3A_321 : i32
      %mul3A_323 = arith.constant 1 : i32
      %mul3A_324 = arith.muli %add3A_322, %mul3A_323 : i32
      %add3A_325 = arith.constant 0 : i32
      %add3A_326 = arith.addi %mul3A_324, %add3A_325 : i32
      %dma_wait3A_327 = arith.constant 4 : i32
      %dma_wait3A_328 = arith.constant 0 : i32
      %dma_wait3A_329 = arith.constant 0 : i32
      %dma_wait3A_330 = arith.constant 0 : i32
      %dma_wait3A_331 = tpu.memref_slice %arg8[%dma_wait3A_327, %dma_wait3A_328, %dma_wait3A_329, %dma_wait3A_330] : memref<8x1x128x64xf32, #tpu.memory_space<vmem>> -> memref<1x1x128x64xf32, #tpu.memory_space<vmem>>
      %dma_wait3A_332 = tpu.memref_squeeze %dma_wait3A_331 : memref<1x1x128x64xf32, #tpu.memory_space<vmem>> -> memref<128x64xf32, #tpu.memory_space<vmem>>
      %dma_wait3A_333 = arith.constant 0 : i32
      %dma_wait3A_334 = tpu.memref_slice %arg6[%add3A_326, %dma_wait3A_333] : memref<80x128xi32, #tpu.memory_space<vmem>> -> memref<1x128xi32, #tpu.memory_space<vmem>>
      %dma_wait3A_335 = tpu.memref_squeeze %dma_wait3A_334 : memref<1x128xi32, #tpu.memory_space<vmem>> -> memref<128xi32, #tpu.memory_space<vmem>>
      %dma_wait3A_336 = arith.constant 0 : i32
      %dma_wait3A_337 = arith.constant 0 : i32
      %dma_wait3A_338 = tpu.memref_slice %arg2[%dma_wait3A_336, %dma_wait3A_337] : memref<10240x64xf32, #tpu.memory_space<hbm>> -> memref<10240x64xf32, #tpu.memory_space<hbm>>
      tpu.wait_indirect_dma semaphore(%arg13 : memref<!tpu.dma_semaphore, #tpu.memory_space<semaphore_mem>>) src(%dma_wait3A_338 : memref<10240x64xf32, #tpu.memory_space<hbm>>) dst(%dma_wait3A_332 : memref<128x64xf32, #tpu.memory_space<vmem>>)
      %mul3A_339 = arith.constant 1 : i32
      %mul3A_340 = arith.muli %add3A_322, %mul3A_339 : i32
      %add3A_341 = arith.constant 0 : i32
      %add3A_342 = arith.addi %mul3A_340, %add3A_341 : i32
      %dma_start3A_343 = arith.constant 4 : i32
      %dma_start3A_344 = arith.constant 0 : i32
      %dma_start3A_345 = arith.constant 0 : i32
      %dma_start3A_346 = arith.constant 0 : i32
      %dma_start3A_347 = tpu.memref_slice %arg8[%dma_start3A_343, %dma_start3A_344, %dma_start3A_345, %dma_start3A_346] : memref<8x1x128x64xf32, #tpu.memory_space<vmem>> -> memref<1x1x128x64xf32, #tpu.memory_space<vmem>>
      %dma_start3A_348 = tpu.memref_squeeze %dma_start3A_347 : memref<1x1x128x64xf32, #tpu.memory_space<vmem>> -> memref<128x64xf32, #tpu.memory_space<vmem>>
      %dma_start3A_349 = arith.constant 0 : i32
      %dma_start3A_350 = tpu.memref_slice %arg7[%add3A_342, %dma_start3A_349] : memref<80x128xi32, #tpu.memory_space<vmem>> -> memref<1x128xi32, #tpu.memory_space<vmem>>
      %dma_start3A_351 = tpu.memref_squeeze %dma_start3A_350 : memref<1x128xi32, #tpu.memory_space<vmem>> -> memref<128xi32, #tpu.memory_space<vmem>>
      %dma_start3A_352 = arith.constant 0 : i32
      %dma_start3A_353 = arith.constant 0 : i32
      %dma_start3A_354 = tpu.memref_slice %arg5[%dma_start3A_352, %dma_start3A_353] : memref<10240x64xf32, #tpu.memory_space<vmem_shared>> -> memref<10240x64xf32, #tpu.memory_space<vmem_shared>>
      tpu.enqueue_indirect_dma source(%dma_start3A_348 : memref<128x64xf32, #tpu.memory_space<vmem>>) target(%dma_start3A_354 : memref<10240x64xf32, #tpu.memory_space<vmem_shared>>) offsets(%dma_start3A_351 : memref<128xi32, #tpu.memory_space<vmem>>) semaphore(%arg21 : memref<!tpu.dma_semaphore, #tpu.memory_space<semaphore_mem>>) {add = true}
      %ge3A_355 = arith.constant 4 : i32
      %ge3A_356 = arith.cmpi sge, %add3A_322, %ge3A_355 : i32
      %convert_element_type3A_357 = arith.extui %ge3A_356 : i1 to i32
      %cond3A_358 = arith.constant 0 : i32
      %cond3A_359 = arith.cmpi ne, %convert_element_type3A_357, %cond3A_358 : i32
      scf.if %cond3A_359 {
        %sub3A = arith.constant 4 : i32
        %sub3A_505 = arith.subi %add3A_322, %sub3A : i32
        %mul3A_506 = arith.constant 1 : i32
        %mul3A_507 = arith.muli %sub3A_505, %mul3A_506 : i32
        %add3A_508 = arith.constant 0 : i32
        %add3A_509 = arith.addi %mul3A_507, %add3A_508 : i32
        %dma_wait3A_510 = arith.constant 0 : i32
        %dma_wait3A_511 = arith.constant 0 : i32
        %dma_wait3A_512 = arith.constant 0 : i32
        %dma_wait3A_513 = arith.constant 0 : i32
        %dma_wait3A_514 = tpu.memref_slice %arg8[%dma_wait3A_510, %dma_wait3A_511, %dma_wait3A_512, %dma_wait3A_513] : memref<8x1x128x64xf32, #tpu.memory_space<vmem>> -> memref<1x1x128x64xf32, #tpu.memory_space<vmem>>
        %dma_wait3A_515 = tpu.memref_squeeze %dma_wait3A_514 : memref<1x1x128x64xf32, #tpu.memory_space<vmem>> -> memref<128x64xf32, #tpu.memory_space<vmem>>
        %dma_wait3A_516 = arith.constant 0 : i32
        %dma_wait3A_517 = tpu.memref_slice %arg7[%add3A_509, %dma_wait3A_516] : memref<80x128xi32, #tpu.memory_space<vmem>> -> memref<1x128xi32, #tpu.memory_space<vmem>>
        %dma_wait3A_518 = tpu.memref_squeeze %dma_wait3A_517 : memref<1x128xi32, #tpu.memory_space<vmem>> -> memref<128xi32, #tpu.memory_space<vmem>>
        %dma_wait3A_519 = arith.constant 0 : i32
        %dma_wait3A_520 = arith.constant 0 : i32
        %dma_wait3A_521 = tpu.memref_slice %arg5[%dma_wait3A_519, %dma_wait3A_520] : memref<10240x64xf32, #tpu.memory_space<vmem_shared>> -> memref<10240x64xf32, #tpu.memory_space<vmem_shared>>
        tpu.wait_indirect_dma semaphore(%arg17 : memref<!tpu.dma_semaphore, #tpu.memory_space<semaphore_mem>>) src(%dma_wait3A_515 : memref<128x64xf32, #tpu.memory_space<vmem>>) dst(%dma_wait3A_521 : memref<10240x64xf32, #tpu.memory_space<vmem_shared>>)
      } else {
      }
      %add3A_360 = arith.constant 4 : i32
      %add3A_361 = arith.addi %add3A_322, %add3A_360 : i32
      %lt3A_362 = arith.constant 80 : i32
      %lt3A_363 = arith.cmpi slt, %add3A_361, %lt3A_362 : i32
      %convert_element_type3A_364 = arith.extui %lt3A_363 : i1 to i32
      %cond3A_365 = arith.constant 0 : i32
      %cond3A_366 = arith.cmpi ne, %convert_element_type3A_364, %cond3A_365 : i32
      scf.if %cond3A_366 {
        %add3A_505 = arith.constant 4 : i32
        %add3A_506 = arith.addi %add3A_322, %add3A_505 : i32
        %mul3A_507 = arith.constant 1 : i32
        %mul3A_508 = arith.muli %add3A_506, %mul3A_507 : i32
        %add3A_509 = arith.constant 0 : i32
        %add3A_510 = arith.addi %mul3A_508, %add3A_509 : i32
        %dma_start3A_511 = arith.constant 0 : i32
        %dma_start3A_512 = arith.constant 0 : i32
        %dma_start3A_513 = arith.constant 0 : i32
        %dma_start3A_514 = arith.constant 0 : i32
        %dma_start3A_515 = tpu.memref_slice %arg8[%dma_start3A_511, %dma_start3A_512, %dma_start3A_513, %dma_start3A_514] : memref<8x1x128x64xf32, #tpu.memory_space<vmem>> -> memref<1x1x128x64xf32, #tpu.memory_space<vmem>>
        %dma_start3A_516 = tpu.memref_squeeze %dma_start3A_515 : memref<1x1x128x64xf32, #tpu.memory_space<vmem>> -> memref<128x64xf32, #tpu.memory_space<vmem>>
        %dma_start3A_517 = arith.constant 0 : i32
        %dma_start3A_518 = tpu.memref_slice %arg6[%add3A_510, %dma_start3A_517] : memref<80x128xi32, #tpu.memory_space<vmem>> -> memref<1x128xi32, #tpu.memory_space<vmem>>
        %dma_start3A_519 = tpu.memref_squeeze %dma_start3A_518 : memref<1x128xi32, #tpu.memory_space<vmem>> -> memref<128xi32, #tpu.memory_space<vmem>>
        %dma_start3A_520 = arith.constant 0 : i32
        %dma_start3A_521 = arith.constant 0 : i32
        %dma_start3A_522 = tpu.memref_slice %arg2[%dma_start3A_520, %dma_start3A_521] : memref<10240x64xf32, #tpu.memory_space<hbm>> -> memref<10240x64xf32, #tpu.memory_space<hbm>>
        tpu.enqueue_indirect_dma source(%dma_start3A_522 : memref<10240x64xf32, #tpu.memory_space<hbm>>) target(%dma_start3A_516 : memref<128x64xf32, #tpu.memory_space<vmem>>) offsets(%dma_start3A_519 : memref<128xi32, #tpu.memory_space<vmem>>) semaphore(%arg9 : memref<!tpu.dma_semaphore, #tpu.memory_space<semaphore_mem>>)
      } else {
      }
      %add3A_367 = arith.constant 5 : i32
      %add3A_368 = arith.addi %mul3A_140, %add3A_367 : i32
      %mul3A_369 = arith.constant 1 : i32
      %mul3A_370 = arith.muli %add3A_368, %mul3A_369 : i32
      %add3A_371 = arith.constant 0 : i32
      %add3A_372 = arith.addi %mul3A_370, %add3A_371 : i32
      %dma_wait3A_373 = arith.constant 5 : i32
      %dma_wait3A_374 = arith.constant 0 : i32
      %dma_wait3A_375 = arith.constant 0 : i32
      %dma_wait3A_376 = arith.constant 0 : i32
      %dma_wait3A_377 = tpu.memref_slice %arg8[%dma_wait3A_373, %dma_wait3A_374, %dma_wait3A_375, %dma_wait3A_376] : memref<8x1x128x64xf32, #tpu.memory_space<vmem>> -> memref<1x1x128x64xf32, #tpu.memory_space<vmem>>
      %dma_wait3A_378 = tpu.memref_squeeze %dma_wait3A_377 : memref<1x1x128x64xf32, #tpu.memory_space<vmem>> -> memref<128x64xf32, #tpu.memory_space<vmem>>
      %dma_wait3A_379 = arith.constant 0 : i32
      %dma_wait3A_380 = tpu.memref_slice %arg6[%add3A_372, %dma_wait3A_379] : memref<80x128xi32, #tpu.memory_space<vmem>> -> memref<1x128xi32, #tpu.memory_space<vmem>>
      %dma_wait3A_381 = tpu.memref_squeeze %dma_wait3A_380 : memref<1x128xi32, #tpu.memory_space<vmem>> -> memref<128xi32, #tpu.memory_space<vmem>>
      %dma_wait3A_382 = arith.constant 0 : i32
      %dma_wait3A_383 = arith.constant 0 : i32
      %dma_wait3A_384 = tpu.memref_slice %arg2[%dma_wait3A_382, %dma_wait3A_383] : memref<10240x64xf32, #tpu.memory_space<hbm>> -> memref<10240x64xf32, #tpu.memory_space<hbm>>
      tpu.wait_indirect_dma semaphore(%arg14 : memref<!tpu.dma_semaphore, #tpu.memory_space<semaphore_mem>>) src(%dma_wait3A_384 : memref<10240x64xf32, #tpu.memory_space<hbm>>) dst(%dma_wait3A_378 : memref<128x64xf32, #tpu.memory_space<vmem>>)
      %mul3A_385 = arith.constant 1 : i32
      %mul3A_386 = arith.muli %add3A_368, %mul3A_385 : i32
      %add3A_387 = arith.constant 0 : i32
      %add3A_388 = arith.addi %mul3A_386, %add3A_387 : i32
      %dma_start3A_389 = arith.constant 5 : i32
      %dma_start3A_390 = arith.constant 0 : i32
      %dma_start3A_391 = arith.constant 0 : i32
      %dma_start3A_392 = arith.constant 0 : i32
      %dma_start3A_393 = tpu.memref_slice %arg8[%dma_start3A_389, %dma_start3A_390, %dma_start3A_391, %dma_start3A_392] : memref<8x1x128x64xf32, #tpu.memory_space<vmem>> -> memref<1x1x128x64xf32, #tpu.memory_space<vmem>>
      %dma_start3A_394 = tpu.memref_squeeze %dma_start3A_393 : memref<1x1x128x64xf32, #tpu.memory_space<vmem>> -> memref<128x64xf32, #tpu.memory_space<vmem>>
      %dma_start3A_395 = arith.constant 0 : i32
      %dma_start3A_396 = tpu.memref_slice %arg7[%add3A_388, %dma_start3A_395] : memref<80x128xi32, #tpu.memory_space<vmem>> -> memref<1x128xi32, #tpu.memory_space<vmem>>
      %dma_start3A_397 = tpu.memref_squeeze %dma_start3A_396 : memref<1x128xi32, #tpu.memory_space<vmem>> -> memref<128xi32, #tpu.memory_space<vmem>>
      %dma_start3A_398 = arith.constant 0 : i32
      %dma_start3A_399 = arith.constant 0 : i32
      %dma_start3A_400 = tpu.memref_slice %arg5[%dma_start3A_398, %dma_start3A_399] : memref<10240x64xf32, #tpu.memory_space<vmem_shared>> -> memref<10240x64xf32, #tpu.memory_space<vmem_shared>>
      tpu.enqueue_indirect_dma source(%dma_start3A_394 : memref<128x64xf32, #tpu.memory_space<vmem>>) target(%dma_start3A_400 : memref<10240x64xf32, #tpu.memory_space<vmem_shared>>) offsets(%dma_start3A_397 : memref<128xi32, #tpu.memory_space<vmem>>) semaphore(%arg22 : memref<!tpu.dma_semaphore, #tpu.memory_space<semaphore_mem>>) {add = true}
      %ge3A_401 = arith.constant 4 : i32
      %ge3A_402 = arith.cmpi sge, %add3A_368, %ge3A_401 : i32
      %convert_element_type3A_403 = arith.extui %ge3A_402 : i1 to i32
      %cond3A_404 = arith.constant 0 : i32
      %cond3A_405 = arith.cmpi ne, %convert_element_type3A_403, %cond3A_404 : i32
      scf.if %cond3A_405 {
        %sub3A = arith.constant 4 : i32
        %sub3A_505 = arith.subi %add3A_368, %sub3A : i32
        %mul3A_506 = arith.constant 1 : i32
        %mul3A_507 = arith.muli %sub3A_505, %mul3A_506 : i32
        %add3A_508 = arith.constant 0 : i32
        %add3A_509 = arith.addi %mul3A_507, %add3A_508 : i32
        %dma_wait3A_510 = arith.constant 1 : i32
        %dma_wait3A_511 = arith.constant 0 : i32
        %dma_wait3A_512 = arith.constant 0 : i32
        %dma_wait3A_513 = arith.constant 0 : i32
        %dma_wait3A_514 = tpu.memref_slice %arg8[%dma_wait3A_510, %dma_wait3A_511, %dma_wait3A_512, %dma_wait3A_513] : memref<8x1x128x64xf32, #tpu.memory_space<vmem>> -> memref<1x1x128x64xf32, #tpu.memory_space<vmem>>
        %dma_wait3A_515 = tpu.memref_squeeze %dma_wait3A_514 : memref<1x1x128x64xf32, #tpu.memory_space<vmem>> -> memref<128x64xf32, #tpu.memory_space<vmem>>
        %dma_wait3A_516 = arith.constant 0 : i32
        %dma_wait3A_517 = tpu.memref_slice %arg7[%add3A_509, %dma_wait3A_516] : memref<80x128xi32, #tpu.memory_space<vmem>> -> memref<1x128xi32, #tpu.memory_space<vmem>>
        %dma_wait3A_518 = tpu.memref_squeeze %dma_wait3A_517 : memref<1x128xi32, #tpu.memory_space<vmem>> -> memref<128xi32, #tpu.memory_space<vmem>>
        %dma_wait3A_519 = arith.constant 0 : i32
        %dma_wait3A_520 = arith.constant 0 : i32
        %dma_wait3A_521 = tpu.memref_slice %arg5[%dma_wait3A_519, %dma_wait3A_520] : memref<10240x64xf32, #tpu.memory_space<vmem_shared>> -> memref<10240x64xf32, #tpu.memory_space<vmem_shared>>
        tpu.wait_indirect_dma semaphore(%arg18 : memref<!tpu.dma_semaphore, #tpu.memory_space<semaphore_mem>>) src(%dma_wait3A_515 : memref<128x64xf32, #tpu.memory_space<vmem>>) dst(%dma_wait3A_521 : memref<10240x64xf32, #tpu.memory_space<vmem_shared>>)
      } else {
      }
      %add3A_406 = arith.constant 4 : i32
      %add3A_407 = arith.addi %add3A_368, %add3A_406 : i32
      %lt3A_408 = arith.constant 80 : i32
      %lt3A_409 = arith.cmpi slt, %add3A_407, %lt3A_408 : i32
      %convert_element_type3A_410 = arith.extui %lt3A_409 : i1 to i32
      %cond3A_411 = arith.constant 0 : i32
      %cond3A_412 = arith.cmpi ne, %convert_element_type3A_410, %cond3A_411 : i32
      scf.if %cond3A_412 {
        %add3A_505 = arith.constant 4 : i32
        %add3A_506 = arith.addi %add3A_368, %add3A_505 : i32
        %mul3A_507 = arith.constant 1 : i32
        %mul3A_508 = arith.muli %add3A_506, %mul3A_507 : i32
        %add3A_509 = arith.constant 0 : i32
        %add3A_510 = arith.addi %mul3A_508, %add3A_509 : i32
        %dma_start3A_511 = arith.constant 1 : i32
        %dma_start3A_512 = arith.constant 0 : i32
        %dma_start3A_513 = arith.constant 0 : i32
        %dma_start3A_514 = arith.constant 0 : i32
        %dma_start3A_515 = tpu.memref_slice %arg8[%dma_start3A_511, %dma_start3A_512, %dma_start3A_513, %dma_start3A_514] : memref<8x1x128x64xf32, #tpu.memory_space<vmem>> -> memref<1x1x128x64xf32, #tpu.memory_space<vmem>>
        %dma_start3A_516 = tpu.memref_squeeze %dma_start3A_515 : memref<1x1x128x64xf32, #tpu.memory_space<vmem>> -> memref<128x64xf32, #tpu.memory_space<vmem>>
        %dma_start3A_517 = arith.constant 0 : i32
        %dma_start3A_518 = tpu.memref_slice %arg6[%add3A_510, %dma_start3A_517] : memref<80x128xi32, #tpu.memory_space<vmem>> -> memref<1x128xi32, #tpu.memory_space<vmem>>
        %dma_start3A_519 = tpu.memref_squeeze %dma_start3A_518 : memref<1x128xi32, #tpu.memory_space<vmem>> -> memref<128xi32, #tpu.memory_space<vmem>>
        %dma_start3A_520 = arith.constant 0 : i32
        %dma_start3A_521 = arith.constant 0 : i32
        %dma_start3A_522 = tpu.memref_slice %arg2[%dma_start3A_520, %dma_start3A_521] : memref<10240x64xf32, #tpu.memory_space<hbm>> -> memref<10240x64xf32, #tpu.memory_space<hbm>>
        tpu.enqueue_indirect_dma source(%dma_start3A_522 : memref<10240x64xf32, #tpu.memory_space<hbm>>) target(%dma_start3A_516 : memref<128x64xf32, #tpu.memory_space<vmem>>) offsets(%dma_start3A_519 : memref<128xi32, #tpu.memory_space<vmem>>) semaphore(%arg10 : memref<!tpu.dma_semaphore, #tpu.memory_space<semaphore_mem>>)
      } else {
      }
      %add3A_413 = arith.constant 6 : i32
      %add3A_414 = arith.addi %mul3A_140, %add3A_413 : i32
      %mul3A_415 = arith.constant 1 : i32
      %mul3A_416 = arith.muli %add3A_414, %mul3A_415 : i32
      %add3A_417 = arith.constant 0 : i32
      %add3A_418 = arith.addi %mul3A_416, %add3A_417 : i32
      %dma_wait3A_419 = arith.constant 6 : i32
      %dma_wait3A_420 = arith.constant 0 : i32
      %dma_wait3A_421 = arith.constant 0 : i32
      %dma_wait3A_422 = arith.constant 0 : i32
      %dma_wait3A_423 = tpu.memref_slice %arg8[%dma_wait3A_419, %dma_wait3A_420, %dma_wait3A_421, %dma_wait3A_422] : memref<8x1x128x64xf32, #tpu.memory_space<vmem>> -> memref<1x1x128x64xf32, #tpu.memory_space<vmem>>
      %dma_wait3A_424 = tpu.memref_squeeze %dma_wait3A_423 : memref<1x1x128x64xf32, #tpu.memory_space<vmem>> -> memref<128x64xf32, #tpu.memory_space<vmem>>
      %dma_wait3A_425 = arith.constant 0 : i32
      %dma_wait3A_426 = tpu.memref_slice %arg6[%add3A_418, %dma_wait3A_425] : memref<80x128xi32, #tpu.memory_space<vmem>> -> memref<1x128xi32, #tpu.memory_space<vmem>>
      %dma_wait3A_427 = tpu.memref_squeeze %dma_wait3A_426 : memref<1x128xi32, #tpu.memory_space<vmem>> -> memref<128xi32, #tpu.memory_space<vmem>>
      %dma_wait3A_428 = arith.constant 0 : i32
      %dma_wait3A_429 = arith.constant 0 : i32
      %dma_wait3A_430 = tpu.memref_slice %arg2[%dma_wait3A_428, %dma_wait3A_429] : memref<10240x64xf32, #tpu.memory_space<hbm>> -> memref<10240x64xf32, #tpu.memory_space<hbm>>
      tpu.wait_indirect_dma semaphore(%arg15 : memref<!tpu.dma_semaphore, #tpu.memory_space<semaphore_mem>>) src(%dma_wait3A_430 : memref<10240x64xf32, #tpu.memory_space<hbm>>) dst(%dma_wait3A_424 : memref<128x64xf32, #tpu.memory_space<vmem>>)
      %mul3A_431 = arith.constant 1 : i32
      %mul3A_432 = arith.muli %add3A_414, %mul3A_431 : i32
      %add3A_433 = arith.constant 0 : i32
      %add3A_434 = arith.addi %mul3A_432, %add3A_433 : i32
      %dma_start3A_435 = arith.constant 6 : i32
      %dma_start3A_436 = arith.constant 0 : i32
      %dma_start3A_437 = arith.constant 0 : i32
      %dma_start3A_438 = arith.constant 0 : i32
      %dma_start3A_439 = tpu.memref_slice %arg8[%dma_start3A_435, %dma_start3A_436, %dma_start3A_437, %dma_start3A_438] : memref<8x1x128x64xf32, #tpu.memory_space<vmem>> -> memref<1x1x128x64xf32, #tpu.memory_space<vmem>>
      %dma_start3A_440 = tpu.memref_squeeze %dma_start3A_439 : memref<1x1x128x64xf32, #tpu.memory_space<vmem>> -> memref<128x64xf32, #tpu.memory_space<vmem>>
      %dma_start3A_441 = arith.constant 0 : i32
      %dma_start3A_442 = tpu.memref_slice %arg7[%add3A_434, %dma_start3A_441] : memref<80x128xi32, #tpu.memory_space<vmem>> -> memref<1x128xi32, #tpu.memory_space<vmem>>
      %dma_start3A_443 = tpu.memref_squeeze %dma_start3A_442 : memref<1x128xi32, #tpu.memory_space<vmem>> -> memref<128xi32, #tpu.memory_space<vmem>>
      %dma_start3A_444 = arith.constant 0 : i32
      %dma_start3A_445 = arith.constant 0 : i32
      %dma_start3A_446 = tpu.memref_slice %arg5[%dma_start3A_444, %dma_start3A_445] : memref<10240x64xf32, #tpu.memory_space<vmem_shared>> -> memref<10240x64xf32, #tpu.memory_space<vmem_shared>>
      tpu.enqueue_indirect_dma source(%dma_start3A_440 : memref<128x64xf32, #tpu.memory_space<vmem>>) target(%dma_start3A_446 : memref<10240x64xf32, #tpu.memory_space<vmem_shared>>) offsets(%dma_start3A_443 : memref<128xi32, #tpu.memory_space<vmem>>) semaphore(%arg23 : memref<!tpu.dma_semaphore, #tpu.memory_space<semaphore_mem>>) {add = true}
      %ge3A_447 = arith.constant 4 : i32
      %ge3A_448 = arith.cmpi sge, %add3A_414, %ge3A_447 : i32
      %convert_element_type3A_449 = arith.extui %ge3A_448 : i1 to i32
      %cond3A_450 = arith.constant 0 : i32
      %cond3A_451 = arith.cmpi ne, %convert_element_type3A_449, %cond3A_450 : i32
      scf.if %cond3A_451 {
        %sub3A = arith.constant 4 : i32
        %sub3A_505 = arith.subi %add3A_414, %sub3A : i32
        %mul3A_506 = arith.constant 1 : i32
        %mul3A_507 = arith.muli %sub3A_505, %mul3A_506 : i32
        %add3A_508 = arith.constant 0 : i32
        %add3A_509 = arith.addi %mul3A_507, %add3A_508 : i32
        %dma_wait3A_510 = arith.constant 2 : i32
        %dma_wait3A_511 = arith.constant 0 : i32
        %dma_wait3A_512 = arith.constant 0 : i32
        %dma_wait3A_513 = arith.constant 0 : i32
        %dma_wait3A_514 = tpu.memref_slice %arg8[%dma_wait3A_510, %dma_wait3A_511, %dma_wait3A_512, %dma_wait3A_513] : memref<8x1x128x64xf32, #tpu.memory_space<vmem>> -> memref<1x1x128x64xf32, #tpu.memory_space<vmem>>
        %dma_wait3A_515 = tpu.memref_squeeze %dma_wait3A_514 : memref<1x1x128x64xf32, #tpu.memory_space<vmem>> -> memref<128x64xf32, #tpu.memory_space<vmem>>
        %dma_wait3A_516 = arith.constant 0 : i32
        %dma_wait3A_517 = tpu.memref_slice %arg7[%add3A_509, %dma_wait3A_516] : memref<80x128xi32, #tpu.memory_space<vmem>> -> memref<1x128xi32, #tpu.memory_space<vmem>>
        %dma_wait3A_518 = tpu.memref_squeeze %dma_wait3A_517 : memref<1x128xi32, #tpu.memory_space<vmem>> -> memref<128xi32, #tpu.memory_space<vmem>>
        %dma_wait3A_519 = arith.constant 0 : i32
        %dma_wait3A_520 = arith.constant 0 : i32
        %dma_wait3A_521 = tpu.memref_slice %arg5[%dma_wait3A_519, %dma_wait3A_520] : memref<10240x64xf32, #tpu.memory_space<vmem_shared>> -> memref<10240x64xf32, #tpu.memory_space<vmem_shared>>
        tpu.wait_indirect_dma semaphore(%arg19 : memref<!tpu.dma_semaphore, #tpu.memory_space<semaphore_mem>>) src(%dma_wait3A_515 : memref<128x64xf32, #tpu.memory_space<vmem>>) dst(%dma_wait3A_521 : memref<10240x64xf32, #tpu.memory_space<vmem_shared>>)
      } else {
      }
      %add3A_452 = arith.constant 4 : i32
      %add3A_453 = arith.addi %add3A_414, %add3A_452 : i32
      %lt3A_454 = arith.constant 80 : i32
      %lt3A_455 = arith.cmpi slt, %add3A_453, %lt3A_454 : i32
      %convert_element_type3A_456 = arith.extui %lt3A_455 : i1 to i32
      %cond3A_457 = arith.constant 0 : i32
      %cond3A_458 = arith.cmpi ne, %convert_element_type3A_456, %cond3A_457 : i32
      scf.if %cond3A_458 {
        %add3A_505 = arith.constant 4 : i32
        %add3A_506 = arith.addi %add3A_414, %add3A_505 : i32
        %mul3A_507 = arith.constant 1 : i32
        %mul3A_508 = arith.muli %add3A_506, %mul3A_507 : i32
        %add3A_509 = arith.constant 0 : i32
        %add3A_510 = arith.addi %mul3A_508, %add3A_509 : i32
        %dma_start3A_511 = arith.constant 2 : i32
        %dma_start3A_512 = arith.constant 0 : i32
        %dma_start3A_513 = arith.constant 0 : i32
        %dma_start3A_514 = arith.constant 0 : i32
        %dma_start3A_515 = tpu.memref_slice %arg8[%dma_start3A_511, %dma_start3A_512, %dma_start3A_513, %dma_start3A_514] : memref<8x1x128x64xf32, #tpu.memory_space<vmem>> -> memref<1x1x128x64xf32, #tpu.memory_space<vmem>>
        %dma_start3A_516 = tpu.memref_squeeze %dma_start3A_515 : memref<1x1x128x64xf32, #tpu.memory_space<vmem>> -> memref<128x64xf32, #tpu.memory_space<vmem>>
        %dma_start3A_517 = arith.constant 0 : i32
        %dma_start3A_518 = tpu.memref_slice %arg6[%add3A_510, %dma_start3A_517] : memref<80x128xi32, #tpu.memory_space<vmem>> -> memref<1x128xi32, #tpu.memory_space<vmem>>
        %dma_start3A_519 = tpu.memref_squeeze %dma_start3A_518 : memref<1x128xi32, #tpu.memory_space<vmem>> -> memref<128xi32, #tpu.memory_space<vmem>>
        %dma_start3A_520 = arith.constant 0 : i32
        %dma_start3A_521 = arith.constant 0 : i32
        %dma_start3A_522 = tpu.memref_slice %arg2[%dma_start3A_520, %dma_start3A_521] : memref<10240x64xf32, #tpu.memory_space<hbm>> -> memref<10240x64xf32, #tpu.memory_space<hbm>>
        tpu.enqueue_indirect_dma source(%dma_start3A_522 : memref<10240x64xf32, #tpu.memory_space<hbm>>) target(%dma_start3A_516 : memref<128x64xf32, #tpu.memory_space<vmem>>) offsets(%dma_start3A_519 : memref<128xi32, #tpu.memory_space<vmem>>) semaphore(%arg11 : memref<!tpu.dma_semaphore, #tpu.memory_space<semaphore_mem>>)
      } else {
      }
      %add3A_459 = arith.constant 7 : i32
      %add3A_460 = arith.addi %mul3A_140, %add3A_459 : i32
      %mul3A_461 = arith.constant 1 : i32
      %mul3A_462 = arith.muli %add3A_460, %mul3A_461 : i32
      %add3A_463 = arith.constant 0 : i32
      %add3A_464 = arith.addi %mul3A_462, %add3A_463 : i32
      %dma_wait3A_465 = arith.constant 7 : i32
      %dma_wait3A_466 = arith.constant 0 : i32
      %dma_wait3A_467 = arith.constant 0 : i32
      %dma_wait3A_468 = arith.constant 0 : i32
      %dma_wait3A_469 = tpu.memref_slice %arg8[%dma_wait3A_465, %dma_wait3A_466, %dma_wait3A_467, %dma_wait3A_468] : memref<8x1x128x64xf32, #tpu.memory_space<vmem>> -> memref<1x1x128x64xf32, #tpu.memory_space<vmem>>
      %dma_wait3A_470 = tpu.memref_squeeze %dma_wait3A_469 : memref<1x1x128x64xf32, #tpu.memory_space<vmem>> -> memref<128x64xf32, #tpu.memory_space<vmem>>
      %dma_wait3A_471 = arith.constant 0 : i32
      %dma_wait3A_472 = tpu.memref_slice %arg6[%add3A_464, %dma_wait3A_471] : memref<80x128xi32, #tpu.memory_space<vmem>> -> memref<1x128xi32, #tpu.memory_space<vmem>>
      %dma_wait3A_473 = tpu.memref_squeeze %dma_wait3A_472 : memref<1x128xi32, #tpu.memory_space<vmem>> -> memref<128xi32, #tpu.memory_space<vmem>>
      %dma_wait3A_474 = arith.constant 0 : i32
      %dma_wait3A_475 = arith.constant 0 : i32
      %dma_wait3A_476 = tpu.memref_slice %arg2[%dma_wait3A_474, %dma_wait3A_475] : memref<10240x64xf32, #tpu.memory_space<hbm>> -> memref<10240x64xf32, #tpu.memory_space<hbm>>
      tpu.wait_indirect_dma semaphore(%arg16 : memref<!tpu.dma_semaphore, #tpu.memory_space<semaphore_mem>>) src(%dma_wait3A_476 : memref<10240x64xf32, #tpu.memory_space<hbm>>) dst(%dma_wait3A_470 : memref<128x64xf32, #tpu.memory_space<vmem>>)
      %mul3A_477 = arith.constant 1 : i32
      %mul3A_478 = arith.muli %add3A_460, %mul3A_477 : i32
      %add3A_479 = arith.constant 0 : i32
      %add3A_480 = arith.addi %mul3A_478, %add3A_479 : i32
      %dma_start3A_481 = arith.constant 7 : i32
      %dma_start3A_482 = arith.constant 0 : i32
      %dma_start3A_483 = arith.constant 0 : i32
      %dma_start3A_484 = arith.constant 0 : i32
      %dma_start3A_485 = tpu.memref_slice %arg8[%dma_start3A_481, %dma_start3A_482, %dma_start3A_483, %dma_start3A_484] : memref<8x1x128x64xf32, #tpu.memory_space<vmem>> -> memref<1x1x128x64xf32, #tpu.memory_space<vmem>>
      %dma_start3A_486 = tpu.memref_squeeze %dma_start3A_485 : memref<1x1x128x64xf32, #tpu.memory_space<vmem>> -> memref<128x64xf32, #tpu.memory_space<vmem>>
      %dma_start3A_487 = arith.constant 0 : i32
      %dma_start3A_488 = tpu.memref_slice %arg7[%add3A_480, %dma_start3A_487] : memref<80x128xi32, #tpu.memory_space<vmem>> -> memref<1x128xi32, #tpu.memory_space<vmem>>
      %dma_start3A_489 = tpu.memref_squeeze %dma_start3A_488 : memref<1x128xi32, #tpu.memory_space<vmem>> -> memref<128xi32, #tpu.memory_space<vmem>>
      %dma_start3A_490 = arith.constant 0 : i32
      %dma_start3A_491 = arith.constant 0 : i32
      %dma_start3A_492 = tpu.memref_slice %arg5[%dma_start3A_490, %dma_start3A_491] : memref<10240x64xf32, #tpu.memory_space<vmem_shared>> -> memref<10240x64xf32, #tpu.memory_space<vmem_shared>>
      tpu.enqueue_indirect_dma source(%dma_start3A_486 : memref<128x64xf32, #tpu.memory_space<vmem>>) target(%dma_start3A_492 : memref<10240x64xf32, #tpu.memory_space<vmem_shared>>) offsets(%dma_start3A_489 : memref<128xi32, #tpu.memory_space<vmem>>) semaphore(%arg24 : memref<!tpu.dma_semaphore, #tpu.memory_space<semaphore_mem>>) {add = true}
      %ge3A_493 = arith.constant 4 : i32
      %ge3A_494 = arith.cmpi sge, %add3A_460, %ge3A_493 : i32
      %convert_element_type3A_495 = arith.extui %ge3A_494 : i1 to i32
      %cond3A_496 = arith.constant 0 : i32
      %cond3A_497 = arith.cmpi ne, %convert_element_type3A_495, %cond3A_496 : i32
      scf.if %cond3A_497 {
        %sub3A = arith.constant 4 : i32
        %sub3A_505 = arith.subi %add3A_460, %sub3A : i32
        %mul3A_506 = arith.constant 1 : i32
        %mul3A_507 = arith.muli %sub3A_505, %mul3A_506 : i32
        %add3A_508 = arith.constant 0 : i32
        %add3A_509 = arith.addi %mul3A_507, %add3A_508 : i32
        %dma_wait3A_510 = arith.constant 3 : i32
        %dma_wait3A_511 = arith.constant 0 : i32
        %dma_wait3A_512 = arith.constant 0 : i32
        %dma_wait3A_513 = arith.constant 0 : i32
        %dma_wait3A_514 = tpu.memref_slice %arg8[%dma_wait3A_510, %dma_wait3A_511, %dma_wait3A_512, %dma_wait3A_513] : memref<8x1x128x64xf32, #tpu.memory_space<vmem>> -> memref<1x1x128x64xf32, #tpu.memory_space<vmem>>
        %dma_wait3A_515 = tpu.memref_squeeze %dma_wait3A_514 : memref<1x1x128x64xf32, #tpu.memory_space<vmem>> -> memref<128x64xf32, #tpu.memory_space<vmem>>
        %dma_wait3A_516 = arith.constant 0 : i32
        %dma_wait3A_517 = tpu.memref_slice %arg7[%add3A_509, %dma_wait3A_516] : memref<80x128xi32, #tpu.memory_space<vmem>> -> memref<1x128xi32, #tpu.memory_space<vmem>>
        %dma_wait3A_518 = tpu.memref_squeeze %dma_wait3A_517 : memref<1x128xi32, #tpu.memory_space<vmem>> -> memref<128xi32, #tpu.memory_space<vmem>>
        %dma_wait3A_519 = arith.constant 0 : i32
        %dma_wait3A_520 = arith.constant 0 : i32
        %dma_wait3A_521 = tpu.memref_slice %arg5[%dma_wait3A_519, %dma_wait3A_520] : memref<10240x64xf32, #tpu.memory_space<vmem_shared>> -> memref<10240x64xf32, #tpu.memory_space<vmem_shared>>
        tpu.wait_indirect_dma semaphore(%arg20 : memref<!tpu.dma_semaphore, #tpu.memory_space<semaphore_mem>>) src(%dma_wait3A_515 : memref<128x64xf32, #tpu.memory_space<vmem>>) dst(%dma_wait3A_521 : memref<10240x64xf32, #tpu.memory_space<vmem_shared>>)
      } else {
      }
      %add3A_498 = arith.constant 4 : i32
      %add3A_499 = arith.addi %add3A_460, %add3A_498 : i32
      %lt3A_500 = arith.constant 80 : i32
      %lt3A_501 = arith.cmpi slt, %add3A_499, %lt3A_500 : i32
      %convert_element_type3A_502 = arith.extui %lt3A_501 : i1 to i32
      %cond3A_503 = arith.constant 0 : i32
      %cond3A_504 = arith.cmpi ne, %convert_element_type3A_502, %cond3A_503 : i32
      scf.if %cond3A_504 {
        %add3A_505 = arith.constant 4 : i32
        %add3A_506 = arith.addi %add3A_460, %add3A_505 : i32
        %mul3A_507 = arith.constant 1 : i32
        %mul3A_508 = arith.muli %add3A_506, %mul3A_507 : i32
        %add3A_509 = arith.constant 0 : i32
        %add3A_510 = arith.addi %mul3A_508, %add3A_509 : i32
        %dma_start3A_511 = arith.constant 3 : i32
        %dma_start3A_512 = arith.constant 0 : i32
        %dma_start3A_513 = arith.constant 0 : i32
        %dma_start3A_514 = arith.constant 0 : i32
        %dma_start3A_515 = tpu.memref_slice %arg8[%dma_start3A_511, %dma_start3A_512, %dma_start3A_513, %dma_start3A_514] : memref<8x1x128x64xf32, #tpu.memory_space<vmem>> -> memref<1x1x128x64xf32, #tpu.memory_space<vmem>>
        %dma_start3A_516 = tpu.memref_squeeze %dma_start3A_515 : memref<1x1x128x64xf32, #tpu.memory_space<vmem>> -> memref<128x64xf32, #tpu.memory_space<vmem>>
        %dma_start3A_517 = arith.constant 0 : i32
        %dma_start3A_518 = tpu.memref_slice %arg6[%add3A_510, %dma_start3A_517] : memref<80x128xi32, #tpu.memory_space<vmem>> -> memref<1x128xi32, #tpu.memory_space<vmem>>
        %dma_start3A_519 = tpu.memref_squeeze %dma_start3A_518 : memref<1x128xi32, #tpu.memory_space<vmem>> -> memref<128xi32, #tpu.memory_space<vmem>>
        %dma_start3A_520 = arith.constant 0 : i32
        %dma_start3A_521 = arith.constant 0 : i32
        %dma_start3A_522 = tpu.memref_slice %arg2[%dma_start3A_520, %dma_start3A_521] : memref<10240x64xf32, #tpu.memory_space<hbm>> -> memref<10240x64xf32, #tpu.memory_space<hbm>>
        tpu.enqueue_indirect_dma source(%dma_start3A_522 : memref<10240x64xf32, #tpu.memory_space<hbm>>) target(%dma_start3A_516 : memref<128x64xf32, #tpu.memory_space<vmem>>) offsets(%dma_start3A_519 : memref<128xi32, #tpu.memory_space<vmem>>) semaphore(%arg12 : memref<!tpu.dma_semaphore, #tpu.memory_space<semaphore_mem>>)
      } else {
      }
    }
    %scan3A_85 = arith.constant 10 : i32
    %dma_wait3A = arith.constant 4 : i32
    %dma_wait3A_86 = arith.constant 0 : i32
    %dma_wait3A_87 = arith.constant 76 : i32
    %dma_wait3A_88 = arith.constant 0 : i32
    %dma_wait3A_89 = arith.constant 0 : i32
    %dma_wait3A_90 = tpu.memref_slice %arg8[%dma_wait3A, %dma_wait3A_86, %dma_wait3A_88, %dma_wait3A_89] : memref<8x1x128x64xf32, #tpu.memory_space<vmem>> -> memref<1x1x128x64xf32, #tpu.memory_space<vmem>>
    %dma_wait3A_91 = tpu.memref_squeeze %dma_wait3A_90 : memref<1x1x128x64xf32, #tpu.memory_space<vmem>> -> memref<128x64xf32, #tpu.memory_space<vmem>>
    %dma_wait3A_92 = arith.constant 0 : i32
    %dma_wait3A_93 = tpu.memref_slice %arg7[%dma_wait3A_87, %dma_wait3A_92] : memref<80x128xi32, #tpu.memory_space<vmem>> -> memref<1x128xi32, #tpu.memory_space<vmem>>
    %dma_wait3A_94 = tpu.memref_squeeze %dma_wait3A_93 : memref<1x128xi32, #tpu.memory_space<vmem>> -> memref<128xi32, #tpu.memory_space<vmem>>
    %dma_wait3A_95 = arith.constant 0 : i32
    %dma_wait3A_96 = arith.constant 0 : i32
    %dma_wait3A_97 = tpu.memref_slice %arg5[%dma_wait3A_95, %dma_wait3A_96] : memref<10240x64xf32, #tpu.memory_space<vmem_shared>> -> memref<10240x64xf32, #tpu.memory_space<vmem_shared>>
    tpu.wait_indirect_dma semaphore(%arg21 : memref<!tpu.dma_semaphore, #tpu.memory_space<semaphore_mem>>) src(%dma_wait3A_91 : memref<128x64xf32, #tpu.memory_space<vmem>>) dst(%dma_wait3A_97 : memref<10240x64xf32, #tpu.memory_space<vmem_shared>>)
    %dma_wait3A_98 = arith.constant 5 : i32
    %dma_wait3A_99 = arith.constant 0 : i32
    %dma_wait3A_100 = arith.constant 77 : i32
    %dma_wait3A_101 = arith.constant 0 : i32
    %dma_wait3A_102 = arith.constant 0 : i32
    %dma_wait3A_103 = tpu.memref_slice %arg8[%dma_wait3A_98, %dma_wait3A_99, %dma_wait3A_101, %dma_wait3A_102] : memref<8x1x128x64xf32, #tpu.memory_space<vmem>> -> memref<1x1x128x64xf32, #tpu.memory_space<vmem>>
    %dma_wait3A_104 = tpu.memref_squeeze %dma_wait3A_103 : memref<1x1x128x64xf32, #tpu.memory_space<vmem>> -> memref<128x64xf32, #tpu.memory_space<vmem>>
    %dma_wait3A_105 = arith.constant 0 : i32
    %dma_wait3A_106 = tpu.memref_slice %arg7[%dma_wait3A_100, %dma_wait3A_105] : memref<80x128xi32, #tpu.memory_space<vmem>> -> memref<1x128xi32, #tpu.memory_space<vmem>>
    %dma_wait3A_107 = tpu.memref_squeeze %dma_wait3A_106 : memref<1x128xi32, #tpu.memory_space<vmem>> -> memref<128xi32, #tpu.memory_space<vmem>>
    %dma_wait3A_108 = arith.constant 0 : i32
    %dma_wait3A_109 = arith.constant 0 : i32
    %dma_wait3A_110 = tpu.memref_slice %arg5[%dma_wait3A_108, %dma_wait3A_109] : memref<10240x64xf32, #tpu.memory_space<vmem_shared>> -> memref<10240x64xf32, #tpu.memory_space<vmem_shared>>
    tpu.wait_indirect_dma semaphore(%arg22 : memref<!tpu.dma_semaphore, #tpu.memory_space<semaphore_mem>>) src(%dma_wait3A_104 : memref<128x64xf32, #tpu.memory_space<vmem>>) dst(%dma_wait3A_110 : memref<10240x64xf32, #tpu.memory_space<vmem_shared>>)
    %dma_wait3A_111 = arith.constant 6 : i32
    %dma_wait3A_112 = arith.constant 0 : i32
    %dma_wait3A_113 = arith.constant 78 : i32
    %dma_wait3A_114 = arith.constant 0 : i32
    %dma_wait3A_115 = arith.constant 0 : i32
    %dma_wait3A_116 = tpu.memref_slice %arg8[%dma_wait3A_111, %dma_wait3A_112, %dma_wait3A_114, %dma_wait3A_115] : memref<8x1x128x64xf32, #tpu.memory_space<vmem>> -> memref<1x1x128x64xf32, #tpu.memory_space<vmem>>
    %dma_wait3A_117 = tpu.memref_squeeze %dma_wait3A_116 : memref<1x1x128x64xf32, #tpu.memory_space<vmem>> -> memref<128x64xf32, #tpu.memory_space<vmem>>
    %dma_wait3A_118 = arith.constant 0 : i32
    %dma_wait3A_119 = tpu.memref_slice %arg7[%dma_wait3A_113, %dma_wait3A_118] : memref<80x128xi32, #tpu.memory_space<vmem>> -> memref<1x128xi32, #tpu.memory_space<vmem>>
    %dma_wait3A_120 = tpu.memref_squeeze %dma_wait3A_119 : memref<1x128xi32, #tpu.memory_space<vmem>> -> memref<128xi32, #tpu.memory_space<vmem>>
    %dma_wait3A_121 = arith.constant 0 : i32
    %dma_wait3A_122 = arith.constant 0 : i32
    %dma_wait3A_123 = tpu.memref_slice %arg5[%dma_wait3A_121, %dma_wait3A_122] : memref<10240x64xf32, #tpu.memory_space<vmem_shared>> -> memref<10240x64xf32, #tpu.memory_space<vmem_shared>>
    tpu.wait_indirect_dma semaphore(%arg23 : memref<!tpu.dma_semaphore, #tpu.memory_space<semaphore_mem>>) src(%dma_wait3A_117 : memref<128x64xf32, #tpu.memory_space<vmem>>) dst(%dma_wait3A_123 : memref<10240x64xf32, #tpu.memory_space<vmem_shared>>)
    %dma_wait3A_124 = arith.constant 7 : i32
    %dma_wait3A_125 = arith.constant 0 : i32
    %dma_wait3A_126 = arith.constant 79 : i32
    %dma_wait3A_127 = arith.constant 0 : i32
    %dma_wait3A_128 = arith.constant 0 : i32
    %dma_wait3A_129 = tpu.memref_slice %arg8[%dma_wait3A_124, %dma_wait3A_125, %dma_wait3A_127, %dma_wait3A_128] : memref<8x1x128x64xf32, #tpu.memory_space<vmem>> -> memref<1x1x128x64xf32, #tpu.memory_space<vmem>>
    %dma_wait3A_130 = tpu.memref_squeeze %dma_wait3A_129 : memref<1x1x128x64xf32, #tpu.memory_space<vmem>> -> memref<128x64xf32, #tpu.memory_space<vmem>>
    %dma_wait3A_131 = arith.constant 0 : i32
    %dma_wait3A_132 = tpu.memref_slice %arg7[%dma_wait3A_126, %dma_wait3A_131] : memref<80x128xi32, #tpu.memory_space<vmem>> -> memref<1x128xi32, #tpu.memory_space<vmem>>
    %dma_wait3A_133 = tpu.memref_squeeze %dma_wait3A_132 : memref<1x128xi32, #tpu.memory_space<vmem>> -> memref<128xi32, #tpu.memory_space<vmem>>
    %dma_wait3A_134 = arith.constant 0 : i32
    %dma_wait3A_135 = arith.constant 0 : i32
    %dma_wait3A_136 = tpu.memref_slice %arg5[%dma_wait3A_134, %dma_wait3A_135] : memref<10240x64xf32, #tpu.memory_space<vmem_shared>> -> memref<10240x64xf32, #tpu.memory_space<vmem_shared>>
    tpu.wait_indirect_dma semaphore(%arg24 : memref<!tpu.dma_semaphore, #tpu.memory_space<semaphore_mem>>) src(%dma_wait3A_130 : memref<128x64xf32, #tpu.memory_space<vmem>>) dst(%dma_wait3A_136 : memref<10240x64xf32, #tpu.memory_space<vmem_shared>>)
    %barrier3A_137 = arith.constant 0 : index
    tpu.barrier barrier_id(%barrier3A_137)
    "tpu.region"() ({
      %run_scoped3A_138 = tpu.sem_alloc : memref<!tpu.dma_semaphore, #tpu.memory_space<semaphore_mem>>
      %dma_start3A_139 = arith.constant 0 : i32
      %dma_start3A_140 = tpu.memref_slice %arg4[%arg0, %mul3A_2, %dma_start3A_139] : memref<2x10240x64xf32, #tpu.memory_space<hbm>> -> memref<1x640x64xf32, #tpu.memory_space<hbm>>
      %dma_start3A_141 = tpu.memref_squeeze %dma_start3A_140 : memref<1x640x64xf32, #tpu.memory_space<hbm>> -> memref<640x64xf32, #tpu.memory_space<hbm>>
      %dma_start3A_142 = arith.constant 0 : i32
      %dma_start3A_143 = tpu.memref_slice %arg5[%mul3A_2, %dma_start3A_142] : memref<10240x64xf32, #tpu.memory_space<vmem_shared>> -> memref<640x64xf32, #tpu.memory_space<vmem_shared>>
      tpu.enqueue_dma source(%dma_start3A_143 : memref<640x64xf32, #tpu.memory_space<vmem_shared>>) target(%dma_start3A_141 : memref<640x64xf32, #tpu.memory_space<hbm>>) target_semaphore(%run_scoped3A_138 : memref<!tpu.dma_semaphore, #tpu.memory_space<semaphore_mem>>)
      %dma_wait3A_144 = arith.constant 0 : i32
      %dma_wait3A_145 = tpu.memref_slice %arg4[%arg0, %mul3A_2, %dma_wait3A_144] : memref<2x10240x64xf32, #tpu.memory_space<hbm>> -> memref<1x640x64xf32, #tpu.memory_space<hbm>>
      %dma_wait3A_146 = tpu.memref_squeeze %dma_wait3A_145 : memref<1x640x64xf32, #tpu.memory_space<hbm>> -> memref<640x64xf32, #tpu.memory_space<hbm>>
      %dma_wait3A_147 = arith.constant 0 : i32
      %dma_wait3A_148 = tpu.memref_slice %arg5[%mul3A_2, %dma_wait3A_147] : memref<10240x64xf32, #tpu.memory_space<vmem_shared>> -> memref<640x64xf32, #tpu.memory_space<vmem_shared>>
      tpu.wait_dma2 semaphore(%run_scoped3A_138 : memref<!tpu.dma_semaphore, #tpu.memory_space<semaphore_mem>>) src(%dma_wait3A_148 : memref<640x64xf32, #tpu.memory_space<vmem_shared>>) dst(%dma_wait3A_146 : memref<640x64xf32, #tpu.memory_space<hbm>>)
      tpu.yield
    }) : () -> ()
    return
  }
}

module attributes {stable_mosaic.version = 14 : i64} {
  func.func @body(%arg0: i32, %arg1: memref<2560x128xf32, #tpu.memory_space<vmem>>, %arg2: memref<128x16xf32, #tpu.memory_space<vmem>>, %arg3: memref<2x2560xf32, #tpu.memory_space<vmem>>, %arg4: memref<2560x16xf32, #tpu.memory_space<vmem>>) attributes {dimension_semantics = [#tpu.dimension_semantics<arbitrary>], iteration_bounds = array<i64: 4>, scalar_prefetch = 0 : i64, scratch_operands = 0 : i64, tpu.core_type = #tpu.core_type<tc>, window_params = [{transform_indices = @transform_0, window_bounds = array<i64: 2560, 128>}, {pipeline_mode = #tpu.pipeline_mode<synchronous>, transform_indices = @transform_1, window_bounds = array<i64: 128, 16>}, {transform_indices = @transform_2, window_bounds = array<i64: 2, 2560>}, {transform_indices = @transform_3, window_bounds = array<i64: 2560, 16>}]} {
    %get3A = arith.constant 0 : index
    %get3A_0 = arith.constant 0 : index
    %get3A_1 = vector.load %arg3[%get3A, %get3A_0] : memref<2x2560xf32, #tpu.memory_space<vmem>>, vector<1x2560xf32>
    %get3A_2 = vector.shape_cast %get3A_1 : vector<1x2560xf32> to vector<2560xf32>
    %get3A_3 = arith.constant 1 : index
    %get3A_4 = arith.constant 0 : index
    %get3A_5 = vector.load %arg3[%get3A_3, %get3A_4] : memref<2x2560xf32, #tpu.memory_space<vmem>>, vector<1x2560xf32>
    %get3A_6 = vector.shape_cast %get3A_5 : vector<1x2560xf32> to vector<2560xf32>
    %add3A = arith.addf %get3A_2, %get3A_6 : vector<2560xf32>
    %add3A_7 = arith.constant 1.000000e+00 : f32
    %add3A_8 = vector.broadcast %add3A_7 : f32 to vector<2560xf32>
    %add3A_9 = arith.addf %add3A, %add3A_8 : vector<2560xf32>
    %rsqrt3A = math.rsqrt %add3A_9 : vector<2560xf32>
    %get3A_10 = arith.constant 0 : index
    %get3A_11 = arith.constant 0 : index
    %get3A_12 = vector.load %arg1[%get3A_10, %get3A_11] : memref<2560x128xf32, #tpu.memory_space<vmem>>, vector<2560x128xf32>
    %get3A_13 = arith.constant 0 : index
    %get3A_14 = arith.constant 0 : index
    %get3A_15 = vector.load %arg2[%get3A_13, %get3A_14] : memref<128x16xf32, #tpu.memory_space<vmem>>, vector<128x16xf32>
    %dot_general3A = arith.constant dense<0.000000e+00> : vector<2560x16xf32>
    %dot_general3A_16 = tpu.matmul %get3A_12, %get3A_15, %dot_general3A {dimension_numbers = #tpu.dot_dimension_numbers<[1], [0], [0], [1], [0, 0, 1, 1], [], []>, transpose_lhs_hint = false} : vector<2560x128xf32>, vector<128x16xf32>, vector<2560x16xf32> -> vector<2560x16xf32>
    %broadcast_in_dim3A = vector.shape_cast %rsqrt3A : vector<2560xf32> to vector<2560x1xf32>
    %mul3A = vector.broadcast %broadcast_in_dim3A : vector<2560x1xf32> to vector<2560x16xf32>
    %mul3A_17 = arith.mulf %dot_general3A_16, %mul3A : vector<2560x16xf32>
    %swap3A = arith.constant 0 : index
    %swap3A_18 = arith.constant 0 : index
    %swap3A_19 = vector.load %arg4[%swap3A, %swap3A_18] : memref<2560x16xf32, #tpu.memory_space<vmem>>, vector<2560x16xf32>
    tpu.vector_store %arg4[%swap3A, %swap3A_18], %mul3A_17 {strides = array<i32>} : memref<2560x16xf32, #tpu.memory_space<vmem>>, vector<2560x16xf32>,
    return
  }
  func.func @transform_0(%arg0: i32) -> (i32, i32) {
    %c0_i32 = arith.constant 0 : i32
    %c0_i32_0 = arith.constant 0 : i32
    return %arg0, %c0_i32 : i32, i32
  }
  func.func @transform_1(%arg0: i32) -> (i32, i32) {
    %c0_i32 = arith.constant 0 : i32
    %c0_i32_0 = arith.constant 0 : i32
    %c0_i32_1 = arith.constant 0 : i32
    return %c0_i32, %c0_i32_0 : i32, i32
  }
  func.func @transform_2(%arg0: i32) -> (i32, i32) {
    %c0_i32 = arith.constant 0 : i32
    %c0_i32_0 = arith.constant 0 : i32
    return %c0_i32, %arg0 : i32, i32
  }
  func.func @transform_3(%arg0: i32) -> (i32, i32) {
    %c0_i32 = arith.constant 0 : i32
    %c0_i32_0 = arith.constant 0 : i32
    return %arg0, %c0_i32 : i32, i32
  }
}

module attributes {stable_mosaic.version = 14 : i64} {
  func.func @body(%arg0: i32, %arg1: memref<2x2560x16xf32, #tpu.memory_space<vmem>>, %arg2: memref<2560x16xf32, #tpu.memory_space<vmem>>, %arg3: memref<2x2560xf32, #tpu.memory_space<vmem>>, %arg4: memref<16x64xf32, #tpu.memory_space<vmem>>, %arg5: memref<1x16xf32, #tpu.memory_space<vmem>>, %arg6: memref<2560x64xf32, #tpu.memory_space<vmem>>) attributes {dimension_semantics = [#tpu.dimension_semantics<arbitrary>], iteration_bounds = array<i64: 4>, scalar_prefetch = 0 : i64, scratch_operands = 0 : i64, tpu.core_type = #tpu.core_type<tc>, window_params = [{transform_indices = @transform_0, window_bounds = array<i64: 2, 2560, 16>}, {transform_indices = @transform_1, window_bounds = array<i64: 2560, 16>}, {transform_indices = @transform_2, window_bounds = array<i64: 2, 2560>}, {pipeline_mode = #tpu.pipeline_mode<synchronous>, transform_indices = @transform_3, window_bounds = array<i64: 16, 64>}, {pipeline_mode = #tpu.pipeline_mode<synchronous>, transform_indices = @transform_4, window_bounds = array<i64: 1, 16>}, {transform_indices = @transform_5, window_bounds = array<i64: 2560, 64>}]} {
    %get3A = arith.constant 0 : index
    %get3A_0 = arith.constant 0 : index
    %get3A_1 = vector.load %arg3[%get3A, %get3A_0] : memref<2x2560xf32, #tpu.memory_space<vmem>>, vector<1x2560xf32>
    %get3A_2 = vector.shape_cast %get3A_1 : vector<1x2560xf32> to vector<2560xf32>
    %get3A_3 = arith.constant 1 : index
    %get3A_4 = arith.constant 0 : index
    %get3A_5 = vector.load %arg3[%get3A_3, %get3A_4] : memref<2x2560xf32, #tpu.memory_space<vmem>>, vector<1x2560xf32>
    %get3A_6 = vector.shape_cast %get3A_5 : vector<1x2560xf32> to vector<2560xf32>
    %add3A = arith.addf %get3A_2, %get3A_6 : vector<2560xf32>
    %add3A_7 = arith.constant 1.000000e+00 : f32
    %add3A_8 = vector.broadcast %add3A_7 : f32 to vector<2560xf32>
    %add3A_9 = arith.addf %add3A, %add3A_8 : vector<2560xf32>
    %rsqrt3A = math.rsqrt %add3A_9 : vector<2560xf32>
    %get3A_10 = arith.constant 0 : index
    %get3A_11 = arith.constant 0 : index
    %get3A_12 = arith.constant 0 : index
    %get3A_13 = vector.load %arg1[%get3A_10, %get3A_11, %get3A_12] : memref<2x2560x16xf32, #tpu.memory_space<vmem>>, vector<1x2560x16xf32>
    %get3A_14 = vector.shape_cast %get3A_13 : vector<1x2560x16xf32> to vector<2560x16xf32>
    %get3A_15 = arith.constant 1 : index
    %get3A_16 = arith.constant 0 : index
    %get3A_17 = arith.constant 0 : index
    %get3A_18 = vector.load %arg1[%get3A_15, %get3A_16, %get3A_17] : memref<2x2560x16xf32, #tpu.memory_space<vmem>>, vector<1x2560x16xf32>
    %get3A_19 = vector.shape_cast %get3A_18 : vector<1x2560x16xf32> to vector<2560x16xf32>
    %add3A_20 = arith.addf %get3A_14, %get3A_19 : vector<2560x16xf32>
    %get3A_21 = arith.constant 0 : index
    %get3A_22 = arith.constant 0 : index
    %get3A_23 = vector.load %arg2[%get3A_21, %get3A_22] : memref<2560x16xf32, #tpu.memory_space<vmem>>, vector<2560x16xf32>
    %add3A_24 = arith.addf %add3A_20, %get3A_23 : vector<2560x16xf32>
    %broadcast_in_dim3A = vector.shape_cast %rsqrt3A : vector<2560xf32> to vector<2560x1xf32>
    %mul3A = vector.broadcast %broadcast_in_dim3A : vector<2560x1xf32> to vector<2560x16xf32>
    %mul3A_25 = arith.mulf %add3A_24, %mul3A : vector<2560x16xf32>
    %get3A_26 = arith.constant 0 : index
    %get3A_27 = arith.constant 0 : index
    %get3A_28 = vector.load %arg5[%get3A_26, %get3A_27] : memref<1x16xf32, #tpu.memory_space<vmem>>, vector<1x16xf32>
    %add3A_29 = vector.broadcast %get3A_28 : vector<1x16xf32> to vector<2560x16xf32>
    %add3A_30 = arith.addf %mul3A_25, %add3A_29 : vector<2560x16xf32>
    %max3A = arith.constant 0.000000e+00 : f32
    %max3A_31 = vector.broadcast %max3A : f32 to vector<2560x16xf32>
    %max3A_32 = arith.maximumf %add3A_30, %max3A_31 : vector<2560x16xf32>
    %get3A_33 = arith.constant 0 : index
    %get3A_34 = arith.constant 0 : index
    %get3A_35 = vector.load %arg4[%get3A_33, %get3A_34] : memref<16x64xf32, #tpu.memory_space<vmem>>, vector<16x64xf32>
    %dot_general3A = arith.constant dense<0.000000e+00> : vector<2560x64xf32>
    %dot_general3A_36 = tpu.matmul %max3A_32, %get3A_35, %dot_general3A {dimension_numbers = #tpu.dot_dimension_numbers<[1], [0], [0], [1], [0, 0, 1, 1], [], []>, transpose_lhs_hint = false} : vector<2560x16xf32>, vector<16x64xf32>, vector<2560x64xf32> -> vector<2560x64xf32>
    %broadcast_in_dim3A_37 = vector.shape_cast %rsqrt3A : vector<2560xf32> to vector<2560x1xf32>
    %mul3A_38 = vector.broadcast %broadcast_in_dim3A_37 : vector<2560x1xf32> to vector<2560x64xf32>
    %mul3A_39 = arith.mulf %dot_general3A_36, %mul3A_38 : vector<2560x64xf32>
    %swap3A = arith.constant 0 : index
    %swap3A_40 = arith.constant 0 : index
    %swap3A_41 = vector.load %arg6[%swap3A, %swap3A_40] : memref<2560x64xf32, #tpu.memory_space<vmem>>, vector<2560x64xf32>
    tpu.vector_store %arg6[%swap3A, %swap3A_40], %mul3A_39 {strides = array<i32>} : memref<2560x64xf32, #tpu.memory_space<vmem>>, vector<2560x64xf32>,
    return
  }
  func.func @transform_0(%arg0: i32) -> (i32, i32, i32) {
    %c0_i32 = arith.constant 0 : i32
    %c0_i32_0 = arith.constant 0 : i32
    %c0_i32_1 = arith.constant 0 : i32
    return %c0_i32, %arg0, %c0_i32_0 : i32, i32, i32
  }
  func.func @transform_1(%arg0: i32) -> (i32, i32) {
    %c0_i32 = arith.constant 0 : i32
    %c0_i32_0 = arith.constant 0 : i32
    return %arg0, %c0_i32 : i32, i32
  }
  func.func @transform_2(%arg0: i32) -> (i32, i32) {
    %c0_i32 = arith.constant 0 : i32
    %c0_i32_0 = arith.constant 0 : i32
    return %c0_i32, %arg0 : i32, i32
  }
  func.func @transform_3(%arg0: i32) -> (i32, i32) {
    %c0_i32 = arith.constant 0 : i32
    %c0_i32_0 = arith.constant 0 : i32
    %c0_i32_1 = arith.constant 0 : i32
    return %c0_i32, %c0_i32_0 : i32, i32
  }
  func.func @transform_4(%arg0: i32) -> (i32, i32) {
    %c0_i32 = arith.constant 0 : i32
    %c0_i32_0 = arith.constant 0 : i32
    %c0_i32_1 = arith.constant 0 : i32
    return %c0_i32, %c0_i32_0 : i32, i32
  }
  func.func @transform_5(%arg0: i32) -> (i32, i32) {
    %c0_i32 = arith.constant 0 : i32
    %c0_i32_0 = arith.constant 0 : i32
    return %arg0, %c0_i32 : i32, i32
  }
}

module attributes {stable_mosaic.version = 14 : i64} {
  func.func @body(%arg0: i32, %arg1: memref<2x2560x64xf32, #tpu.memory_space<vmem>>, %arg2: memref<2560x64xf32, #tpu.memory_space<vmem>>, %arg3: memref<2x2560xf32, #tpu.memory_space<vmem>>, %arg4: memref<1x64xf32, #tpu.memory_space<vmem>>, %arg5: memref<2560x64xf32, #tpu.memory_space<vmem>>) attributes {dimension_semantics = [#tpu.dimension_semantics<arbitrary>], iteration_bounds = array<i64: 4>, scalar_prefetch = 0 : i64, scratch_operands = 0 : i64, tpu.core_type = #tpu.core_type<tc>, window_params = [{transform_indices = @transform_0, window_bounds = array<i64: 2, 2560, 64>}, {transform_indices = @transform_1, window_bounds = array<i64: 2560, 64>}, {transform_indices = @transform_2, window_bounds = array<i64: 2, 2560>}, {pipeline_mode = #tpu.pipeline_mode<synchronous>, transform_indices = @transform_3, window_bounds = array<i64: 1, 64>}, {transform_indices = @transform_4, window_bounds = array<i64: 2560, 64>}]} {
    %get3A = arith.constant 0 : index
    %get3A_0 = arith.constant 0 : index
    %get3A_1 = vector.load %arg3[%get3A, %get3A_0] : memref<2x2560xf32, #tpu.memory_space<vmem>>, vector<1x2560xf32>
    %get3A_2 = vector.shape_cast %get3A_1 : vector<1x2560xf32> to vector<2560xf32>
    %get3A_3 = arith.constant 1 : index
    %get3A_4 = arith.constant 0 : index
    %get3A_5 = vector.load %arg3[%get3A_3, %get3A_4] : memref<2x2560xf32, #tpu.memory_space<vmem>>, vector<1x2560xf32>
    %get3A_6 = vector.shape_cast %get3A_5 : vector<1x2560xf32> to vector<2560xf32>
    %add3A = arith.addf %get3A_2, %get3A_6 : vector<2560xf32>
    %add3A_7 = arith.constant 1.000000e+00 : f32
    %add3A_8 = vector.broadcast %add3A_7 : f32 to vector<2560xf32>
    %add3A_9 = arith.addf %add3A, %add3A_8 : vector<2560xf32>
    %rsqrt3A = math.rsqrt %add3A_9 : vector<2560xf32>
    %get3A_10 = arith.constant 0 : index
    %get3A_11 = arith.constant 0 : index
    %get3A_12 = arith.constant 0 : index
    %get3A_13 = vector.load %arg1[%get3A_10, %get3A_11, %get3A_12] : memref<2x2560x64xf32, #tpu.memory_space<vmem>>, vector<1x2560x64xf32>
    %get3A_14 = vector.shape_cast %get3A_13 : vector<1x2560x64xf32> to vector<2560x64xf32>
    %get3A_15 = arith.constant 1 : index
    %get3A_16 = arith.constant 0 : index
    %get3A_17 = arith.constant 0 : index
    %get3A_18 = vector.load %arg1[%get3A_15, %get3A_16, %get3A_17] : memref<2x2560x64xf32, #tpu.memory_space<vmem>>, vector<1x2560x64xf32>
    %get3A_19 = vector.shape_cast %get3A_18 : vector<1x2560x64xf32> to vector<2560x64xf32>
    %add3A_20 = arith.addf %get3A_14, %get3A_19 : vector<2560x64xf32>
    %get3A_21 = arith.constant 0 : index
    %get3A_22 = arith.constant 0 : index
    %get3A_23 = vector.load %arg2[%get3A_21, %get3A_22] : memref<2560x64xf32, #tpu.memory_space<vmem>>, vector<2560x64xf32>
    %add3A_24 = arith.addf %add3A_20, %get3A_23 : vector<2560x64xf32>
    %broadcast_in_dim3A = vector.shape_cast %rsqrt3A : vector<2560xf32> to vector<2560x1xf32>
    %mul3A = vector.broadcast %broadcast_in_dim3A : vector<2560x1xf32> to vector<2560x64xf32>
    %mul3A_25 = arith.mulf %add3A_24, %mul3A : vector<2560x64xf32>
    %get3A_26 = arith.constant 0 : index
    %get3A_27 = arith.constant 0 : index
    %get3A_28 = vector.load %arg4[%get3A_26, %get3A_27] : memref<1x64xf32, #tpu.memory_space<vmem>>, vector<1x64xf32>
    %add3A_29 = vector.broadcast %get3A_28 : vector<1x64xf32> to vector<2560x64xf32>
    %add3A_30 = arith.addf %mul3A_25, %add3A_29 : vector<2560x64xf32>
    %reduce_max3A = arith.constant dense<0xFF800000> : vector<2560xf32>
    %reduce_max3A_31 = vector.multi_reduction <maximumf>, %add3A_30, %reduce_max3A [1] : vector<2560x64xf32> to vector<2560xf32>
    %broadcast_in_dim3A_32 = vector.shape_cast %reduce_max3A_31 : vector<2560xf32> to vector<2560x1xf32>
    %sub3A = vector.broadcast %broadcast_in_dim3A_32 : vector<2560x1xf32> to vector<2560x64xf32>
    %sub3A_33 = arith.subf %add3A_30, %sub3A : vector<2560x64xf32>
    %exp3A = math.exp %sub3A_33 : vector<2560x64xf32>
    %reduce_sum3A = arith.constant dense<0.000000e+00> : vector<2560xf32>
    %reduce_sum3A_34 = vector.multi_reduction <add>, %exp3A, %reduce_sum3A [1] : vector<2560x64xf32> to vector<2560xf32>
    %broadcast_in_dim3A_35 = vector.shape_cast %reduce_sum3A_34 : vector<2560xf32> to vector<2560x1xf32>
    %log3A = math.log %broadcast_in_dim3A_35 : vector<2560x1xf32>
    %sub3A_36 = vector.broadcast %broadcast_in_dim3A_32 : vector<2560x1xf32> to vector<2560x64xf32>
    %sub3A_37 = arith.subf %add3A_30, %sub3A_36 : vector<2560x64xf32>
    %sub3A_38 = vector.broadcast %log3A : vector<2560x1xf32> to vector<2560x64xf32>
    %sub3A_39 = arith.subf %sub3A_37, %sub3A_38 : vector<2560x64xf32>
    %swap3A = arith.constant 0 : index
    %swap3A_40 = arith.constant 0 : index
    %swap3A_41 = vector.load %arg5[%swap3A, %swap3A_40] : memref<2560x64xf32, #tpu.memory_space<vmem>>, vector<2560x64xf32>
    tpu.vector_store %arg5[%swap3A, %swap3A_40], %sub3A_39 {strides = array<i32>} : memref<2560x64xf32, #tpu.memory_space<vmem>>, vector<2560x64xf32>,
    return
  }
  func.func @transform_0(%arg0: i32) -> (i32, i32, i32) {
    %c0_i32 = arith.constant 0 : i32
    %c0_i32_0 = arith.constant 0 : i32
    %c0_i32_1 = arith.constant 0 : i32
    return %c0_i32, %arg0, %c0_i32_0 : i32, i32, i32
  }
  func.func @transform_1(%arg0: i32) -> (i32, i32) {
    %c0_i32 = arith.constant 0 : i32
    %c0_i32_0 = arith.constant 0 : i32
    return %arg0, %c0_i32 : i32, i32
  }
  func.func @transform_2(%arg0: i32) -> (i32, i32) {
    %c0_i32 = arith.constant 0 : i32
    %c0_i32_0 = arith.constant 0 : i32
    return %c0_i32, %arg0 : i32, i32
  }
  func.func @transform_3(%arg0: i32) -> (i32, i32) {
    %c0_i32 = arith.constant 0 : i32
    %c0_i32_0 = arith.constant 0 : i32
    %c0_i32_1 = arith.constant 0 : i32
    return %c0_i32, %c0_i32_0 : i32, i32
  }
  func.func @transform_4(%arg0: i32) -> (i32, i32) {
    %c0_i32 = arith.constant 0 : i32
    %c0_i32_0 = arith.constant 0 : i32
    return %arg0, %c0_i32 : i32, i32
  }
}

</mosaic_0001>

<sc_bundles>
// kernel: kernel.11.cloned.1.call-start
scs
__scs_entry_jumppad:
0x0: {  	(pc) =	sbr.rel $0x88, $3  }
0x1: {  	(tag) =	ssettag $0x0;
	lr =	simm.s32 $0x1  }
0x2: {  	[smem:$0x3F9B] =	sst lr;
	_ =	strace $0xD0000000  }
0x3: {  	_ = 	snop  }
0x4: {  	_ = 	snop  }
0x5: {  	_ = 	snop  }
0x6: {  	_ = 	snop  }
0x7: {  	_ = 	snop  }
__scs_overlays_trampoline_lowered:
0x8: {  	[smem:$0x3FAA] =	sst s0  }
0x9: {  	[smem:$0x3FAB] =	sst s1  }
0xa: {  	[smem:$0x3FAC] =	sst s2  }
0xb: {  	[smem:$0x3FAD] =	sst s3  }
0xc: {  	[smem:$0x3FAE] =	sst s4  }
0xd: {  	[smem:$0x3FAF] =	sst s5  }
0xe: {  	[smem:$0x3FB0] =	sst s6  }
0xf: {  	[smem:$0x3FB1] =	sst s7  }
0x10: {  	[smem:$0x3FB2] =	sst s8  }
0x11: {  	[smem:$0x3FB3] =	sst s9;
	s0 =	simm.s32 @!p0 $0x0  }
0x12: {  	s1 =	sld [smem:$0x3F99];
	s0 =	simm.s32 @p0 $0x1  }
0x13: {  	[smem:$0x3FB4] =	sst s0;
	s0 =	simm.s32 @!p1 $0x0  }
0x14: {  	s2 =	sld [smem:$0x3F98];
	s0 =	simm.s32 @p1 $0x1  }
0x15: {  	[smem:$0x3FB5] =	sst s0;
	s0 =	simm.s32 @!p2 $0x0  }
0x16: {  	s3 =	sld [smem:$0x3FDB];
	s0 =	simm.s32 @p2 $0x1  }
0x17: {  	s4 =	simm.s32 $0x1BF5;
	[smem:$0x3FB7] =	sst s0  }
0x18: {  	s0 =	sld [smem:$0x3F9A];
	_ =	swait.ge [sflag:s4], $0x0  }
0x19: {  	s7 =	sld [smem:$0x3F9B]  }
0x1a: {  	s8 =	sadd.s32 $0xFFFFE003, lr  }
0x1b: {  	s9 =	sadd.s32 $0xFFFFFEF7, lr;
	s5 =	simm.s32 $0xFFFFFFFF;
	p2 =	slt.u32 s8, $0xFFFFF086  }
0x1c: {  	p1 =	slt.u32 s9, $0xF7A;
	s5 =	simm.s32 @!p2 $0x0  }
0x1d: {  	s5 =	simm.s32 @p1 $0x1;
	p0 =	seq.s32 s7, s2  }
0x1e: {  	s7 =	smul.u32 @!p0 $0xF7A, s2;
	p2 =	seq.s32 @!p0 s5, $0x0  }
0x1f: {  	s9 =	smul.u32 $0xF7A, s1;
	s8 =	simm.s32 @!p0 $0x1BF5;
	p2 =	por !p2, p0  }
0x20: {  	[sflag:s8] =	ssyncset.s32 @!p0 $0xFFFFF086;
	s6 =	sadd.s32 @!p0 s3, s7;
	s7 =	simm.s32 @!p0 $0x108  }
0x21: {  	s3 =	sadd.s32 s3, s9;
	s6 =	sadd.s32 @!p0 $0x88, s6;
	s7 =	simm.s32 @p2 $0x1082  }
0x22: {  	[simem:s7], [sflag:s8] =	dma.local @!p0 [hbm:s6], $0xF7A  }
0x23: {  	s9 =	sor.u32 $0xD0000000, s2;
	s6 =	simm.s32 $0x108;
	_ =	swait.ge @!p0 [sflag:s8], $0x0  }
0x24: {  	s3 =	sadd.s32 $0x88, s3;
	s6 =	simm.s32 @!p1 $0x1082;
	[sflag:s4] =	ssyncset.s32 $0xFFFFF086  }
0x25: {  	[simem:s6], [sflag:s4] =	dma.local [hbm:s3], $0xF7A  }
0x26: {  	[smem:$0x3F9B] =	sst s1;
	(tag) =	ssettag s2;
	_ =	strace s9  }
0x27: {  	s1 =	sld [smem:$0x3FAB]  }
0x28: {  	s2 =	sld [smem:$0x3FAC]  }
0x29: {  	s4 =	sld [smem:$0x3FAE]  }
0x2a: {  	p0 =	seq.s32 s5, $0x0;
	s5 =	sld [smem:$0x3FAF]  }
0x2b: {  	s6 =	sld [smem:$0x3FB0]  }
0x2c: {  	s7 =	sld [smem:$0x3FB1]  }
0x2d: {  	s3 =	simm.s32 $0x108;
	s8 =	sld [smem:$0x3FB2]  }
0x2e: {  	s3 =	simm.s32 @!p0 $0x1082;
	s9 =	sld [smem:$0x3FB3]  }
0x2f: {  	lr =	sadd.s32 s0, s3;
	s0 =	sld [smem:$0x3FAA]  }
0x30: {  	s3 =	sld [smem:$0x3FAD]  }
0x31: {  	[smem:$0x3FB6] =	sst s10  }
0x32: {  	s10 =	sld [smem:$0x3FB4];
	_ =	sdelay $0x3  }
0x33: {  	p0 =	seq.s32 s10, $0x1;
	s10 =	sld [smem:$0x3FB6];
	_ =	sdelay $0x3  }
0x34: {  	[smem:$0x3FB6] =	sst s10  }
0x35: {  	s10 =	sld [smem:$0x3FB5];
	_ =	sdelay $0x3  }
0x36: {  	p1 =	seq.s32 s10, $0x1;
	s10 =	sld [smem:$0x3FB6];
	_ =	sdelay $0x3  }
0x37: {  	[smem:$0x3FB6] =	sst s10  }
0x38: {  	s10 =	sld [smem:$0x3FB7]  }
0x39: {  	_ = 	snop;
	(pc) =	sbr.ind lr, $3  }
0x3a: {  	_ = 	snop  }
0x3b: {  	_ = 	snop  }
0x3c: {  	p2 =	seq.s32 s10, $0x1;
	s10 =	sld [smem:$0x3FB6]  }
0x3d: {  	_ =	shalt  }
0x3e: {  	_ =	shalt  }
0x3f: {  	_ =	shalt  }
0x40: {  	_ =	shalt  }
0x41: {  	_ =	shalt  }
0x42: {  	_ =	shalt  }
0x43: {  	_ =	shalt  }
0x44: {  	_ =	shalt  }
0x45: {  	_ =	shalt  }
0x46: {  	_ =	shalt  }
0x47: {  	_ =	shalt  }
0x48: {  	_ =	shalt  }
0x49: {  	_ =	shalt  }
0x4a: {  	_ =	shalt  }
0x4b: {  	_ =	shalt  }
0x4c: {  	_ =	shalt  }
0x4d: {  	_ =	shalt  }
0x4e: {  	_ =	shalt  }
0x4f: {  	_ =	shalt  }
0x50: {  	_ =	shalt  }
0x51: {  	_ =	shalt  }
0x52: {  	_ =	shalt  }
0x53: {  	_ =	shalt  }
0x54: {  	_ =	shalt  }
0x55: {  	_ =	shalt  }
0x56: {  	_ =	shalt  }
0x57: {  	_ =	shalt  }
0x58: {  	_ =	shalt  }
0x59: {  	_ =	shalt  }
0x5a: {  	_ =	shalt  }
0x5b: {  	_ =	shalt  }
0x5c: {  	_ =	shalt  }
0x5d: {  	_ =	shalt  }
0x5e: {  	_ =	shalt  }
0x5f: {  	_ =	shalt  }
0x60: {  	_ =	shalt  }
0x61: {  	_ =	shalt  }
0x62: {  	_ =	shalt  }
0x63: {  	_ =	shalt  }
0x64: {  	_ =	shalt  }
0x65: {  	_ =	shalt  }
0x66: {  	_ =	shalt  }
0x67: {  	_ =	shalt  }
0x68: {  	_ =	shalt  }
0x69: {  	_ =	shalt  }
0x6a: {  	_ =	shalt  }
0x6b: {  	_ =	shalt  }
0x6c: {  	_ =	shalt  }
0x6d: {  	_ =	shalt  }
0x6e: {  	_ =	shalt  }
0x6f: {  	_ =	shalt  }
0x70: {  	_ =	shalt  }
0x71: {  	_ =	shalt  }
0x72: {  	_ =	shalt  }
0x73: {  	_ =	shalt  }
0x74: {  	_ =	shalt  }
0x75: {  	_ =	shalt  }
0x76: {  	_ =	shalt  }
0x77: {  	_ =	shalt  }
0x78: {  	_ =	shalt  }
0x79: {  	_ =	shalt  }
0x7a: {  	_ =	shalt  }
0x7b: {  	_ =	shalt  }
0x7c: {  	_ =	shalt  }
0x7d: {  	_ =	shalt  }
0x7e: {  	_ =	shalt  }
0x7f: {  	_ =	shalt  }
0x80: {  	_ =	shalt  }
0x81: {  	_ =	shalt  }
0x82: {  	_ =	shalt  }
0x83: {  	_ =	shalt  }
0x84: {  	_ =	shalt  }
0x85: {  	_ =	shalt  }
0x86: {  	_ =	shalt  }
0x87: {  	_ =	shalt  }
.Lfunc_end0:
.L_simem_size_0:
called_computation.1_lowered:
.L_overlay_start_0:
0x88: {  	s2 =	sld [smem:$0x3FD9]  }
0x89: {  	s3 =	sld [smem:$0x3FFE];
	_ =	sdelay $0x1  }
0x8a: {  	s1 =	srdreg.scid  }
0x8b: {  	s0 =	sand.u32 $0x1, s1  }
0x8c: {  	s17 =	sshll.u32 s0, $0xA;
	s2 =	sadd.s32 s3, s2  }
0x8d: {  	s2 =	sadd.s32 s2, s17  }
0x8e: {  	[smem:$0x3FC2] =	sst s2  }
0x8f: {  	_ = 	snop  }
0x90: {  	s2 =	sld [smem:$0x3FD0];
	(tm) =	ssettm $0x1  }
0x91: {  	s18 =	sld [smem:$0x3FFB];
	_ =	sdelay $0x3  }
0x92: {  	_ =	strace s18  }
0x93: {  	s3 =	sld [smem:$0x3FFC];
	_ =	sdelay $0x3  }
0x94: {  	_ =	strace s3  }
0x95: {  	s3 =	sld [smem:$0x3FFD];
	_ =	sdelay $0x3  }
0x96: {  	_ =	strace s3  }
0x97: {  	_ =	strace $0x8FFFFFFF  }
0x98: {  	s19 =	sld [smem:$0x3FDB];
	_ =	sdelay $0x1  }
0x99: {  	s4 =	simm.s32 $_scs_section_size  }
0x9a: {  	s5 =	simm.s32 $_size__tile_overlayer_lowered;
	s6 =	simm.s32 $_tile_overlayer_lowered  }
0x9b: {  	s22 =	simm.s32 $0x1BFF;
	s21 =	sshll.u32 s6, $0x1;
	s3 =	sadd.s32 s4, s19  }
0x9c: {  	s7 =	simm.s32 $0x0;
	s20 =	sshll.u32 s5, $0x1;
	s5 =	sadd.s32 s21, s3  }
0x9d: {  	[timem:s7], [sflag:s22] =	dma.local [hbm:s5], s20  }
0x9e: {  	_ =	swait.ge [sflag:s22], s20  }
0x9f: {  	s4 =	ssub.s32 $0x0, s20;
	[sflag:s22] =	ssyncset.done $0x0  }
0xa0: {  	[sflag:s22] =	ssyncadd.s32 s4;
	_ =	sdelay $0x1  }
0xa1: {  	s23 =	simm.s32 $0x1B8B  }
0xa2: {  	_ =	swait.ge [sflag:s23], $0x1  }
0xa3: {  	[sflag:s23] =	ssyncset.done $0x0  }
0xa4: {  	s25 =	simm.s32 $0x1B8E;
	s24 =	sld [smem:$0x3FFE];
	[sflag:s23] =	ssyncadd.s32 $0xFFFFFFFF  }
0xa5: {  	s26 =	simm.s32 $execute0_lowered;
	[smem:$0x3FD2] =	sst s25  }
0xa6: {  	s5 =	sshll.u32 s26, $0x1;
	_ =	strace $0x80000049;
	[dreg:$0x1] =	wrdreg $0xFFFFFFFF  }
0xa7: {  	s28 =	simm.s32 $_size_execute0_lowered;
	s3 =	sadd.s32 s3, s5;
	[dreg:$0x0] =	wrdreg $0x0  }
0xa8: {  	s5 =	sshll.u32 s28, $0x1;
	[dreg:$0x2] =	wrdreg s3  }
0xa9: {  	[dreg:$0x3] =	wrdreg s5  }
0xaa: {  	[dreg:$0x4] =	wrdreg $0xC0  }
0xab: {  	_ =	task [dreg:s7], $0x5FFFF  }
0xac: {  	[dreg:$0x1] =	wrdreg $0xFFFFFFFF  }
0xad: {  	[dreg:$0x0] =	wrdreg $0x60  }
0xae: {  	[dreg:$0x2] =	wrdreg s24  }
0xaf: {  	[dreg:$0x3] =	wrdreg s2  }
0xb0: {  	[dreg:$0x4] =	wrdreg $0x0  }
0xb1: {  	[dreg:$0x5] =	wrdreg $0x9  }
0xb2: {  	_ =	task.clear_ibuf [dreg:s7], $0x6FFFF;
	_ =	strace $0x90000049  }
0xb3: {  	s29 =	simm.s32 $0x9;
	_ =	strace $0x8000004B  }
0xb4: {  	_ =	swait.ge [sflag:s29], $0x1  }
0xb5: {  	[sflag:s29] =	ssyncadd.s32 $0xFFFFFFFF  }
0xb6: {  	_ =	strace $0x9000004B  }
0xb7: {  	_ =	sfence  }
0xb8: {  	s30 =	sld [smem:$0x0];
	_ =	sdelay $0x2  }
0xb9: {  	s31 =	sshll.u32 s1, $0xD;
	s1 =	sshrl.u32 s1, $0x2  }
0xba: {  	s3 =	sand.u32 $0x4000, s31;
	s1 =	sadd.s32 s1, s30  }
0xbb: {  	s0 =	sor.u32 s3, s0;
	s1 =	sshll.u32 s1, $0x11  }
0xbc: {  	s0 =	sor.u32 s1, s0  }
0xbd: {  	s0 =	sadd.s32 $0x8F2B, s0  }
0xbe: {  	[sflag:s0] =	ssyncadd.remote.s32 $0x1  }
0xbf: {  	_ =	sfence.sel $0xFFFF  }
0xc0: {  	[dreg:$0x0] =	wrdreg $0xFFFFFFFF;
	(pc) =	sbr.abs _section_cstart, $3  }
0xc1: {  	[dreg:$0x1] =	wrdreg $0xFFFFFFFF  }
0xc2: {  	_ =	task.clear_ibuf [dreg:s7], $0x2FFFF;
	_ =	strace $0x9FFFFFFF  }
0xc3: {  	(tm) =	ssettm $0x7FFFFFFF  }
tec
execute0_lowered:
.L_overlay_start_1:
0x0: {  	(tag) =	ssettag $0x1  }
0x1: {  	s1 =	rddreg [dreg:$0x0]  }
0x2: {  	s0 =	srdreg.scid;
	s3 =	rddreg [dreg:$0x1]  }
0x3: {  	s8 =	stileid.u32;
	s2 =	rddreg [dreg:$0x2]  }
0x4: {  	s14 =	simm.s32 $0x0;
	s18 =	simm.s32 $0x80;
	s31 =	simm.s32 $0xA800  }
0x5: {  	s17 =	simm.s32 $0xB000;
	s19 =	simm.s32 $0x1;
	s28 =	simm.s32 $0xD000  }
0x6: {  	s30 =	simm.s32 $0x3;
	s9 =	simm.s32 $0xF000;
	s10 =	simm.s32 $0x5  }
0x7: {  	s11 =	simm.s32 $0x9;
	s16 =	simm.s32 $0x6;
	s12 =	simm.s32 $0xA  }
0x8: {  	s13 =	simm.s32 $0x7;
	s15 =	simm.s32 $0xC;
	s0 =	sand.u32 $0x1, s0  }
0x9: {  	[smem:$0x7FF] =	sst s14;
	s6 =	smul.u32 $0xA000, s8;
	s4 =	sshll.u32 s0, $0x4  }
0xa: {  	_ =	strace $0x8000004A;
	s21 =	ssub.s32 $0x2, s0;
	s0 =	smul.u32 $0x28000, s0  }
0xb: {  	s4 =	sor.u32 s8, s4;
	s8 =	smul.u32 $0x2800, s8;
	s6 =	sshrl.u32 s6, $0x2  }
0xc: {  	s7 =	sshrl.u32 s21, $0x1;
	s4 =	smul.u32 $0x2800, s4;
	s6 =	sadd.s32 s6, s2  }
0xd: {  	s24 =	sadd.s32 s8, s2;
	s22 =	sadd.s32 $0x800, s6;
	s23 =	sadd.s32 $0x1000, s6  }
0xe: {  	s25 =	sadd.s32 $0x1800, s6;
	s6 =	sadd.s32 $0x2000, s6;
	[dreg:$0x6] =	wrdreg s22  }
0xf: {  	s0 =	sadd.s32 s8, s0;
	s8 =	simm.s32 $0xE800;
	[dreg:$0x7] =	wrdreg s23  }
0x10: {  	s5 =	sshrl.u32 s4, $0x3;
	s4 =	sadd.s32 $0x15C00, s1;
	[dreg:$0x8] =	wrdreg s25  }
0x11: {  	[dreg:$0x9] =	wrdreg s6;
	s0 =	sshrl.u32 s0, $0x3;
	s23 =	simm.s32 $0x2  }
0x12: {  	s25 =	simm.s32 $0xC800;
	s6 =	simm.s32 $0xE000;
	[dreg:$0x5] =	wrdreg s24  }
0x13: {  	s1 =	sadd.s32 s5, s1;
	s5 =	ssub.s32 s21, s7;
	s0 =	sadd.s32 s3, s0  }
.Ltmp0:
0x14: {  	s21 =	simm.s32 $0xC000;
	s7 =	simm.s32 $0x4;
	(pc) =	sbr.rel .LBB2_1-.Ltmp0, $4  }
0x15: {  	s3 =	simm.s32 $0x8;
	s26 =	sadd.s32 $0x1C00, s1;
	[dreg:$0xc] =	wrdreg s0  }
0x16: {  	s1 =	sadd.s32 $0xBC00, s1;
	s29 =	smax.u32 s5, $0x1;
	[dreg:$0xa] =	wrdreg s26  }
0x17: {  	s0 =	simm.s32 $0xB800;
	s5 =	simm.s32 $0xB;
	[dreg:$0xb] =	wrdreg s1  }
0x18: {  	v0 =	vimm.f32 $0.0e+00;
	[dreg:$0xd] =	wrdreg s29;
	s26 =	simm.s32 $0x11;
	s1 =	simm.s32 $0xD800  }
.LBB2_6:
0x19: {  	s14 =	simm.s32 $0xD  }
0x1a: {  	_ =	swait.ge [sflag:s14], $0x800  }
0x1b: {  	[sflag:s14] =	ssyncset.done $0x0  }
0x1c: {  	[sflag:s14] =	ssyncadd.s32 $0xFFFFF800  }
0x1d: {  	_ =	swait.ge [sflag:s14], $0x800  }
0x1e: {  	[sflag:s14] =	ssyncset.done $0x0  }
0x1f: {  	s24 =	simm.s32 $0xE;
	[sflag:s14] =	ssyncadd.s32 $0xFFFFF800  }
0x20: {  	_ =	swait.ge [sflag:s24], $0x800  }
0x21: {  	[sflag:s24] =	ssyncset.done $0x0  }
0x22: {  	[sflag:s24] =	ssyncadd.s32 $0xFFFFF800  }
0x23: {  	_ =	swait.ge [sflag:s24], $0x800  }
0x24: {  	[sflag:s24] =	ssyncset.done $0x0  }
0x25: {  	s26 =	simm.s32 $0xF;
	[sflag:s24] =	ssyncadd.s32 $0xFFFFF800  }
0x26: {  	_ =	swait.ge [sflag:s26], $0x800  }
0x27: {  	[sflag:s26] =	ssyncset.done $0x0  }
0x28: {  	[sflag:s26] =	ssyncadd.s32 $0xFFFFF800  }
0x29: {  	_ =	swait.ge [sflag:s26], $0x800  }
0x2a: {  	[sflag:s26] =	ssyncset.done $0x0  }
0x2b: {  	s29 =	simm.s32 $0x10;
	[sflag:s26] =	ssyncadd.s32 $0xFFFFF800  }
0x2c: {  	_ =	swait.ge [sflag:s29], $0x800  }
0x2d: {  	[sflag:s29] =	ssyncset.done $0x0  }
0x2e: {  	[sflag:s29] =	ssyncadd.s32 $0xFFFFF800  }
0x2f: {  	_ =	swait.ge [sflag:s29], $0x800  }
0x30: {  	[sflag:s29] =	ssyncset.done $0x0  }
0x31: {  	s20 =	stileid.u32;
	[sflag:s29] =	ssyncadd.s32 $0xFFFFF800  }
0x32: {  	s14 =	sshll.u32 s20, $0x6;
	[bflag:$0x0] =	sbarrier.arrive $0xFFFF  }
0x33: {  	s14 =	sor.u32 $0x1C11, s14;
	s24 =	rddreg [dreg:$0x5]  }
0x34: {  	s26 =	simm.s32 $0x11;
	s22 =	rddreg [dreg:$0xc];
	s20 =	sshrl.u32 s24, $0x3  }
0x35: {  	[hbm:s22], [sflag:s14] =	dma.local [spmem:s20], $0x500  }
0x36: {  	_ =	swait.ge [sflag:s26], $0x500  }
0x37: {  	s22 =	rddreg [dreg:$0x4]  }
0x38: {  	s29 =	rddreg [dreg:$0xd];
	s14 =	sadd.s32 $0x1, s22  }
0x39: {  	p0 =	sne.s32 s14, s29  }
.Ltmp1:
0x3a: {  	_ = 	snop;
	(pc) =	sbr.rel @!p0 .LBB2_7-.Ltmp1, $3  }
0x3b: {  	_ =	sdelay $0x1  }
0x3c: {  	[sflag:s26] =	ssyncset.done $0x0  }
0x3d: {  	[sflag:s26] =	ssyncadd.s32 $0xFFFFFB00  }
.LBB2_1:
0x3e: {  	[dreg:$0x4] =	wrdreg s14;
	s20 =	simm.s32 $0x40;
	s22 =	simm.s32 $0x0  }
.LBB2_2:
0x3f: {  	p0 =	sne.s32 s20, $0x1FC0;
	[tilespmem:s22+$0x7800] =	vst v0;
	s22 =	smov.u32 s20;
	s20 =	sadd.s32 $0x40, s20  }
.Ltmp2:
0x40: {  	(pc) =	sbr.rel @p0 .LBB2_2-.Ltmp2, $2  }
0x41: {  	_ =	sdelay $0x2  }
0x42: {  	s22 =	sshra.s32 s22, $0x2  }
0x43: {  	[tilespmem:s22+$0x7800] =	vst v0;
	s22 =	simm.s32 $0x7800  }
0x44: {  	[spmem:s24] =	stream.linear.scatter [tilespmem:s22], [sflag:$0x11], $0x800, $0x38;
	[tilespmem:$0xF800] =	vst v63  }
0x45: {  	_ =	swait.ge [sflag:s26], $0x800  }
0x46: {  	[sflag:s26] =	ssyncset.done $0x0  }
0x47: {  	s14 =	rddreg [dreg:$0x6];
	[sflag:s26] =	ssyncadd.s32 $0xFFFFF800  }
0x48: {  	[spmem:s14] =	stream.linear.scatter [tilespmem:s22], [sflag:$0x11], $0x800, $0x38;
	[tilespmem:$0xF800] =	vst v63  }
0x49: {  	_ =	swait.ge [sflag:s26], $0x800  }
0x4a: {  	[sflag:s26] =	ssyncset.done $0x0  }
0x4b: {  	s29 =	rddreg [dreg:$0x7];
	[sflag:s26] =	ssyncadd.s32 $0xFFFFF800  }
0x4c: {  	[spmem:s29] =	stream.linear.scatter [tilespmem:s22], [sflag:$0x11], $0x800, $0x38;
	[tilespmem:$0xF800] =	vst v63  }
0x4d: {  	_ =	swait.ge [sflag:s26], $0x800  }
0x4e: {  	[sflag:s26] =	ssyncset.done $0x0  }
0x4f: {  	s20 =	rddreg [dreg:$0x8];
	[sflag:s26] =	ssyncadd.s32 $0xFFFFF800  }
0x50: {  	[spmem:s20] =	stream.linear.scatter [tilespmem:s22], [sflag:$0x11], $0x800, $0x38;
	[tilespmem:$0xF800] =	vst v63  }
0x51: {  	_ =	swait.ge [sflag:s26], $0x800  }
0x52: {  	[sflag:s26] =	ssyncset.done $0x0  }
0x53: {  	s24 =	rddreg [dreg:$0x9];
	[sflag:s26] =	ssyncadd.s32 $0xFFFFF800  }
0x54: {  	[spmem:s24] =	stream.linear.scatter [tilespmem:s22], [sflag:$0x11], $0x800, $0x38;
	[tilespmem:$0xF800] =	vst v63  }
0x55: {  	_ =	swait.ge [sflag:s26], $0x800  }
0x56: {  	s20 =	simm.s32 $0x0;
	[sflag:s26] =	ssyncset.done $0x0  }
0x57: {  	s24 =	simm.s32 $0x2800;
	s29 =	rddreg [dreg:$0xa];
	[sflag:s26] =	ssyncadd.s32 $0xFFFFF800  }
0x58: {  	[tilespmem:s24], [sflag:$0x11] =	stream.linear.gather [hbm4b:s29+s20], $0x2800, $0x38;
	[tilespmem:$0xF800] =	vst v63  }
0x59: {  	_ =	swait.ge [sflag:s26], $0x2800  }
0x5a: {  	[sflag:s26] =	ssyncset.done $0x0  }
0x5b: {  	s29 =	simm.s32 $0x5000;
	s14 =	rddreg [dreg:$0xb];
	[sflag:s26] =	ssyncadd.s32 $0xFFFFD800  }
0x5c: {  	[tilespmem:s29], [sflag:$0x11] =	stream.linear.gather [hbm4b:s14+s20], $0x2800, $0x38;
	[tilespmem:$0xF800] =	vst v63  }
0x5d: {  	_ =	swait.ge [sflag:s26], $0x2800  }
0x5e: {  	[sflag:s26] =	ssyncset.done $0x0  }
0x5f: {  	[sflag:s26] =	ssyncadd.s32 $0xFFFFD800  }
0x60: {  	[bflag:$0x0] =	sbarrier.arrive $0xFFFF  }
0x61: {  	[tilespmem:s22], [sflag:$0x1] =	stream.indirect.gather [hbm4b:s4+s18], $0x10, s24, s18, $0xb8;
	[tilespmem:$0xF800] =	vst v63  }
0x62: {  	s22 =	simm.s32 $0x2880;
	s24 =	simm.s32 $0x8000  }
0x63: {  	[tilespmem:s24], [sflag:$0x1] =	stream.indirect.gather [hbm4b:s4+s18], $0x10, s22, s18, $0xb8;
	[tilespmem:$0xF800] =	vst v63  }
0x64: {  	s29 =	simm.s32 $0x8800;
	s26 =	simm.s32 $0x2900  }
0x65: {  	[tilespmem:s29], [sflag:$0x2] =	stream.indirect.gather [hbm4b:s4+s18], $0x10, s26, s18, $0xb8;
	[tilespmem:$0xF800] =	vst v63  }
0x66: {  	s22 =	simm.s32 $0x2980;
	s24 =	simm.s32 $0x9000  }
0x67: {  	[tilespmem:s24], [sflag:$0x2] =	stream.indirect.gather [hbm4b:s4+s18], $0x10, s22, s18, $0xb8;
	[tilespmem:$0xF800] =	vst v63  }
0x68: {  	s26 =	simm.s32 $0x2A00;
	s29 =	simm.s32 $0x9800  }
0x69: {  	[tilespmem:s29], [sflag:$0x3] =	stream.indirect.gather [hbm4b:s4+s18], $0x10, s26, s18, $0xb8;
	[tilespmem:$0xF800] =	vst v63  }
0x6a: {  	s22 =	simm.s32 $0x2A80;
	s24 =	simm.s32 $0xA000  }
0x6b: {  	[tilespmem:s24], [sflag:$0x3] =	stream.indirect.gather [hbm4b:s4+s18], $0x10, s22, s18, $0xb8;
	[tilespmem:$0xF800] =	vst v63  }
0x6c: {  	s26 =	simm.s32 $0x2B00  }
0x6d: {  	[tilespmem:s31], [sflag:$0x4] =	stream.indirect.gather [hbm4b:s4+s18], $0x10, s26, s18, $0xb8;
	[tilespmem:$0xF800] =	vst v63  }
0x6e: {  	s29 =	simm.s32 $0x2B80  }
0x6f: {  	[tilespmem:s17], [sflag:$0x4] =	stream.indirect.gather [hbm4b:s4+s18], $0x10, s29, s18, $0xb8;
	[tilespmem:$0xF800] =	vst v63  }
.LBB2_4:
0x70: {  	_ =	swait.ge [sflag:s19], $0x800  }
0x71: {  	[sflag:s19] =	ssyncset.done $0x0  }
0x72: {  	[sflag:s19] =	ssyncadd.s32 $0xFFFFF800  }
0x73: {  	_ =	swait.ge [sflag:s19], $0x800  }
0x74: {  	s22 =	sshra.s32 s20, $0x2;
	s14 =	simm.s32 $0x7800;
	[sflag:s19] =	ssyncset.done $0x0  }
0x75: {  	p0 =	seq.s32 s20, $0x0;
	s24 =	sadd.s32 $0x5000, s22;
	[sflag:s19] =	ssyncadd.s32 $0xFFFFF800  }
0x76: {  	[spmem:s2] =	stream.indirect.scatter.add.f32 [tilespmem:s14], [sflag:$0x9], $0x10, s24, s18, $0xb8;
	[tilespmem:$0xF800] =	vst v63  }
0x77: {  	s26 =	simm.s32 $0x8000;
	s14 =	sadd.s32 $0x5080, s22;
	s24 =	simm.s32 @!p0 $0xD  }
0x78: {  	[spmem:s2] =	stream.indirect.scatter.add.f32 [tilespmem:s26], [sflag:$0x9], $0x10, s14, s18, $0xb8;
	[tilespmem:$0xF800] =	vst v63  }
0x79: {  	_ =	swait.ge @!p0 [sflag:s24], $0x800  }
0x7a: {  	[sflag:s24] =	ssyncset.done @!p0 $0x0  }
0x7b: {  	[sflag:s24] =	ssyncadd.s32 @!p0 $0xFFFFF800  }
0x7c: {  	_ =	swait.ge @!p0 [sflag:s24], $0x800  }
0x7d: {  	[sflag:s24] =	ssyncset.done @!p0 $0x0  }
0x7e: {  	s29 =	sadd.s32 $0x2C00, s22;
	[sflag:s24] =	ssyncadd.s32 @!p0 $0xFFFFF800  }
0x7f: {  	[tilespmem:s0], [sflag:$0x5] =	stream.indirect.gather [hbm4b:s4+s18], $0x10, s29, s18, $0xb8;
	[tilespmem:$0xF800] =	vst v63  }
0x80: {  	s14 =	sadd.s32 $0x2C80, s22  }
0x81: {  	[tilespmem:s21], [sflag:$0x5] =	stream.indirect.gather [hbm4b:s4+s18], $0x10, s14, s18, $0xb8;
	[tilespmem:$0xF800] =	vst v63  }
0x82: {  	_ =	swait.ge [sflag:s23], $0x800  }
0x83: {  	[sflag:s23] =	ssyncset.done $0x0  }
0x84: {  	[sflag:s23] =	ssyncadd.s32 $0xFFFFF800  }
0x85: {  	_ =	swait.ge [sflag:s23], $0x800  }
0x86: {  	[sflag:s23] =	ssyncset.done $0x0  }
0x87: {  	s26 =	sadd.s32 $0x5100, s22;
	s29 =	simm.s32 $0x8800;
	[sflag:s23] =	ssyncadd.s32 $0xFFFFF800  }
0x88: {  	[spmem:s2] =	stream.indirect.scatter.add.f32 [tilespmem:s29], [sflag:$0xA], $0x10, s26, s18, $0xb8;
	[tilespmem:$0xF800] =	vst v63  }
0x89: {  	s24 =	simm.s32 @!p0 $0xE;
	s14 =	sadd.s32 $0x5180, s22;
	s26 =	simm.s32 $0x9000  }
0x8a: {  	[spmem:s2] =	stream.indirect.scatter.add.f32 [tilespmem:s26], [sflag:$0xA], $0x10, s14, s18, $0xb8;
	[tilespmem:$0xF800] =	vst v63  }
0x8b: {  	_ =	swait.ge @!p0 [sflag:s24], $0x800  }
0x8c: {  	[sflag:s24] =	ssyncset.done @!p0 $0x0  }
0x8d: {  	[sflag:s24] =	ssyncadd.s32 @!p0 $0xFFFFF800  }
0x8e: {  	_ =	swait.ge @!p0 [sflag:s24], $0x800  }
0x8f: {  	[sflag:s24] =	ssyncset.done @!p0 $0x0  }
0x90: {  	s29 =	sadd.s32 $0x2D00, s22;
	[sflag:s24] =	ssyncadd.s32 @!p0 $0xFFFFF800  }
0x91: {  	[tilespmem:s25], [sflag:$0x6] =	stream.indirect.gather [hbm4b:s4+s18], $0x10, s29, s18, $0xb8;
	[tilespmem:$0xF800] =	vst v63  }
0x92: {  	s14 =	sadd.s32 $0x2D80, s22  }
0x93: {  	[tilespmem:s28], [sflag:$0x6] =	stream.indirect.gather [hbm4b:s4+s18], $0x10, s14, s18, $0xb8;
	[tilespmem:$0xF800] =	vst v63  }
0x94: {  	_ =	swait.ge [sflag:s30], $0x800  }
0x95: {  	[sflag:s30] =	ssyncset.done $0x0  }
0x96: {  	[sflag:s30] =	ssyncadd.s32 $0xFFFFF800  }
0x97: {  	_ =	swait.ge [sflag:s30], $0x800  }
0x98: {  	[sflag:s30] =	ssyncset.done $0x0  }
0x99: {  	s26 =	sadd.s32 $0x5200, s22;
	s29 =	simm.s32 $0x9800;
	[sflag:s30] =	ssyncadd.s32 $0xFFFFF800  }
0x9a: {  	[spmem:s2] =	stream.indirect.scatter.add.f32 [tilespmem:s29], [sflag:$0xB], $0x10, s26, s18, $0xb8;
	[tilespmem:$0xF800] =	vst v63  }
0x9b: {  	s24 =	simm.s32 @!p0 $0xF;
	s14 =	sadd.s32 $0x5280, s22;
	s26 =	simm.s32 $0xA000  }
0x9c: {  	[spmem:s2] =	stream.indirect.scatter.add.f32 [tilespmem:s26], [sflag:$0xB], $0x10, s14, s18, $0xb8;
	[tilespmem:$0xF800] =	vst v63  }
0x9d: {  	_ =	swait.ge @!p0 [sflag:s24], $0x800  }
0x9e: {  	[sflag:s24] =	ssyncset.done @!p0 $0x0  }
0x9f: {  	[sflag:s24] =	ssyncadd.s32 @!p0 $0xFFFFF800  }
0xa0: {  	_ =	swait.ge @!p0 [sflag:s24], $0x800  }
0xa1: {  	[sflag:s24] =	ssyncset.done @!p0 $0x0  }
0xa2: {  	s29 =	sadd.s32 $0x2E00, s22;
	[sflag:s24] =	ssyncadd.s32 @!p0 $0xFFFFF800  }
0xa3: {  	[tilespmem:s1], [sflag:$0x7] =	stream.indirect.gather [hbm4b:s4+s18], $0x10, s29, s18, $0xb8;
	[tilespmem:$0xF800] =	vst v63  }
0xa4: {  	s14 =	sadd.s32 $0x2E80, s22  }
0xa5: {  	[tilespmem:s6], [sflag:$0x7] =	stream.indirect.gather [hbm4b:s4+s18], $0x10, s14, s18, $0xb8;
	[tilespmem:$0xF800] =	vst v63  }
0xa6: {  	_ =	swait.ge [sflag:s7], $0x800  }
0xa7: {  	[sflag:s7] =	ssyncset.done $0x0  }
0xa8: {  	[sflag:s7] =	ssyncadd.s32 $0xFFFFF800  }
0xa9: {  	_ =	swait.ge [sflag:s7], $0x800  }
0xaa: {  	[sflag:s7] =	ssyncset.done $0x0  }
0xab: {  	s26 =	sadd.s32 $0x5300, s22;
	[sflag:s7] =	ssyncadd.s32 $0xFFFFF800  }
0xac: {  	[spmem:s2] =	stream.indirect.scatter.add.f32 [tilespmem:s31], [sflag:$0xC], $0x10, s26, s18, $0xb8;
	[tilespmem:$0xF800] =	vst v63  }
0xad: {  	s24 =	simm.s32 @!p0 $0x10;
	s29 =	sadd.s32 $0x5380, s22  }
0xae: {  	[spmem:s2] =	stream.indirect.scatter.add.f32 [tilespmem:s17], [sflag:$0xC], $0x10, s29, s18, $0xb8;
	[tilespmem:$0xF800] =	vst v63  }
0xaf: {  	_ =	swait.ge @!p0 [sflag:s24], $0x800  }
0xb0: {  	[sflag:s24] =	ssyncset.done @!p0 $0x0  }
0xb1: {  	[sflag:s24] =	ssyncadd.s32 @!p0 $0xFFFFF800  }
0xb2: {  	_ =	swait.ge @!p0 [sflag:s24], $0x800  }
0xb3: {  	[sflag:s24] =	ssyncset.done @!p0 $0x0  }
0xb4: {  	s14 =	sadd.s32 $0x2F00, s22;
	[sflag:s24] =	ssyncadd.s32 @!p0 $0xFFFFF800  }
0xb5: {  	[tilespmem:s8], [sflag:$0x8] =	stream.indirect.gather [hbm4b:s4+s18], $0x10, s14, s18, $0xb8;
	[tilespmem:$0xF800] =	vst v63  }
0xb6: {  	s26 =	sadd.s32 $0x2F80, s22  }
0xb7: {  	[tilespmem:s9], [sflag:$0x8] =	stream.indirect.gather [hbm4b:s4+s18], $0x10, s26, s18, $0xb8;
	[tilespmem:$0xF800] =	vst v63  }
0xb8: {  	_ =	swait.ge [sflag:s10], $0x800  }
0xb9: {  	[sflag:s10] =	ssyncset.done $0x0  }
0xba: {  	[sflag:s10] =	ssyncadd.s32 $0xFFFFF800  }
0xbb: {  	_ =	swait.ge [sflag:s10], $0x800  }
0xbc: {  	[sflag:s10] =	ssyncset.done $0x0  }
0xbd: {  	s29 =	sadd.s32 $0x5400, s22;
	[sflag:s10] =	ssyncadd.s32 $0xFFFFF800  }
0xbe: {  	[spmem:s2] =	stream.indirect.scatter.add.f32 [tilespmem:s0], [sflag:$0xD], $0x10, s29, s18, $0xb8;
	[tilespmem:$0xF800] =	vst v63  }
0xbf: {  	s14 =	sadd.s32 $0x5480, s22  }
0xc0: {  	[spmem:s2] =	stream.indirect.scatter.add.f32 [tilespmem:s21], [sflag:$0xD], $0x10, s14, s18, $0xb8;
	[tilespmem:$0xF800] =	vst v63  }
0xc1: {  	_ =	swait.ge [sflag:s11], $0x800  }
0xc2: {  	[sflag:s11] =	ssyncset.done $0x0  }
0xc3: {  	p0 =	seq.s32 s20, $0x8000;
	[sflag:s11] =	ssyncadd.s32 $0xFFFFF800  }
0xc4: {  	s24 =	sshra.s32 @!p0 s20, $0x2;
	_ =	swait.ge [sflag:s11], $0x800  }
0xc5: {  	s26 =	sadd.s32 @!p0 $0x3000, s24;
	[sflag:s11] =	ssyncset.done $0x0  }
0xc6: {  	s29 =	simm.s32 @!p0 $0x80;
	s14 =	simm.s32 @!p0 $0x7800;
	[sflag:s11] =	ssyncadd.s32 $0xFFFFF800  }
0xc7: {  	[tilespmem:s14], [sflag:$0x1] =	stream.indirect.gather @!p0 [hbm4b:s4+s29], $0x10, s26, s29, $0xb8;
	[tilespmem:$0xF800] =	vst v63  }
0xc8: {  	s14 =	sadd.s32 @!p0 $0x3080, s24;
	s26 =	simm.s32 @!p0 $0x8000  }
0xc9: {  	[tilespmem:s26], [sflag:$0x1] =	stream.indirect.gather @!p0 [hbm4b:s4+s29], $0x10, s14, s29, $0xb8;
	[tilespmem:$0xF800] =	vst v63  }
0xca: {  	_ =	swait.ge [sflag:s16], $0x800  }
0xcb: {  	[sflag:s16] =	ssyncset.done $0x0  }
0xcc: {  	[sflag:s16] =	ssyncadd.s32 $0xFFFFF800  }
0xcd: {  	_ =	swait.ge [sflag:s16], $0x800  }
0xce: {  	[sflag:s16] =	ssyncset.done $0x0  }
0xcf: {  	s26 =	sadd.s32 $0x5500, s22;
	[sflag:s16] =	ssyncadd.s32 $0xFFFFF800  }
0xd0: {  	[spmem:s2] =	stream.indirect.scatter.add.f32 [tilespmem:s25], [sflag:$0xE], $0x10, s26, s18, $0xb8;
	[tilespmem:$0xF800] =	vst v63  }
0xd1: {  	s26 =	sadd.s32 $0x5580, s22  }
0xd2: {  	[spmem:s2] =	stream.indirect.scatter.add.f32 [tilespmem:s28], [sflag:$0xE], $0x10, s26, s18, $0xb8;
	[tilespmem:$0xF800] =	vst v63  }
0xd3: {  	_ =	swait.ge [sflag:s12], $0x800  }
0xd4: {  	[sflag:s12] =	ssyncset.done $0x0  }
0xd5: {  	[sflag:s12] =	ssyncadd.s32 $0xFFFFF800  }
0xd6: {  	_ =	swait.ge [sflag:s12], $0x800  }
0xd7: {  	[sflag:s12] =	ssyncset.done $0x0  }
0xd8: {  	s14 =	sadd.s32 @!p0 $0x3100, s24;
	s26 =	simm.s32 @!p0 $0x8800;
	[sflag:s12] =	ssyncadd.s32 $0xFFFFF800  }
0xd9: {  	[tilespmem:s26], [sflag:$0x2] =	stream.indirect.gather @!p0 [hbm4b:s4+s29], $0x10, s14, s29, $0xb8;
	[tilespmem:$0xF800] =	vst v63  }
0xda: {  	s14 =	sadd.s32 @!p0 $0x3180, s24;
	s26 =	simm.s32 @!p0 $0x9000  }
0xdb: {  	[tilespmem:s26], [sflag:$0x2] =	stream.indirect.gather @!p0 [hbm4b:s4+s29], $0x10, s14, s29, $0xb8;
	[tilespmem:$0xF800] =	vst v63  }
0xdc: {  	_ =	swait.ge [sflag:s13], $0x800  }
0xdd: {  	[sflag:s13] =	ssyncset.done $0x0  }
0xde: {  	[sflag:s13] =	ssyncadd.s32 $0xFFFFF800  }
0xdf: {  	_ =	swait.ge [sflag:s13], $0x800  }
0xe0: {  	[sflag:s13] =	ssyncset.done $0x0  }
0xe1: {  	s26 =	sadd.s32 $0x5600, s22;
	[sflag:s13] =	ssyncadd.s32 $0xFFFFF800  }
0xe2: {  	[spmem:s2] =	stream.indirect.scatter.add.f32 [tilespmem:s1], [sflag:$0xF], $0x10, s26, s18, $0xb8;
	[tilespmem:$0xF800] =	vst v63  }
0xe3: {  	s26 =	sadd.s32 $0x5680, s22  }
0xe4: {  	[spmem:s2] =	stream.indirect.scatter.add.f32 [tilespmem:s6], [sflag:$0xF], $0x10, s26, s18, $0xb8;
	[tilespmem:$0xF800] =	vst v63  }
0xe5: {  	_ =	swait.ge [sflag:s5], $0x800  }
0xe6: {  	[sflag:s5] =	ssyncset.done $0x0  }
0xe7: {  	[sflag:s5] =	ssyncadd.s32 $0xFFFFF800  }
0xe8: {  	_ =	swait.ge [sflag:s5], $0x800  }
0xe9: {  	[sflag:s5] =	ssyncset.done $0x0  }
0xea: {  	s14 =	sadd.s32 @!p0 $0x3200, s24;
	s26 =	simm.s32 @!p0 $0x9800;
	[sflag:s5] =	ssyncadd.s32 $0xFFFFF800  }
0xeb: {  	[tilespmem:s26], [sflag:$0x3] =	stream.indirect.gather @!p0 [hbm4b:s4+s29], $0x10, s14, s29, $0xb8;
	[tilespmem:$0xF800] =	vst v63  }
0xec: {  	s14 =	sadd.s32 @!p0 $0x3280, s24;
	s24 =	simm.s32 @!p0 $0xA000  }
0xed: {  	[tilespmem:s24], [sflag:$0x3] =	stream.indirect.gather @!p0 [hbm4b:s4+s29], $0x10, s14, s29, $0xb8;
	[tilespmem:$0xF800] =	vst v63  }
0xee: {  	_ =	swait.ge [sflag:s3], $0x800  }
0xef: {  	[sflag:s3] =	ssyncset.done $0x0  }
0xf0: {  	[sflag:s3] =	ssyncadd.s32 $0xFFFFF800  }
0xf1: {  	_ =	swait.ge [sflag:s3], $0x800  }
0xf2: {  	[sflag:s3] =	ssyncset.done $0x0  }
0xf3: {  	s26 =	sadd.s32 $0x5700, s22;
	[sflag:s3] =	ssyncadd.s32 $0xFFFFF800  }
0xf4: {  	[spmem:s2] =	stream.indirect.scatter.add.f32 [tilespmem:s8], [sflag:$0x10], $0x10, s26, s18, $0xb8;
	[tilespmem:$0xF800] =	vst v63  }
0xf5: {  	s29 =	sadd.s32 $0x5780, s22  }
0xf6: {  	[spmem:s2] =	stream.indirect.scatter.add.f32 [tilespmem:s9], [sflag:$0x10], $0x10, s29, s18, $0xb8;
	[tilespmem:$0xF800] =	vst v63  }
0xf7: {  	_ =	swait.ge [sflag:s15], $0x800  }
.Ltmp3:
0xf8: {  	[sflag:s15] =	ssyncset.done $0x0;
	(pc) =	sbr.rel @p0 .LBB2_6-.Ltmp3, $4  }
0xf9: {  	[sflag:s15] =	ssyncadd.s32 $0xFFFFF800  }
0xfa: {  	_ =	swait.ge [sflag:s15], $0x800  }
0xfb: {  	[sflag:s15] =	ssyncset.done $0x0  }
0xfc: {  	[sflag:s15] =	ssyncadd.s32 $0xFFFFF800  }
.Ltmp4:
0xfd: {  	(pc) =	sbr.rel .LBB2_4-.Ltmp4, $4  }
0xfe: {  	s14 =	sadd.s32 $0x3300, s22  }
0xff: {  	[tilespmem:s31], [sflag:$0x4] =	stream.indirect.gather [hbm4b:s4+s18], $0x10, s14, s18, $0xb8;
	[tilespmem:$0xF800] =	vst v63  }
0x100: {  	s29 =	sadd.s32 $0x3380, s22;
	s20 =	sadd.s32 $0x2000, s20  }
0x101: {  	[tilespmem:s17], [sflag:$0x4] =	stream.indirect.gather [hbm4b:s4+s18], $0x10, s29, s18, $0xb8;
	[tilespmem:$0xF800] =	vst v63  }
.LBB2_7:
0x102: {  	_ =	sfence.sel $0x180000  }
0x103: {  	[bflag:$0x0] =	sbarrier.arrive $0xFFFF  }
0x104: {  	_ =	strace $0x9000004A  }
0x105: {  	s0 =	stileid.u32;
	[bflag:$0x2] =	sbarrier.arrive $0xFFFF  }
0x106: {  	p0 =	sne.s32 s0, $0x0;
	s0 =	rddreg [dreg:$0x3]  }
0x107: {  	s0 =	sadd.s32 @!p0 $0x100000, s0  }
0x108: {  	[sflag:s0] =	ssyncadd.tile.s32 @!p0 $0x1;
	_ =	shalt  }
.Lfunc_end2:
_tile_overlayer_lowered:
.L_overlay_start_2:
0x109: {  	(tag) =	ssettag $0x2  }
0x10a: {  	s0 =	rddreg [dreg:$0x0];
	s2 =	stileid.u32  }
0x10b: {  	s1 =	rddreg [dreg:$0x1];
	p0 =	sne.s32 s2, $0x0  }
0x10c: {  	s3 =	rddreg [dreg:$0x2];
	[bflag:$0x3] =	sbarrier.arrive $0xFFFF;
	s2 =	simm.s32 @!p0 $0x1C11  }
0x10d: {  	[timem:s3], [sflag:s2] =	dma.local @!p0 [hbm:s0], s1  }
0x10e: {  	s0 =	simm.s32 @!p0 $0x11  }
0x10f: {  	_ =	swait.ge @!p0 [sflag:s0], s1  }
0x110: {  	s1 =	ssub.s32 @!p0 $0x0, s1;
	[sflag:s0] =	ssyncset.done @!p0 $0x0  }
0x111: {  	[sflag:s0] =	ssyncadd.s32 @!p0 s1  }
0x112: {  	[bflag:$0x3] =	sbarrier.arrive $0xFFFF  }
0x113: {  	_ =	shalt  }

// kernel: kernel.14.cloned.1.call-start
scs
__scs_entry_jumppad:
0x0: {  	(pc) =	sbr.rel $0x88, $3  }
0x1: {  	(tag) =	ssettag $0x0;
	lr =	simm.s32 $0x1  }
0x2: {  	[smem:$0x3F9B] =	sst lr;
	_ =	strace $0xD0000000  }
0x3: {  	_ = 	snop  }
0x4: {  	_ = 	snop  }
0x5: {  	_ = 	snop  }
0x6: {  	_ = 	snop  }
0x7: {  	_ = 	snop  }
__scs_overlays_trampoline_lowered:
0x8: {  	[smem:$0x3FAA] =	sst s0  }
0x9: {  	[smem:$0x3FAB] =	sst s1  }
0xa: {  	[smem:$0x3FAC] =	sst s2  }
0xb: {  	[smem:$0x3FAD] =	sst s3  }
0xc: {  	[smem:$0x3FAE] =	sst s4  }
0xd: {  	[smem:$0x3FAF] =	sst s5  }
0xe: {  	[smem:$0x3FB0] =	sst s6  }
0xf: {  	[smem:$0x3FB1] =	sst s7  }
0x10: {  	[smem:$0x3FB2] =	sst s8  }
0x11: {  	[smem:$0x3FB3] =	sst s9;
	s0 =	simm.s32 @!p0 $0x0  }
0x12: {  	s1 =	sld [smem:$0x3F99];
	s0 =	simm.s32 @p0 $0x1  }
0x13: {  	[smem:$0x3FB4] =	sst s0;
	s0 =	simm.s32 @!p1 $0x0  }
0x14: {  	s2 =	sld [smem:$0x3F98];
	s0 =	simm.s32 @p1 $0x1  }
0x15: {  	[smem:$0x3FB5] =	sst s0;
	s0 =	simm.s32 @!p2 $0x0  }
0x16: {  	s3 =	sld [smem:$0x3FDB];
	s0 =	simm.s32 @p2 $0x1  }
0x17: {  	s4 =	simm.s32 $0x1BF5;
	[smem:$0x3FB7] =	sst s0  }
0x18: {  	s0 =	sld [smem:$0x3F9A];
	_ =	swait.ge [sflag:s4], $0x0  }
0x19: {  	s7 =	sld [smem:$0x3F9B]  }
0x1a: {  	s8 =	sadd.s32 $0xFFFFE003, lr  }
0x1b: {  	s9 =	sadd.s32 $0xFFFFFEF7, lr;
	s5 =	simm.s32 $0xFFFFFFFF;
	p2 =	slt.u32 s8, $0xFFFFF086  }
0x1c: {  	p1 =	slt.u32 s9, $0xF7A;
	s5 =	simm.s32 @!p2 $0x0  }
0x1d: {  	s5 =	simm.s32 @p1 $0x1;
	p0 =	seq.s32 s7, s2  }
0x1e: {  	s7 =	smul.u32 @!p0 $0xF7A, s2;
	p2 =	seq.s32 @!p0 s5, $0x0  }
0x1f: {  	s9 =	smul.u32 $0xF7A, s1;
	s8 =	simm.s32 @!p0 $0x1BF5;
	p2 =	por !p2, p0  }
0x20: {  	[sflag:s8] =	ssyncset.s32 @!p0 $0xFFFFF086;
	s6 =	sadd.s32 @!p0 s3, s7;
	s7 =	simm.s32 @!p0 $0x108  }
0x21: {  	s3 =	sadd.s32 s3, s9;
	s6 =	sadd.s32 @!p0 $0x88, s6;
	s7 =	simm.s32 @p2 $0x1082  }
0x22: {  	[simem:s7], [sflag:s8] =	dma.local @!p0 [hbm:s6], $0xF7A  }
0x23: {  	s9 =	sor.u32 $0xD0000000, s2;
	s6 =	simm.s32 $0x108;
	_ =	swait.ge @!p0 [sflag:s8], $0x0  }
0x24: {  	s3 =	sadd.s32 $0x88, s3;
	s6 =	simm.s32 @!p1 $0x1082;
	[sflag:s4] =	ssyncset.s32 $0xFFFFF086  }
0x25: {  	[simem:s6], [sflag:s4] =	dma.local [hbm:s3], $0xF7A  }
0x26: {  	[smem:$0x3F9B] =	sst s1;
	(tag) =	ssettag s2;
	_ =	strace s9  }
0x27: {  	s1 =	sld [smem:$0x3FAB]  }
0x28: {  	s2 =	sld [smem:$0x3FAC]  }
0x29: {  	s4 =	sld [smem:$0x3FAE]  }
0x2a: {  	p0 =	seq.s32 s5, $0x0;
	s5 =	sld [smem:$0x3FAF]  }
0x2b: {  	s6 =	sld [smem:$0x3FB0]  }
0x2c: {  	s7 =	sld [smem:$0x3FB1]  }
0x2d: {  	s3 =	simm.s32 $0x108;
	s8 =	sld [smem:$0x3FB2]  }
0x2e: {  	s3 =	simm.s32 @!p0 $0x1082;
	s9 =	sld [smem:$0x3FB3]  }
0x2f: {  	lr =	sadd.s32 s0, s3;
	s0 =	sld [smem:$0x3FAA]  }
0x30: {  	s3 =	sld [smem:$0x3FAD]  }
0x31: {  	[smem:$0x3FB6] =	sst s10  }
0x32: {  	s10 =	sld [smem:$0x3FB4];
	_ =	sdelay $0x3  }
0x33: {  	p0 =	seq.s32 s10, $0x1;
	s10 =	sld [smem:$0x3FB6];
	_ =	sdelay $0x3  }
0x34: {  	[smem:$0x3FB6] =	sst s10  }
0x35: {  	s10 =	sld [smem:$0x3FB5];
	_ =	sdelay $0x3  }
0x36: {  	p1 =	seq.s32 s10, $0x1;
	s10 =	sld [smem:$0x3FB6];
	_ =	sdelay $0x3  }
0x37: {  	[smem:$0x3FB6] =	sst s10  }
0x38: {  	s10 =	sld [smem:$0x3FB7]  }
0x39: {  	_ = 	snop;
	(pc) =	sbr.ind lr, $3  }
0x3a: {  	_ = 	snop  }
0x3b: {  	_ = 	snop  }
0x3c: {  	p2 =	seq.s32 s10, $0x1;
	s10 =	sld [smem:$0x3FB6]  }
0x3d: {  	_ =	shalt  }
0x3e: {  	_ =	shalt  }
0x3f: {  	_ =	shalt  }
0x40: {  	_ =	shalt  }
0x41: {  	_ =	shalt  }
0x42: {  	_ =	shalt  }
0x43: {  	_ =	shalt  }
0x44: {  	_ =	shalt  }
0x45: {  	_ =	shalt  }
0x46: {  	_ =	shalt  }
0x47: {  	_ =	shalt  }
0x48: {  	_ =	shalt  }
0x49: {  	_ =	shalt  }
0x4a: {  	_ =	shalt  }
0x4b: {  	_ =	shalt  }
0x4c: {  	_ =	shalt  }
0x4d: {  	_ =	shalt  }
0x4e: {  	_ =	shalt  }
0x4f: {  	_ =	shalt  }
0x50: {  	_ =	shalt  }
0x51: {  	_ =	shalt  }
0x52: {  	_ =	shalt  }
0x53: {  	_ =	shalt  }
0x54: {  	_ =	shalt  }
0x55: {  	_ =	shalt  }
0x56: {  	_ =	shalt  }
0x57: {  	_ =	shalt  }
0x58: {  	_ =	shalt  }
0x59: {  	_ =	shalt  }
0x5a: {  	_ =	shalt  }
0x5b: {  	_ =	shalt  }
0x5c: {  	_ =	shalt  }
0x5d: {  	_ =	shalt  }
0x5e: {  	_ =	shalt  }
0x5f: {  	_ =	shalt  }
0x60: {  	_ =	shalt  }
0x61: {  	_ =	shalt  }
0x62: {  	_ =	shalt  }
0x63: {  	_ =	shalt  }
0x64: {  	_ =	shalt  }
0x65: {  	_ =	shalt  }
0x66: {  	_ =	shalt  }
0x67: {  	_ =	shalt  }
0x68: {  	_ =	shalt  }
0x69: {  	_ =	shalt  }
0x6a: {  	_ =	shalt  }
0x6b: {  	_ =	shalt  }
0x6c: {  	_ =	shalt  }
0x6d: {  	_ =	shalt  }
0x6e: {  	_ =	shalt  }
0x6f: {  	_ =	shalt  }
0x70: {  	_ =	shalt  }
0x71: {  	_ =	shalt  }
0x72: {  	_ =	shalt  }
0x73: {  	_ =	shalt  }
0x74: {  	_ =	shalt  }
0x75: {  	_ =	shalt  }
0x76: {  	_ =	shalt  }
0x77: {  	_ =	shalt  }
0x78: {  	_ =	shalt  }
0x79: {  	_ =	shalt  }
0x7a: {  	_ =	shalt  }
0x7b: {  	_ =	shalt  }
0x7c: {  	_ =	shalt  }
0x7d: {  	_ =	shalt  }
0x7e: {  	_ =	shalt  }
0x7f: {  	_ =	shalt  }
0x80: {  	_ =	shalt  }
0x81: {  	_ =	shalt  }
0x82: {  	_ =	shalt  }
0x83: {  	_ =	shalt  }
0x84: {  	_ =	shalt  }
0x85: {  	_ =	shalt  }
0x86: {  	_ =	shalt  }
0x87: {  	_ =	shalt  }
.Lfunc_end0:
.L_simem_size_0:
called_computation.2_lowered:
.L_overlay_start_0:
0x88: {  	s2 =	sld [smem:$0x3FD9]  }
0x89: {  	s3 =	sld [smem:$0x3FFE];
	_ =	sdelay $0x1  }
0x8a: {  	s1 =	srdreg.scid  }
0x8b: {  	s0 =	sand.u32 $0x1, s1  }
0x8c: {  	s16 =	sshll.u32 s0, $0xA;
	s2 =	sadd.s32 s3, s2  }
0x8d: {  	s2 =	sadd.s32 s2, s16  }
0x8e: {  	[smem:$0x3FC2] =	sst s2  }
0x8f: {  	_ = 	snop  }
0x90: {  	(tm) =	ssettm $0x1  }
0x91: {  	s17 =	sld [smem:$0x3FFB];
	_ =	sdelay $0x3  }
0x92: {  	_ =	strace s17  }
0x93: {  	s2 =	sld [smem:$0x3FFC];
	_ =	sdelay $0x3  }
0x94: {  	_ =	strace s2  }
0x95: {  	s2 =	sld [smem:$0x3FFD];
	_ =	sdelay $0x3  }
0x96: {  	_ =	strace s2  }
0x97: {  	_ =	strace $0x8FFFFFFF  }
0x98: {  	s18 =	sld [smem:$0x3FDB];
	_ =	sdelay $0x1  }
0x99: {  	s19 =	simm.s32 $_scs_section_size  }
0x9a: {  	s4 =	simm.s32 $_size__tile_overlayer_lowered;
	s5 =	simm.s32 $_tile_overlayer_lowered  }
0x9b: {  	s22 =	simm.s32 $0x1BFF;
	s21 =	sshll.u32 s5, $0x1;
	s2 =	sadd.s32 s19, s18  }
0x9c: {  	s6 =	simm.s32 $0x0;
	s20 =	sshll.u32 s4, $0x1;
	s4 =	sadd.s32 s21, s2  }
0x9d: {  	[timem:s6], [sflag:s22] =	dma.local [hbm:s4], s20  }
0x9e: {  	_ =	swait.ge [sflag:s22], s20  }
0x9f: {  	s3 =	ssub.s32 $0x0, s20;
	[sflag:s22] =	ssyncset.done $0x0  }
0xa0: {  	[sflag:s22] =	ssyncadd.s32 s3;
	_ =	sdelay $0x1  }
0xa1: {  	s23 =	simm.s32 $0x1B8B  }
0xa2: {  	_ =	swait.ge [sflag:s23], $0x1  }
0xa3: {  	[sflag:s23] =	ssyncset.done $0x0  }
0xa4: {  	s25 =	simm.s32 $0x1B8E;
	s24 =	sld [smem:$0x3FFE];
	[sflag:s23] =	ssyncadd.s32 $0xFFFFFFFF  }
0xa5: {  	s26 =	simm.s32 $execute0_lowered;
	[smem:$0x3FD2] =	sst s25  }
0xa6: {  	s4 =	sshll.u32 s26, $0x1;
	_ =	strace $0x8000004C;
	[dreg:$0x1] =	wrdreg $0xFFFFFFFF  }
0xa7: {  	s28 =	simm.s32 $_size_execute0_lowered;
	s2 =	sadd.s32 s2, s4;
	[dreg:$0x0] =	wrdreg $0x0  }
0xa8: {  	s4 =	sshll.u32 s28, $0x1;
	[dreg:$0x2] =	wrdreg s2  }
0xa9: {  	[dreg:$0x3] =	wrdreg s4  }
0xaa: {  	[dreg:$0x4] =	wrdreg $0xC0  }
0xab: {  	_ =	task [dreg:s6], $0x5FFFF  }
0xac: {  	[dreg:$0x1] =	wrdreg $0xFFFFFFFF  }
0xad: {  	[dreg:$0x0] =	wrdreg $0x60  }
0xae: {  	[dreg:$0x2] =	wrdreg s24  }
0xaf: {  	[dreg:$0x3] =	wrdreg $0x0  }
0xb0: {  	[dreg:$0x4] =	wrdreg $0x9  }
0xb1: {  	_ =	task.clear_ibuf [dreg:s6], $0x5FFFF;
	_ =	strace $0x9000004C  }
0xb2: {  	s29 =	simm.s32 $0x9;
	_ =	strace $0x8000004E  }
0xb3: {  	_ =	swait.ge [sflag:s29], $0x1  }
0xb4: {  	[sflag:s29] =	ssyncadd.s32 $0xFFFFFFFF  }
0xb5: {  	_ =	strace $0x9000004E  }
0xb6: {  	_ =	sfence  }
0xb7: {  	s30 =	sld [smem:$0x0];
	_ =	sdelay $0x2  }
0xb8: {  	s31 =	sshll.u32 s1, $0xD;
	s1 =	sshrl.u32 s1, $0x2  }
0xb9: {  	s3 =	sand.u32 $0x4000, s31;
	s1 =	sadd.s32 s1, s30  }
0xba: {  	s0 =	sor.u32 s3, s0;
	s1 =	sshll.u32 s1, $0x11  }
0xbb: {  	s0 =	sor.u32 s1, s0  }
0xbc: {  	s0 =	sadd.s32 $0x8F2B, s0  }
0xbd: {  	[sflag:s0] =	ssyncadd.remote.s32 $0x1  }
0xbe: {  	_ =	sfence.sel $0xFFFF  }
0xbf: {  	[dreg:$0x0] =	wrdreg $0xFFFFFFFF;
	(pc) =	sbr.abs _section_cstart, $3  }
0xc0: {  	[dreg:$0x1] =	wrdreg $0xFFFFFFFF  }
0xc1: {  	_ =	task.clear_ibuf [dreg:s6], $0x2FFFF;
	_ =	strace $0x9FFFFFFF  }
0xc2: {  	(tm) =	ssettm $0x7FFFFFFF  }
0xc3: {  	_ =	shalt  }
tec
execute0_lowered:
.L_overlay_start_1:
0x0: {  	(tag) =	ssettag $0x1  }
0x1: {  	s0 =	srdreg.scid;
	s5 =	rddreg [dreg:$0x0]  }
0x2: {  	s4 =	stileid.u32;
	s2 =	rddreg [dreg:$0x1]  }
0x3: {  	s3 =	simm.s32 $0x0;
	s14 =	simm.s32 $0xF000;
	s15 =	simm.s32 $0x11  }
0x4: {  	s18 =	simm.s32 $0x80;
	s28 =	simm.s32 $0x2;
	s29 =	simm.s32 $0x19000  }
0x5: {  	s30 =	simm.s32 $0x3;
	s31 =	simm.s32 $0x1B000;
	s17 =	simm.s32 $0x5  }
0x6: {  	s19 =	simm.s32 $0x9;
	s11 =	simm.s32 $0x10;
	s6 =	smul.u32 $0xA000, s4  }
0x7: {  	s0 =	sand.u32 $0x1, s0;
	[smem:$0x7FF] =	sst s3;
	s8 =	smul.u32 $0x28000, s4  }
0x8: {  	s1 =	sshll.u32 s0, $0x4;
	s7 =	smul.u32 $0xA0000, s0;
	_ =	strace $0x8000004D  }
0x9: {  	s0 =	ssub.s32 $0x2, s0;
	s1 =	sor.u32 s4, s1;
	s8 =	sshrl.u32 s8, $0x2  }
0xa: {  	s4 =	sadd.s32 $0x15C00, s5;
	s20 =	sshrl.u32 s0, $0x1;
	s8 =	sadd.s32 s8, s2  }
0xb: {  	s1 =	smul.u32 $0x2800, s1;
	s7 =	sadd.s32 s6, s7;
	s21 =	sadd.s32 $0x2000, s8  }
0xc: {  	s0 =	ssub.s32 s0, s20;
	s22 =	sadd.s32 $0x4000, s8;
	[dreg:$0x3] =	wrdreg s21  }
0xd: {  	s20 =	simm.s32 $0x11000;
	s23 =	sadd.s32 $0x6000, s8;
	[dreg:$0x4] =	wrdreg s22  }
0xe: {  	s7 =	sshrl.u32 s7, $0x3;
	s24 =	sadd.s32 $0x8000, s8;
	[dreg:$0x5] =	wrdreg s23  }
0xf: {  	s0 =	smax.u32 s0, $0x1;
	s1 =	sshrl.u32 s1, $0x3;
	[dreg:$0x6] =	wrdreg s24  }
0x10: {  	s7 =	sadd.s32 s7, s5;
	[dreg:$0xa] =	wrdreg s0;
	s22 =	simm.s32 $0x13000  }
0x11: {  	s24 =	simm.s32 $0x15000;
	s0 =	simm.s32 $0x1D000;
	s21 =	simm.s32 $0x7  }
.Ltmp0:
0x12: {  	s23 =	simm.s32 $0xB;
	s1 =	sadd.s32 s1, s5;
	(pc) =	sbr.rel .LBB2_1-.Ltmp0, $4  }
0x13: {  	s5 =	sadd.s32 s6, s2;
	s26 =	sadd.s32 $0x29C00, s7;
	s6 =	simm.s32 $0x8  }
0x14: {  	s7 =	simm.s32 $0xC;
	s25 =	sadd.s32 $0x1C00, s1;
	[dreg:$0x9] =	wrdreg s26  }
0x15: {  	s1 =	sadd.s32 $0xBC00, s1;
	s26 =	simm.s32 $0x17000;
	[dreg:$0x7] =	wrdreg s25  }
0x16: {  	v0 =	vimm.f32 $0.0e+00;
	[dreg:$0x8] =	wrdreg s1;
	s25 =	simm.s32 $0x1;
	s1 =	simm.s32 $0x4  }
.LBB2_6:
0x17: {  	_ =	swait.ge [sflag:s6], $0x2000  }
0x18: {  	[sflag:s6] =	ssyncset.done $0x0  }
0x19: {  	[sflag:s6] =	ssyncadd.s32 $0xFFFFE000  }
0x1a: {  	[spmem:s2] =	stream.indirect.scatter.add.f32 [tilespmem:s0], [sflag:$0x10], $0x40, s13, s18, $0xb8;
	[tilespmem:$0x1F000] =	vst v63  }
0x1b: {  	_ =	swait.ge [sflag:s7], $0x2000  }
0x1c: {  	[sflag:s7] =	ssyncset.done $0x0  }
0x1d: {  	s8 =	simm.s32 $0xD;
	[sflag:s7] =	ssyncadd.s32 $0xFFFFE000  }
0x1e: {  	_ =	swait.ge [sflag:s8], $0x2000  }
0x1f: {  	[sflag:s8] =	ssyncset.done $0x0  }
0x20: {  	s10 =	simm.s32 $0xE;
	[sflag:s8] =	ssyncadd.s32 $0xFFFFE000  }
0x21: {  	_ =	swait.ge [sflag:s10], $0x2000  }
0x22: {  	[sflag:s10] =	ssyncset.done $0x0  }
0x23: {  	s12 =	simm.s32 $0xF;
	[sflag:s10] =	ssyncadd.s32 $0xFFFFE000  }
0x24: {  	_ =	swait.ge [sflag:s12], $0x2000  }
0x25: {  	[sflag:s12] =	ssyncset.done $0x0  }
0x26: {  	[sflag:s12] =	ssyncadd.s32 $0xFFFFE000  }
0x27: {  	_ =	swait.ge [sflag:s11], $0x2000  }
0x28: {  	[sflag:s11] =	ssyncset.done $0x0  }
0x29: {  	s13 =	stileid.u32;
	[sflag:s11] =	ssyncadd.s32 $0xFFFFE000  }
0x2a: {  	s8 =	sshll.u32 s13, $0x6;
	[bflag:$0x0] =	sbarrier.arrive $0xFFFF  }
0x2b: {  	s9 =	sshrl.u32 s5, $0x3;
	s8 =	sor.u32 $0x1C11, s8;
	s10 =	rddreg [dreg:$0x9]  }
0x2c: {  	[hbm:s10], [sflag:s8] =	dma.local [spmem:s9], $0x1400  }
0x2d: {  	_ =	swait.ge [sflag:s15], $0x1400  }
0x2e: {  	s3 =	sadd.s32 $0x1, s3;
	s16 =	rddreg [dreg:$0xa]  }
0x2f: {  	p0 =	sne.s32 s3, s16  }
.Ltmp1:
0x30: {  	_ = 	snop;
	(pc) =	sbr.rel @!p0 .LBB2_7-.Ltmp1, $3  }
0x31: {  	_ =	sdelay $0x1  }
0x32: {  	[sflag:s15] =	ssyncset.done $0x0  }
0x33: {  	[sflag:s15] =	ssyncadd.s32 $0xFFFFEC00  }
.LBB2_1:
0x34: {  	s16 =	simm.s32 $0x100;
	s12 =	simm.s32 $0x0  }
.LBB2_2:
0x35: {  	p0 =	sne.s32 s16, $0x7F00;
	[tilespmem:s12+$0xF030] =	vst v0;
	s13 =	smov.u32 s16;
	s16 =	sadd.s32 $0x100, s16  }
.Ltmp2:
0x36: {  	[tilespmem:s12+$0xF020] =	vst v0;
	(pc) =	sbr.rel @p0 .LBB2_2-.Ltmp2, $3  }
0x37: {  	[tilespmem:s12+$0xF000] =	vst v0  }
0x38: {  	[tilespmem:s12+$0xF010] =	vst v0;
	_ =	sdelay $0x1  }
0x39: {  	s12 =	sshra.s32 s13, $0x2  }
0x3a: {  	[tilespmem:s12+$0xF030] =	vst v0  }
0x3b: {  	[tilespmem:s12+$0xF020] =	vst v0  }
0x3c: {  	[tilespmem:s12+$0xF000] =	vst v0  }
0x3d: {  	[tilespmem:s12+$0xF010] =	vst v0  }
0x3e: {  	[spmem:s5] =	stream.linear.scatter [tilespmem:s14], [sflag:$0x11], $0x2000, $0x38;
	[tilespmem:$0x1F000] =	vst v63  }
0x3f: {  	_ =	swait.ge [sflag:s15], $0x2000  }
0x40: {  	[sflag:s15] =	ssyncset.done $0x0  }
0x41: {  	s8 =	rddreg [dreg:$0x3];
	[sflag:s15] =	ssyncadd.s32 $0xFFFFE000  }
0x42: {  	[spmem:s8] =	stream.linear.scatter [tilespmem:s14], [sflag:$0x11], $0x2000, $0x38;
	[tilespmem:$0x1F000] =	vst v63  }
0x43: {  	_ =	swait.ge [sflag:s15], $0x2000  }
0x44: {  	[sflag:s15] =	ssyncset.done $0x0  }
0x45: {  	s9 =	rddreg [dreg:$0x4];
	[sflag:s15] =	ssyncadd.s32 $0xFFFFE000  }
0x46: {  	[spmem:s9] =	stream.linear.scatter [tilespmem:s14], [sflag:$0x11], $0x2000, $0x38;
	[tilespmem:$0x1F000] =	vst v63  }
0x47: {  	_ =	swait.ge [sflag:s15], $0x2000  }
0x48: {  	[sflag:s15] =	ssyncset.done $0x0  }
0x49: {  	s10 =	rddreg [dreg:$0x5];
	[sflag:s15] =	ssyncadd.s32 $0xFFFFE000  }
0x4a: {  	[spmem:s10] =	stream.linear.scatter [tilespmem:s14], [sflag:$0x11], $0x2000, $0x38;
	[tilespmem:$0x1F000] =	vst v63  }
0x4b: {  	_ =	swait.ge [sflag:s15], $0x2000  }
0x4c: {  	[sflag:s15] =	ssyncset.done $0x0  }
0x4d: {  	s12 =	rddreg [dreg:$0x6];
	[sflag:s15] =	ssyncadd.s32 $0xFFFFE000  }
0x4e: {  	[spmem:s12] =	stream.linear.scatter [tilespmem:s14], [sflag:$0x11], $0x2000, $0x38;
	[tilespmem:$0x1F000] =	vst v63  }
0x4f: {  	_ =	swait.ge [sflag:s15], $0x2000  }
0x50: {  	s9 =	simm.s32 $0xA000;
	[sflag:s15] =	ssyncset.done $0x0  }
0x51: {  	s12 =	simm.s32 $0x0;
	s13 =	rddreg [dreg:$0x7];
	[sflag:s15] =	ssyncadd.s32 $0xFFFFE000  }
0x52: {  	[tilespmem:s9], [sflag:$0x11] =	stream.linear.gather [hbm4b:s13+s12], $0x2800, $0x38;
	[tilespmem:$0x1F000] =	vst v63  }
0x53: {  	_ =	swait.ge [sflag:s15], $0x2800  }
0x54: {  	[sflag:s15] =	ssyncset.done $0x0  }
0x55: {  	s10 =	simm.s32 $0xC800;
	s16 =	rddreg [dreg:$0x8];
	[sflag:s15] =	ssyncadd.s32 $0xFFFFD800  }
0x56: {  	[tilespmem:s10], [sflag:$0x11] =	stream.linear.gather [hbm4b:s16+s12], $0x2800, $0x38;
	[tilespmem:$0x1F000] =	vst v63  }
0x57: {  	_ =	swait.ge [sflag:s15], $0x2800  }
0x58: {  	[sflag:s15] =	ssyncset.done $0x0  }
0x59: {  	[sflag:s15] =	ssyncadd.s32 $0xFFFFD800  }
0x5a: {  	[bflag:$0x0] =	sbarrier.arrive $0xFFFF  }
0x5b: {  	[tilespmem:s14], [sflag:$0x1] =	stream.indirect.gather [hbm4b:s4+s18], $0x40, s9, s18, $0xb8;
	[tilespmem:$0x1F000] =	vst v63  }
0x5c: {  	s10 =	simm.s32 $0xA080  }
0x5d: {  	[tilespmem:s20], [sflag:$0x2] =	stream.indirect.gather [hbm4b:s4+s18], $0x40, s10, s18, $0xb8;
	[tilespmem:$0x1F000] =	vst v63  }
0x5e: {  	s13 =	simm.s32 $0xA100  }
0x5f: {  	[tilespmem:s22], [sflag:$0x3] =	stream.indirect.gather [hbm4b:s4+s18], $0x40, s13, s18, $0xb8;
	[tilespmem:$0x1F000] =	vst v63  }
0x60: {  	s16 =	simm.s32 $0xA180  }
0x61: {  	[tilespmem:s24], [sflag:$0x4] =	stream.indirect.gather [hbm4b:s4+s18], $0x40, s16, s18, $0xb8;
	[tilespmem:$0x1F000] =	vst v63  }
.LBB2_4:
0x62: {  	_ =	swait.ge [sflag:s25], $0x2000  }
0x63: {  	s16 =	sshra.s32 s12, $0x2;
	[sflag:s25] =	ssyncset.done $0x0  }
0x64: {  	p0 =	seq.s32 s12, $0x0;
	s13 =	sadd.s32 $0xC800, s16;
	[sflag:s25] =	ssyncadd.s32 $0xFFFFE000  }
0x65: {  	[spmem:s2] =	stream.indirect.scatter.add.f32 [tilespmem:s14], [sflag:$0x9], $0x40, s13, s18, $0xb8;
	[tilespmem:$0x1F000] =	vst v63  }
0x66: {  	s13 =	simm.s32 @!p0 $0xD  }
0x67: {  	_ =	swait.ge @!p0 [sflag:s13], $0x2000  }
0x68: {  	[sflag:s13] =	ssyncset.done @!p0 $0x0  }
0x69: {  	s9 =	sadd.s32 $0xA200, s16;
	[sflag:s13] =	ssyncadd.s32 @!p0 $0xFFFFE000  }
0x6a: {  	[tilespmem:s26], [sflag:$0x5] =	stream.indirect.gather [hbm4b:s4+s18], $0x40, s9, s18, $0xb8;
	[tilespmem:$0x1F000] =	vst v63  }
0x6b: {  	_ =	swait.ge [sflag:s28], $0x2000  }
0x6c: {  	[sflag:s28] =	ssyncset.done $0x0  }
0x6d: {  	s10 =	sadd.s32 $0xC880, s16;
	s13 =	simm.s32 @!p0 $0xE;
	[sflag:s28] =	ssyncadd.s32 $0xFFFFE000  }
0x6e: {  	[spmem:s2] =	stream.indirect.scatter.add.f32 [tilespmem:s20], [sflag:$0xA], $0x40, s10, s18, $0xb8;
	[tilespmem:$0x1F000] =	vst v63  }
0x6f: {  	_ =	swait.ge @!p0 [sflag:s13], $0x2000  }
0x70: {  	[sflag:s13] =	ssyncset.done @!p0 $0x0  }
0x71: {  	s8 =	sadd.s32 $0xA280, s16;
	[sflag:s13] =	ssyncadd.s32 @!p0 $0xFFFFE000  }
0x72: {  	[tilespmem:s29], [sflag:$0x6] =	stream.indirect.gather [hbm4b:s4+s18], $0x40, s8, s18, $0xb8;
	[tilespmem:$0x1F000] =	vst v63  }
0x73: {  	_ =	swait.ge [sflag:s30], $0x2000  }
0x74: {  	[sflag:s30] =	ssyncset.done $0x0  }
0x75: {  	s9 =	sadd.s32 $0xC900, s16;
	s13 =	simm.s32 @!p0 $0xF;
	[sflag:s30] =	ssyncadd.s32 $0xFFFFE000  }
0x76: {  	[spmem:s2] =	stream.indirect.scatter.add.f32 [tilespmem:s22], [sflag:$0xB], $0x40, s9, s18, $0xb8;
	[tilespmem:$0x1F000] =	vst v63  }
0x77: {  	_ =	swait.ge @!p0 [sflag:s13], $0x2000  }
0x78: {  	[sflag:s13] =	ssyncset.done @!p0 $0x0  }
0x79: {  	s10 =	sadd.s32 $0xA300, s16;
	[sflag:s13] =	ssyncadd.s32 @!p0 $0xFFFFE000  }
0x7a: {  	[tilespmem:s31], [sflag:$0x7] =	stream.indirect.gather [hbm4b:s4+s18], $0x40, s10, s18, $0xb8;
	[tilespmem:$0x1F000] =	vst v63  }
0x7b: {  	_ =	swait.ge [sflag:s1], $0x2000  }
0x7c: {  	[sflag:s1] =	ssyncset.done $0x0  }
0x7d: {  	s8 =	sadd.s32 $0xC980, s16;
	s13 =	simm.s32 @!p0 $0x10;
	[sflag:s1] =	ssyncadd.s32 $0xFFFFE000  }
0x7e: {  	[spmem:s2] =	stream.indirect.scatter.add.f32 [tilespmem:s24], [sflag:$0xC], $0x40, s8, s18, $0xb8;
	[tilespmem:$0x1F000] =	vst v63  }
0x7f: {  	_ =	swait.ge @!p0 [sflag:s13], $0x2000  }
0x80: {  	[sflag:s13] =	ssyncset.done @!p0 $0x0  }
0x81: {  	s9 =	sadd.s32 $0xA380, s16;
	[sflag:s13] =	ssyncadd.s32 @!p0 $0xFFFFE000  }
0x82: {  	[tilespmem:s0], [sflag:$0x8] =	stream.indirect.gather [hbm4b:s4+s18], $0x40, s9, s18, $0xb8;
	[tilespmem:$0x1F000] =	vst v63  }
0x83: {  	_ =	swait.ge [sflag:s17], $0x2000  }
0x84: {  	[sflag:s17] =	ssyncset.done $0x0  }
0x85: {  	s10 =	sadd.s32 $0xCA00, s16;
	[sflag:s17] =	ssyncadd.s32 $0xFFFFE000  }
0x86: {  	[spmem:s2] =	stream.indirect.scatter.add.f32 [tilespmem:s26], [sflag:$0xD], $0x40, s10, s18, $0xb8;
	[tilespmem:$0x1F000] =	vst v63  }
0x87: {  	_ =	swait.ge [sflag:s19], $0x2000  }
0x88: {  	p0 =	seq.s32 s12, $0x9000;
	[sflag:s19] =	ssyncset.done $0x0  }
0x89: {  	s13 =	simm.s32 @p0 $0x6;
	[sflag:s19] =	ssyncadd.s32 $0xFFFFE000  }
0x8a: {  	_ =	swait.ge @p0 [sflag:s13], $0x2000  }
0x8b: {  	[sflag:s13] =	ssyncset.done @p0 $0x0  }
0x8c: {  	[sflag:s13] =	ssyncadd.s32 @p0 $0xFFFFE000;
	s13 =	sshra.s32 @p0 s12, $0x2  }
0x8d: {  	s8 =	simm.s32 @p0 $0x80;
	s9 =	simm.s32 @p0 $0x19000;
	s13 =	sadd.s32 @p0 $0xCA80, s13  }
0x8e: {  	[spmem:s2] =	stream.indirect.scatter.add.f32 @p0 [tilespmem:s9], [sflag:$0xE], $0x40, s13, s8, $0xb8;
	[tilespmem:$0x1F000] =	vst v63  }
0x8f: {  	s8 =	simm.s32 @p0 $0xA  }
0x90: {  	_ =	swait.ge @p0 [sflag:s8], $0x2000  }
0x91: {  	[sflag:s8] =	ssyncset.done @p0 $0x0  }
0x92: {  	[sflag:s8] =	ssyncadd.s32 @p0 $0xFFFFE000;
	s8 =	sshra.s32 @!p0 s12, $0x2  }
0x93: {  	s10 =	simm.s32 @!p0 $0xF000;
	s13 =	simm.s32 @!p0 $0x80;
	s9 =	sadd.s32 @!p0 $0xA400, s8  }
0x94: {  	[tilespmem:s10], [sflag:$0x1] =	stream.indirect.gather @!p0 [hbm4b:s4+s13], $0x40, s9, s13, $0xb8;
	[tilespmem:$0x1F000] =	vst v63  }
0x95: {  	s9 =	simm.s32 @!p0 $0x6  }
0x96: {  	_ =	swait.ge @!p0 [sflag:s9], $0x2000  }
0x97: {  	[sflag:s9] =	ssyncset.done @!p0 $0x0  }
0x98: {  	s10 =	simm.s32 @!p0 $0x19000;
	[sflag:s9] =	ssyncadd.s32 @!p0 $0xFFFFE000;
	s9 =	sadd.s32 @!p0 $0xCA80, s8  }
0x99: {  	[spmem:s2] =	stream.indirect.scatter.add.f32 @!p0 [tilespmem:s10], [sflag:$0xE], $0x40, s9, s13, $0xb8;
	[tilespmem:$0x1F000] =	vst v63  }
0x9a: {  	s9 =	simm.s32 @!p0 $0xA  }
0x9b: {  	_ =	swait.ge @!p0 [sflag:s9], $0x2000  }
0x9c: {  	[sflag:s9] =	ssyncset.done @!p0 $0x0  }
0x9d: {  	s8 =	sadd.s32 @!p0 $0xA480, s8;
	[sflag:s9] =	ssyncadd.s32 @!p0 $0xFFFFE000;
	s9 =	simm.s32 @!p0 $0x11000  }
0x9e: {  	[tilespmem:s9], [sflag:$0x2] =	stream.indirect.gather @!p0 [hbm4b:s4+s13], $0x40, s8, s13, $0xb8;
	[tilespmem:$0x1F000] =	vst v63  }
0x9f: {  	_ =	swait.ge [sflag:s21], $0x2000  }
0xa0: {  	[sflag:s21] =	ssyncset.done $0x0  }
.Ltmp3:
0xa1: {  	s13 =	sadd.s32 $0xCB00, s16;
	[sflag:s21] =	ssyncadd.s32 $0xFFFFE000;
	(pc) =	sbr.rel @p0 .LBB2_6-.Ltmp3, $4  }
0xa2: {  	[spmem:s2] =	stream.indirect.scatter.add.f32 [tilespmem:s31], [sflag:$0xF], $0x40, s13, s18, $0xb8;
	[tilespmem:$0x1F000] =	vst v63  }
0xa3: {  	_ =	swait.ge [sflag:s23], $0x2000  }
0xa4: {  	[sflag:s23] =	ssyncset.done $0x0  }
0xa5: {  	s13 =	sadd.s32 $0xCB80, s16;
	[sflag:s23] =	ssyncadd.s32 $0xFFFFE000  }
0xa6: {  	s8 =	sadd.s32 $0xA500, s16  }
0xa7: {  	[tilespmem:s22], [sflag:$0x3] =	stream.indirect.gather [hbm4b:s4+s18], $0x40, s8, s18, $0xb8;
	[tilespmem:$0x1F000] =	vst v63  }
0xa8: {  	_ =	swait.ge [sflag:s6], $0x2000  }
0xa9: {  	[sflag:s6] =	ssyncset.done $0x0  }
0xaa: {  	[sflag:s6] =	ssyncadd.s32 $0xFFFFE000  }
0xab: {  	[spmem:s2] =	stream.indirect.scatter.add.f32 [tilespmem:s0], [sflag:$0x10], $0x40, s13, s18, $0xb8;
	[tilespmem:$0x1F000] =	vst v63  }
.Ltmp4:
0xac: {  	_ = 	snop;
	(pc) =	sbr.rel .LBB2_4-.Ltmp4, $4  }
0xad: {  	_ =	swait.ge [sflag:s7], $0x2000  }
0xae: {  	[sflag:s7] =	ssyncset.done $0x0  }
0xaf: {  	s16 =	sadd.s32 $0xA580, s16;
	s12 =	sadd.s32 $0x1000, s12;
	[sflag:s7] =	ssyncadd.s32 $0xFFFFE000  }
0xb0: {  	[tilespmem:s24], [sflag:$0x4] =	stream.indirect.gather [hbm4b:s4+s18], $0x40, s16, s18, $0xb8;
	[tilespmem:$0x1F000] =	vst v63  }
.LBB2_7:
0xb1: {  	_ =	sfence.sel $0x180000  }
0xb2: {  	[bflag:$0x0] =	sbarrier.arrive $0xFFFF  }
0xb3: {  	_ =	strace $0x9000004D  }
0xb4: {  	s0 =	stileid.u32;
	[bflag:$0x2] =	sbarrier.arrive $0xFFFF  }
0xb5: {  	p0 =	sne.s32 s0, $0x0;
	s0 =	rddreg [dreg:$0x2]  }
0xb6: {  	s0 =	sadd.s32 @!p0 $0x100000, s0  }
0xb7: {  	[sflag:s0] =	ssyncadd.tile.s32 @!p0 $0x1;
	_ =	shalt  }
.Lfunc_end2:
_tile_overlayer_lowered:
.L_overlay_start_2:
0xb8: {  	(tag) =	ssettag $0x2  }
0xb9: {  	s0 =	rddreg [dreg:$0x0];
	s2 =	stileid.u32  }
0xba: {  	s1 =	rddreg [dreg:$0x1];
	p0 =	sne.s32 s2, $0x0  }
0xbb: {  	s3 =	rddreg [dreg:$0x2];
	[bflag:$0x3] =	sbarrier.arrive $0xFFFF;
	s2 =	simm.s32 @!p0 $0x1C11  }
0xbc: {  	[timem:s3], [sflag:s2] =	dma.local @!p0 [hbm:s0], s1  }
0xbd: {  	s0 =	simm.s32 @!p0 $0x11  }
0xbe: {  	_ =	swait.ge @!p0 [sflag:s0], s1  }
0xbf: {  	s1 =	ssub.s32 @!p0 $0x0, s1;
	[sflag:s0] =	ssyncset.done @!p0 $0x0  }
0xc0: {  	[sflag:s0] =	ssyncadd.s32 @!p0 s1  }
0xc1: {  	[bflag:$0x3] =	sbarrier.arrive $0xFFFF  }
0xc2: {  	_ =	shalt  }

// kernel: kernel.8.cloned.1.call-start
scs
__scs_entry_jumppad:
0x0: {  	(pc) =	sbr.rel $0x88, $3  }
0x1: {  	(tag) =	ssettag $0x0;
	lr =	simm.s32 $0x1  }
0x2: {  	[smem:$0x3F9B] =	sst lr;
	_ =	strace $0xD0000000  }
0x3: {  	_ = 	snop  }
0x4: {  	_ = 	snop  }
0x5: {  	_ = 	snop  }
0x6: {  	_ = 	snop  }
0x7: {  	_ = 	snop  }
__scs_overlays_trampoline_lowered:
0x8: {  	[smem:$0x3FAA] =	sst s0  }
0x9: {  	[smem:$0x3FAB] =	sst s1  }
0xa: {  	[smem:$0x3FAC] =	sst s2  }
0xb: {  	[smem:$0x3FAD] =	sst s3  }
0xc: {  	[smem:$0x3FAE] =	sst s4  }
0xd: {  	[smem:$0x3FAF] =	sst s5  }
0xe: {  	[smem:$0x3FB0] =	sst s6  }
0xf: {  	[smem:$0x3FB1] =	sst s7  }
0x10: {  	[smem:$0x3FB2] =	sst s8  }
0x11: {  	[smem:$0x3FB3] =	sst s9;
	s0 =	simm.s32 @!p0 $0x0  }
0x12: {  	s1 =	sld [smem:$0x3F99];
	s0 =	simm.s32 @p0 $0x1  }
0x13: {  	[smem:$0x3FB4] =	sst s0;
	s0 =	simm.s32 @!p1 $0x0  }
0x14: {  	s2 =	sld [smem:$0x3F98];
	s0 =	simm.s32 @p1 $0x1  }
0x15: {  	[smem:$0x3FB5] =	sst s0;
	s0 =	simm.s32 @!p2 $0x0  }
0x16: {  	s3 =	sld [smem:$0x3FDB];
	s0 =	simm.s32 @p2 $0x1  }
0x17: {  	s4 =	simm.s32 $0x1BF5;
	[smem:$0x3FB7] =	sst s0  }
0x18: {  	s0 =	sld [smem:$0x3F9A];
	_ =	swait.ge [sflag:s4], $0x0  }
0x19: {  	s7 =	sld [smem:$0x3F9B]  }
0x1a: {  	s8 =	sadd.s32 $0xFFFFE003, lr  }
0x1b: {  	s9 =	sadd.s32 $0xFFFFFEF7, lr;
	s5 =	simm.s32 $0xFFFFFFFF;
	p2 =	slt.u32 s8, $0xFFFFF086  }
0x1c: {  	p1 =	slt.u32 s9, $0xF7A;
	s5 =	simm.s32 @!p2 $0x0  }
0x1d: {  	s5 =	simm.s32 @p1 $0x1;
	p0 =	seq.s32 s7, s2  }
0x1e: {  	s7 =	smul.u32 @!p0 $0xF7A, s2;
	p2 =	seq.s32 @!p0 s5, $0x0  }
0x1f: {  	s9 =	smul.u32 $0xF7A, s1;
	s8 =	simm.s32 @!p0 $0x1BF5;
	p2 =	por !p2, p0  }
0x20: {  	[sflag:s8] =	ssyncset.s32 @!p0 $0xFFFFF086;
	s6 =	sadd.s32 @!p0 s3, s7;
	s7 =	simm.s32 @!p0 $0x108  }
0x21: {  	s3 =	sadd.s32 s3, s9;
	s6 =	sadd.s32 @!p0 $0x88, s6;
	s7 =	simm.s32 @p2 $0x1082  }
0x22: {  	[simem:s7], [sflag:s8] =	dma.local @!p0 [hbm:s6], $0xF7A  }
0x23: {  	s9 =	sor.u32 $0xD0000000, s2;
	s6 =	simm.s32 $0x108;
	_ =	swait.ge @!p0 [sflag:s8], $0x0  }
0x24: {  	s3 =	sadd.s32 $0x88, s3;
	s6 =	simm.s32 @!p1 $0x1082;
	[sflag:s4] =	ssyncset.s32 $0xFFFFF086  }
0x25: {  	[simem:s6], [sflag:s4] =	dma.local [hbm:s3], $0xF7A  }
0x26: {  	[smem:$0x3F9B] =	sst s1;
	(tag) =	ssettag s2;
	_ =	strace s9  }
0x27: {  	s1 =	sld [smem:$0x3FAB]  }
0x28: {  	s2 =	sld [smem:$0x3FAC]  }
0x29: {  	s4 =	sld [smem:$0x3FAE]  }
0x2a: {  	p0 =	seq.s32 s5, $0x0;
	s5 =	sld [smem:$0x3FAF]  }
0x2b: {  	s6 =	sld [smem:$0x3FB0]  }
0x2c: {  	s7 =	sld [smem:$0x3FB1]  }
0x2d: {  	s3 =	simm.s32 $0x108;
	s8 =	sld [smem:$0x3FB2]  }
0x2e: {  	s3 =	simm.s32 @!p0 $0x1082;
	s9 =	sld [smem:$0x3FB3]  }
0x2f: {  	lr =	sadd.s32 s0, s3;
	s0 =	sld [smem:$0x3FAA]  }
0x30: {  	s3 =	sld [smem:$0x3FAD]  }
0x31: {  	[smem:$0x3FB6] =	sst s10  }
0x32: {  	s10 =	sld [smem:$0x3FB4];
	_ =	sdelay $0x3  }
0x33: {  	p0 =	seq.s32 s10, $0x1;
	s10 =	sld [smem:$0x3FB6];
	_ =	sdelay $0x3  }
0x34: {  	[smem:$0x3FB6] =	sst s10  }
0x35: {  	s10 =	sld [smem:$0x3FB5];
	_ =	sdelay $0x3  }
0x36: {  	p1 =	seq.s32 s10, $0x1;
	s10 =	sld [smem:$0x3FB6];
	_ =	sdelay $0x3  }
0x37: {  	[smem:$0x3FB6] =	sst s10  }
0x38: {  	s10 =	sld [smem:$0x3FB7]  }
0x39: {  	_ = 	snop;
	(pc) =	sbr.ind lr, $3  }
0x3a: {  	_ = 	snop  }
0x3b: {  	_ = 	snop  }
0x3c: {  	p2 =	seq.s32 s10, $0x1;
	s10 =	sld [smem:$0x3FB6]  }
0x3d: {  	_ =	shalt  }
0x3e: {  	_ =	shalt  }
0x3f: {  	_ =	shalt  }
0x40: {  	_ =	shalt  }
0x41: {  	_ =	shalt  }
0x42: {  	_ =	shalt  }
0x43: {  	_ =	shalt  }
0x44: {  	_ =	shalt  }
0x45: {  	_ =	shalt  }
0x46: {  	_ =	shalt  }
0x47: {  	_ =	shalt  }
0x48: {  	_ =	shalt  }
0x49: {  	_ =	shalt  }
0x4a: {  	_ =	shalt  }
0x4b: {  	_ =	shalt  }
0x4c: {  	_ =	shalt  }
0x4d: {  	_ =	shalt  }
0x4e: {  	_ =	shalt  }
0x4f: {  	_ =	shalt  }
0x50: {  	_ =	shalt  }
0x51: {  	_ =	shalt  }
0x52: {  	_ =	shalt  }
0x53: {  	_ =	shalt  }
0x54: {  	_ =	shalt  }
0x55: {  	_ =	shalt  }
0x56: {  	_ =	shalt  }
0x57: {  	_ =	shalt  }
0x58: {  	_ =	shalt  }
0x59: {  	_ =	shalt  }
0x5a: {  	_ =	shalt  }
0x5b: {  	_ =	shalt  }
0x5c: {  	_ =	shalt  }
0x5d: {  	_ =	shalt  }
0x5e: {  	_ =	shalt  }
0x5f: {  	_ =	shalt  }
0x60: {  	_ =	shalt  }
0x61: {  	_ =	shalt  }
0x62: {  	_ =	shalt  }
0x63: {  	_ =	shalt  }
0x64: {  	_ =	shalt  }
0x65: {  	_ =	shalt  }
0x66: {  	_ =	shalt  }
0x67: {  	_ =	shalt  }
0x68: {  	_ =	shalt  }
0x69: {  	_ =	shalt  }
0x6a: {  	_ =	shalt  }
0x6b: {  	_ =	shalt  }
0x6c: {  	_ =	shalt  }
0x6d: {  	_ =	shalt  }
0x6e: {  	_ =	shalt  }
0x6f: {  	_ =	shalt  }
0x70: {  	_ =	shalt  }
0x71: {  	_ =	shalt  }
0x72: {  	_ =	shalt  }
0x73: {  	_ =	shalt  }
0x74: {  	_ =	shalt  }
0x75: {  	_ =	shalt  }
0x76: {  	_ =	shalt  }
0x77: {  	_ =	shalt  }
0x78: {  	_ =	shalt  }
0x79: {  	_ =	shalt  }
0x7a: {  	_ =	shalt  }
0x7b: {  	_ =	shalt  }
0x7c: {  	_ =	shalt  }
0x7d: {  	_ =	shalt  }
0x7e: {  	_ =	shalt  }
0x7f: {  	_ =	shalt  }
0x80: {  	_ =	shalt  }
0x81: {  	_ =	shalt  }
0x82: {  	_ =	shalt  }
0x83: {  	_ =	shalt  }
0x84: {  	_ =	shalt  }
0x85: {  	_ =	shalt  }
0x86: {  	_ =	shalt  }
0x87: {  	_ =	shalt  }
.Lfunc_end0:
.L_simem_size_0:
called_computation_lowered:
.L_overlay_start_0:
0x88: {  	s2 =	sld [smem:$0x3FD9]  }
0x89: {  	s3 =	sld [smem:$0x3FFE];
	_ =	sdelay $0x1  }
0x8a: {  	s1 =	srdreg.scid  }
0x8b: {  	s0 =	sand.u32 $0x1, s1  }
0x8c: {  	s17 =	sshll.u32 s0, $0xA;
	s2 =	sadd.s32 s3, s2  }
0x8d: {  	s2 =	sadd.s32 s2, s17  }
0x8e: {  	[smem:$0x3FC2] =	sst s2  }
0x8f: {  	_ = 	snop  }
0x90: {  	s2 =	sld [smem:$0x3FD0];
	(tm) =	ssettm $0x1  }
0x91: {  	s18 =	sld [smem:$0x3FFB];
	_ =	sdelay $0x3  }
0x92: {  	_ =	strace s18  }
0x93: {  	s3 =	sld [smem:$0x3FFC];
	_ =	sdelay $0x3  }
0x94: {  	_ =	strace s3  }
0x95: {  	s3 =	sld [smem:$0x3FFD];
	_ =	sdelay $0x3  }
0x96: {  	_ =	strace s3  }
0x97: {  	_ =	strace $0x8FFFFFFF  }
0x98: {  	s19 =	sld [smem:$0x3FDB];
	_ =	sdelay $0x1  }
0x99: {  	s4 =	simm.s32 $_scs_section_size  }
0x9a: {  	s5 =	simm.s32 $_size__tile_overlayer_lowered;
	s6 =	simm.s32 $_tile_overlayer_lowered  }
0x9b: {  	s22 =	simm.s32 $0x1BFF;
	s21 =	sshll.u32 s6, $0x1;
	s3 =	sadd.s32 s4, s19  }
0x9c: {  	s7 =	simm.s32 $0x0;
	s20 =	sshll.u32 s5, $0x1;
	s5 =	sadd.s32 s21, s3  }
0x9d: {  	[timem:s7], [sflag:s22] =	dma.local [hbm:s5], s20  }
0x9e: {  	_ =	swait.ge [sflag:s22], s20  }
0x9f: {  	s4 =	ssub.s32 $0x0, s20;
	[sflag:s22] =	ssyncset.done $0x0  }
0xa0: {  	[sflag:s22] =	ssyncadd.s32 s4;
	_ =	sdelay $0x1  }
0xa1: {  	s23 =	simm.s32 $0x1B8B  }
0xa2: {  	_ =	swait.ge [sflag:s23], $0x1  }
0xa3: {  	[sflag:s23] =	ssyncset.done $0x0  }
0xa4: {  	s25 =	simm.s32 $0x1B8E;
	s24 =	sld [smem:$0x3FFE];
	[sflag:s23] =	ssyncadd.s32 $0xFFFFFFFF  }
0xa5: {  	s26 =	simm.s32 $execute0_lowered;
	[smem:$0x3FD2] =	sst s25  }
0xa6: {  	s5 =	sshll.u32 s26, $0x1;
	_ =	strace $0x80000046;
	[dreg:$0x1] =	wrdreg $0xFFFFFFFF  }
0xa7: {  	s28 =	simm.s32 $_size_execute0_lowered;
	s3 =	sadd.s32 s3, s5;
	[dreg:$0x0] =	wrdreg $0x0  }
0xa8: {  	s5 =	sshll.u32 s28, $0x1;
	[dreg:$0x2] =	wrdreg s3  }
0xa9: {  	[dreg:$0x3] =	wrdreg s5  }
0xaa: {  	[dreg:$0x4] =	wrdreg $0xC0  }
0xab: {  	_ =	task [dreg:s7], $0x5FFFF  }
0xac: {  	[dreg:$0x1] =	wrdreg $0xFFFFFFFF  }
0xad: {  	[dreg:$0x0] =	wrdreg $0x60  }
0xae: {  	[dreg:$0x2] =	wrdreg s24  }
0xaf: {  	[dreg:$0x3] =	wrdreg s2  }
0xb0: {  	[dreg:$0x4] =	wrdreg $0x0  }
0xb1: {  	[dreg:$0x5] =	wrdreg $0x9  }
0xb2: {  	_ =	task.clear_ibuf [dreg:s7], $0x6FFFF;
	_ =	strace $0x90000046  }
0xb3: {  	s29 =	simm.s32 $0x9;
	_ =	strace $0x80000048  }
0xb4: {  	_ =	swait.ge [sflag:s29], $0x1  }
0xb5: {  	[sflag:s29] =	ssyncadd.s32 $0xFFFFFFFF  }
0xb6: {  	_ =	strace $0x90000048  }
0xb7: {  	_ =	sfence  }
0xb8: {  	s30 =	sld [smem:$0x0];
	_ =	sdelay $0x2  }
0xb9: {  	s31 =	sshll.u32 s1, $0xD;
	s1 =	sshrl.u32 s1, $0x2  }
0xba: {  	s3 =	sand.u32 $0x4000, s31;
	s1 =	sadd.s32 s1, s30  }
0xbb: {  	s0 =	sor.u32 s3, s0;
	s1 =	sshll.u32 s1, $0x11  }
0xbc: {  	s0 =	sor.u32 s1, s0  }
0xbd: {  	s0 =	sadd.s32 $0x8F2B, s0  }
0xbe: {  	[sflag:s0] =	ssyncadd.remote.s32 $0x1  }
0xbf: {  	_ =	sfence.sel $0xFFFF  }
0xc0: {  	[dreg:$0x0] =	wrdreg $0xFFFFFFFF;
	(pc) =	sbr.abs _section_cstart, $3  }
0xc1: {  	[dreg:$0x1] =	wrdreg $0xFFFFFFFF  }
0xc2: {  	_ =	task.clear_ibuf [dreg:s7], $0x2FFFF;
	_ =	strace $0x9FFFFFFF  }
0xc3: {  	(tm) =	ssettm $0x7FFFFFFF  }
tec
execute0_lowered:
.L_overlay_start_1:
0x0: {  	(tag) =	ssettag $0x1  }
0x1: {  	s4 =	rddreg [dreg:$0x0]  }
0x2: {  	s0 =	srdreg.scid;
	s6 =	rddreg [dreg:$0x1]  }
0x3: {  	s2 =	rddreg [dreg:$0x2];
	s3 =	simm.s32 $0x0;
	s11 =	simm.s32 $0x80  }
0x4: {  	s12 =	simm.s32 $0x2D00;
	s13 =	simm.s32 $0x1;
	s16 =	simm.s32 $0x0  }
0x5: {  	s5 =	sand.u32 $0x1, s0;
	s0 =	stileid.u32;
	[smem:$0x7FF] =	sst s3  }
0x6: {  	s1 =	sshll.u32 s5, $0x4;
	s8 =	smul.u32 $0x280, s0;
	s9 =	ssub.s32 $0x2, s5  }
0x7: {  	s5 =	smul.u32 $0x2800, s5;
	s14 =	sshll.u32 s0, $0x6;
	s7 =	sor.u32 s0, s1  }
0x8: {  	s1 =	rddreg [dreg:$0x3];
	_ =	strace $0x80000047;
	s7 =	smul.u32 $0x2800, s7  }
0x9: {  	s10 =	sshrl.u32 s9, $0x1;
	s14 =	sor.u32 $0x1C02, s14;
	s30 =	sadd.s32 s8, s5  }
0xa: {  	s9 =	ssub.s32 s9, s10;
	s31 =	sshrl.u32 s30, $0x3;
	s7 =	sshrl.u32 s7, $0x3  }
0xb: {  	s10 =	simm.s32 $0x280;
	s6 =	sadd.s32 s6, s31;
	s7 =	sadd.s32 s4, s7  }
0xc: {  	s4 =	sadd.s32 s8, s2;
	s8 =	simm.s32 $0x2A80;
	s5 =	sadd.s32 $0xBC00, s7  }
0xd: {  	v0 =	vimm.f32 $0.0e+00;
	v1 =	vimm.f32 $1.000000000e+00;
	s7 =	smax.u32 s9, $0x1;
	s9 =	simm.s32 $0x2;
	s15 =	sshrl.u32 s4, $0x3  }
.LBB2_1:
0xe: {  	[tilespmem:$0x2A80] =	vst v0  }
0xf: {  	[tilespmem:$0x2A90] =	vst v0  }
0x10: {  	[tilespmem:$0x2AA0] =	vst v0  }
0x11: {  	[tilespmem:$0x2AB0] =	vst v0  }
0x12: {  	[tilespmem:$0x2AC0] =	vst v0  }
0x13: {  	[tilespmem:$0x2AD0] =	vst v0  }
0x14: {  	[tilespmem:$0x2AE0] =	vst v0  }
0x15: {  	[tilespmem:$0x2AF0] =	vst v0  }
0x16: {  	[tilespmem:$0x2B00] =	vst v0  }
0x17: {  	[tilespmem:$0x2B10] =	vst v0  }
0x18: {  	[tilespmem:$0x2B20] =	vst v0  }
0x19: {  	[tilespmem:$0x2B30] =	vst v0  }
0x1a: {  	[tilespmem:$0x2B40] =	vst v0  }
0x1b: {  	[tilespmem:$0x2B50] =	vst v0  }
0x1c: {  	[tilespmem:$0x2B60] =	vst v0  }
0x1d: {  	[tilespmem:$0x2B70] =	vst v0  }
0x1e: {  	[tilespmem:$0x2B80] =	vst v0  }
0x1f: {  	[tilespmem:$0x2B90] =	vst v0  }
0x20: {  	[tilespmem:$0x2BA0] =	vst v0  }
0x21: {  	[tilespmem:$0x2BB0] =	vst v0  }
0x22: {  	[tilespmem:$0x2BC0] =	vst v0  }
0x23: {  	[tilespmem:$0x2BD0] =	vst v0  }
0x24: {  	[tilespmem:$0x2BE0] =	vst v0  }
0x25: {  	[tilespmem:$0x2BF0] =	vst v0  }
0x26: {  	[tilespmem:$0x2C00] =	vst v0  }
0x27: {  	[tilespmem:$0x2C10] =	vst v0  }
0x28: {  	[tilespmem:$0x2C20] =	vst v0  }
0x29: {  	[tilespmem:$0x2C30] =	vst v0  }
0x2a: {  	[tilespmem:$0x2C40] =	vst v0  }
0x2b: {  	[tilespmem:$0x2C50] =	vst v0  }
0x2c: {  	[tilespmem:$0x2C60] =	vst v0  }
0x2d: {  	[tilespmem:$0x2C70] =	vst v0  }
0x2e: {  	[tilespmem:$0x2C80] =	vst v0  }
0x2f: {  	[tilespmem:$0x2C90] =	vst v0  }
0x30: {  	[tilespmem:$0x2CA0] =	vst v0  }
0x31: {  	[tilespmem:$0x2CB0] =	vst v0  }
0x32: {  	[tilespmem:$0x2CC0] =	vst v0  }
0x33: {  	[tilespmem:$0x2CD0] =	vst v0  }
0x34: {  	[tilespmem:$0x2CE0] =	vst v0  }
0x35: {  	[tilespmem:$0x2CF0] =	vst v0  }
0x36: {  	[tilespmem:$0x2D00] =	vst v1  }
0x37: {  	[tilespmem:$0x2D10] =	vst v1  }
0x38: {  	[tilespmem:$0x2D20] =	vst v1  }
0x39: {  	[tilespmem:$0x2D30] =	vst v1  }
0x3a: {  	[tilespmem:$0x2D40] =	vst v1  }
0x3b: {  	[tilespmem:$0x2D50] =	vst v1  }
0x3c: {  	[tilespmem:$0x2D60] =	vst v1  }
0x3d: {  	[tilespmem:$0x2D70] =	vst v1  }
0x3e: {  	[spmem:s4] =	stream.linear.scatter [tilespmem:s8], [sflag:$0x2], $0x280, $0x38;
	[tilespmem:$0x2D80] =	vst v63  }
0x3f: {  	_ =	swait.ge [sflag:s9], $0x280  }
0x40: {  	[sflag:s9] =	ssyncset.done $0x0  }
0x41: {  	[sflag:s9] =	ssyncadd.s32 $0xFFFFFD80  }
0x42: {  	[tilespmem:s10], [sflag:$0x2] =	stream.linear.gather [hbm4b:s5+s3], $0x2800, $0x38;
	[tilespmem:$0x2D80] =	vst v63  }
0x43: {  	_ =	swait.ge [sflag:s9], $0x2800  }
0x44: {  	[sflag:s9] =	ssyncset.done $0x0  }
0x45: {  	[sflag:s9] =	ssyncadd.s32 $0xFFFFD800  }
0x46: {  	s17 =	simm.s32 $0x0;
	[bflag:$0x0] =	sbarrier.arrive $0xFFFF  }
.LBB2_2:
0x47: {  	p0 =	sne.s32 s17, $0x9E00  }
.Ltmp0:
0x48: {  	_ = 	snop;
	(pc) =	sbr.rel @p0 .LBB2_2-.Ltmp0, $4  }
0x49: {  	_ = 	snop  }
0x4a: {  	s18 =	sshra.s32 s17, $0x2  }
0x4b: {  	s17 =	sadd.s32 $0x200, s17;
	s18 =	sadd.s32 $0x280, s18  }
0x4c: {  	[spmem:s2] =	stream.indirect.scatter.add.f32 [tilespmem:s12], [sflag:$0x1], $0x1, s18, s11, $0xb8;
	[tilespmem:$0x2D80] =	vst v63  }
0x4d: {  	_ =	swait.ge [sflag:s13], $0x80  }
0x4e: {  	s17 =	simm.s32 $0x4F;
	[sflag:s13] =	ssyncset.done $0x0  }
.LBB2_4:
0x4f: {  	p0 =	sne.s32 s17, $0x1;
	s17 =	sadd.s32 $0xFFFFFFFF, s17;
	[sflag:s13] =	ssyncadd.s32 $0xFFFFFF80  }
.Ltmp1:
0x50: {  	(pc) =	sbr.rel @p0 .LBB2_4-.Ltmp1, $3  }
0x51: {  	_ =	sdelay $0x1  }
0x52: {  	_ =	swait.ge [sflag:s13], $0x80  }
0x53: {  	[sflag:s13] =	ssyncset.done $0x0  }
0x54: {  	s16 =	sadd.s32 $0x1, s16  }
0x55: {  	[sflag:s13] =	ssyncadd.s32 $0xFFFFFF80;
	p0 =	sne.s32 s16, s7  }
.Ltmp2:
0x56: {  	[bflag:$0x0] =	sbarrier.arrive $0xFFFF;
	(pc) =	sbr.rel @p0 .LBB2_1-.Ltmp2, $4  }
0x57: {  	[hbm:s6], [sflag:s14] =	dma.local [spmem:s15], $0x50  }
0x58: {  	_ =	swait.ge [sflag:s9], $0x50  }
0x59: {  	[sflag:s9] =	ssyncset.done $0x0  }
0x5a: {  	[sflag:s9] =	ssyncadd.s32 $0xFFFFFFB0  }
0x5b: {  	_ =	sfence.sel $0x180000  }
0x5c: {  	[bflag:$0x0] =	sbarrier.arrive $0xFFFF  }
0x5d: {  	p0 =	sne.s32 s0, $0x0;
	_ =	strace $0x90000047  }
0x5e: {  	s0 =	sadd.s32 @!p0 $0x100000, s1;
	[bflag:$0x2] =	sbarrier.arrive $0xFFFF  }
0x5f: {  	[sflag:s0] =	ssyncadd.tile.s32 @!p0 $0x1;
	_ =	shalt  }
.Lfunc_end2:
_tile_overlayer_lowered:
.L_overlay_start_2:
0x60: {  	(tag) =	ssettag $0x2  }
0x61: {  	s0 =	rddreg [dreg:$0x0];
	s2 =	stileid.u32  }
0x62: {  	s1 =	rddreg [dreg:$0x1];
	p0 =	sne.s32 s2, $0x0  }
0x63: {  	s3 =	rddreg [dreg:$0x2];
	[bflag:$0x3] =	sbarrier.arrive $0xFFFF;
	s2 =	simm.s32 @!p0 $0x1C02  }
0x64: {  	[timem:s3], [sflag:s2] =	dma.local @!p0 [hbm:s0], s1  }
0x65: {  	s0 =	simm.s32 @!p0 $0x2  }
0x66: {  	_ =	swait.ge @!p0 [sflag:s0], s1  }
0x67: {  	s1 =	ssub.s32 @!p0 $0x0, s1;
	[sflag:s0] =	ssyncset.done @!p0 $0x0  }
0x68: {  	[sflag:s0] =	ssyncadd.s32 @!p0 s1  }
0x69: {  	[bflag:$0x3] =	sbarrier.arrive $0xFFFF  }
0x6a: {  	_ =	shalt  }

</sc_bundles>
